<compile_context>
chip_gen: v7x
topology: tpu7x:2x2x1
jax: 0.10.2.dev20260603
libtpu: 0.0.44.dev20260713+nightly
codegen_flags: <defaults>
</compile_context>

<pallas_src>
import functools

import jax
import jax.numpy as jnp
from jax import lax
from jax.experimental import pallas as pl
from jax.experimental.pallas import tpu as pltpu
from jax.experimental.pallas import tpu_sc as plsc

N = 10000
NP = 10240
E = 320000
D = 128
H = 256
NC, NS, L = 2, 16, 16
RPW = 80
EROWS = NC * NS * RPW
RPS = EROWS // NS
_IDXC = 40
RPT = NP // NS

F32 = jnp.float32


@functools.lru_cache(maxsize=None)
def _sc_mesh():
  return plsc.VectorSubcoreMesh(
      core_axis_name="c", subcore_axis_name="s", num_cores=NC, num_subcores=NS)


def _zero_block(buf, nrows, ncols):
  def fill(i, _):
    for c in range(ncols // L):
      buf[i, c * L:(c + 1) * L] = jnp.zeros((L,), F32)
    return 0
  lax.fori_loop(0, nrows, fill, 0)


def _sc_degrees_body(src_hbm, dst_hbm, cnt_out_hbm, cnt_in_hbm,
                     idx_v, ones_v, zeros_v, accum):
  cid = lax.axis_index("c")
  sid = lax.axis_index("s")

  _zero_block(zeros_v, 128, 128)

  def fill(i, _):
    for c in range(128 // L):
      ones_v[i, c * L:(c + 1) * L] = jnp.ones((L,), F32)
    return 0
  lax.fori_loop(0, 128, fill, 0)

  base = sid * RPT
  for k in range(RPT // 128):
    pltpu.sync_copy(zeros_v, accum.at[pl.ds(base + k * 128, 128)])
  plsc.subcore_barrier()

  def run(e_hbm):
    def outer(oc, _):
      ebase = sid * RPS + oc * _IDXC
      pltpu.sync_copy(e_hbm.at[pl.ds(ebase, _IDXC)], idx_v)

      def step(j, _):
        pltpu.sync_copy(ones_v, accum.at[idx_v.at[j]], add=True)
        return 0
      lax.fori_loop(0, _IDXC, step, 0)
      return 0
    lax.fori_loop(0, RPS // _IDXC, outer, 0)

  @pl.when(cid == 0)
  def _():
    run(src_hbm)

  @pl.when(cid == 1)
  def _():
    run(dst_hbm)

  plsc.subcore_barrier()

  @pl.when(cid == 0)
  def _():
    pltpu.sync_copy(accum.at[pl.ds(base, RPT)], cnt_out_hbm.at[pl.ds(base, RPT)])

  @pl.when(cid == 1)
  def _():
    pltpu.sync_copy(accum.at[pl.ds(base, RPT)], cnt_in_hbm.at[pl.ds(base, RPT)])


def _sc_agg_body(h_l, h_r, src_hbm, dst_hbm, out_l, out_r,
                 idx_s, idx_d, rows_a, rows_b, gsem_a, gsem_b,
                 ssem_a, ssem_b, accum):
  cid = lax.axis_index("c")
  sid = lax.axis_index("s")

  _zero_block(rows_a, 128, 128)
  base = sid * RPT
  for k in range(RPT // 128):
    pltpu.sync_copy(rows_a, accum.at[pl.ds(base + k * 128, 128)])
  plsc.subcore_barrier()

  npairs = _IDXC // 2

  def run(h_ref):
    def outer(oc, _):
      ebase = sid * RPS + oc * _IDXC
      pltpu.sync_copy(src_hbm.at[pl.ds(ebase, _IDXC)], idx_s)
      pltpu.sync_copy(dst_hbm.at[pl.ds(ebase, _IDXC)], idx_d)

      def pair(p, _):
        j0 = 2 * p

        @pl.when(p == 0)
        def _():
          pltpu.async_copy(h_ref.at[idx_s.at[j0]], rows_a, gsem_a)

        pltpu.async_copy(h_ref.at[idx_s.at[j0 + 1]], rows_b, gsem_b)
        pltpu.make_async_copy(h_ref.at[idx_s.at[j0]], rows_a, gsem_a).wait()
        pltpu.sync_copy(rows_a, accum.at[idx_d.at[j0]], add=True)

        @pl.when(p < npairs - 1)
        def _():
          pltpu.async_copy(h_ref.at[idx_s.at[j0 + 2]], rows_a, gsem_a)

        pltpu.make_async_copy(h_ref.at[idx_s.at[j0 + 1]], rows_b, gsem_b).wait()
        pltpu.sync_copy(rows_b, accum.at[idx_d.at[j0 + 1]], add=True)
        return 0
      lax.fori_loop(0, npairs, pair, 0)
      return 0
    lax.fori_loop(0, RPS // _IDXC, outer, 0)

  @pl.when(cid == 0)
  def _():
    run(h_l)

  @pl.when(cid == 1)
  def _():
    run(h_r)

  plsc.subcore_barrier()

  @pl.when(cid == 0)
  def _():
    pltpu.sync_copy(accum.at[pl.ds(base, RPT)], out_l.at[pl.ds(base, RPT)])

  @pl.when(cid == 1)
  def _():
    pltpu.sync_copy(accum.at[pl.ds(base, RPT)], out_r.at[pl.ds(base, RPT)])


def _sc_qgather_body(z_f, z_s, q_hbm, out_f, out_s, idx_v, rows_v, sem):
  cid = lax.axis_index("c")
  sid = lax.axis_index("s")
  w = sid * NC + cid
  pltpu.sync_copy(q_hbm.at[pl.ds((w // 2) * 8, 8)], idx_v)
  half = (w % 2) * 4

  def run(src_ref, dst_ref):
    def step(j, _):
      pltpu.async_copy(src_ref.at[idx_v.at[half + j]], rows_v, sem).wait()
      pltpu.sync_copy(rows_v, dst_ref.at[pl.ds(w * 512 + j * 128, 128)])
      return 0
    lax.fori_loop(0, 4, step, 0)

  run(z_f, out_f)
  run(z_s, out_s)


@functools.lru_cache(maxsize=None)
def _sc_built():
  mesh = _sc_mesh()
  degrees = pl.kernel(
      _sc_degrees_body,
      out_type=(jax.ShapeDtypeStruct((NP, 128), F32),
                jax.ShapeDtypeStruct((NP, 128), F32)),
      mesh=mesh,
      scratch_types=[
          pltpu.VMEM((_IDXC, 128), jnp.int32),
          pltpu.VMEM((128, 128), F32),
          pltpu.VMEM((128, 128), F32),
          pltpu.VMEM_SHARED((NP, 128), F32),
      ],
  )
  agg = pl.kernel(
      _sc_agg_body,
      out_type=(jax.ShapeDtypeStruct((NP, 128), F32),
                jax.ShapeDtypeStruct((NP, 128), F32)),
      mesh=mesh,
      scratch_types=[
          pltpu.VMEM((_IDXC, 128), jnp.int32),
          pltpu.VMEM((_IDXC, 128), jnp.int32),
          pltpu.VMEM((128, 128), F32),
          pltpu.VMEM((128, 128), F32),
          pltpu.SemaphoreType.DMA,
          pltpu.SemaphoreType.DMA,
          pltpu.SemaphoreType.DMA,
          pltpu.SemaphoreType.DMA,
          pltpu.VMEM_SHARED((NP, 128), F32),
      ],
  )
  qgather = pl.kernel(
      _sc_qgather_body,
      out_type=(jax.ShapeDtypeStruct((16384, H), F32),
                jax.ShapeDtypeStruct((16384, H), F32)),
      mesh=mesh,
      scratch_types=[
          pltpu.VMEM((8, 128), jnp.int32),
          pltpu.VMEM((128, H), F32),
          pltpu.SemaphoreType.DMA,
      ],
  )
  return degrees, agg, qgather


def _sc_degrees(*args):
  return _sc_built()[0](*args)


def _sc_agg(*args):
  return _sc_built()[1](*args)


def _sc_qgather(*args):
  return _sc_built()[2](*args)


def _deg_scale(c):
  return lax.rsqrt(jnp.maximum(c[:, 0:1], 1.0))


def _row_mask(i, rows):
  rid = i * rows + lax.broadcasted_iota(jnp.int32, (rows, 1), 0)
  return rid < N


def _elu(x):
  return jnp.where(x > 0, x, jnp.exp(x) - 1.0)


def _tc_prep_body(xf, xs, co, hf, hs):
  i = pl.program_id(0)
  so = _deg_scale(co[...])
  m = _row_mask(i, 1024)
  hf[...] = jnp.where(m, xf[...] * so, 0.0)
  hs[...] = jnp.where(m, xs[...] * so, 0.0)


def _tc_l1_body(al, ar, ci, co, w1f, b1f, w1s, b1s,
                ofl, ofr, osl, osr):
  i = pl.program_id(0)
  di = _deg_scale(ci[...])
  do = _deg_scale(co[...])
  m = _row_mask(i, 1024)
  hf = _elu(jnp.dot(al[...] * di, w1f[...],
                    preferred_element_type=F32) + b1f[...])
  hf = jnp.where(m, hf * do, 0.0)
  ofl[...] = hf[:, :128]
  ofr[...] = hf[:, 128:]
  hs = _elu(jnp.dot(ar[...] * di, w1s[...],
                    preferred_element_type=F32) + b1s[...])
  hs = jnp.where(m, hs * do, 0.0)
  osl[...] = hs[:, :128]
  osr[...] = hs[:, 128:]


def _tc_l2_body(fl, fr, sl, sr, ci, w2f, b2f, w2s, b2s, zf, zs):
  di = _deg_scale(ci[...])
  wf = w2f[...]
  ws = w2s[...]
  zf[...] = (jnp.dot(fl[...] * di, wf[:128, :], preferred_element_type=F32)
             + jnp.dot(fr[...] * di, wf[128:, :], preferred_element_type=F32)
             + b2f[...])
  zs[...] = (jnp.dot(sl[...] * di, ws[:128, :], preferred_element_type=F32)
             + jnp.dot(sr[...] * di, ws[128:, :], preferred_element_type=F32)
             + b2s[...])


def _tc_mlp_body(zqf, zqs, wd1_sf, bd1_sf, wd2_sf, bd2_sf,
                 wd1_fs, bd1_fs, wd2_fs, bd2_fs, zsf, zfs):
  h = _elu(jnp.dot(zqs[...], wd1_sf[...], preferred_element_type=F32)
           + bd1_sf[...])
  zsf[...] = _elu(jnp.dot(h, wd2_sf[...], preferred_element_type=F32)
                  + bd2_sf[...])
  h = _elu(jnp.dot(zqf[...], wd1_fs[...], preferred_element_type=F32)
           + bd1_fs[...])
  zfs[...] = _elu(jnp.dot(h, wd2_fs[...], preferred_element_type=F32)
                  + bd2_fs[...])


def _rowblock(rows, cols):
  return pl.BlockSpec((rows, cols), lambda i: (i, 0))


def _full(shape):
  return pl.BlockSpec(shape, lambda i: tuple(0 for _ in shape))


_tc_prep = pl.pallas_call(
    _tc_prep_body,
    grid=(NP // 1024,),
    in_specs=[_rowblock(1024, D), _rowblock(1024, D), _rowblock(1024, 128)],
    out_specs=[_rowblock(1024, D), _rowblock(1024, D)],
    out_shape=(jax.ShapeDtypeStruct((NP, D), F32),
               jax.ShapeDtypeStruct((NP, D), F32)),
)

_tc_l1 = pl.pallas_call(
    _tc_l1_body,
    grid=(NP // 1024,),
    in_specs=[_rowblock(1024, 128), _rowblock(1024, 128),
              _rowblock(1024, 128), _rowblock(1024, 128),
              _full((D, H)), _full((1, H)), _full((D, H)), _full((1, H))],
    out_specs=[_rowblock(1024, 128)] * 4,
    out_shape=tuple(jax.ShapeDtypeStruct((NP, 128), F32) for _ in range(4)),
)

_tc_l2 = pl.pallas_call(
    _tc_l2_body,
    grid=(NP // 1024,),
    in_specs=[_rowblock(1024, 128)] * 4
    + [_rowblock(1024, 128),
       _full((H, H)), _full((1, H)), _full((H, H)), _full((1, H))],
    out_specs=[_rowblock(1024, H)] * 2,
    out_shape=(jax.ShapeDtypeStruct((NP, H), F32),
               jax.ShapeDtypeStruct((NP, H), F32)),
)

_tc_mlp = pl.pallas_call(
    _tc_mlp_body,
    grid=(16,),
    in_specs=[_rowblock(1024, H), _rowblock(1024, H)]
    + [_full((H, H)), _full((1, H))] * 4,
    out_specs=[_rowblock(1024, H)] * 2,
    out_shape=(jax.ShapeDtypeStruct((16384, H), F32),
               jax.ShapeDtypeStruct((16384, H), F32)),
)


def kernel(x_F, x_S, edge_index, sub_edges,
           W1_F, b1_F, W2_F, b2_F, W1_S, b1_S, W2_S, b2_S,
           Wd1_FS, bd1_FS, Wd2_FS, bd2_FS, Wd1_SF, bd1_SF, Wd2_SF, bd2_SF):
  src, dst = edge_index[0], edge_index[1]
  pad = EROWS * 128 - E
  fill = jnp.full((pad,), N, jnp.int32)
  src_p = jnp.concatenate([src, fill]).reshape(EROWS, 128)
  dst_p = jnp.concatenate([dst, fill]).reshape(EROWS, 128)
  q2d = sub_edges[0].reshape(128, 128)

  cnt_out, cnt_in = _sc_degrees(src_p, dst_p)
  h_f, h_s = _tc_prep(x_F, x_S, cnt_out)
  agg_l, agg_r = _sc_agg(h_f, h_s, src_p, dst_p)
  h1fl, h1fr, h1sl, h1sr = _tc_l1(
      agg_l, agg_r, cnt_in, cnt_out,
      W1_F, b1_F.reshape(1, H), W1_S, b1_S.reshape(1, H))
  a2fl, a2fr = _sc_agg(h1fl, h1fr, src_p, dst_p)
  a2sl, a2sr = _sc_agg(h1sl, h1sr, src_p, dst_p)
  z_f, z_s = _tc_l2(
      a2fl, a2fr, a2sl, a2sr, cnt_in,
      W2_F, b2_F.reshape(1, H), W2_S, b2_S.reshape(1, H))
  zq_f, zq_s = _sc_qgather(z_f, z_s, q2d)
  z_sf, z_fs = _tc_mlp(
      zq_f, zq_s,
      Wd1_SF, bd1_SF.reshape(1, H), Wd2_SF, bd2_SF.reshape(1, H),
      Wd1_FS, bd1_FS.reshape(1, H), Wd2_FS, bd2_FS.reshape(1, H))
  return (zq_f, zq_s, z_sf, z_fs)

# --- scband reference (transcript-rebuilt; emitter-appended) ---
"""Pipeline reference for scband-gsr-pretrain-75977971466891 (READ-ONLY COPY).

The authoritative reference and input builder live on the scoring server;
editing this copy changes nothing except your own understanding.
"""

import jax, jax.numpy as jnp
import numpy as np

N = 10000
E = 320000
E_SUB = 16384
D_F = 128
D_S = 128
H = 256


def _glorot(key, shape):
    fan_in, fan_out = shape[0], shape[1]
    limit = (6.0 / (fan_in + fan_out)) ** 0.5
    return jax.random.uniform(key, shape, jnp.float32, -limit, limit)


def setup_inputs(seed: int = 0) -> dict:
    key = jax.random.key(seed)
    ks = jax.random.split(key, 24)
    inp = {}
    inp['x_F'] = jax.random.normal(ks[0], (N, D_F), jnp.float32)
    inp['x_S'] = jax.random.normal(ks[1], (N, D_S), jnp.float32)
    inp['edge_index'] = jax.random.randint(ks[2], (2, E), 0, N, jnp.int32)
    inp['sub_edges'] = jax.random.randint(ks[3], (2, E_SUB), 0, N, jnp.int32)
    # GCN encoder params, view F
    inp['W1_F'] = _glorot(ks[4], (D_F, H)); inp['b1_F'] = jnp.zeros((H,), jnp.float32)
    inp['W2_F'] = _glorot(ks[5], (H, H));  inp['b2_F'] = jnp.zeros((H,), jnp.float32)
    # GCN encoder params, view S
    inp['W1_S'] = _glorot(ks[6], (D_S, H)); inp['b1_S'] = jnp.zeros((H,), jnp.float32)
    inp['W2_S'] = _glorot(ks[7], (H, H));  inp['b2_S'] = jnp.zeros((H,), jnp.float32)
    # decoder MLP F->S (2 layers, ELU after each)
    inp['Wd1_FS'] = _glorot(ks[8], (H, H)); inp['bd1_FS'] = jnp.zeros((H,), jnp.float32)
    inp['Wd2_FS'] = _glorot(ks[9], (H, H)); inp['bd2_FS'] = jnp.zeros((H,), jnp.float32)
    # decoder MLP S->F
    inp['Wd1_SF'] = _glorot(ks[10], (H, H)); inp['bd1_SF'] = jnp.zeros((H,), jnp.float32)
    inp['Wd2_SF'] = _glorot(ks[11], (H, H)); inp['bd2_SF'] = jnp.zeros((H,), jnp.float32)
    return inp


def _gcn_layer(x, src, dst, W, b):
    # DGL GraphConv with norm='both': D_out^{-1/2} A D_in^{-1/2}, degrees clamped at 1
    deg_out = jnp.clip(jnp.zeros((N,), jnp.float32).at[src].add(1.0), 1.0, None)
    deg_in = jnp.clip(jnp.zeros((N,), jnp.float32).at[dst].add(1.0), 1.0, None)
    h = x * (deg_out ** -0.5)[:, None]
    msg = h[src]
    agg = jnp.zeros((N, h.shape[1]), jnp.float32).at[dst].add(msg)
    agg = agg * (deg_in ** -0.5)[:, None]
    return agg @ W + b


def _encoder(x, src, dst, W1, b1, W2, b2):
    # TwoLayerGCN, is_out_layer=True, activation=Elu, dropout inert at eval
    h = jax.nn.elu(_gcn_layer(x, src, dst, W1, b1))
    h = _gcn_layer(h, src, dst, W2, b2)
    return h


def _mlp(z, W1, b1, W2, b2):
    # MLP(n_layer=2, dropout=0, activation=ELU): activation after every layer
    h = jax.nn.elu(z @ W1 + b1)
    h = jax.nn.elu(h @ W2 + b2)
    return h


def reference(x_F, x_S, edge_index, sub_edges, W1_F, b1_F, W2_F, b2_F, W1_S, b1_S, W2_S, b2_S, Wd1_FS, bd1_FS, Wd2_FS, bd2_FS, Wd1_SF, bd1_SF, Wd2_SF, bd2_SF):
    src, dst = edge_index[0], edge_index[1]
    q_nodes = sub_edges[0]  # mode='q'
    z_F = _encoder(x_F, src, dst, W1_F, b1_F, W2_F, b2_F)[q_nodes]
    z_S = _encoder(x_S, src, dst, W1_S, b1_S, W2_S, b2_S)[q_nodes]
    # decoders keyed 'S->F' and 'F->S'; each applied to Z[key[0]]
    z_SF = _mlp(z_S, Wd1_SF, bd1_SF, Wd2_SF, bd2_SF)
    z_FS = _mlp(z_F, Wd1_FS, bd1_FS, Wd2_FS, bd2_FS)
    return (z_F, z_S, z_SF, z_FS)

if __name__ == "__main__":
    import jax
    _d = setup_inputs()
    print(jax.jit(kernel)(*tuple(_d.values())))

</pallas_src>

<mosaic_0001>
#map = affine_map<(d0, d1) -> (0, 0)>
module attributes {stable_mosaic.version = 14 : i64} {
  func.func @_sc_degrees_body(%arg0: i32, %arg1: i32, %arg2: memref<2560x128xi32, #tpu.memory_space<hbm>>, %arg3: memref<2560x128xi32, #tpu.memory_space<hbm>>, %arg4: memref<10240x128xf32, #tpu.memory_space<hbm>>, %arg5: memref<10240x128xf32, #tpu.memory_space<hbm>>, %arg6: memref<40x128xi32, #tpu.memory_space<vmem>>, %arg7: memref<128x128xf32, #tpu.memory_space<vmem>>, %arg8: memref<128x128xf32, #tpu.memory_space<vmem>>, %arg9: memref<10240x128xf32, #tpu.memory_space<vmem_shared>>) attributes {dimension_semantics = [#tpu.dimension_semantics<core_parallel>, #tpu.dimension_semantics<subcore_parallel>], iteration_bounds = array<i64: 2, 16>, scalar_prefetch = 0 : i64, scratch_operands = 4 : i64, tpu.core_type = #tpu.core_type<sc_vector_subcore>, window_params = [{transform_indices = #map}, {transform_indices = #map}, {transform_indices = #map}, {transform_indices = #map}]} {
    %scan3A = arith.constant 0 : i32
    %scan3A_0 = arith.constant 0 : i32
    %scan3A_1 = arith.constant 128 : i32
    %scan3A_2 = arith.addi %scan3A_0, %scan3A_1 : i32
    %scan3A_3 = arith.constant 1 : i32
    %scan3A_4 = scf.for %scan3A_41 = %scan3A_0 to %scan3A_2 step %scan3A_3 iter_args(%scan3A_42 = %scan3A) -> (i32)  : i32 {
      %broadcast_in_dim3A = arith.constant 0.000000e+00 : f32
      %broadcast_in_dim3A_43 = vector.broadcast %broadcast_in_dim3A : f32 to vector<16xf32>
      %swap3A = arith.index_cast %scan3A_41 : i32 to index
      %swap3A_44 = arith.constant 0 : index
      %swap3A_45 = tpu.vector_load %arg8[%swap3A, %swap3A_44] {strides = array<i32>} : memref<128x128xf32, #tpu.memory_space<vmem>>, vector<1x16xf32>,
      %swap3A_46 = vector.shape_cast %swap3A_45 : vector<1x16xf32> to vector<16xf32>
      %swap3A_47 = vector.shape_cast %broadcast_in_dim3A_43 : vector<16xf32> to vector<1x16xf32>
      tpu.vector_store %arg8[%swap3A, %swap3A_44], %swap3A_47 {strides = array<i32>} : memref<128x128xf32, #tpu.memory_space<vmem>>, vector<1x16xf32>,
      %broadcast_in_dim3A_48 = arith.constant 0.000000e+00 : f32
      %broadcast_in_dim3A_49 = vector.broadcast %broadcast_in_dim3A_48 : f32 to vector<16xf32>
      %swap3A_50 = arith.index_cast %scan3A_41 : i32 to index
      %swap3A_51 = arith.constant 16 : index
      %swap3A_52 = tpu.vector_load %arg8[%swap3A_50, %swap3A_51] {strides = array<i32>} : memref<128x128xf32, #tpu.memory_space<vmem>>, vector<1x16xf32>,
      %swap3A_53 = vector.shape_cast %swap3A_52 : vector<1x16xf32> to vector<16xf32>
      %swap3A_54 = vector.shape_cast %broadcast_in_dim3A_49 : vector<16xf32> to vector<1x16xf32>
      tpu.vector_store %arg8[%swap3A_50, %swap3A_51], %swap3A_54 {strides = array<i32>} : memref<128x128xf32, #tpu.memory_space<vmem>>, vector<1x16xf32>,
      %broadcast_in_dim3A_55 = arith.constant 0.000000e+00 : f32
      %broadcast_in_dim3A_56 = vector.broadcast %broadcast_in_dim3A_55 : f32 to vector<16xf32>
      %swap3A_57 = arith.index_cast %scan3A_41 : i32 to index
      %swap3A_58 = arith.constant 32 : index
      %swap3A_59 = tpu.vector_load %arg8[%swap3A_57, %swap3A_58] {strides = array<i32>} : memref<128x128xf32, #tpu.memory_space<vmem>>, vector<1x16xf32>,
      %swap3A_60 = vector.shape_cast %swap3A_59 : vector<1x16xf32> to vector<16xf32>
      %swap3A_61 = vector.shape_cast %broadcast_in_dim3A_56 : vector<16xf32> to vector<1x16xf32>
      tpu.vector_store %arg8[%swap3A_57, %swap3A_58], %swap3A_61 {strides = array<i32>} : memref<128x128xf32, #tpu.memory_space<vmem>>, vector<1x16xf32>,
      %broadcast_in_dim3A_62 = arith.constant 0.000000e+00 : f32
      %broadcast_in_dim3A_63 = vector.broadcast %broadcast_in_dim3A_62 : f32 to vector<16xf32>
      %swap3A_64 = arith.index_cast %scan3A_41 : i32 to index
      %swap3A_65 = arith.constant 48 : index
      %swap3A_66 = tpu.vector_load %arg8[%swap3A_64, %swap3A_65] {strides = array<i32>} : memref<128x128xf32, #tpu.memory_space<vmem>>, vector<1x16xf32>,
      %swap3A_67 = vector.shape_cast %swap3A_66 : vector<1x16xf32> to vector<16xf32>
      %swap3A_68 = vector.shape_cast %broadcast_in_dim3A_63 : vector<16xf32> to vector<1x16xf32>
      tpu.vector_store %arg8[%swap3A_64, %swap3A_65], %swap3A_68 {strides = array<i32>} : memref<128x128xf32, #tpu.memory_space<vmem>>, vector<1x16xf32>,
      %broadcast_in_dim3A_69 = arith.constant 0.000000e+00 : f32
      %broadcast_in_dim3A_70 = vector.broadcast %broadcast_in_dim3A_69 : f32 to vector<16xf32>
      %swap3A_71 = arith.index_cast %scan3A_41 : i32 to index
      %swap3A_72 = arith.constant 64 : index
      %swap3A_73 = tpu.vector_load %arg8[%swap3A_71, %swap3A_72] {strides = array<i32>} : memref<128x128xf32, #tpu.memory_space<vmem>>, vector<1x16xf32>,
      %swap3A_74 = vector.shape_cast %swap3A_73 : vector<1x16xf32> to vector<16xf32>
      %swap3A_75 = vector.shape_cast %broadcast_in_dim3A_70 : vector<16xf32> to vector<1x16xf32>
      tpu.vector_store %arg8[%swap3A_71, %swap3A_72], %swap3A_75 {strides = array<i32>} : memref<128x128xf32, #tpu.memory_space<vmem>>, vector<1x16xf32>,
      %broadcast_in_dim3A_76 = arith.constant 0.000000e+00 : f32
      %broadcast_in_dim3A_77 = vector.broadcast %broadcast_in_dim3A_76 : f32 to vector<16xf32>
      %swap3A_78 = arith.index_cast %scan3A_41 : i32 to index
      %swap3A_79 = arith.constant 80 : index
      %swap3A_80 = tpu.vector_load %arg8[%swap3A_78, %swap3A_79] {strides = array<i32>} : memref<128x128xf32, #tpu.memory_space<vmem>>, vector<1x16xf32>,
      %swap3A_81 = vector.shape_cast %swap3A_80 : vector<1x16xf32> to vector<16xf32>
      %swap3A_82 = vector.shape_cast %broadcast_in_dim3A_77 : vector<16xf32> to vector<1x16xf32>
      tpu.vector_store %arg8[%swap3A_78, %swap3A_79], %swap3A_82 {strides = array<i32>} : memref<128x128xf32, #tpu.memory_space<vmem>>, vector<1x16xf32>,
      %broadcast_in_dim3A_83 = arith.constant 0.000000e+00 : f32
      %broadcast_in_dim3A_84 = vector.broadcast %broadcast_in_dim3A_83 : f32 to vector<16xf32>
      %swap3A_85 = arith.index_cast %scan3A_41 : i32 to index
      %swap3A_86 = arith.constant 96 : index
      %swap3A_87 = tpu.vector_load %arg8[%swap3A_85, %swap3A_86] {strides = array<i32>} : memref<128x128xf32, #tpu.memory_space<vmem>>, vector<1x16xf32>,
      %swap3A_88 = vector.shape_cast %swap3A_87 : vector<1x16xf32> to vector<16xf32>
      %swap3A_89 = vector.shape_cast %broadcast_in_dim3A_84 : vector<16xf32> to vector<1x16xf32>
      tpu.vector_store %arg8[%swap3A_85, %swap3A_86], %swap3A_89 {strides = array<i32>} : memref<128x128xf32, #tpu.memory_space<vmem>>, vector<1x16xf32>,
      %broadcast_in_dim3A_90 = arith.constant 0.000000e+00 : f32
      %broadcast_in_dim3A_91 = vector.broadcast %broadcast_in_dim3A_90 : f32 to vector<16xf32>
      %swap3A_92 = arith.index_cast %scan3A_41 : i32 to index
      %swap3A_93 = arith.constant 112 : index
      %swap3A_94 = tpu.vector_load %arg8[%swap3A_92, %swap3A_93] {strides = array<i32>} : memref<128x128xf32, #tpu.memory_space<vmem>>, vector<1x16xf32>,
      %swap3A_95 = vector.shape_cast %swap3A_94 : vector<1x16xf32> to vector<16xf32>
      %swap3A_96 = vector.shape_cast %broadcast_in_dim3A_91 : vector<16xf32> to vector<1x16xf32>
      tpu.vector_store %arg8[%swap3A_92, %swap3A_93], %swap3A_96 {strides = array<i32>} : memref<128x128xf32, #tpu.memory_space<vmem>>, vector<1x16xf32>,
      %scan3A_97 = arith.constant 0 : i32
      scf.yield %scan3A_97 : i32
    }
    %scan3A_5 = arith.constant 128 : i32
    %scan3A_6 = arith.constant 0 : i32
    %scan3A_7 = arith.constant 0 : i32
    %scan3A_8 = arith.constant 128 : i32
    %scan3A_9 = arith.addi %scan3A_7, %scan3A_8 : i32
    %scan3A_10 = arith.constant 1 : i32
    %scan3A_11 = scf.for %scan3A_41 = %scan3A_7 to %scan3A_9 step %scan3A_10 iter_args(%scan3A_42 = %scan3A_6) -> (i32)  : i32 {
      %broadcast_in_dim3A = arith.constant 1.000000e+00 : f32
      %broadcast_in_dim3A_43 = vector.broadcast %broadcast_in_dim3A : f32 to vector<16xf32>
      %swap3A = arith.index_cast %scan3A_41 : i32 to index
      %swap3A_44 = arith.constant 0 : index
      %swap3A_45 = tpu.vector_load %arg7[%swap3A, %swap3A_44] {strides = array<i32>} : memref<128x128xf32, #tpu.memory_space<vmem>>, vector<1x16xf32>,
      %swap3A_46 = vector.shape_cast %swap3A_45 : vector<1x16xf32> to vector<16xf32>
      %swap3A_47 = vector.shape_cast %broadcast_in_dim3A_43 : vector<16xf32> to vector<1x16xf32>
      tpu.vector_store %arg7[%swap3A, %swap3A_44], %swap3A_47 {strides = array<i32>} : memref<128x128xf32, #tpu.memory_space<vmem>>, vector<1x16xf32>,
      %broadcast_in_dim3A_48 = arith.constant 1.000000e+00 : f32
      %broadcast_in_dim3A_49 = vector.broadcast %broadcast_in_dim3A_48 : f32 to vector<16xf32>
      %swap3A_50 = arith.index_cast %scan3A_41 : i32 to index
      %swap3A_51 = arith.constant 16 : index
      %swap3A_52 = tpu.vector_load %arg7[%swap3A_50, %swap3A_51] {strides = array<i32>} : memref<128x128xf32, #tpu.memory_space<vmem>>, vector<1x16xf32>,
      %swap3A_53 = vector.shape_cast %swap3A_52 : vector<1x16xf32> to vector<16xf32>
      %swap3A_54 = vector.shape_cast %broadcast_in_dim3A_49 : vector<16xf32> to vector<1x16xf32>
      tpu.vector_store %arg7[%swap3A_50, %swap3A_51], %swap3A_54 {strides = array<i32>} : memref<128x128xf32, #tpu.memory_space<vmem>>, vector<1x16xf32>,
      %broadcast_in_dim3A_55 = arith.constant 1.000000e+00 : f32
      %broadcast_in_dim3A_56 = vector.broadcast %broadcast_in_dim3A_55 : f32 to vector<16xf32>
      %swap3A_57 = arith.index_cast %scan3A_41 : i32 to index
      %swap3A_58 = arith.constant 32 : index
      %swap3A_59 = tpu.vector_load %arg7[%swap3A_57, %swap3A_58] {strides = array<i32>} : memref<128x128xf32, #tpu.memory_space<vmem>>, vector<1x16xf32>,
      %swap3A_60 = vector.shape_cast %swap3A_59 : vector<1x16xf32> to vector<16xf32>
      %swap3A_61 = vector.shape_cast %broadcast_in_dim3A_56 : vector<16xf32> to vector<1x16xf32>
      tpu.vector_store %arg7[%swap3A_57, %swap3A_58], %swap3A_61 {strides = array<i32>} : memref<128x128xf32, #tpu.memory_space<vmem>>, vector<1x16xf32>,
      %broadcast_in_dim3A_62 = arith.constant 1.000000e+00 : f32
      %broadcast_in_dim3A_63 = vector.broadcast %broadcast_in_dim3A_62 : f32 to vector<16xf32>
      %swap3A_64 = arith.index_cast %scan3A_41 : i32 to index
      %swap3A_65 = arith.constant 48 : index
      %swap3A_66 = tpu.vector_load %arg7[%swap3A_64, %swap3A_65] {strides = array<i32>} : memref<128x128xf32, #tpu.memory_space<vmem>>, vector<1x16xf32>,
      %swap3A_67 = vector.shape_cast %swap3A_66 : vector<1x16xf32> to vector<16xf32>
      %swap3A_68 = vector.shape_cast %broadcast_in_dim3A_63 : vector<16xf32> to vector<1x16xf32>
      tpu.vector_store %arg7[%swap3A_64, %swap3A_65], %swap3A_68 {strides = array<i32>} : memref<128x128xf32, #tpu.memory_space<vmem>>, vector<1x16xf32>,
      %broadcast_in_dim3A_69 = arith.constant 1.000000e+00 : f32
      %broadcast_in_dim3A_70 = vector.broadcast %broadcast_in_dim3A_69 : f32 to vector<16xf32>
      %swap3A_71 = arith.index_cast %scan3A_41 : i32 to index
      %swap3A_72 = arith.constant 64 : index
      %swap3A_73 = tpu.vector_load %arg7[%swap3A_71, %swap3A_72] {strides = array<i32>} : memref<128x128xf32, #tpu.memory_space<vmem>>, vector<1x16xf32>,
      %swap3A_74 = vector.shape_cast %swap3A_73 : vector<1x16xf32> to vector<16xf32>
      %swap3A_75 = vector.shape_cast %broadcast_in_dim3A_70 : vector<16xf32> to vector<1x16xf32>
      tpu.vector_store %arg7[%swap3A_71, %swap3A_72], %swap3A_75 {strides = array<i32>} : memref<128x128xf32, #tpu.memory_space<vmem>>, vector<1x16xf32>,
      %broadcast_in_dim3A_76 = arith.constant 1.000000e+00 : f32
      %broadcast_in_dim3A_77 = vector.broadcast %broadcast_in_dim3A_76 : f32 to vector<16xf32>
      %swap3A_78 = arith.index_cast %scan3A_41 : i32 to index
      %swap3A_79 = arith.constant 80 : index
      %swap3A_80 = tpu.vector_load %arg7[%swap3A_78, %swap3A_79] {strides = array<i32>} : memref<128x128xf32, #tpu.memory_space<vmem>>, vector<1x16xf32>,
      %swap3A_81 = vector.shape_cast %swap3A_80 : vector<1x16xf32> to vector<16xf32>
      %swap3A_82 = vector.shape_cast %broadcast_in_dim3A_77 : vector<16xf32> to vector<1x16xf32>
      tpu.vector_store %arg7[%swap3A_78, %swap3A_79], %swap3A_82 {strides = array<i32>} : memref<128x128xf32, #tpu.memory_space<vmem>>, vector<1x16xf32>,
      %broadcast_in_dim3A_83 = arith.constant 1.000000e+00 : f32
      %broadcast_in_dim3A_84 = vector.broadcast %broadcast_in_dim3A_83 : f32 to vector<16xf32>
      %swap3A_85 = arith.index_cast %scan3A_41 : i32 to index
      %swap3A_86 = arith.constant 96 : index
      %swap3A_87 = tpu.vector_load %arg7[%swap3A_85, %swap3A_86] {strides = array<i32>} : memref<128x128xf32, #tpu.memory_space<vmem>>, vector<1x16xf32>,
      %swap3A_88 = vector.shape_cast %swap3A_87 : vector<1x16xf32> to vector<16xf32>
      %swap3A_89 = vector.shape_cast %broadcast_in_dim3A_84 : vector<16xf32> to vector<1x16xf32>
      tpu.vector_store %arg7[%swap3A_85, %swap3A_86], %swap3A_89 {strides = array<i32>} : memref<128x128xf32, #tpu.memory_space<vmem>>, vector<1x16xf32>,
      %broadcast_in_dim3A_90 = arith.constant 1.000000e+00 : f32
      %broadcast_in_dim3A_91 = vector.broadcast %broadcast_in_dim3A_90 : f32 to vector<16xf32>
      %swap3A_92 = arith.index_cast %scan3A_41 : i32 to index
      %swap3A_93 = arith.constant 112 : index
      %swap3A_94 = tpu.vector_load %arg7[%swap3A_92, %swap3A_93] {strides = array<i32>} : memref<128x128xf32, #tpu.memory_space<vmem>>, vector<1x16xf32>,
      %swap3A_95 = vector.shape_cast %swap3A_94 : vector<1x16xf32> to vector<16xf32>
      %swap3A_96 = vector.shape_cast %broadcast_in_dim3A_91 : vector<16xf32> to vector<1x16xf32>
      tpu.vector_store %arg7[%swap3A_92, %swap3A_93], %swap3A_96 {strides = array<i32>} : memref<128x128xf32, #tpu.memory_space<vmem>>, vector<1x16xf32>,
      %scan3A_97 = arith.constant 0 : i32
      scf.yield %scan3A_97 : i32
    }
    %scan3A_12 = arith.constant 128 : i32
    %mul3A = arith.constant 640 : i32
    %mul3A_13 = arith.muli %arg1, %mul3A : i32
    %add3A = arith.constant 0 : i32
    %add3A_14 = arith.addi %mul3A_13, %add3A : i32
    "tpu.region"() ({
      %run_scoped3A = tpu.sem_alloc : memref<!tpu.dma_semaphore, #tpu.memory_space<semaphore_mem>>
      %dma_start3A = arith.constant 0 : i32
      %dma_start3A_41 = tpu.memref_slice %arg9[%add3A_14, %dma_start3A] : memref<10240x128xf32, #tpu.memory_space<vmem_shared>> -> memref<128x128xf32, #tpu.memory_space<vmem_shared>>
      %dma_start3A_42 = arith.constant 0 : i32
      %dma_start3A_43 = tpu.memref_slice %arg9[%add3A_14, %dma_start3A_42] : memref<10240x128xf32, #tpu.memory_space<vmem_shared>> -> memref<128x128xf32, #tpu.memory_space<vmem_shared>>
      tpu.enqueue_dma source(%arg8 : memref<128x128xf32, #tpu.memory_space<vmem>>) target(%dma_start3A_43 : memref<128x128xf32, #tpu.memory_space<vmem_shared>>) target_semaphore(%run_scoped3A : memref<!tpu.dma_semaphore, #tpu.memory_space<semaphore_mem>>)
      %dma_wait3A = arith.constant 0 : i32
      %dma_wait3A_44 = tpu.memref_slice %arg9[%add3A_14, %dma_wait3A] : memref<10240x128xf32, #tpu.memory_space<vmem_shared>> -> memref<128x128xf32, #tpu.memory_space<vmem_shared>>
      %dma_wait3A_45 = arith.constant 0 : i32
      %dma_wait3A_46 = tpu.memref_slice %arg9[%add3A_14, %dma_wait3A_45] : memref<10240x128xf32, #tpu.memory_space<vmem_shared>> -> memref<128x128xf32, #tpu.memory_space<vmem_shared>>
      tpu.wait_dma2 semaphore(%run_scoped3A : memref<!tpu.dma_semaphore, #tpu.memory_space<semaphore_mem>>) src(%arg8 : memref<128x128xf32, #tpu.memory_space<vmem>>) dst(%dma_wait3A_46 : memref<128x128xf32, #tpu.memory_space<vmem_shared>>)
      tpu.yield
    }) : () -> ()
    %add3A_15 = arith.constant 128 : i32
    %add3A_16 = arith.addi %mul3A_13, %add3A_15 : i32
    "tpu.region"() ({
      %run_scoped3A = tpu.sem_alloc : memref<!tpu.dma_semaphore, #tpu.memory_space<semaphore_mem>>
      %dma_start3A = arith.constant 0 : i32
      %dma_start3A_41 = tpu.memref_slice %arg9[%add3A_16, %dma_start3A] : memref<10240x128xf32, #tpu.memory_space<vmem_shared>> -> memref<128x128xf32, #tpu.memory_space<vmem_shared>>
      %dma_start3A_42 = arith.constant 0 : i32
      %dma_start3A_43 = tpu.memref_slice %arg9[%add3A_16, %dma_start3A_42] : memref<10240x128xf32, #tpu.memory_space<vmem_shared>> -> memref<128x128xf32, #tpu.memory_space<vmem_shared>>
      tpu.enqueue_dma source(%arg8 : memref<128x128xf32, #tpu.memory_space<vmem>>) target(%dma_start3A_43 : memref<128x128xf32, #tpu.memory_space<vmem_shared>>) target_semaphore(%run_scoped3A : memref<!tpu.dma_semaphore, #tpu.memory_space<semaphore_mem>>)
      %dma_wait3A = arith.constant 0 : i32
      %dma_wait3A_44 = tpu.memref_slice %arg9[%add3A_16, %dma_wait3A] : memref<10240x128xf32, #tpu.memory_space<vmem_shared>> -> memref<128x128xf32, #tpu.memory_space<vmem_shared>>
      %dma_wait3A_45 = arith.constant 0 : i32
      %dma_wait3A_46 = tpu.memref_slice %arg9[%add3A_16, %dma_wait3A_45] : memref<10240x128xf32, #tpu.memory_space<vmem_shared>> -> memref<128x128xf32, #tpu.memory_space<vmem_shared>>
      tpu.wait_dma2 semaphore(%run_scoped3A : memref<!tpu.dma_semaphore, #tpu.memory_space<semaphore_mem>>) src(%arg8 : memref<128x128xf32, #tpu.memory_space<vmem>>) dst(%dma_wait3A_46 : memref<128x128xf32, #tpu.memory_space<vmem_shared>>)
      tpu.yield
    }) : () -> ()
    %add3A_17 = arith.constant 256 : i32
    %add3A_18 = arith.addi %mul3A_13, %add3A_17 : i32
    "tpu.region"() ({
      %run_scoped3A = tpu.sem_alloc : memref<!tpu.dma_semaphore, #tpu.memory_space<semaphore_mem>>
      %dma_start3A = arith.constant 0 : i32
      %dma_start3A_41 = tpu.memref_slice %arg9[%add3A_18, %dma_start3A] : memref<10240x128xf32, #tpu.memory_space<vmem_shared>> -> memref<128x128xf32, #tpu.memory_space<vmem_shared>>
      %dma_start3A_42 = arith.constant 0 : i32
      %dma_start3A_43 = tpu.memref_slice %arg9[%add3A_18, %dma_start3A_42] : memref<10240x128xf32, #tpu.memory_space<vmem_shared>> -> memref<128x128xf32, #tpu.memory_space<vmem_shared>>
      tpu.enqueue_dma source(%arg8 : memref<128x128xf32, #tpu.memory_space<vmem>>) target(%dma_start3A_43 : memref<128x128xf32, #tpu.memory_space<vmem_shared>>) target_semaphore(%run_scoped3A : memref<!tpu.dma_semaphore, #tpu.memory_space<semaphore_mem>>)
      %dma_wait3A = arith.constant 0 : i32
      %dma_wait3A_44 = tpu.memref_slice %arg9[%add3A_18, %dma_wait3A] : memref<10240x128xf32, #tpu.memory_space<vmem_shared>> -> memref<128x128xf32, #tpu.memory_space<vmem_shared>>
      %dma_wait3A_45 = arith.constant 0 : i32
      %dma_wait3A_46 = tpu.memref_slice %arg9[%add3A_18, %dma_wait3A_45] : memref<10240x128xf32, #tpu.memory_space<vmem_shared>> -> memref<128x128xf32, #tpu.memory_space<vmem_shared>>
      tpu.wait_dma2 semaphore(%run_scoped3A : memref<!tpu.dma_semaphore, #tpu.memory_space<semaphore_mem>>) src(%arg8 : memref<128x128xf32, #tpu.memory_space<vmem>>) dst(%dma_wait3A_46 : memref<128x128xf32, #tpu.memory_space<vmem_shared>>)
      tpu.yield
    }) : () -> ()
    %add3A_19 = arith.constant 384 : i32
    %add3A_20 = arith.addi %mul3A_13, %add3A_19 : i32
    "tpu.region"() ({
      %run_scoped3A = tpu.sem_alloc : memref<!tpu.dma_semaphore, #tpu.memory_space<semaphore_mem>>
      %dma_start3A = arith.constant 0 : i32
      %dma_start3A_41 = tpu.memref_slice %arg9[%add3A_20, %dma_start3A] : memref<10240x128xf32, #tpu.memory_space<vmem_shared>> -> memref<128x128xf32, #tpu.memory_space<vmem_shared>>
      %dma_start3A_42 = arith.constant 0 : i32
      %dma_start3A_43 = tpu.memref_slice %arg9[%add3A_20, %dma_start3A_42] : memref<10240x128xf32, #tpu.memory_space<vmem_shared>> -> memref<128x128xf32, #tpu.memory_space<vmem_shared>>
      tpu.enqueue_dma source(%arg8 : memref<128x128xf32, #tpu.memory_space<vmem>>) target(%dma_start3A_43 : memref<128x128xf32, #tpu.memory_space<vmem_shared>>) target_semaphore(%run_scoped3A : memref<!tpu.dma_semaphore, #tpu.memory_space<semaphore_mem>>)
      %dma_wait3A = arith.constant 0 : i32
      %dma_wait3A_44 = tpu.memref_slice %arg9[%add3A_20, %dma_wait3A] : memref<10240x128xf32, #tpu.memory_space<vmem_shared>> -> memref<128x128xf32, #tpu.memory_space<vmem_shared>>
      %dma_wait3A_45 = arith.constant 0 : i32
      %dma_wait3A_46 = tpu.memref_slice %arg9[%add3A_20, %dma_wait3A_45] : memref<10240x128xf32, #tpu.memory_space<vmem_shared>> -> memref<128x128xf32, #tpu.memory_space<vmem_shared>>
      tpu.wait_dma2 semaphore(%run_scoped3A : memref<!tpu.dma_semaphore, #tpu.memory_space<semaphore_mem>>) src(%arg8 : memref<128x128xf32, #tpu.memory_space<vmem>>) dst(%dma_wait3A_46 : memref<128x128xf32, #tpu.memory_space<vmem_shared>>)
      tpu.yield
    }) : () -> ()
    %add3A_21 = arith.constant 512 : i32
    %add3A_22 = arith.addi %mul3A_13, %add3A_21 : i32
    "tpu.region"() ({
      %run_scoped3A = tpu.sem_alloc : memref<!tpu.dma_semaphore, #tpu.memory_space<semaphore_mem>>
      %dma_start3A = arith.constant 0 : i32
      %dma_start3A_41 = tpu.memref_slice %arg9[%add3A_22, %dma_start3A] : memref<10240x128xf32, #tpu.memory_space<vmem_shared>> -> memref<128x128xf32, #tpu.memory_space<vmem_shared>>
      %dma_start3A_42 = arith.constant 0 : i32
      %dma_start3A_43 = tpu.memref_slice %arg9[%add3A_22, %dma_start3A_42] : memref<10240x128xf32, #tpu.memory_space<vmem_shared>> -> memref<128x128xf32, #tpu.memory_space<vmem_shared>>
      tpu.enqueue_dma source(%arg8 : memref<128x128xf32, #tpu.memory_space<vmem>>) target(%dma_start3A_43 : memref<128x128xf32, #tpu.memory_space<vmem_shared>>) target_semaphore(%run_scoped3A : memref<!tpu.dma_semaphore, #tpu.memory_space<semaphore_mem>>)
      %dma_wait3A = arith.constant 0 : i32
      %dma_wait3A_44 = tpu.memref_slice %arg9[%add3A_22, %dma_wait3A] : memref<10240x128xf32, #tpu.memory_space<vmem_shared>> -> memref<128x128xf32, #tpu.memory_space<vmem_shared>>
      %dma_wait3A_45 = arith.constant 0 : i32
      %dma_wait3A_46 = tpu.memref_slice %arg9[%add3A_22, %dma_wait3A_45] : memref<10240x128xf32, #tpu.memory_space<vmem_shared>> -> memref<128x128xf32, #tpu.memory_space<vmem_shared>>
      tpu.wait_dma2 semaphore(%run_scoped3A : memref<!tpu.dma_semaphore, #tpu.memory_space<semaphore_mem>>) src(%arg8 : memref<128x128xf32, #tpu.memory_space<vmem>>) dst(%dma_wait3A_46 : memref<128x128xf32, #tpu.memory_space<vmem_shared>>)
      tpu.yield
    }) : () -> ()
    %barrier3A = arith.constant 0 : index
    tpu.barrier barrier_id(%barrier3A)
    %eq3A = arith.constant 0 : i32
    %eq3A_23 = arith.cmpi eq, %arg0, %eq3A : i32
    %convert_element_type3A = arith.extui %eq3A_23 : i1 to i32
    %cond3A = arith.constant 0 : i32
    %cond3A_24 = arith.cmpi ne, %convert_element_type3A, %cond3A : i32
    scf.if %cond3A_24 {
      %scan3A_41 = arith.constant 0 : i32
      %scan3A_42 = arith.constant 0 : i32
      %scan3A_43 = arith.constant 4 : i32
      %scan3A_44 = arith.addi %scan3A_42, %scan3A_43 : i32
      %scan3A_45 = arith.constant 1 : i32
      %scan3A_46 = scf.for %scan3A_48 = %scan3A_42 to %scan3A_44 step %scan3A_45 iter_args(%scan3A_49 = %scan3A_41) -> (i32)  : i32 {
        %mul3A_50 = arith.constant 160 : i32
        %mul3A_51 = arith.muli %arg1, %mul3A_50 : i32
        %mul3A_52 = arith.constant 40 : i32
        %mul3A_53 = arith.muli %scan3A_48, %mul3A_52 : i32
        %add3A_54 = arith.addi %mul3A_51, %mul3A_53 : i32
        "tpu.region"() ({
          %run_scoped3A = tpu.sem_alloc : memref<!tpu.dma_semaphore, #tpu.memory_space<semaphore_mem>>
          %dma_start3A = arith.constant 0 : i32
          %dma_start3A_63 = tpu.memref_slice %arg2[%add3A_54, %dma_start3A] : memref<2560x128xi32, #tpu.memory_space<hbm>> -> memref<40x128xi32, #tpu.memory_space<hbm>>
          %dma_start3A_64 = arith.constant 0 : i32
          %dma_start3A_65 = tpu.memref_slice %arg2[%add3A_54, %dma_start3A_64] : memref<2560x128xi32, #tpu.memory_space<hbm>> -> memref<40x128xi32, #tpu.memory_space<hbm>>
          tpu.enqueue_dma source(%dma_start3A_65 : memref<40x128xi32, #tpu.memory_space<hbm>>) target(%arg6 : memref<40x128xi32, #tpu.memory_space<vmem>>) target_semaphore(%run_scoped3A : memref<!tpu.dma_semaphore, #tpu.memory_space<semaphore_mem>>)
          %dma_wait3A = arith.constant 0 : i32
          %dma_wait3A_66 = tpu.memref_slice %arg2[%add3A_54, %dma_wait3A] : memref<2560x128xi32, #tpu.memory_space<hbm>> -> memref<40x128xi32, #tpu.memory_space<hbm>>
          %dma_wait3A_67 = arith.constant 0 : i32
          %dma_wait3A_68 = tpu.memref_slice %arg2[%add3A_54, %dma_wait3A_67] : memref<2560x128xi32, #tpu.memory_space<hbm>> -> memref<40x128xi32, #tpu.memory_space<hbm>>
          tpu.wait_dma2 semaphore(%run_scoped3A : memref<!tpu.dma_semaphore, #tpu.memory_space<semaphore_mem>>) src(%dma_wait3A_68 : memref<40x128xi32, #tpu.memory_space<hbm>>) dst(%arg6 : memref<40x128xi32, #tpu.memory_space<vmem>>)
          tpu.yield
        }) : () -> ()
        %scan3A_55 = arith.constant 0 : i32
        %scan3A_56 = arith.constant 0 : i32
        %scan3A_57 = arith.constant 40 : i32
        %scan3A_58 = arith.addi %scan3A_56, %scan3A_57 : i32
        %scan3A_59 = arith.constant 1 : i32
        %scan3A_60 = scf.for %scan3A_63 = %scan3A_56 to %scan3A_58 step %scan3A_59 iter_args(%scan3A_64 = %scan3A_55) -> (i32)  : i32 {
          "tpu.region"() ({
            %run_scoped3A = tpu.sem_alloc : memref<!tpu.dma_semaphore, #tpu.memory_space<semaphore_mem>>
            %dma_start3A = arith.constant 0 : i32
            %dma_start3A_66 = tpu.memref_slice %arg6[%scan3A_63, %dma_start3A] : memref<40x128xi32, #tpu.memory_space<vmem>> -> memref<1x128xi32, #tpu.memory_space<vmem>>
            %dma_start3A_67 = tpu.memref_squeeze %dma_start3A_66 : memref<1x128xi32, #tpu.memory_space<vmem>> -> memref<128xi32, #tpu.memory_space<vmem>>
            %dma_start3A_68 = arith.constant 0 : i32
            %dma_start3A_69 = arith.constant 0 : i32
            %dma_start3A_70 = tpu.memref_slice %arg9[%dma_start3A_68, %dma_start3A_69] : memref<10240x128xf32, #tpu.memory_space<vmem_shared>> -> memref<10240x128xf32, #tpu.memory_space<vmem_shared>>
            tpu.enqueue_indirect_dma source(%arg7 : memref<128x128xf32, #tpu.memory_space<vmem>>) target(%dma_start3A_70 : memref<10240x128xf32, #tpu.memory_space<vmem_shared>>) offsets(%dma_start3A_67 : memref<128xi32, #tpu.memory_space<vmem>>) semaphore(%run_scoped3A : memref<!tpu.dma_semaphore, #tpu.memory_space<semaphore_mem>>) {add = true}
            %dma_wait3A = arith.constant 0 : i32
            %dma_wait3A_71 = tpu.memref_slice %arg6[%scan3A_63, %dma_wait3A] : memref<40x128xi32, #tpu.memory_space<vmem>> -> memref<1x128xi32, #tpu.memory_space<vmem>>
            %dma_wait3A_72 = tpu.memref_squeeze %dma_wait3A_71 : memref<1x128xi32, #tpu.memory_space<vmem>> -> memref<128xi32, #tpu.memory_space<vmem>>
            %dma_wait3A_73 = arith.constant 0 : i32
            %dma_wait3A_74 = arith.constant 0 : i32
            %dma_wait3A_75 = tpu.memref_slice %arg9[%dma_wait3A_73, %dma_wait3A_74] : memref<10240x128xf32, #tpu.memory_space<vmem_shared>> -> memref<10240x128xf32, #tpu.memory_space<vmem_shared>>
            tpu.wait_indirect_dma semaphore(%run_scoped3A : memref<!tpu.dma_semaphore, #tpu.memory_space<semaphore_mem>>) src(%arg7 : memref<128x128xf32, #tpu.memory_space<vmem>>) dst(%dma_wait3A_75 : memref<10240x128xf32, #tpu.memory_space<vmem_shared>>)
            tpu.yield
          }) : () -> ()
          %scan3A_65 = arith.constant 0 : i32
          scf.yield %scan3A_65 : i32
        }
        %scan3A_61 = arith.constant 40 : i32
        %scan3A_62 = arith.constant 0 : i32
        scf.yield %scan3A_62 : i32
      }
      %scan3A_47 = arith.constant 4 : i32
    } else {
    }
    %eq3A_25 = arith.constant 1 : i32
    %eq3A_26 = arith.cmpi eq, %arg0, %eq3A_25 : i32
    %convert_element_type3A_27 = arith.extui %eq3A_26 : i1 to i32
    %cond3A_28 = arith.constant 0 : i32
    %cond3A_29 = arith.cmpi ne, %convert_element_type3A_27, %cond3A_28 : i32
    scf.if %cond3A_29 {
      %scan3A_41 = arith.constant 0 : i32
      %scan3A_42 = arith.constant 0 : i32
      %scan3A_43 = arith.constant 4 : i32
      %scan3A_44 = arith.addi %scan3A_42, %scan3A_43 : i32
      %scan3A_45 = arith.constant 1 : i32
      %scan3A_46 = scf.for %scan3A_48 = %scan3A_42 to %scan3A_44 step %scan3A_45 iter_args(%scan3A_49 = %scan3A_41) -> (i32)  : i32 {
        %mul3A_50 = arith.constant 160 : i32
        %mul3A_51 = arith.muli %arg1, %mul3A_50 : i32
        %mul3A_52 = arith.constant 40 : i32
        %mul3A_53 = arith.muli %scan3A_48, %mul3A_52 : i32
        %add3A_54 = arith.addi %mul3A_51, %mul3A_53 : i32
        "tpu.region"() ({
          %run_scoped3A = tpu.sem_alloc : memref<!tpu.dma_semaphore, #tpu.memory_space<semaphore_mem>>
          %dma_start3A = arith.constant 0 : i32
          %dma_start3A_63 = tpu.memref_slice %arg3[%add3A_54, %dma_start3A] : memref<2560x128xi32, #tpu.memory_space<hbm>> -> memref<40x128xi32, #tpu.memory_space<hbm>>
          %dma_start3A_64 = arith.constant 0 : i32
          %dma_start3A_65 = tpu.memref_slice %arg3[%add3A_54, %dma_start3A_64] : memref<2560x128xi32, #tpu.memory_space<hbm>> -> memref<40x128xi32, #tpu.memory_space<hbm>>
          tpu.enqueue_dma source(%dma_start3A_65 : memref<40x128xi32, #tpu.memory_space<hbm>>) target(%arg6 : memref<40x128xi32, #tpu.memory_space<vmem>>) target_semaphore(%run_scoped3A : memref<!tpu.dma_semaphore, #tpu.memory_space<semaphore_mem>>)
          %dma_wait3A = arith.constant 0 : i32
          %dma_wait3A_66 = tpu.memref_slice %arg3[%add3A_54, %dma_wait3A] : memref<2560x128xi32, #tpu.memory_space<hbm>> -> memref<40x128xi32, #tpu.memory_space<hbm>>
          %dma_wait3A_67 = arith.constant 0 : i32
          %dma_wait3A_68 = tpu.memref_slice %arg3[%add3A_54, %dma_wait3A_67] : memref<2560x128xi32, #tpu.memory_space<hbm>> -> memref<40x128xi32, #tpu.memory_space<hbm>>
          tpu.wait_dma2 semaphore(%run_scoped3A : memref<!tpu.dma_semaphore, #tpu.memory_space<semaphore_mem>>) src(%dma_wait3A_68 : memref<40x128xi32, #tpu.memory_space<hbm>>) dst(%arg6 : memref<40x128xi32, #tpu.memory_space<vmem>>)
          tpu.yield
        }) : () -> ()
        %scan3A_55 = arith.constant 0 : i32
        %scan3A_56 = arith.constant 0 : i32
        %scan3A_57 = arith.constant 40 : i32
        %scan3A_58 = arith.addi %scan3A_56, %scan3A_57 : i32
        %scan3A_59 = arith.constant 1 : i32
        %scan3A_60 = scf.for %scan3A_63 = %scan3A_56 to %scan3A_58 step %scan3A_59 iter_args(%scan3A_64 = %scan3A_55) -> (i32)  : i32 {
          "tpu.region"() ({
            %run_scoped3A = tpu.sem_alloc : memref<!tpu.dma_semaphore, #tpu.memory_space<semaphore_mem>>
            %dma_start3A = arith.constant 0 : i32
            %dma_start3A_66 = tpu.memref_slice %arg6[%scan3A_63, %dma_start3A] : memref<40x128xi32, #tpu.memory_space<vmem>> -> memref<1x128xi32, #tpu.memory_space<vmem>>
            %dma_start3A_67 = tpu.memref_squeeze %dma_start3A_66 : memref<1x128xi32, #tpu.memory_space<vmem>> -> memref<128xi32, #tpu.memory_space<vmem>>
            %dma_start3A_68 = arith.constant 0 : i32
            %dma_start3A_69 = arith.constant 0 : i32
            %dma_start3A_70 = tpu.memref_slice %arg9[%dma_start3A_68, %dma_start3A_69] : memref<10240x128xf32, #tpu.memory_space<vmem_shared>> -> memref<10240x128xf32, #tpu.memory_space<vmem_shared>>
            tpu.enqueue_indirect_dma source(%arg7 : memref<128x128xf32, #tpu.memory_space<vmem>>) target(%dma_start3A_70 : memref<10240x128xf32, #tpu.memory_space<vmem_shared>>) offsets(%dma_start3A_67 : memref<128xi32, #tpu.memory_space<vmem>>) semaphore(%run_scoped3A : memref<!tpu.dma_semaphore, #tpu.memory_space<semaphore_mem>>) {add = true}
            %dma_wait3A = arith.constant 0 : i32
            %dma_wait3A_71 = tpu.memref_slice %arg6[%scan3A_63, %dma_wait3A] : memref<40x128xi32, #tpu.memory_space<vmem>> -> memref<1x128xi32, #tpu.memory_space<vmem>>
            %dma_wait3A_72 = tpu.memref_squeeze %dma_wait3A_71 : memref<1x128xi32, #tpu.memory_space<vmem>> -> memref<128xi32, #tpu.memory_space<vmem>>
            %dma_wait3A_73 = arith.constant 0 : i32
            %dma_wait3A_74 = arith.constant 0 : i32
            %dma_wait3A_75 = tpu.memref_slice %arg9[%dma_wait3A_73, %dma_wait3A_74] : memref<10240x128xf32, #tpu.memory_space<vmem_shared>> -> memref<10240x128xf32, #tpu.memory_space<vmem_shared>>
            tpu.wait_indirect_dma semaphore(%run_scoped3A : memref<!tpu.dma_semaphore, #tpu.memory_space<semaphore_mem>>) src(%arg7 : memref<128x128xf32, #tpu.memory_space<vmem>>) dst(%dma_wait3A_75 : memref<10240x128xf32, #tpu.memory_space<vmem_shared>>)
            tpu.yield
          }) : () -> ()
          %scan3A_65 = arith.constant 0 : i32
          scf.yield %scan3A_65 : i32
        }
        %scan3A_61 = arith.constant 40 : i32
        %scan3A_62 = arith.constant 0 : i32
        scf.yield %scan3A_62 : i32
      }
      %scan3A_47 = arith.constant 4 : i32
    } else {
    }
    %barrier3A_30 = arith.constant 0 : index
    tpu.barrier barrier_id(%barrier3A_30)
    %eq3A_31 = arith.constant 0 : i32
    %eq3A_32 = arith.cmpi eq, %arg0, %eq3A_31 : i32
    %convert_element_type3A_33 = arith.extui %eq3A_32 : i1 to i32
    %cond3A_34 = arith.constant 0 : i32
    %cond3A_35 = arith.cmpi ne, %convert_element_type3A_33, %cond3A_34 : i32
    scf.if %cond3A_35 {
      "tpu.region"() ({
        %run_scoped3A = tpu.sem_alloc : memref<!tpu.dma_semaphore, #tpu.memory_space<semaphore_mem>>
        %dma_start3A = arith.constant 0 : i32
        %dma_start3A_41 = tpu.memref_slice %arg4[%mul3A_13, %dma_start3A] : memref<10240x128xf32, #tpu.memory_space<hbm>> -> memref<640x128xf32, #tpu.memory_space<hbm>>
        %dma_start3A_42 = arith.constant 0 : i32
        %dma_start3A_43 = tpu.memref_slice %arg9[%mul3A_13, %dma_start3A_42] : memref<10240x128xf32, #tpu.memory_space<vmem_shared>> -> memref<640x128xf32, #tpu.memory_space<vmem_shared>>
        tpu.enqueue_dma source(%dma_start3A_43 : memref<640x128xf32, #tpu.memory_space<vmem_shared>>) target(%dma_start3A_41 : memref<640x128xf32, #tpu.memory_space<hbm>>) target_semaphore(%run_scoped3A : memref<!tpu.dma_semaphore, #tpu.memory_space<semaphore_mem>>)
        %dma_wait3A = arith.constant 0 : i32
        %dma_wait3A_44 = tpu.memref_slice %arg4[%mul3A_13, %dma_wait3A] : memref<10240x128xf32, #tpu.memory_space<hbm>> -> memref<640x128xf32, #tpu.memory_space<hbm>>
        %dma_wait3A_45 = arith.constant 0 : i32
        %dma_wait3A_46 = tpu.memref_slice %arg9[%mul3A_13, %dma_wait3A_45] : memref<10240x128xf32, #tpu.memory_space<vmem_shared>> -> memref<640x128xf32, #tpu.memory_space<vmem_shared>>
        tpu.wait_dma2 semaphore(%run_scoped3A : memref<!tpu.dma_semaphore, #tpu.memory_space<semaphore_mem>>) src(%dma_wait3A_46 : memref<640x128xf32, #tpu.memory_space<vmem_shared>>) dst(%dma_wait3A_44 : memref<640x128xf32, #tpu.memory_space<hbm>>)
        tpu.yield
      }) : () -> ()
    } else {
    }
    %eq3A_36 = arith.constant 1 : i32
    %eq3A_37 = arith.cmpi eq, %arg0, %eq3A_36 : i32
    %convert_element_type3A_38 = arith.extui %eq3A_37 : i1 to i32
    %cond3A_39 = arith.constant 0 : i32
    %cond3A_40 = arith.cmpi ne, %convert_element_type3A_38, %cond3A_39 : i32
    scf.if %cond3A_40 {
      "tpu.region"() ({
        %run_scoped3A = tpu.sem_alloc : memref<!tpu.dma_semaphore, #tpu.memory_space<semaphore_mem>>
        %dma_start3A = arith.constant 0 : i32
        %dma_start3A_41 = tpu.memref_slice %arg5[%mul3A_13, %dma_start3A] : memref<10240x128xf32, #tpu.memory_space<hbm>> -> memref<640x128xf32, #tpu.memory_space<hbm>>
        %dma_start3A_42 = arith.constant 0 : i32
        %dma_start3A_43 = tpu.memref_slice %arg9[%mul3A_13, %dma_start3A_42] : memref<10240x128xf32, #tpu.memory_space<vmem_shared>> -> memref<640x128xf32, #tpu.memory_space<vmem_shared>>
        tpu.enqueue_dma source(%dma_start3A_43 : memref<640x128xf32, #tpu.memory_space<vmem_shared>>) target(%dma_start3A_41 : memref<640x128xf32, #tpu.memory_space<hbm>>) target_semaphore(%run_scoped3A : memref<!tpu.dma_semaphore, #tpu.memory_space<semaphore_mem>>)
        %dma_wait3A = arith.constant 0 : i32
        %dma_wait3A_44 = tpu.memref_slice %arg5[%mul3A_13, %dma_wait3A] : memref<10240x128xf32, #tpu.memory_space<hbm>> -> memref<640x128xf32, #tpu.memory_space<hbm>>
        %dma_wait3A_45 = arith.constant 0 : i32
        %dma_wait3A_46 = tpu.memref_slice %arg9[%mul3A_13, %dma_wait3A_45] : memref<10240x128xf32, #tpu.memory_space<vmem_shared>> -> memref<640x128xf32, #tpu.memory_space<vmem_shared>>
        tpu.wait_dma2 semaphore(%run_scoped3A : memref<!tpu.dma_semaphore, #tpu.memory_space<semaphore_mem>>) src(%dma_wait3A_46 : memref<640x128xf32, #tpu.memory_space<vmem_shared>>) dst(%dma_wait3A_44 : memref<640x128xf32, #tpu.memory_space<hbm>>)
        tpu.yield
      }) : () -> ()
    } else {
    }
    return
  }
}

#map = affine_map<(d0, d1) -> (0, 0)>
module attributes {stable_mosaic.version = 14 : i64} {
  func.func @_sc_agg_body(%arg0: i32, %arg1: i32, %arg2: memref<10240x128xf32, #tpu.memory_space<hbm>>, %arg3: memref<10240x128xf32, #tpu.memory_space<hbm>>, %arg4: memref<2560x128xi32, #tpu.memory_space<hbm>>, %arg5: memref<2560x128xi32, #tpu.memory_space<hbm>>, %arg6: memref<10240x128xf32, #tpu.memory_space<hbm>>, %arg7: memref<10240x128xf32, #tpu.memory_space<hbm>>, %arg8: memref<40x128xi32, #tpu.memory_space<vmem>>, %arg9: memref<40x128xi32, #tpu.memory_space<vmem>>, %arg10: memref<128x128xf32, #tpu.memory_space<vmem>>, %arg11: memref<128x128xf32, #tpu.memory_space<vmem>>, %arg12: memref<!tpu.dma_semaphore, #tpu.memory_space<semaphore_mem>>, %arg13: memref<!tpu.dma_semaphore, #tpu.memory_space<semaphore_mem>>, %arg14: memref<!tpu.dma_semaphore, #tpu.memory_space<semaphore_mem>>, %arg15: memref<!tpu.dma_semaphore, #tpu.memory_space<semaphore_mem>>, %arg16: memref<10240x128xf32, #tpu.memory_space<vmem_shared>>) attributes {dimension_semantics = [#tpu.dimension_semantics<core_parallel>, #tpu.dimension_semantics<subcore_parallel>], iteration_bounds = array<i64: 2, 16>, scalar_prefetch = 0 : i64, scratch_operands = 9 : i64, tpu.core_type = #tpu.core_type<sc_vector_subcore>, window_params = [{transform_indices = #map}, {transform_indices = #map}, {transform_indices = #map}, {transform_indices = #map}, {transform_indices = #map}, {transform_indices = #map}]} {
    %scan3A = arith.constant 0 : i32
    %scan3A_0 = arith.constant 0 : i32
    %scan3A_1 = arith.constant 128 : i32
    %scan3A_2 = arith.addi %scan3A_0, %scan3A_1 : i32
    %scan3A_3 = arith.constant 1 : i32
    %scan3A_4 = scf.for %scan3A_34 = %scan3A_0 to %scan3A_2 step %scan3A_3 iter_args(%scan3A_35 = %scan3A) -> (i32)  : i32 {
      %broadcast_in_dim3A = arith.constant 0.000000e+00 : f32
      %broadcast_in_dim3A_36 = vector.broadcast %broadcast_in_dim3A : f32 to vector<16xf32>
      %swap3A = arith.index_cast %scan3A_34 : i32 to index
      %swap3A_37 = arith.constant 0 : index
      %swap3A_38 = tpu.vector_load %arg10[%swap3A, %swap3A_37] {strides = array<i32>} : memref<128x128xf32, #tpu.memory_space<vmem>>, vector<1x16xf32>,
      %swap3A_39 = vector.shape_cast %swap3A_38 : vector<1x16xf32> to vector<16xf32>
      %swap3A_40 = vector.shape_cast %broadcast_in_dim3A_36 : vector<16xf32> to vector<1x16xf32>
      tpu.vector_store %arg10[%swap3A, %swap3A_37], %swap3A_40 {strides = array<i32>} : memref<128x128xf32, #tpu.memory_space<vmem>>, vector<1x16xf32>,
      %broadcast_in_dim3A_41 = arith.constant 0.000000e+00 : f32
      %broadcast_in_dim3A_42 = vector.broadcast %broadcast_in_dim3A_41 : f32 to vector<16xf32>
      %swap3A_43 = arith.index_cast %scan3A_34 : i32 to index
      %swap3A_44 = arith.constant 16 : index
      %swap3A_45 = tpu.vector_load %arg10[%swap3A_43, %swap3A_44] {strides = array<i32>} : memref<128x128xf32, #tpu.memory_space<vmem>>, vector<1x16xf32>,
      %swap3A_46 = vector.shape_cast %swap3A_45 : vector<1x16xf32> to vector<16xf32>
      %swap3A_47 = vector.shape_cast %broadcast_in_dim3A_42 : vector<16xf32> to vector<1x16xf32>
      tpu.vector_store %arg10[%swap3A_43, %swap3A_44], %swap3A_47 {strides = array<i32>} : memref<128x128xf32, #tpu.memory_space<vmem>>, vector<1x16xf32>,
      %broadcast_in_dim3A_48 = arith.constant 0.000000e+00 : f32
      %broadcast_in_dim3A_49 = vector.broadcast %broadcast_in_dim3A_48 : f32 to vector<16xf32>
      %swap3A_50 = arith.index_cast %scan3A_34 : i32 to index
      %swap3A_51 = arith.constant 32 : index
      %swap3A_52 = tpu.vector_load %arg10[%swap3A_50, %swap3A_51] {strides = array<i32>} : memref<128x128xf32, #tpu.memory_space<vmem>>, vector<1x16xf32>,
      %swap3A_53 = vector.shape_cast %swap3A_52 : vector<1x16xf32> to vector<16xf32>
      %swap3A_54 = vector.shape_cast %broadcast_in_dim3A_49 : vector<16xf32> to vector<1x16xf32>
      tpu.vector_store %arg10[%swap3A_50, %swap3A_51], %swap3A_54 {strides = array<i32>} : memref<128x128xf32, #tpu.memory_space<vmem>>, vector<1x16xf32>,
      %broadcast_in_dim3A_55 = arith.constant 0.000000e+00 : f32
      %broadcast_in_dim3A_56 = vector.broadcast %broadcast_in_dim3A_55 : f32 to vector<16xf32>
      %swap3A_57 = arith.index_cast %scan3A_34 : i32 to index
      %swap3A_58 = arith.constant 48 : index
      %swap3A_59 = tpu.vector_load %arg10[%swap3A_57, %swap3A_58] {strides = array<i32>} : memref<128x128xf32, #tpu.memory_space<vmem>>, vector<1x16xf32>,
      %swap3A_60 = vector.shape_cast %swap3A_59 : vector<1x16xf32> to vector<16xf32>
      %swap3A_61 = vector.shape_cast %broadcast_in_dim3A_56 : vector<16xf32> to vector<1x16xf32>
      tpu.vector_store %arg10[%swap3A_57, %swap3A_58], %swap3A_61 {strides = array<i32>} : memref<128x128xf32, #tpu.memory_space<vmem>>, vector<1x16xf32>,
      %broadcast_in_dim3A_62 = arith.constant 0.000000e+00 : f32
      %broadcast_in_dim3A_63 = vector.broadcast %broadcast_in_dim3A_62 : f32 to vector<16xf32>
      %swap3A_64 = arith.index_cast %scan3A_34 : i32 to index
      %swap3A_65 = arith.constant 64 : index
      %swap3A_66 = tpu.vector_load %arg10[%swap3A_64, %swap3A_65] {strides = array<i32>} : memref<128x128xf32, #tpu.memory_space<vmem>>, vector<1x16xf32>,
      %swap3A_67 = vector.shape_cast %swap3A_66 : vector<1x16xf32> to vector<16xf32>
      %swap3A_68 = vector.shape_cast %broadcast_in_dim3A_63 : vector<16xf32> to vector<1x16xf32>
      tpu.vector_store %arg10[%swap3A_64, %swap3A_65], %swap3A_68 {strides = array<i32>} : memref<128x128xf32, #tpu.memory_space<vmem>>, vector<1x16xf32>,
      %broadcast_in_dim3A_69 = arith.constant 0.000000e+00 : f32
      %broadcast_in_dim3A_70 = vector.broadcast %broadcast_in_dim3A_69 : f32 to vector<16xf32>
      %swap3A_71 = arith.index_cast %scan3A_34 : i32 to index
      %swap3A_72 = arith.constant 80 : index
      %swap3A_73 = tpu.vector_load %arg10[%swap3A_71, %swap3A_72] {strides = array<i32>} : memref<128x128xf32, #tpu.memory_space<vmem>>, vector<1x16xf32>,
      %swap3A_74 = vector.shape_cast %swap3A_73 : vector<1x16xf32> to vector<16xf32>
      %swap3A_75 = vector.shape_cast %broadcast_in_dim3A_70 : vector<16xf32> to vector<1x16xf32>
      tpu.vector_store %arg10[%swap3A_71, %swap3A_72], %swap3A_75 {strides = array<i32>} : memref<128x128xf32, #tpu.memory_space<vmem>>, vector<1x16xf32>,
      %broadcast_in_dim3A_76 = arith.constant 0.000000e+00 : f32
      %broadcast_in_dim3A_77 = vector.broadcast %broadcast_in_dim3A_76 : f32 to vector<16xf32>
      %swap3A_78 = arith.index_cast %scan3A_34 : i32 to index
      %swap3A_79 = arith.constant 96 : index
      %swap3A_80 = tpu.vector_load %arg10[%swap3A_78, %swap3A_79] {strides = array<i32>} : memref<128x128xf32, #tpu.memory_space<vmem>>, vector<1x16xf32>,
      %swap3A_81 = vector.shape_cast %swap3A_80 : vector<1x16xf32> to vector<16xf32>
      %swap3A_82 = vector.shape_cast %broadcast_in_dim3A_77 : vector<16xf32> to vector<1x16xf32>
      tpu.vector_store %arg10[%swap3A_78, %swap3A_79], %swap3A_82 {strides = array<i32>} : memref<128x128xf32, #tpu.memory_space<vmem>>, vector<1x16xf32>,
      %broadcast_in_dim3A_83 = arith.constant 0.000000e+00 : f32
      %broadcast_in_dim3A_84 = vector.broadcast %broadcast_in_dim3A_83 : f32 to vector<16xf32>
      %swap3A_85 = arith.index_cast %scan3A_34 : i32 to index
      %swap3A_86 = arith.constant 112 : index
      %swap3A_87 = tpu.vector_load %arg10[%swap3A_85, %swap3A_86] {strides = array<i32>} : memref<128x128xf32, #tpu.memory_space<vmem>>, vector<1x16xf32>,
      %swap3A_88 = vector.shape_cast %swap3A_87 : vector<1x16xf32> to vector<16xf32>
      %swap3A_89 = vector.shape_cast %broadcast_in_dim3A_84 : vector<16xf32> to vector<1x16xf32>
      tpu.vector_store %arg10[%swap3A_85, %swap3A_86], %swap3A_89 {strides = array<i32>} : memref<128x128xf32, #tpu.memory_space<vmem>>, vector<1x16xf32>,
      %scan3A_90 = arith.constant 0 : i32
      scf.yield %scan3A_90 : i32
    }
    %scan3A_5 = arith.constant 128 : i32
    %mul3A = arith.constant 640 : i32
    %mul3A_6 = arith.muli %arg1, %mul3A : i32
    %add3A = arith.constant 0 : i32
    %add3A_7 = arith.addi %mul3A_6, %add3A : i32
    "tpu.region"() ({
      %run_scoped3A = tpu.sem_alloc : memref<!tpu.dma_semaphore, #tpu.memory_space<semaphore_mem>>
      %dma_start3A = arith.constant 0 : i32
      %dma_start3A_34 = tpu.memref_slice %arg16[%add3A_7, %dma_start3A] : memref<10240x128xf32, #tpu.memory_space<vmem_shared>> -> memref<128x128xf32, #tpu.memory_space<vmem_shared>>
      %dma_start3A_35 = arith.constant 0 : i32
      %dma_start3A_36 = tpu.memref_slice %arg16[%add3A_7, %dma_start3A_35] : memref<10240x128xf32, #tpu.memory_space<vmem_shared>> -> memref<128x128xf32, #tpu.memory_space<vmem_shared>>
      tpu.enqueue_dma source(%arg10 : memref<128x128xf32, #tpu.memory_space<vmem>>) target(%dma_start3A_36 : memref<128x128xf32, #tpu.memory_space<vmem_shared>>) target_semaphore(%run_scoped3A : memref<!tpu.dma_semaphore, #tpu.memory_space<semaphore_mem>>)
      %dma_wait3A = arith.constant 0 : i32
      %dma_wait3A_37 = tpu.memref_slice %arg16[%add3A_7, %dma_wait3A] : memref<10240x128xf32, #tpu.memory_space<vmem_shared>> -> memref<128x128xf32, #tpu.memory_space<vmem_shared>>
      %dma_wait3A_38 = arith.constant 0 : i32
      %dma_wait3A_39 = tpu.memref_slice %arg16[%add3A_7, %dma_wait3A_38] : memref<10240x128xf32, #tpu.memory_space<vmem_shared>> -> memref<128x128xf32, #tpu.memory_space<vmem_shared>>
      tpu.wait_dma2 semaphore(%run_scoped3A : memref<!tpu.dma_semaphore, #tpu.memory_space<semaphore_mem>>) src(%arg10 : memref<128x128xf32, #tpu.memory_space<vmem>>) dst(%dma_wait3A_39 : memref<128x128xf32, #tpu.memory_space<vmem_shared>>)
      tpu.yield
    }) : () -> ()
    %add3A_8 = arith.constant 128 : i32
    %add3A_9 = arith.addi %mul3A_6, %add3A_8 : i32
    "tpu.region"() ({
      %run_scoped3A = tpu.sem_alloc : memref<!tpu.dma_semaphore, #tpu.memory_space<semaphore_mem>>
      %dma_start3A = arith.constant 0 : i32
      %dma_start3A_34 = tpu.memref_slice %arg16[%add3A_9, %dma_start3A] : memref<10240x128xf32, #tpu.memory_space<vmem_shared>> -> memref<128x128xf32, #tpu.memory_space<vmem_shared>>
      %dma_start3A_35 = arith.constant 0 : i32
      %dma_start3A_36 = tpu.memref_slice %arg16[%add3A_9, %dma_start3A_35] : memref<10240x128xf32, #tpu.memory_space<vmem_shared>> -> memref<128x128xf32, #tpu.memory_space<vmem_shared>>
      tpu.enqueue_dma source(%arg10 : memref<128x128xf32, #tpu.memory_space<vmem>>) target(%dma_start3A_36 : memref<128x128xf32, #tpu.memory_space<vmem_shared>>) target_semaphore(%run_scoped3A : memref<!tpu.dma_semaphore, #tpu.memory_space<semaphore_mem>>)
      %dma_wait3A = arith.constant 0 : i32
      %dma_wait3A_37 = tpu.memref_slice %arg16[%add3A_9, %dma_wait3A] : memref<10240x128xf32, #tpu.memory_space<vmem_shared>> -> memref<128x128xf32, #tpu.memory_space<vmem_shared>>
      %dma_wait3A_38 = arith.constant 0 : i32
      %dma_wait3A_39 = tpu.memref_slice %arg16[%add3A_9, %dma_wait3A_38] : memref<10240x128xf32, #tpu.memory_space<vmem_shared>> -> memref<128x128xf32, #tpu.memory_space<vmem_shared>>
      tpu.wait_dma2 semaphore(%run_scoped3A : memref<!tpu.dma_semaphore, #tpu.memory_space<semaphore_mem>>) src(%arg10 : memref<128x128xf32, #tpu.memory_space<vmem>>) dst(%dma_wait3A_39 : memref<128x128xf32, #tpu.memory_space<vmem_shared>>)
      tpu.yield
    }) : () -> ()
    %add3A_10 = arith.constant 256 : i32
    %add3A_11 = arith.addi %mul3A_6, %add3A_10 : i32
    "tpu.region"() ({
      %run_scoped3A = tpu.sem_alloc : memref<!tpu.dma_semaphore, #tpu.memory_space<semaphore_mem>>
      %dma_start3A = arith.constant 0 : i32
      %dma_start3A_34 = tpu.memref_slice %arg16[%add3A_11, %dma_start3A] : memref<10240x128xf32, #tpu.memory_space<vmem_shared>> -> memref<128x128xf32, #tpu.memory_space<vmem_shared>>
      %dma_start3A_35 = arith.constant 0 : i32
      %dma_start3A_36 = tpu.memref_slice %arg16[%add3A_11, %dma_start3A_35] : memref<10240x128xf32, #tpu.memory_space<vmem_shared>> -> memref<128x128xf32, #tpu.memory_space<vmem_shared>>
      tpu.enqueue_dma source(%arg10 : memref<128x128xf32, #tpu.memory_space<vmem>>) target(%dma_start3A_36 : memref<128x128xf32, #tpu.memory_space<vmem_shared>>) target_semaphore(%run_scoped3A : memref<!tpu.dma_semaphore, #tpu.memory_space<semaphore_mem>>)
      %dma_wait3A = arith.constant 0 : i32
      %dma_wait3A_37 = tpu.memref_slice %arg16[%add3A_11, %dma_wait3A] : memref<10240x128xf32, #tpu.memory_space<vmem_shared>> -> memref<128x128xf32, #tpu.memory_space<vmem_shared>>
      %dma_wait3A_38 = arith.constant 0 : i32
      %dma_wait3A_39 = tpu.memref_slice %arg16[%add3A_11, %dma_wait3A_38] : memref<10240x128xf32, #tpu.memory_space<vmem_shared>> -> memref<128x128xf32, #tpu.memory_space<vmem_shared>>
      tpu.wait_dma2 semaphore(%run_scoped3A : memref<!tpu.dma_semaphore, #tpu.memory_space<semaphore_mem>>) src(%arg10 : memref<128x128xf32, #tpu.memory_space<vmem>>) dst(%dma_wait3A_39 : memref<128x128xf32, #tpu.memory_space<vmem_shared>>)
      tpu.yield
    }) : () -> ()
    %add3A_12 = arith.constant 384 : i32
    %add3A_13 = arith.addi %mul3A_6, %add3A_12 : i32
    "tpu.region"() ({
      %run_scoped3A = tpu.sem_alloc : memref<!tpu.dma_semaphore, #tpu.memory_space<semaphore_mem>>
      %dma_start3A = arith.constant 0 : i32
      %dma_start3A_34 = tpu.memref_slice %arg16[%add3A_13, %dma_start3A] : memref<10240x128xf32, #tpu.memory_space<vmem_shared>> -> memref<128x128xf32, #tpu.memory_space<vmem_shared>>
      %dma_start3A_35 = arith.constant 0 : i32
      %dma_start3A_36 = tpu.memref_slice %arg16[%add3A_13, %dma_start3A_35] : memref<10240x128xf32, #tpu.memory_space<vmem_shared>> -> memref<128x128xf32, #tpu.memory_space<vmem_shared>>
      tpu.enqueue_dma source(%arg10 : memref<128x128xf32, #tpu.memory_space<vmem>>) target(%dma_start3A_36 : memref<128x128xf32, #tpu.memory_space<vmem_shared>>) target_semaphore(%run_scoped3A : memref<!tpu.dma_semaphore, #tpu.memory_space<semaphore_mem>>)
      %dma_wait3A = arith.constant 0 : i32
      %dma_wait3A_37 = tpu.memref_slice %arg16[%add3A_13, %dma_wait3A] : memref<10240x128xf32, #tpu.memory_space<vmem_shared>> -> memref<128x128xf32, #tpu.memory_space<vmem_shared>>
      %dma_wait3A_38 = arith.constant 0 : i32
      %dma_wait3A_39 = tpu.memref_slice %arg16[%add3A_13, %dma_wait3A_38] : memref<10240x128xf32, #tpu.memory_space<vmem_shared>> -> memref<128x128xf32, #tpu.memory_space<vmem_shared>>
      tpu.wait_dma2 semaphore(%run_scoped3A : memref<!tpu.dma_semaphore, #tpu.memory_space<semaphore_mem>>) src(%arg10 : memref<128x128xf32, #tpu.memory_space<vmem>>) dst(%dma_wait3A_39 : memref<128x128xf32, #tpu.memory_space<vmem_shared>>)
      tpu.yield
    }) : () -> ()
    %add3A_14 = arith.constant 512 : i32
    %add3A_15 = arith.addi %mul3A_6, %add3A_14 : i32
    "tpu.region"() ({
      %run_scoped3A = tpu.sem_alloc : memref<!tpu.dma_semaphore, #tpu.memory_space<semaphore_mem>>
      %dma_start3A = arith.constant 0 : i32
      %dma_start3A_34 = tpu.memref_slice %arg16[%add3A_15, %dma_start3A] : memref<10240x128xf32, #tpu.memory_space<vmem_shared>> -> memref<128x128xf32, #tpu.memory_space<vmem_shared>>
      %dma_start3A_35 = arith.constant 0 : i32
      %dma_start3A_36 = tpu.memref_slice %arg16[%add3A_15, %dma_start3A_35] : memref<10240x128xf32, #tpu.memory_space<vmem_shared>> -> memref<128x128xf32, #tpu.memory_space<vmem_shared>>
      tpu.enqueue_dma source(%arg10 : memref<128x128xf32, #tpu.memory_space<vmem>>) target(%dma_start3A_36 : memref<128x128xf32, #tpu.memory_space<vmem_shared>>) target_semaphore(%run_scoped3A : memref<!tpu.dma_semaphore, #tpu.memory_space<semaphore_mem>>)
      %dma_wait3A = arith.constant 0 : i32
      %dma_wait3A_37 = tpu.memref_slice %arg16[%add3A_15, %dma_wait3A] : memref<10240x128xf32, #tpu.memory_space<vmem_shared>> -> memref<128x128xf32, #tpu.memory_space<vmem_shared>>
      %dma_wait3A_38 = arith.constant 0 : i32
      %dma_wait3A_39 = tpu.memref_slice %arg16[%add3A_15, %dma_wait3A_38] : memref<10240x128xf32, #tpu.memory_space<vmem_shared>> -> memref<128x128xf32, #tpu.memory_space<vmem_shared>>
      tpu.wait_dma2 semaphore(%run_scoped3A : memref<!tpu.dma_semaphore, #tpu.memory_space<semaphore_mem>>) src(%arg10 : memref<128x128xf32, #tpu.memory_space<vmem>>) dst(%dma_wait3A_39 : memref<128x128xf32, #tpu.memory_space<vmem_shared>>)
      tpu.yield
    }) : () -> ()
    %barrier3A = arith.constant 0 : index
    tpu.barrier barrier_id(%barrier3A)
    %eq3A = arith.constant 0 : i32
    %eq3A_16 = arith.cmpi eq, %arg0, %eq3A : i32
    %convert_element_type3A = arith.extui %eq3A_16 : i1 to i32
    %cond3A = arith.constant 0 : i32
    %cond3A_17 = arith.cmpi ne, %convert_element_type3A, %cond3A : i32
    scf.if %cond3A_17 {
      %scan3A_34 = arith.constant 0 : i32
      %scan3A_35 = arith.constant 0 : i32
      %scan3A_36 = arith.constant 4 : i32
      %scan3A_37 = arith.addi %scan3A_35, %scan3A_36 : i32
      %scan3A_38 = arith.constant 1 : i32
      %scan3A_39 = scf.for %scan3A_41 = %scan3A_35 to %scan3A_37 step %scan3A_38 iter_args(%scan3A_42 = %scan3A_34) -> (i32)  : i32 {
        %mul3A_43 = arith.constant 160 : i32
        %mul3A_44 = arith.muli %arg1, %mul3A_43 : i32
        %mul3A_45 = arith.constant 40 : i32
        %mul3A_46 = arith.muli %scan3A_41, %mul3A_45 : i32
        %add3A_47 = arith.addi %mul3A_44, %mul3A_46 : i32
        "tpu.region"() ({
          %run_scoped3A = tpu.sem_alloc : memref<!tpu.dma_semaphore, #tpu.memory_space<semaphore_mem>>
          %dma_start3A = arith.constant 0 : i32
          %dma_start3A_56 = tpu.memref_slice %arg4[%add3A_47, %dma_start3A] : memref<2560x128xi32, #tpu.memory_space<hbm>> -> memref<40x128xi32, #tpu.memory_space<hbm>>
          %dma_start3A_57 = arith.constant 0 : i32
          %dma_start3A_58 = tpu.memref_slice %arg4[%add3A_47, %dma_start3A_57] : memref<2560x128xi32, #tpu.memory_space<hbm>> -> memref<40x128xi32, #tpu.memory_space<hbm>>
          tpu.enqueue_dma source(%dma_start3A_58 : memref<40x128xi32, #tpu.memory_space<hbm>>) target(%arg8 : memref<40x128xi32, #tpu.memory_space<vmem>>) target_semaphore(%run_scoped3A : memref<!tpu.dma_semaphore, #tpu.memory_space<semaphore_mem>>)
          %dma_wait3A = arith.constant 0 : i32
          %dma_wait3A_59 = tpu.memref_slice %arg4[%add3A_47, %dma_wait3A] : memref<2560x128xi32, #tpu.memory_space<hbm>> -> memref<40x128xi32, #tpu.memory_space<hbm>>
          %dma_wait3A_60 = arith.constant 0 : i32
          %dma_wait3A_61 = tpu.memref_slice %arg4[%add3A_47, %dma_wait3A_60] : memref<2560x128xi32, #tpu.memory_space<hbm>> -> memref<40x128xi32, #tpu.memory_space<hbm>>
          tpu.wait_dma2 semaphore(%run_scoped3A : memref<!tpu.dma_semaphore, #tpu.memory_space<semaphore_mem>>) src(%dma_wait3A_61 : memref<40x128xi32, #tpu.memory_space<hbm>>) dst(%arg8 : memref<40x128xi32, #tpu.memory_space<vmem>>)
          tpu.yield
        }) : () -> ()
        "tpu.region"() ({
          %run_scoped3A = tpu.sem_alloc : memref<!tpu.dma_semaphore, #tpu.memory_space<semaphore_mem>>
          %dma_start3A = arith.constant 0 : i32
          %dma_start3A_56 = tpu.memref_slice %arg5[%add3A_47, %dma_start3A] : memref<2560x128xi32, #tpu.memory_space<hbm>> -> memref<40x128xi32, #tpu.memory_space<hbm>>
          %dma_start3A_57 = arith.constant 0 : i32
          %dma_start3A_58 = tpu.memref_slice %arg5[%add3A_47, %dma_start3A_57] : memref<2560x128xi32, #tpu.memory_space<hbm>> -> memref<40x128xi32, #tpu.memory_space<hbm>>
          tpu.enqueue_dma source(%dma_start3A_58 : memref<40x128xi32, #tpu.memory_space<hbm>>) target(%arg9 : memref<40x128xi32, #tpu.memory_space<vmem>>) target_semaphore(%run_scoped3A : memref<!tpu.dma_semaphore, #tpu.memory_space<semaphore_mem>>)
          %dma_wait3A = arith.constant 0 : i32
          %dma_wait3A_59 = tpu.memref_slice %arg5[%add3A_47, %dma_wait3A] : memref<2560x128xi32, #tpu.memory_space<hbm>> -> memref<40x128xi32, #tpu.memory_space<hbm>>
          %dma_wait3A_60 = arith.constant 0 : i32
          %dma_wait3A_61 = tpu.memref_slice %arg5[%add3A_47, %dma_wait3A_60] : memref<2560x128xi32, #tpu.memory_space<hbm>> -> memref<40x128xi32, #tpu.memory_space<hbm>>
          tpu.wait_dma2 semaphore(%run_scoped3A : memref<!tpu.dma_semaphore, #tpu.memory_space<semaphore_mem>>) src(%dma_wait3A_61 : memref<40x128xi32, #tpu.memory_space<hbm>>) dst(%arg9 : memref<40x128xi32, #tpu.memory_space<vmem>>)
          tpu.yield
        }) : () -> ()
        %scan3A_48 = arith.constant 0 : i32
        %scan3A_49 = arith.constant 0 : i32
        %scan3A_50 = arith.constant 20 : i32
        %scan3A_51 = arith.addi %scan3A_49, %scan3A_50 : i32
        %scan3A_52 = arith.constant 1 : i32
        %scan3A_53 = scf.for %scan3A_56 = %scan3A_49 to %scan3A_51 step %scan3A_52 iter_args(%scan3A_57 = %scan3A_48) -> (i32)  : i32 {
          %mul3A_58 = arith.constant 2 : i32
          %mul3A_59 = arith.muli %mul3A_58, %scan3A_56 : i32
          %eq3A_60 = arith.constant 0 : i32
          %eq3A_61 = arith.cmpi eq, %scan3A_56, %eq3A_60 : i32
          %convert_element_type3A_62 = arith.extui %eq3A_61 : i1 to i32
          %cond3A_63 = arith.constant 0 : i32
          %cond3A_64 = arith.cmpi ne, %convert_element_type3A_62, %cond3A_63 : i32
          scf.if %cond3A_64 {
            %dma_start3A_92 = arith.constant 0 : i32
            %dma_start3A_93 = tpu.memref_slice %arg8[%mul3A_59, %dma_start3A_92] : memref<40x128xi32, #tpu.memory_space<vmem>> -> memref<1x128xi32, #tpu.memory_space<vmem>>
            %dma_start3A_94 = tpu.memref_squeeze %dma_start3A_93 : memref<1x128xi32, #tpu.memory_space<vmem>> -> memref<128xi32, #tpu.memory_space<vmem>>
            %dma_start3A_95 = arith.constant 0 : i32
            %dma_start3A_96 = arith.constant 0 : i32
            %dma_start3A_97 = tpu.memref_slice %arg2[%dma_start3A_95, %dma_start3A_96] : memref<10240x128xf32, #tpu.memory_space<hbm>> -> memref<10240x128xf32, #tpu.memory_space<hbm>>
            tpu.enqueue_indirect_dma source(%dma_start3A_97 : memref<10240x128xf32, #tpu.memory_space<hbm>>) target(%arg10 : memref<128x128xf32, #tpu.memory_space<vmem>>) offsets(%dma_start3A_94 : memref<128xi32, #tpu.memory_space<vmem>>) semaphore(%arg12 : memref<!tpu.dma_semaphore, #tpu.memory_space<semaphore_mem>>)
          } else {
          }
          %add3A_65 = arith.constant 1 : i32
          %add3A_66 = arith.addi %mul3A_59, %add3A_65 : i32
          %dma_start3A = arith.constant 0 : i32
          %dma_start3A_67 = tpu.memref_slice %arg8[%add3A_66, %dma_start3A] : memref<40x128xi32, #tpu.memory_space<vmem>> -> memref<1x128xi32, #tpu.memory_space<vmem>>
          %dma_start3A_68 = tpu.memref_squeeze %dma_start3A_67 : memref<1x128xi32, #tpu.memory_space<vmem>> -> memref<128xi32, #tpu.memory_space<vmem>>
          %dma_start3A_69 = arith.constant 0 : i32
          %dma_start3A_70 = arith.constant 0 : i32
          %dma_start3A_71 = tpu.memref_slice %arg2[%dma_start3A_69, %dma_start3A_70] : memref<10240x128xf32, #tpu.memory_space<hbm>> -> memref<10240x128xf32, #tpu.memory_space<hbm>>
          tpu.enqueue_indirect_dma source(%dma_start3A_71 : memref<10240x128xf32, #tpu.memory_space<hbm>>) target(%arg11 : memref<128x128xf32, #tpu.memory_space<vmem>>) offsets(%dma_start3A_68 : memref<128xi32, #tpu.memory_space<vmem>>) semaphore(%arg13 : memref<!tpu.dma_semaphore, #tpu.memory_space<semaphore_mem>>)
          %dma_wait3A = arith.constant 0 : i32
          %dma_wait3A_72 = tpu.memref_slice %arg8[%mul3A_59, %dma_wait3A] : memref<40x128xi32, #tpu.memory_space<vmem>> -> memref<1x128xi32, #tpu.memory_space<vmem>>
          %dma_wait3A_73 = tpu.memref_squeeze %dma_wait3A_72 : memref<1x128xi32, #tpu.memory_space<vmem>> -> memref<128xi32, #tpu.memory_space<vmem>>
          %dma_wait3A_74 = arith.constant 0 : i32
          %dma_wait3A_75 = arith.constant 0 : i32
          %dma_wait3A_76 = tpu.memref_slice %arg2[%dma_wait3A_74, %dma_wait3A_75] : memref<10240x128xf32, #tpu.memory_space<hbm>> -> memref<10240x128xf32, #tpu.memory_space<hbm>>
          tpu.wait_indirect_dma semaphore(%arg12 : memref<!tpu.dma_semaphore, #tpu.memory_space<semaphore_mem>>) src(%dma_wait3A_76 : memref<10240x128xf32, #tpu.memory_space<hbm>>) dst(%arg10 : memref<128x128xf32, #tpu.memory_space<vmem>>)
          "tpu.region"() ({
            %run_scoped3A = tpu.sem_alloc : memref<!tpu.dma_semaphore, #tpu.memory_space<semaphore_mem>>
            %dma_start3A_92 = arith.constant 0 : i32
            %dma_start3A_93 = tpu.memref_slice %arg9[%mul3A_59, %dma_start3A_92] : memref<40x128xi32, #tpu.memory_space<vmem>> -> memref<1x128xi32, #tpu.memory_space<vmem>>
            %dma_start3A_94 = tpu.memref_squeeze %dma_start3A_93 : memref<1x128xi32, #tpu.memory_space<vmem>> -> memref<128xi32, #tpu.memory_space<vmem>>
            %dma_start3A_95 = arith.constant 0 : i32
            %dma_start3A_96 = arith.constant 0 : i32
            %dma_start3A_97 = tpu.memref_slice %arg16[%dma_start3A_95, %dma_start3A_96] : memref<10240x128xf32, #tpu.memory_space<vmem_shared>> -> memref<10240x128xf32, #tpu.memory_space<vmem_shared>>
            tpu.enqueue_indirect_dma source(%arg10 : memref<128x128xf32, #tpu.memory_space<vmem>>) target(%dma_start3A_97 : memref<10240x128xf32, #tpu.memory_space<vmem_shared>>) offsets(%dma_start3A_94 : memref<128xi32, #tpu.memory_space<vmem>>) semaphore(%run_scoped3A : memref<!tpu.dma_semaphore, #tpu.memory_space<semaphore_mem>>) {add = true}
            %dma_wait3A_98 = arith.constant 0 : i32
            %dma_wait3A_99 = tpu.memref_slice %arg9[%mul3A_59, %dma_wait3A_98] : memref<40x128xi32, #tpu.memory_space<vmem>> -> memref<1x128xi32, #tpu.memory_space<vmem>>
            %dma_wait3A_100 = tpu.memref_squeeze %dma_wait3A_99 : memref<1x128xi32, #tpu.memory_space<vmem>> -> memref<128xi32, #tpu.memory_space<vmem>>
            %dma_wait3A_101 = arith.constant 0 : i32
            %dma_wait3A_102 = arith.constant 0 : i32
            %dma_wait3A_103 = tpu.memref_slice %arg16[%dma_wait3A_101, %dma_wait3A_102] : memref<10240x128xf32, #tpu.memory_space<vmem_shared>> -> memref<10240x128xf32, #tpu.memory_space<vmem_shared>>
            tpu.wait_indirect_dma semaphore(%run_scoped3A : memref<!tpu.dma_semaphore, #tpu.memory_space<semaphore_mem>>) src(%arg10 : memref<128x128xf32, #tpu.memory_space<vmem>>) dst(%dma_wait3A_103 : memref<10240x128xf32, #tpu.memory_space<vmem_shared>>)
            tpu.yield
          }) : () -> ()
          %lt3A = arith.constant 19 : i32
          %lt3A_77 = arith.cmpi slt, %scan3A_56, %lt3A : i32
          %convert_element_type3A_78 = arith.extui %lt3A_77 : i1 to i32
          %cond3A_79 = arith.constant 0 : i32
          %cond3A_80 = arith.cmpi ne, %convert_element_type3A_78, %cond3A_79 : i32
          scf.if %cond3A_80 {
            %add3A_92 = arith.constant 2 : i32
            %add3A_93 = arith.addi %mul3A_59, %add3A_92 : i32
            %dma_start3A_94 = arith.constant 0 : i32
            %dma_start3A_95 = tpu.memref_slice %arg8[%add3A_93, %dma_start3A_94] : memref<40x128xi32, #tpu.memory_space<vmem>> -> memref<1x128xi32, #tpu.memory_space<vmem>>
            %dma_start3A_96 = tpu.memref_squeeze %dma_start3A_95 : memref<1x128xi32, #tpu.memory_space<vmem>> -> memref<128xi32, #tpu.memory_space<vmem>>
            %dma_start3A_97 = arith.constant 0 : i32
            %dma_start3A_98 = arith.constant 0 : i32
            %dma_start3A_99 = tpu.memref_slice %arg2[%dma_start3A_97, %dma_start3A_98] : memref<10240x128xf32, #tpu.memory_space<hbm>> -> memref<10240x128xf32, #tpu.memory_space<hbm>>
            tpu.enqueue_indirect_dma source(%dma_start3A_99 : memref<10240x128xf32, #tpu.memory_space<hbm>>) target(%arg10 : memref<128x128xf32, #tpu.memory_space<vmem>>) offsets(%dma_start3A_96 : memref<128xi32, #tpu.memory_space<vmem>>) semaphore(%arg12 : memref<!tpu.dma_semaphore, #tpu.memory_space<semaphore_mem>>)
          } else {
          }
          %add3A_81 = arith.constant 1 : i32
          %add3A_82 = arith.addi %mul3A_59, %add3A_81 : i32
          %dma_wait3A_83 = arith.constant 0 : i32
          %dma_wait3A_84 = tpu.memref_slice %arg8[%add3A_82, %dma_wait3A_83] : memref<40x128xi32, #tpu.memory_space<vmem>> -> memref<1x128xi32, #tpu.memory_space<vmem>>
          %dma_wait3A_85 = tpu.memref_squeeze %dma_wait3A_84 : memref<1x128xi32, #tpu.memory_space<vmem>> -> memref<128xi32, #tpu.memory_space<vmem>>
          %dma_wait3A_86 = arith.constant 0 : i32
          %dma_wait3A_87 = arith.constant 0 : i32
          %dma_wait3A_88 = tpu.memref_slice %arg2[%dma_wait3A_86, %dma_wait3A_87] : memref<10240x128xf32, #tpu.memory_space<hbm>> -> memref<10240x128xf32, #tpu.memory_space<hbm>>
          tpu.wait_indirect_dma semaphore(%arg13 : memref<!tpu.dma_semaphore, #tpu.memory_space<semaphore_mem>>) src(%dma_wait3A_88 : memref<10240x128xf32, #tpu.memory_space<hbm>>) dst(%arg11 : memref<128x128xf32, #tpu.memory_space<vmem>>)
          %add3A_89 = arith.constant 1 : i32
          %add3A_90 = arith.addi %mul3A_59, %add3A_89 : i32
          "tpu.region"() ({
            %run_scoped3A = tpu.sem_alloc : memref<!tpu.dma_semaphore, #tpu.memory_space<semaphore_mem>>
            %dma_start3A_92 = arith.constant 0 : i32
            %dma_start3A_93 = tpu.memref_slice %arg9[%add3A_90, %dma_start3A_92] : memref<40x128xi32, #tpu.memory_space<vmem>> -> memref<1x128xi32, #tpu.memory_space<vmem>>
            %dma_start3A_94 = tpu.memref_squeeze %dma_start3A_93 : memref<1x128xi32, #tpu.memory_space<vmem>> -> memref<128xi32, #tpu.memory_space<vmem>>
            %dma_start3A_95 = arith.constant 0 : i32
            %dma_start3A_96 = arith.constant 0 : i32
            %dma_start3A_97 = tpu.memref_slice %arg16[%dma_start3A_95, %dma_start3A_96] : memref<10240x128xf32, #tpu.memory_space<vmem_shared>> -> memref<10240x128xf32, #tpu.memory_space<vmem_shared>>
            tpu.enqueue_indirect_dma source(%arg11 : memref<128x128xf32, #tpu.memory_space<vmem>>) target(%dma_start3A_97 : memref<10240x128xf32, #tpu.memory_space<vmem_shared>>) offsets(%dma_start3A_94 : memref<128xi32, #tpu.memory_space<vmem>>) semaphore(%run_scoped3A : memref<!tpu.dma_semaphore, #tpu.memory_space<semaphore_mem>>) {add = true}
            %dma_wait3A_98 = arith.constant 0 : i32
            %dma_wait3A_99 = tpu.memref_slice %arg9[%add3A_90, %dma_wait3A_98] : memref<40x128xi32, #tpu.memory_space<vmem>> -> memref<1x128xi32, #tpu.memory_space<vmem>>
            %dma_wait3A_100 = tpu.memref_squeeze %dma_wait3A_99 : memref<1x128xi32, #tpu.memory_space<vmem>> -> memref<128xi32, #tpu.memory_space<vmem>>
            %dma_wait3A_101 = arith.constant 0 : i32
            %dma_wait3A_102 = arith.constant 0 : i32
            %dma_wait3A_103 = tpu.memref_slice %arg16[%dma_wait3A_101, %dma_wait3A_102] : memref<10240x128xf32, #tpu.memory_space<vmem_shared>> -> memref<10240x128xf32, #tpu.memory_space<vmem_shared>>
            tpu.wait_indirect_dma semaphore(%run_scoped3A : memref<!tpu.dma_semaphore, #tpu.memory_space<semaphore_mem>>) src(%arg11 : memref<128x128xf32, #tpu.memory_space<vmem>>) dst(%dma_wait3A_103 : memref<10240x128xf32, #tpu.memory_space<vmem_shared>>)
            tpu.yield
          }) : () -> ()
          %scan3A_91 = arith.constant 0 : i32
          scf.yield %scan3A_91 : i32
        }
        %scan3A_54 = arith.constant 20 : i32
        %scan3A_55 = arith.constant 0 : i32
        scf.yield %scan3A_55 : i32
      }
      %scan3A_40 = arith.constant 4 : i32
    } else {
    }
    %eq3A_18 = arith.constant 1 : i32
    %eq3A_19 = arith.cmpi eq, %arg0, %eq3A_18 : i32
    %convert_element_type3A_20 = arith.extui %eq3A_19 : i1 to i32
    %cond3A_21 = arith.constant 0 : i32
    %cond3A_22 = arith.cmpi ne, %convert_element_type3A_20, %cond3A_21 : i32
    scf.if %cond3A_22 {
      %scan3A_34 = arith.constant 0 : i32
      %scan3A_35 = arith.constant 0 : i32
      %scan3A_36 = arith.constant 4 : i32
      %scan3A_37 = arith.addi %scan3A_35, %scan3A_36 : i32
      %scan3A_38 = arith.constant 1 : i32
      %scan3A_39 = scf.for %scan3A_41 = %scan3A_35 to %scan3A_37 step %scan3A_38 iter_args(%scan3A_42 = %scan3A_34) -> (i32)  : i32 {
        %mul3A_43 = arith.constant 160 : i32
        %mul3A_44 = arith.muli %arg1, %mul3A_43 : i32
        %mul3A_45 = arith.constant 40 : i32
        %mul3A_46 = arith.muli %scan3A_41, %mul3A_45 : i32
        %add3A_47 = arith.addi %mul3A_44, %mul3A_46 : i32
        "tpu.region"() ({
          %run_scoped3A = tpu.sem_alloc : memref<!tpu.dma_semaphore, #tpu.memory_space<semaphore_mem>>
          %dma_start3A = arith.constant 0 : i32
          %dma_start3A_56 = tpu.memref_slice %arg4[%add3A_47, %dma_start3A] : memref<2560x128xi32, #tpu.memory_space<hbm>> -> memref<40x128xi32, #tpu.memory_space<hbm>>
          %dma_start3A_57 = arith.constant 0 : i32
          %dma_start3A_58 = tpu.memref_slice %arg4[%add3A_47, %dma_start3A_57] : memref<2560x128xi32, #tpu.memory_space<hbm>> -> memref<40x128xi32, #tpu.memory_space<hbm>>
          tpu.enqueue_dma source(%dma_start3A_58 : memref<40x128xi32, #tpu.memory_space<hbm>>) target(%arg8 : memref<40x128xi32, #tpu.memory_space<vmem>>) target_semaphore(%run_scoped3A : memref<!tpu.dma_semaphore, #tpu.memory_space<semaphore_mem>>)
          %dma_wait3A = arith.constant 0 : i32
          %dma_wait3A_59 = tpu.memref_slice %arg4[%add3A_47, %dma_wait3A] : memref<2560x128xi32, #tpu.memory_space<hbm>> -> memref<40x128xi32, #tpu.memory_space<hbm>>
          %dma_wait3A_60 = arith.constant 0 : i32
          %dma_wait3A_61 = tpu.memref_slice %arg4[%add3A_47, %dma_wait3A_60] : memref<2560x128xi32, #tpu.memory_space<hbm>> -> memref<40x128xi32, #tpu.memory_space<hbm>>
          tpu.wait_dma2 semaphore(%run_scoped3A : memref<!tpu.dma_semaphore, #tpu.memory_space<semaphore_mem>>) src(%dma_wait3A_61 : memref<40x128xi32, #tpu.memory_space<hbm>>) dst(%arg8 : memref<40x128xi32, #tpu.memory_space<vmem>>)
          tpu.yield
        }) : () -> ()
        "tpu.region"() ({
          %run_scoped3A = tpu.sem_alloc : memref<!tpu.dma_semaphore, #tpu.memory_space<semaphore_mem>>
          %dma_start3A = arith.constant 0 : i32
          %dma_start3A_56 = tpu.memref_slice %arg5[%add3A_47, %dma_start3A] : memref<2560x128xi32, #tpu.memory_space<hbm>> -> memref<40x128xi32, #tpu.memory_space<hbm>>
          %dma_start3A_57 = arith.constant 0 : i32
          %dma_start3A_58 = tpu.memref_slice %arg5[%add3A_47, %dma_start3A_57] : memref<2560x128xi32, #tpu.memory_space<hbm>> -> memref<40x128xi32, #tpu.memory_space<hbm>>
          tpu.enqueue_dma source(%dma_start3A_58 : memref<40x128xi32, #tpu.memory_space<hbm>>) target(%arg9 : memref<40x128xi32, #tpu.memory_space<vmem>>) target_semaphore(%run_scoped3A : memref<!tpu.dma_semaphore, #tpu.memory_space<semaphore_mem>>)
          %dma_wait3A = arith.constant 0 : i32
          %dma_wait3A_59 = tpu.memref_slice %arg5[%add3A_47, %dma_wait3A] : memref<2560x128xi32, #tpu.memory_space<hbm>> -> memref<40x128xi32, #tpu.memory_space<hbm>>
          %dma_wait3A_60 = arith.constant 0 : i32
          %dma_wait3A_61 = tpu.memref_slice %arg5[%add3A_47, %dma_wait3A_60] : memref<2560x128xi32, #tpu.memory_space<hbm>> -> memref<40x128xi32, #tpu.memory_space<hbm>>
          tpu.wait_dma2 semaphore(%run_scoped3A : memref<!tpu.dma_semaphore, #tpu.memory_space<semaphore_mem>>) src(%dma_wait3A_61 : memref<40x128xi32, #tpu.memory_space<hbm>>) dst(%arg9 : memref<40x128xi32, #tpu.memory_space<vmem>>)
          tpu.yield
        }) : () -> ()
        %scan3A_48 = arith.constant 0 : i32
        %scan3A_49 = arith.constant 0 : i32
        %scan3A_50 = arith.constant 20 : i32
        %scan3A_51 = arith.addi %scan3A_49, %scan3A_50 : i32
        %scan3A_52 = arith.constant 1 : i32
        %scan3A_53 = scf.for %scan3A_56 = %scan3A_49 to %scan3A_51 step %scan3A_52 iter_args(%scan3A_57 = %scan3A_48) -> (i32)  : i32 {
          %mul3A_58 = arith.constant 2 : i32
          %mul3A_59 = arith.muli %mul3A_58, %scan3A_56 : i32
          %eq3A_60 = arith.constant 0 : i32
          %eq3A_61 = arith.cmpi eq, %scan3A_56, %eq3A_60 : i32
          %convert_element_type3A_62 = arith.extui %eq3A_61 : i1 to i32
          %cond3A_63 = arith.constant 0 : i32
          %cond3A_64 = arith.cmpi ne, %convert_element_type3A_62, %cond3A_63 : i32
          scf.if %cond3A_64 {
            %dma_start3A_92 = arith.constant 0 : i32
            %dma_start3A_93 = tpu.memref_slice %arg8[%mul3A_59, %dma_start3A_92] : memref<40x128xi32, #tpu.memory_space<vmem>> -> memref<1x128xi32, #tpu.memory_space<vmem>>
            %dma_start3A_94 = tpu.memref_squeeze %dma_start3A_93 : memref<1x128xi32, #tpu.memory_space<vmem>> -> memref<128xi32, #tpu.memory_space<vmem>>
            %dma_start3A_95 = arith.constant 0 : i32
            %dma_start3A_96 = arith.constant 0 : i32
            %dma_start3A_97 = tpu.memref_slice %arg3[%dma_start3A_95, %dma_start3A_96] : memref<10240x128xf32, #tpu.memory_space<hbm>> -> memref<10240x128xf32, #tpu.memory_space<hbm>>
            tpu.enqueue_indirect_dma source(%dma_start3A_97 : memref<10240x128xf32, #tpu.memory_space<hbm>>) target(%arg10 : memref<128x128xf32, #tpu.memory_space<vmem>>) offsets(%dma_start3A_94 : memref<128xi32, #tpu.memory_space<vmem>>) semaphore(%arg12 : memref<!tpu.dma_semaphore, #tpu.memory_space<semaphore_mem>>)
          } else {
          }
          %add3A_65 = arith.constant 1 : i32
          %add3A_66 = arith.addi %mul3A_59, %add3A_65 : i32
          %dma_start3A = arith.constant 0 : i32
          %dma_start3A_67 = tpu.memref_slice %arg8[%add3A_66, %dma_start3A] : memref<40x128xi32, #tpu.memory_space<vmem>> -> memref<1x128xi32, #tpu.memory_space<vmem>>
          %dma_start3A_68 = tpu.memref_squeeze %dma_start3A_67 : memref<1x128xi32, #tpu.memory_space<vmem>> -> memref<128xi32, #tpu.memory_space<vmem>>
          %dma_start3A_69 = arith.constant 0 : i32
          %dma_start3A_70 = arith.constant 0 : i32
          %dma_start3A_71 = tpu.memref_slice %arg3[%dma_start3A_69, %dma_start3A_70] : memref<10240x128xf32, #tpu.memory_space<hbm>> -> memref<10240x128xf32, #tpu.memory_space<hbm>>
          tpu.enqueue_indirect_dma source(%dma_start3A_71 : memref<10240x128xf32, #tpu.memory_space<hbm>>) target(%arg11 : memref<128x128xf32, #tpu.memory_space<vmem>>) offsets(%dma_start3A_68 : memref<128xi32, #tpu.memory_space<vmem>>) semaphore(%arg13 : memref<!tpu.dma_semaphore, #tpu.memory_space<semaphore_mem>>)
          %dma_wait3A = arith.constant 0 : i32
          %dma_wait3A_72 = tpu.memref_slice %arg8[%mul3A_59, %dma_wait3A] : memref<40x128xi32, #tpu.memory_space<vmem>> -> memref<1x128xi32, #tpu.memory_space<vmem>>
          %dma_wait3A_73 = tpu.memref_squeeze %dma_wait3A_72 : memref<1x128xi32, #tpu.memory_space<vmem>> -> memref<128xi32, #tpu.memory_space<vmem>>
          %dma_wait3A_74 = arith.constant 0 : i32
          %dma_wait3A_75 = arith.constant 0 : i32
          %dma_wait3A_76 = tpu.memref_slice %arg3[%dma_wait3A_74, %dma_wait3A_75] : memref<10240x128xf32, #tpu.memory_space<hbm>> -> memref<10240x128xf32, #tpu.memory_space<hbm>>
          tpu.wait_indirect_dma semaphore(%arg12 : memref<!tpu.dma_semaphore, #tpu.memory_space<semaphore_mem>>) src(%dma_wait3A_76 : memref<10240x128xf32, #tpu.memory_space<hbm>>) dst(%arg10 : memref<128x128xf32, #tpu.memory_space<vmem>>)
          "tpu.region"() ({
            %run_scoped3A = tpu.sem_alloc : memref<!tpu.dma_semaphore, #tpu.memory_space<semaphore_mem>>
            %dma_start3A_92 = arith.constant 0 : i32
            %dma_start3A_93 = tpu.memref_slice %arg9[%mul3A_59, %dma_start3A_92] : memref<40x128xi32, #tpu.memory_space<vmem>> -> memref<1x128xi32, #tpu.memory_space<vmem>>
            %dma_start3A_94 = tpu.memref_squeeze %dma_start3A_93 : memref<1x128xi32, #tpu.memory_space<vmem>> -> memref<128xi32, #tpu.memory_space<vmem>>
            %dma_start3A_95 = arith.constant 0 : i32
            %dma_start3A_96 = arith.constant 0 : i32
            %dma_start3A_97 = tpu.memref_slice %arg16[%dma_start3A_95, %dma_start3A_96] : memref<10240x128xf32, #tpu.memory_space<vmem_shared>> -> memref<10240x128xf32, #tpu.memory_space<vmem_shared>>
            tpu.enqueue_indirect_dma source(%arg10 : memref<128x128xf32, #tpu.memory_space<vmem>>) target(%dma_start3A_97 : memref<10240x128xf32, #tpu.memory_space<vmem_shared>>) offsets(%dma_start3A_94 : memref<128xi32, #tpu.memory_space<vmem>>) semaphore(%run_scoped3A : memref<!tpu.dma_semaphore, #tpu.memory_space<semaphore_mem>>) {add = true}
            %dma_wait3A_98 = arith.constant 0 : i32
            %dma_wait3A_99 = tpu.memref_slice %arg9[%mul3A_59, %dma_wait3A_98] : memref<40x128xi32, #tpu.memory_space<vmem>> -> memref<1x128xi32, #tpu.memory_space<vmem>>
            %dma_wait3A_100 = tpu.memref_squeeze %dma_wait3A_99 : memref<1x128xi32, #tpu.memory_space<vmem>> -> memref<128xi32, #tpu.memory_space<vmem>>
            %dma_wait3A_101 = arith.constant 0 : i32
            %dma_wait3A_102 = arith.constant 0 : i32
            %dma_wait3A_103 = tpu.memref_slice %arg16[%dma_wait3A_101, %dma_wait3A_102] : memref<10240x128xf32, #tpu.memory_space<vmem_shared>> -> memref<10240x128xf32, #tpu.memory_space<vmem_shared>>
            tpu.wait_indirect_dma semaphore(%run_scoped3A : memref<!tpu.dma_semaphore, #tpu.memory_space<semaphore_mem>>) src(%arg10 : memref<128x128xf32, #tpu.memory_space<vmem>>) dst(%dma_wait3A_103 : memref<10240x128xf32, #tpu.memory_space<vmem_shared>>)
            tpu.yield
          }) : () -> ()
          %lt3A = arith.constant 19 : i32
          %lt3A_77 = arith.cmpi slt, %scan3A_56, %lt3A : i32
          %convert_element_type3A_78 = arith.extui %lt3A_77 : i1 to i32
          %cond3A_79 = arith.constant 0 : i32
          %cond3A_80 = arith.cmpi ne, %convert_element_type3A_78, %cond3A_79 : i32
          scf.if %cond3A_80 {
            %add3A_92 = arith.constant 2 : i32
            %add3A_93 = arith.addi %mul3A_59, %add3A_92 : i32
            %dma_start3A_94 = arith.constant 0 : i32
            %dma_start3A_95 = tpu.memref_slice %arg8[%add3A_93, %dma_start3A_94] : memref<40x128xi32, #tpu.memory_space<vmem>> -> memref<1x128xi32, #tpu.memory_space<vmem>>
            %dma_start3A_96 = tpu.memref_squeeze %dma_start3A_95 : memref<1x128xi32, #tpu.memory_space<vmem>> -> memref<128xi32, #tpu.memory_space<vmem>>
            %dma_start3A_97 = arith.constant 0 : i32
            %dma_start3A_98 = arith.constant 0 : i32
            %dma_start3A_99 = tpu.memref_slice %arg3[%dma_start3A_97, %dma_start3A_98] : memref<10240x128xf32, #tpu.memory_space<hbm>> -> memref<10240x128xf32, #tpu.memory_space<hbm>>
            tpu.enqueue_indirect_dma source(%dma_start3A_99 : memref<10240x128xf32, #tpu.memory_space<hbm>>) target(%arg10 : memref<128x128xf32, #tpu.memory_space<vmem>>) offsets(%dma_start3A_96 : memref<128xi32, #tpu.memory_space<vmem>>) semaphore(%arg12 : memref<!tpu.dma_semaphore, #tpu.memory_space<semaphore_mem>>)
          } else {
          }
          %add3A_81 = arith.constant 1 : i32
          %add3A_82 = arith.addi %mul3A_59, %add3A_81 : i32
          %dma_wait3A_83 = arith.constant 0 : i32
          %dma_wait3A_84 = tpu.memref_slice %arg8[%add3A_82, %dma_wait3A_83] : memref<40x128xi32, #tpu.memory_space<vmem>> -> memref<1x128xi32, #tpu.memory_space<vmem>>
          %dma_wait3A_85 = tpu.memref_squeeze %dma_wait3A_84 : memref<1x128xi32, #tpu.memory_space<vmem>> -> memref<128xi32, #tpu.memory_space<vmem>>
          %dma_wait3A_86 = arith.constant 0 : i32
          %dma_wait3A_87 = arith.constant 0 : i32
          %dma_wait3A_88 = tpu.memref_slice %arg3[%dma_wait3A_86, %dma_wait3A_87] : memref<10240x128xf32, #tpu.memory_space<hbm>> -> memref<10240x128xf32, #tpu.memory_space<hbm>>
          tpu.wait_indirect_dma semaphore(%arg13 : memref<!tpu.dma_semaphore, #tpu.memory_space<semaphore_mem>>) src(%dma_wait3A_88 : memref<10240x128xf32, #tpu.memory_space<hbm>>) dst(%arg11 : memref<128x128xf32, #tpu.memory_space<vmem>>)
          %add3A_89 = arith.constant 1 : i32
          %add3A_90 = arith.addi %mul3A_59, %add3A_89 : i32
          "tpu.region"() ({
            %run_scoped3A = tpu.sem_alloc : memref<!tpu.dma_semaphore, #tpu.memory_space<semaphore_mem>>
            %dma_start3A_92 = arith.constant 0 : i32
            %dma_start3A_93 = tpu.memref_slice %arg9[%add3A_90, %dma_start3A_92] : memref<40x128xi32, #tpu.memory_space<vmem>> -> memref<1x128xi32, #tpu.memory_space<vmem>>
            %dma_start3A_94 = tpu.memref_squeeze %dma_start3A_93 : memref<1x128xi32, #tpu.memory_space<vmem>> -> memref<128xi32, #tpu.memory_space<vmem>>
            %dma_start3A_95 = arith.constant 0 : i32
            %dma_start3A_96 = arith.constant 0 : i32
            %dma_start3A_97 = tpu.memref_slice %arg16[%dma_start3A_95, %dma_start3A_96] : memref<10240x128xf32, #tpu.memory_space<vmem_shared>> -> memref<10240x128xf32, #tpu.memory_space<vmem_shared>>
            tpu.enqueue_indirect_dma source(%arg11 : memref<128x128xf32, #tpu.memory_space<vmem>>) target(%dma_start3A_97 : memref<10240x128xf32, #tpu.memory_space<vmem_shared>>) offsets(%dma_start3A_94 : memref<128xi32, #tpu.memory_space<vmem>>) semaphore(%run_scoped3A : memref<!tpu.dma_semaphore, #tpu.memory_space<semaphore_mem>>) {add = true}
            %dma_wait3A_98 = arith.constant 0 : i32
            %dma_wait3A_99 = tpu.memref_slice %arg9[%add3A_90, %dma_wait3A_98] : memref<40x128xi32, #tpu.memory_space<vmem>> -> memref<1x128xi32, #tpu.memory_space<vmem>>
            %dma_wait3A_100 = tpu.memref_squeeze %dma_wait3A_99 : memref<1x128xi32, #tpu.memory_space<vmem>> -> memref<128xi32, #tpu.memory_space<vmem>>
            %dma_wait3A_101 = arith.constant 0 : i32
            %dma_wait3A_102 = arith.constant 0 : i32
            %dma_wait3A_103 = tpu.memref_slice %arg16[%dma_wait3A_101, %dma_wait3A_102] : memref<10240x128xf32, #tpu.memory_space<vmem_shared>> -> memref<10240x128xf32, #tpu.memory_space<vmem_shared>>
            tpu.wait_indirect_dma semaphore(%run_scoped3A : memref<!tpu.dma_semaphore, #tpu.memory_space<semaphore_mem>>) src(%arg11 : memref<128x128xf32, #tpu.memory_space<vmem>>) dst(%dma_wait3A_103 : memref<10240x128xf32, #tpu.memory_space<vmem_shared>>)
            tpu.yield
          }) : () -> ()
          %scan3A_91 = arith.constant 0 : i32
          scf.yield %scan3A_91 : i32
        }
        %scan3A_54 = arith.constant 20 : i32
        %scan3A_55 = arith.constant 0 : i32
        scf.yield %scan3A_55 : i32
      }
      %scan3A_40 = arith.constant 4 : i32
    } else {
    }
    %barrier3A_23 = arith.constant 0 : index
    tpu.barrier barrier_id(%barrier3A_23)
    %eq3A_24 = arith.constant 0 : i32
    %eq3A_25 = arith.cmpi eq, %arg0, %eq3A_24 : i32
    %convert_element_type3A_26 = arith.extui %eq3A_25 : i1 to i32
    %cond3A_27 = arith.constant 0 : i32
    %cond3A_28 = arith.cmpi ne, %convert_element_type3A_26, %cond3A_27 : i32
    scf.if %cond3A_28 {
      "tpu.region"() ({
        %run_scoped3A = tpu.sem_alloc : memref<!tpu.dma_semaphore, #tpu.memory_space<semaphore_mem>>
        %dma_start3A = arith.constant 0 : i32
        %dma_start3A_34 = tpu.memref_slice %arg6[%mul3A_6, %dma_start3A] : memref<10240x128xf32, #tpu.memory_space<hbm>> -> memref<640x128xf32, #tpu.memory_space<hbm>>
        %dma_start3A_35 = arith.constant 0 : i32
        %dma_start3A_36 = tpu.memref_slice %arg16[%mul3A_6, %dma_start3A_35] : memref<10240x128xf32, #tpu.memory_space<vmem_shared>> -> memref<640x128xf32, #tpu.memory_space<vmem_shared>>
        tpu.enqueue_dma source(%dma_start3A_36 : memref<640x128xf32, #tpu.memory_space<vmem_shared>>) target(%dma_start3A_34 : memref<640x128xf32, #tpu.memory_space<hbm>>) target_semaphore(%run_scoped3A : memref<!tpu.dma_semaphore, #tpu.memory_space<semaphore_mem>>)
        %dma_wait3A = arith.constant 0 : i32
        %dma_wait3A_37 = tpu.memref_slice %arg6[%mul3A_6, %dma_wait3A] : memref<10240x128xf32, #tpu.memory_space<hbm>> -> memref<640x128xf32, #tpu.memory_space<hbm>>
        %dma_wait3A_38 = arith.constant 0 : i32
        %dma_wait3A_39 = tpu.memref_slice %arg16[%mul3A_6, %dma_wait3A_38] : memref<10240x128xf32, #tpu.memory_space<vmem_shared>> -> memref<640x128xf32, #tpu.memory_space<vmem_shared>>
        tpu.wait_dma2 semaphore(%run_scoped3A : memref<!tpu.dma_semaphore, #tpu.memory_space<semaphore_mem>>) src(%dma_wait3A_39 : memref<640x128xf32, #tpu.memory_space<vmem_shared>>) dst(%dma_wait3A_37 : memref<640x128xf32, #tpu.memory_space<hbm>>)
        tpu.yield
      }) : () -> ()
    } else {
    }
    %eq3A_29 = arith.constant 1 : i32
    %eq3A_30 = arith.cmpi eq, %arg0, %eq3A_29 : i32
    %convert_element_type3A_31 = arith.extui %eq3A_30 : i1 to i32
    %cond3A_32 = arith.constant 0 : i32
    %cond3A_33 = arith.cmpi ne, %convert_element_type3A_31, %cond3A_32 : i32
    scf.if %cond3A_33 {
      "tpu.region"() ({
        %run_scoped3A = tpu.sem_alloc : memref<!tpu.dma_semaphore, #tpu.memory_space<semaphore_mem>>
        %dma_start3A = arith.constant 0 : i32
        %dma_start3A_34 = tpu.memref_slice %arg7[%mul3A_6, %dma_start3A] : memref<10240x128xf32, #tpu.memory_space<hbm>> -> memref<640x128xf32, #tpu.memory_space<hbm>>
        %dma_start3A_35 = arith.constant 0 : i32
        %dma_start3A_36 = tpu.memref_slice %arg16[%mul3A_6, %dma_start3A_35] : memref<10240x128xf32, #tpu.memory_space<vmem_shared>> -> memref<640x128xf32, #tpu.memory_space<vmem_shared>>
        tpu.enqueue_dma source(%dma_start3A_36 : memref<640x128xf32, #tpu.memory_space<vmem_shared>>) target(%dma_start3A_34 : memref<640x128xf32, #tpu.memory_space<hbm>>) target_semaphore(%run_scoped3A : memref<!tpu.dma_semaphore, #tpu.memory_space<semaphore_mem>>)
        %dma_wait3A = arith.constant 0 : i32
        %dma_wait3A_37 = tpu.memref_slice %arg7[%mul3A_6, %dma_wait3A] : memref<10240x128xf32, #tpu.memory_space<hbm>> -> memref<640x128xf32, #tpu.memory_space<hbm>>
        %dma_wait3A_38 = arith.constant 0 : i32
        %dma_wait3A_39 = tpu.memref_slice %arg16[%mul3A_6, %dma_wait3A_38] : memref<10240x128xf32, #tpu.memory_space<vmem_shared>> -> memref<640x128xf32, #tpu.memory_space<vmem_shared>>
        tpu.wait_dma2 semaphore(%run_scoped3A : memref<!tpu.dma_semaphore, #tpu.memory_space<semaphore_mem>>) src(%dma_wait3A_39 : memref<640x128xf32, #tpu.memory_space<vmem_shared>>) dst(%dma_wait3A_37 : memref<640x128xf32, #tpu.memory_space<hbm>>)
        tpu.yield
      }) : () -> ()
    } else {
    }
    return
  }
}

#map = affine_map<(d0, d1) -> (0, 0)>
module attributes {stable_mosaic.version = 14 : i64} {
  func.func @_sc_agg_body(%arg0: i32, %arg1: i32, %arg2: memref<10240x128xf32, #tpu.memory_space<hbm>>, %arg3: memref<10240x128xf32, #tpu.memory_space<hbm>>, %arg4: memref<2560x128xi32, #tpu.memory_space<hbm>>, %arg5: memref<2560x128xi32, #tpu.memory_space<hbm>>, %arg6: memref<10240x128xf32, #tpu.memory_space<hbm>>, %arg7: memref<10240x128xf32, #tpu.memory_space<hbm>>, %arg8: memref<40x128xi32, #tpu.memory_space<vmem>>, %arg9: memref<40x128xi32, #tpu.memory_space<vmem>>, %arg10: memref<128x128xf32, #tpu.memory_space<vmem>>, %arg11: memref<128x128xf32, #tpu.memory_space<vmem>>, %arg12: memref<!tpu.dma_semaphore, #tpu.memory_space<semaphore_mem>>, %arg13: memref<!tpu.dma_semaphore, #tpu.memory_space<semaphore_mem>>, %arg14: memref<!tpu.dma_semaphore, #tpu.memory_space<semaphore_mem>>, %arg15: memref<!tpu.dma_semaphore, #tpu.memory_space<semaphore_mem>>, %arg16: memref<10240x128xf32, #tpu.memory_space<vmem_shared>>) attributes {dimension_semantics = [#tpu.dimension_semantics<core_parallel>, #tpu.dimension_semantics<subcore_parallel>], iteration_bounds = array<i64: 2, 16>, scalar_prefetch = 0 : i64, scratch_operands = 9 : i64, tpu.core_type = #tpu.core_type<sc_vector_subcore>, window_params = [{transform_indices = #map}, {transform_indices = #map}, {transform_indices = #map}, {transform_indices = #map}, {transform_indices = #map}, {transform_indices = #map}]} {
    %scan3A = arith.constant 0 : i32
    %scan3A_0 = arith.constant 0 : i32
    %scan3A_1 = arith.constant 128 : i32
    %scan3A_2 = arith.addi %scan3A_0, %scan3A_1 : i32
    %scan3A_3 = arith.constant 1 : i32
    %scan3A_4 = scf.for %scan3A_34 = %scan3A_0 to %scan3A_2 step %scan3A_3 iter_args(%scan3A_35 = %scan3A) -> (i32)  : i32 {
      %broadcast_in_dim3A = arith.constant 0.000000e+00 : f32
      %broadcast_in_dim3A_36 = vector.broadcast %broadcast_in_dim3A : f32 to vector<16xf32>
      %swap3A = arith.index_cast %scan3A_34 : i32 to index
      %swap3A_37 = arith.constant 0 : index
      %swap3A_38 = tpu.vector_load %arg10[%swap3A, %swap3A_37] {strides = array<i32>} : memref<128x128xf32, #tpu.memory_space<vmem>>, vector<1x16xf32>,
      %swap3A_39 = vector.shape_cast %swap3A_38 : vector<1x16xf32> to vector<16xf32>
      %swap3A_40 = vector.shape_cast %broadcast_in_dim3A_36 : vector<16xf32> to vector<1x16xf32>
      tpu.vector_store %arg10[%swap3A, %swap3A_37], %swap3A_40 {strides = array<i32>} : memref<128x128xf32, #tpu.memory_space<vmem>>, vector<1x16xf32>,
      %broadcast_in_dim3A_41 = arith.constant 0.000000e+00 : f32
      %broadcast_in_dim3A_42 = vector.broadcast %broadcast_in_dim3A_41 : f32 to vector<16xf32>
      %swap3A_43 = arith.index_cast %scan3A_34 : i32 to index
      %swap3A_44 = arith.constant 16 : index
      %swap3A_45 = tpu.vector_load %arg10[%swap3A_43, %swap3A_44] {strides = array<i32>} : memref<128x128xf32, #tpu.memory_space<vmem>>, vector<1x16xf32>,
      %swap3A_46 = vector.shape_cast %swap3A_45 : vector<1x16xf32> to vector<16xf32>
      %swap3A_47 = vector.shape_cast %broadcast_in_dim3A_42 : vector<16xf32> to vector<1x16xf32>
      tpu.vector_store %arg10[%swap3A_43, %swap3A_44], %swap3A_47 {strides = array<i32>} : memref<128x128xf32, #tpu.memory_space<vmem>>, vector<1x16xf32>,
      %broadcast_in_dim3A_48 = arith.constant 0.000000e+00 : f32
      %broadcast_in_dim3A_49 = vector.broadcast %broadcast_in_dim3A_48 : f32 to vector<16xf32>
      %swap3A_50 = arith.index_cast %scan3A_34 : i32 to index
      %swap3A_51 = arith.constant 32 : index
      %swap3A_52 = tpu.vector_load %arg10[%swap3A_50, %swap3A_51] {strides = array<i32>} : memref<128x128xf32, #tpu.memory_space<vmem>>, vector<1x16xf32>,
      %swap3A_53 = vector.shape_cast %swap3A_52 : vector<1x16xf32> to vector<16xf32>
      %swap3A_54 = vector.shape_cast %broadcast_in_dim3A_49 : vector<16xf32> to vector<1x16xf32>
      tpu.vector_store %arg10[%swap3A_50, %swap3A_51], %swap3A_54 {strides = array<i32>} : memref<128x128xf32, #tpu.memory_space<vmem>>, vector<1x16xf32>,
      %broadcast_in_dim3A_55 = arith.constant 0.000000e+00 : f32
      %broadcast_in_dim3A_56 = vector.broadcast %broadcast_in_dim3A_55 : f32 to vector<16xf32>
      %swap3A_57 = arith.index_cast %scan3A_34 : i32 to index
      %swap3A_58 = arith.constant 48 : index
      %swap3A_59 = tpu.vector_load %arg10[%swap3A_57, %swap3A_58] {strides = array<i32>} : memref<128x128xf32, #tpu.memory_space<vmem>>, vector<1x16xf32>,
      %swap3A_60 = vector.shape_cast %swap3A_59 : vector<1x16xf32> to vector<16xf32>
      %swap3A_61 = vector.shape_cast %broadcast_in_dim3A_56 : vector<16xf32> to vector<1x16xf32>
      tpu.vector_store %arg10[%swap3A_57, %swap3A_58], %swap3A_61 {strides = array<i32>} : memref<128x128xf32, #tpu.memory_space<vmem>>, vector<1x16xf32>,
      %broadcast_in_dim3A_62 = arith.constant 0.000000e+00 : f32
      %broadcast_in_dim3A_63 = vector.broadcast %broadcast_in_dim3A_62 : f32 to vector<16xf32>
      %swap3A_64 = arith.index_cast %scan3A_34 : i32 to index
      %swap3A_65 = arith.constant 64 : index
      %swap3A_66 = tpu.vector_load %arg10[%swap3A_64, %swap3A_65] {strides = array<i32>} : memref<128x128xf32, #tpu.memory_space<vmem>>, vector<1x16xf32>,
      %swap3A_67 = vector.shape_cast %swap3A_66 : vector<1x16xf32> to vector<16xf32>
      %swap3A_68 = vector.shape_cast %broadcast_in_dim3A_63 : vector<16xf32> to vector<1x16xf32>
      tpu.vector_store %arg10[%swap3A_64, %swap3A_65], %swap3A_68 {strides = array<i32>} : memref<128x128xf32, #tpu.memory_space<vmem>>, vector<1x16xf32>,
      %broadcast_in_dim3A_69 = arith.constant 0.000000e+00 : f32
      %broadcast_in_dim3A_70 = vector.broadcast %broadcast_in_dim3A_69 : f32 to vector<16xf32>
      %swap3A_71 = arith.index_cast %scan3A_34 : i32 to index
      %swap3A_72 = arith.constant 80 : index
      %swap3A_73 = tpu.vector_load %arg10[%swap3A_71, %swap3A_72] {strides = array<i32>} : memref<128x128xf32, #tpu.memory_space<vmem>>, vector<1x16xf32>,
      %swap3A_74 = vector.shape_cast %swap3A_73 : vector<1x16xf32> to vector<16xf32>
      %swap3A_75 = vector.shape_cast %broadcast_in_dim3A_70 : vector<16xf32> to vector<1x16xf32>
      tpu.vector_store %arg10[%swap3A_71, %swap3A_72], %swap3A_75 {strides = array<i32>} : memref<128x128xf32, #tpu.memory_space<vmem>>, vector<1x16xf32>,
      %broadcast_in_dim3A_76 = arith.constant 0.000000e+00 : f32
      %broadcast_in_dim3A_77 = vector.broadcast %broadcast_in_dim3A_76 : f32 to vector<16xf32>
      %swap3A_78 = arith.index_cast %scan3A_34 : i32 to index
      %swap3A_79 = arith.constant 96 : index
      %swap3A_80 = tpu.vector_load %arg10[%swap3A_78, %swap3A_79] {strides = array<i32>} : memref<128x128xf32, #tpu.memory_space<vmem>>, vector<1x16xf32>,
      %swap3A_81 = vector.shape_cast %swap3A_80 : vector<1x16xf32> to vector<16xf32>
      %swap3A_82 = vector.shape_cast %broadcast_in_dim3A_77 : vector<16xf32> to vector<1x16xf32>
      tpu.vector_store %arg10[%swap3A_78, %swap3A_79], %swap3A_82 {strides = array<i32>} : memref<128x128xf32, #tpu.memory_space<vmem>>, vector<1x16xf32>,
      %broadcast_in_dim3A_83 = arith.constant 0.000000e+00 : f32
      %broadcast_in_dim3A_84 = vector.broadcast %broadcast_in_dim3A_83 : f32 to vector<16xf32>
      %swap3A_85 = arith.index_cast %scan3A_34 : i32 to index
      %swap3A_86 = arith.constant 112 : index
      %swap3A_87 = tpu.vector_load %arg10[%swap3A_85, %swap3A_86] {strides = array<i32>} : memref<128x128xf32, #tpu.memory_space<vmem>>, vector<1x16xf32>,
      %swap3A_88 = vector.shape_cast %swap3A_87 : vector<1x16xf32> to vector<16xf32>
      %swap3A_89 = vector.shape_cast %broadcast_in_dim3A_84 : vector<16xf32> to vector<1x16xf32>
      tpu.vector_store %arg10[%swap3A_85, %swap3A_86], %swap3A_89 {strides = array<i32>} : memref<128x128xf32, #tpu.memory_space<vmem>>, vector<1x16xf32>,
      %scan3A_90 = arith.constant 0 : i32
      scf.yield %scan3A_90 : i32
    }
    %scan3A_5 = arith.constant 128 : i32
    %mul3A = arith.constant 640 : i32
    %mul3A_6 = arith.muli %arg1, %mul3A : i32
    %add3A = arith.constant 0 : i32
    %add3A_7 = arith.addi %mul3A_6, %add3A : i32
    "tpu.region"() ({
      %run_scoped3A = tpu.sem_alloc : memref<!tpu.dma_semaphore, #tpu.memory_space<semaphore_mem>>
      %dma_start3A = arith.constant 0 : i32
      %dma_start3A_34 = tpu.memref_slice %arg16[%add3A_7, %dma_start3A] : memref<10240x128xf32, #tpu.memory_space<vmem_shared>> -> memref<128x128xf32, #tpu.memory_space<vmem_shared>>
      %dma_start3A_35 = arith.constant 0 : i32
      %dma_start3A_36 = tpu.memref_slice %arg16[%add3A_7, %dma_start3A_35] : memref<10240x128xf32, #tpu.memory_space<vmem_shared>> -> memref<128x128xf32, #tpu.memory_space<vmem_shared>>
      tpu.enqueue_dma source(%arg10 : memref<128x128xf32, #tpu.memory_space<vmem>>) target(%dma_start3A_36 : memref<128x128xf32, #tpu.memory_space<vmem_shared>>) target_semaphore(%run_scoped3A : memref<!tpu.dma_semaphore, #tpu.memory_space<semaphore_mem>>)
      %dma_wait3A = arith.constant 0 : i32
      %dma_wait3A_37 = tpu.memref_slice %arg16[%add3A_7, %dma_wait3A] : memref<10240x128xf32, #tpu.memory_space<vmem_shared>> -> memref<128x128xf32, #tpu.memory_space<vmem_shared>>
      %dma_wait3A_38 = arith.constant 0 : i32
      %dma_wait3A_39 = tpu.memref_slice %arg16[%add3A_7, %dma_wait3A_38] : memref<10240x128xf32, #tpu.memory_space<vmem_shared>> -> memref<128x128xf32, #tpu.memory_space<vmem_shared>>
      tpu.wait_dma2 semaphore(%run_scoped3A : memref<!tpu.dma_semaphore, #tpu.memory_space<semaphore_mem>>) src(%arg10 : memref<128x128xf32, #tpu.memory_space<vmem>>) dst(%dma_wait3A_39 : memref<128x128xf32, #tpu.memory_space<vmem_shared>>)
      tpu.yield
    }) : () -> ()
    %add3A_8 = arith.constant 128 : i32
    %add3A_9 = arith.addi %mul3A_6, %add3A_8 : i32
    "tpu.region"() ({
      %run_scoped3A = tpu.sem_alloc : memref<!tpu.dma_semaphore, #tpu.memory_space<semaphore_mem>>
      %dma_start3A = arith.constant 0 : i32
      %dma_start3A_34 = tpu.memref_slice %arg16[%add3A_9, %dma_start3A] : memref<10240x128xf32, #tpu.memory_space<vmem_shared>> -> memref<128x128xf32, #tpu.memory_space<vmem_shared>>
      %dma_start3A_35 = arith.constant 0 : i32
      %dma_start3A_36 = tpu.memref_slice %arg16[%add3A_9, %dma_start3A_35] : memref<10240x128xf32, #tpu.memory_space<vmem_shared>> -> memref<128x128xf32, #tpu.memory_space<vmem_shared>>
      tpu.enqueue_dma source(%arg10 : memref<128x128xf32, #tpu.memory_space<vmem>>) target(%dma_start3A_36 : memref<128x128xf32, #tpu.memory_space<vmem_shared>>) target_semaphore(%run_scoped3A : memref<!tpu.dma_semaphore, #tpu.memory_space<semaphore_mem>>)
      %dma_wait3A = arith.constant 0 : i32
      %dma_wait3A_37 = tpu.memref_slice %arg16[%add3A_9, %dma_wait3A] : memref<10240x128xf32, #tpu.memory_space<vmem_shared>> -> memref<128x128xf32, #tpu.memory_space<vmem_shared>>
      %dma_wait3A_38 = arith.constant 0 : i32
      %dma_wait3A_39 = tpu.memref_slice %arg16[%add3A_9, %dma_wait3A_38] : memref<10240x128xf32, #tpu.memory_space<vmem_shared>> -> memref<128x128xf32, #tpu.memory_space<vmem_shared>>
      tpu.wait_dma2 semaphore(%run_scoped3A : memref<!tpu.dma_semaphore, #tpu.memory_space<semaphore_mem>>) src(%arg10 : memref<128x128xf32, #tpu.memory_space<vmem>>) dst(%dma_wait3A_39 : memref<128x128xf32, #tpu.memory_space<vmem_shared>>)
      tpu.yield
    }) : () -> ()
    %add3A_10 = arith.constant 256 : i32
    %add3A_11 = arith.addi %mul3A_6, %add3A_10 : i32
    "tpu.region"() ({
      %run_scoped3A = tpu.sem_alloc : memref<!tpu.dma_semaphore, #tpu.memory_space<semaphore_mem>>
      %dma_start3A = arith.constant 0 : i32
      %dma_start3A_34 = tpu.memref_slice %arg16[%add3A_11, %dma_start3A] : memref<10240x128xf32, #tpu.memory_space<vmem_shared>> -> memref<128x128xf32, #tpu.memory_space<vmem_shared>>
      %dma_start3A_35 = arith.constant 0 : i32
      %dma_start3A_36 = tpu.memref_slice %arg16[%add3A_11, %dma_start3A_35] : memref<10240x128xf32, #tpu.memory_space<vmem_shared>> -> memref<128x128xf32, #tpu.memory_space<vmem_shared>>
      tpu.enqueue_dma source(%arg10 : memref<128x128xf32, #tpu.memory_space<vmem>>) target(%dma_start3A_36 : memref<128x128xf32, #tpu.memory_space<vmem_shared>>) target_semaphore(%run_scoped3A : memref<!tpu.dma_semaphore, #tpu.memory_space<semaphore_mem>>)
      %dma_wait3A = arith.constant 0 : i32
      %dma_wait3A_37 = tpu.memref_slice %arg16[%add3A_11, %dma_wait3A] : memref<10240x128xf32, #tpu.memory_space<vmem_shared>> -> memref<128x128xf32, #tpu.memory_space<vmem_shared>>
      %dma_wait3A_38 = arith.constant 0 : i32
      %dma_wait3A_39 = tpu.memref_slice %arg16[%add3A_11, %dma_wait3A_38] : memref<10240x128xf32, #tpu.memory_space<vmem_shared>> -> memref<128x128xf32, #tpu.memory_space<vmem_shared>>
      tpu.wait_dma2 semaphore(%run_scoped3A : memref<!tpu.dma_semaphore, #tpu.memory_space<semaphore_mem>>) src(%arg10 : memref<128x128xf32, #tpu.memory_space<vmem>>) dst(%dma_wait3A_39 : memref<128x128xf32, #tpu.memory_space<vmem_shared>>)
      tpu.yield
    }) : () -> ()
    %add3A_12 = arith.constant 384 : i32
    %add3A_13 = arith.addi %mul3A_6, %add3A_12 : i32
    "tpu.region"() ({
      %run_scoped3A = tpu.sem_alloc : memref<!tpu.dma_semaphore, #tpu.memory_space<semaphore_mem>>
      %dma_start3A = arith.constant 0 : i32
      %dma_start3A_34 = tpu.memref_slice %arg16[%add3A_13, %dma_start3A] : memref<10240x128xf32, #tpu.memory_space<vmem_shared>> -> memref<128x128xf32, #tpu.memory_space<vmem_shared>>
      %dma_start3A_35 = arith.constant 0 : i32
      %dma_start3A_36 = tpu.memref_slice %arg16[%add3A_13, %dma_start3A_35] : memref<10240x128xf32, #tpu.memory_space<vmem_shared>> -> memref<128x128xf32, #tpu.memory_space<vmem_shared>>
      tpu.enqueue_dma source(%arg10 : memref<128x128xf32, #tpu.memory_space<vmem>>) target(%dma_start3A_36 : memref<128x128xf32, #tpu.memory_space<vmem_shared>>) target_semaphore(%run_scoped3A : memref<!tpu.dma_semaphore, #tpu.memory_space<semaphore_mem>>)
      %dma_wait3A = arith.constant 0 : i32
      %dma_wait3A_37 = tpu.memref_slice %arg16[%add3A_13, %dma_wait3A] : memref<10240x128xf32, #tpu.memory_space<vmem_shared>> -> memref<128x128xf32, #tpu.memory_space<vmem_shared>>
      %dma_wait3A_38 = arith.constant 0 : i32
      %dma_wait3A_39 = tpu.memref_slice %arg16[%add3A_13, %dma_wait3A_38] : memref<10240x128xf32, #tpu.memory_space<vmem_shared>> -> memref<128x128xf32, #tpu.memory_space<vmem_shared>>
      tpu.wait_dma2 semaphore(%run_scoped3A : memref<!tpu.dma_semaphore, #tpu.memory_space<semaphore_mem>>) src(%arg10 : memref<128x128xf32, #tpu.memory_space<vmem>>) dst(%dma_wait3A_39 : memref<128x128xf32, #tpu.memory_space<vmem_shared>>)
      tpu.yield
    }) : () -> ()
    %add3A_14 = arith.constant 512 : i32
    %add3A_15 = arith.addi %mul3A_6, %add3A_14 : i32
    "tpu.region"() ({
      %run_scoped3A = tpu.sem_alloc : memref<!tpu.dma_semaphore, #tpu.memory_space<semaphore_mem>>
      %dma_start3A = arith.constant 0 : i32
      %dma_start3A_34 = tpu.memref_slice %arg16[%add3A_15, %dma_start3A] : memref<10240x128xf32, #tpu.memory_space<vmem_shared>> -> memref<128x128xf32, #tpu.memory_space<vmem_shared>>
      %dma_start3A_35 = arith.constant 0 : i32
      %dma_start3A_36 = tpu.memref_slice %arg16[%add3A_15, %dma_start3A_35] : memref<10240x128xf32, #tpu.memory_space<vmem_shared>> -> memref<128x128xf32, #tpu.memory_space<vmem_shared>>
      tpu.enqueue_dma source(%arg10 : memref<128x128xf32, #tpu.memory_space<vmem>>) target(%dma_start3A_36 : memref<128x128xf32, #tpu.memory_space<vmem_shared>>) target_semaphore(%run_scoped3A : memref<!tpu.dma_semaphore, #tpu.memory_space<semaphore_mem>>)
      %dma_wait3A = arith.constant 0 : i32
      %dma_wait3A_37 = tpu.memref_slice %arg16[%add3A_15, %dma_wait3A] : memref<10240x128xf32, #tpu.memory_space<vmem_shared>> -> memref<128x128xf32, #tpu.memory_space<vmem_shared>>
      %dma_wait3A_38 = arith.constant 0 : i32
      %dma_wait3A_39 = tpu.memref_slice %arg16[%add3A_15, %dma_wait3A_38] : memref<10240x128xf32, #tpu.memory_space<vmem_shared>> -> memref<128x128xf32, #tpu.memory_space<vmem_shared>>
      tpu.wait_dma2 semaphore(%run_scoped3A : memref<!tpu.dma_semaphore, #tpu.memory_space<semaphore_mem>>) src(%arg10 : memref<128x128xf32, #tpu.memory_space<vmem>>) dst(%dma_wait3A_39 : memref<128x128xf32, #tpu.memory_space<vmem_shared>>)
      tpu.yield
    }) : () -> ()
    %barrier3A = arith.constant 0 : index
    tpu.barrier barrier_id(%barrier3A)
    %eq3A = arith.constant 0 : i32
    %eq3A_16 = arith.cmpi eq, %arg0, %eq3A : i32
    %convert_element_type3A = arith.extui %eq3A_16 : i1 to i32
    %cond3A = arith.constant 0 : i32
    %cond3A_17 = arith.cmpi ne, %convert_element_type3A, %cond3A : i32
    scf.if %cond3A_17 {
      %scan3A_34 = arith.constant 0 : i32
      %scan3A_35 = arith.constant 0 : i32
      %scan3A_36 = arith.constant 4 : i32
      %scan3A_37 = arith.addi %scan3A_35, %scan3A_36 : i32
      %scan3A_38 = arith.constant 1 : i32
      %scan3A_39 = scf.for %scan3A_41 = %scan3A_35 to %scan3A_37 step %scan3A_38 iter_args(%scan3A_42 = %scan3A_34) -> (i32)  : i32 {
        %mul3A_43 = arith.constant 160 : i32
        %mul3A_44 = arith.muli %arg1, %mul3A_43 : i32
        %mul3A_45 = arith.constant 40 : i32
        %mul3A_46 = arith.muli %scan3A_41, %mul3A_45 : i32
        %add3A_47 = arith.addi %mul3A_44, %mul3A_46 : i32
        "tpu.region"() ({
          %run_scoped3A = tpu.sem_alloc : memref<!tpu.dma_semaphore, #tpu.memory_space<semaphore_mem>>
          %dma_start3A = arith.constant 0 : i32
          %dma_start3A_56 = tpu.memref_slice %arg4[%add3A_47, %dma_start3A] : memref<2560x128xi32, #tpu.memory_space<hbm>> -> memref<40x128xi32, #tpu.memory_space<hbm>>
          %dma_start3A_57 = arith.constant 0 : i32
          %dma_start3A_58 = tpu.memref_slice %arg4[%add3A_47, %dma_start3A_57] : memref<2560x128xi32, #tpu.memory_space<hbm>> -> memref<40x128xi32, #tpu.memory_space<hbm>>
          tpu.enqueue_dma source(%dma_start3A_58 : memref<40x128xi32, #tpu.memory_space<hbm>>) target(%arg8 : memref<40x128xi32, #tpu.memory_space<vmem>>) target_semaphore(%run_scoped3A : memref<!tpu.dma_semaphore, #tpu.memory_space<semaphore_mem>>)
          %dma_wait3A = arith.constant 0 : i32
          %dma_wait3A_59 = tpu.memref_slice %arg4[%add3A_47, %dma_wait3A] : memref<2560x128xi32, #tpu.memory_space<hbm>> -> memref<40x128xi32, #tpu.memory_space<hbm>>
          %dma_wait3A_60 = arith.constant 0 : i32
          %dma_wait3A_61 = tpu.memref_slice %arg4[%add3A_47, %dma_wait3A_60] : memref<2560x128xi32, #tpu.memory_space<hbm>> -> memref<40x128xi32, #tpu.memory_space<hbm>>
          tpu.wait_dma2 semaphore(%run_scoped3A : memref<!tpu.dma_semaphore, #tpu.memory_space<semaphore_mem>>) src(%dma_wait3A_61 : memref<40x128xi32, #tpu.memory_space<hbm>>) dst(%arg8 : memref<40x128xi32, #tpu.memory_space<vmem>>)
          tpu.yield
        }) : () -> ()
        "tpu.region"() ({
          %run_scoped3A = tpu.sem_alloc : memref<!tpu.dma_semaphore, #tpu.memory_space<semaphore_mem>>
          %dma_start3A = arith.constant 0 : i32
          %dma_start3A_56 = tpu.memref_slice %arg5[%add3A_47, %dma_start3A] : memref<2560x128xi32, #tpu.memory_space<hbm>> -> memref<40x128xi32, #tpu.memory_space<hbm>>
          %dma_start3A_57 = arith.constant 0 : i32
          %dma_start3A_58 = tpu.memref_slice %arg5[%add3A_47, %dma_start3A_57] : memref<2560x128xi32, #tpu.memory_space<hbm>> -> memref<40x128xi32, #tpu.memory_space<hbm>>
          tpu.enqueue_dma source(%dma_start3A_58 : memref<40x128xi32, #tpu.memory_space<hbm>>) target(%arg9 : memref<40x128xi32, #tpu.memory_space<vmem>>) target_semaphore(%run_scoped3A : memref<!tpu.dma_semaphore, #tpu.memory_space<semaphore_mem>>)
          %dma_wait3A = arith.constant 0 : i32
          %dma_wait3A_59 = tpu.memref_slice %arg5[%add3A_47, %dma_wait3A] : memref<2560x128xi32, #tpu.memory_space<hbm>> -> memref<40x128xi32, #tpu.memory_space<hbm>>
          %dma_wait3A_60 = arith.constant 0 : i32
          %dma_wait3A_61 = tpu.memref_slice %arg5[%add3A_47, %dma_wait3A_60] : memref<2560x128xi32, #tpu.memory_space<hbm>> -> memref<40x128xi32, #tpu.memory_space<hbm>>
          tpu.wait_dma2 semaphore(%run_scoped3A : memref<!tpu.dma_semaphore, #tpu.memory_space<semaphore_mem>>) src(%dma_wait3A_61 : memref<40x128xi32, #tpu.memory_space<hbm>>) dst(%arg9 : memref<40x128xi32, #tpu.memory_space<vmem>>)
          tpu.yield
        }) : () -> ()
        %scan3A_48 = arith.constant 0 : i32
        %scan3A_49 = arith.constant 0 : i32
        %scan3A_50 = arith.constant 20 : i32
        %scan3A_51 = arith.addi %scan3A_49, %scan3A_50 : i32
        %scan3A_52 = arith.constant 1 : i32
        %scan3A_53 = scf.for %scan3A_56 = %scan3A_49 to %scan3A_51 step %scan3A_52 iter_args(%scan3A_57 = %scan3A_48) -> (i32)  : i32 {
          %mul3A_58 = arith.constant 2 : i32
          %mul3A_59 = arith.muli %mul3A_58, %scan3A_56 : i32
          %eq3A_60 = arith.constant 0 : i32
          %eq3A_61 = arith.cmpi eq, %scan3A_56, %eq3A_60 : i32
          %convert_element_type3A_62 = arith.extui %eq3A_61 : i1 to i32
          %cond3A_63 = arith.constant 0 : i32
          %cond3A_64 = arith.cmpi ne, %convert_element_type3A_62, %cond3A_63 : i32
          scf.if %cond3A_64 {
            %dma_start3A_92 = arith.constant 0 : i32
            %dma_start3A_93 = tpu.memref_slice %arg8[%mul3A_59, %dma_start3A_92] : memref<40x128xi32, #tpu.memory_space<vmem>> -> memref<1x128xi32, #tpu.memory_space<vmem>>
            %dma_start3A_94 = tpu.memref_squeeze %dma_start3A_93 : memref<1x128xi32, #tpu.memory_space<vmem>> -> memref<128xi32, #tpu.memory_space<vmem>>
            %dma_start3A_95 = arith.constant 0 : i32
            %dma_start3A_96 = arith.constant 0 : i32
            %dma_start3A_97 = tpu.memref_slice %arg2[%dma_start3A_95, %dma_start3A_96] : memref<10240x128xf32, #tpu.memory_space<hbm>> -> memref<10240x128xf32, #tpu.memory_space<hbm>>
            tpu.enqueue_indirect_dma source(%dma_start3A_97 : memref<10240x128xf32, #tpu.memory_space<hbm>>) target(%arg10 : memref<128x128xf32, #tpu.memory_space<vmem>>) offsets(%dma_start3A_94 : memref<128xi32, #tpu.memory_space<vmem>>) semaphore(%arg12 : memref<!tpu.dma_semaphore, #tpu.memory_space<semaphore_mem>>)
          } else {
          }
          %add3A_65 = arith.constant 1 : i32
          %add3A_66 = arith.addi %mul3A_59, %add3A_65 : i32
          %dma_start3A = arith.constant 0 : i32
          %dma_start3A_67 = tpu.memref_slice %arg8[%add3A_66, %dma_start3A] : memref<40x128xi32, #tpu.memory_space<vmem>> -> memref<1x128xi32, #tpu.memory_space<vmem>>
          %dma_start3A_68 = tpu.memref_squeeze %dma_start3A_67 : memref<1x128xi32, #tpu.memory_space<vmem>> -> memref<128xi32, #tpu.memory_space<vmem>>
          %dma_start3A_69 = arith.constant 0 : i32
          %dma_start3A_70 = arith.constant 0 : i32
          %dma_start3A_71 = tpu.memref_slice %arg2[%dma_start3A_69, %dma_start3A_70] : memref<10240x128xf32, #tpu.memory_space<hbm>> -> memref<10240x128xf32, #tpu.memory_space<hbm>>
          tpu.enqueue_indirect_dma source(%dma_start3A_71 : memref<10240x128xf32, #tpu.memory_space<hbm>>) target(%arg11 : memref<128x128xf32, #tpu.memory_space<vmem>>) offsets(%dma_start3A_68 : memref<128xi32, #tpu.memory_space<vmem>>) semaphore(%arg13 : memref<!tpu.dma_semaphore, #tpu.memory_space<semaphore_mem>>)
          %dma_wait3A = arith.constant 0 : i32
          %dma_wait3A_72 = tpu.memref_slice %arg8[%mul3A_59, %dma_wait3A] : memref<40x128xi32, #tpu.memory_space<vmem>> -> memref<1x128xi32, #tpu.memory_space<vmem>>
          %dma_wait3A_73 = tpu.memref_squeeze %dma_wait3A_72 : memref<1x128xi32, #tpu.memory_space<vmem>> -> memref<128xi32, #tpu.memory_space<vmem>>
          %dma_wait3A_74 = arith.constant 0 : i32
          %dma_wait3A_75 = arith.constant 0 : i32
          %dma_wait3A_76 = tpu.memref_slice %arg2[%dma_wait3A_74, %dma_wait3A_75] : memref<10240x128xf32, #tpu.memory_space<hbm>> -> memref<10240x128xf32, #tpu.memory_space<hbm>>
          tpu.wait_indirect_dma semaphore(%arg12 : memref<!tpu.dma_semaphore, #tpu.memory_space<semaphore_mem>>) src(%dma_wait3A_76 : memref<10240x128xf32, #tpu.memory_space<hbm>>) dst(%arg10 : memref<128x128xf32, #tpu.memory_space<vmem>>)
          "tpu.region"() ({
            %run_scoped3A = tpu.sem_alloc : memref<!tpu.dma_semaphore, #tpu.memory_space<semaphore_mem>>
            %dma_start3A_92 = arith.constant 0 : i32
            %dma_start3A_93 = tpu.memref_slice %arg9[%mul3A_59, %dma_start3A_92] : memref<40x128xi32, #tpu.memory_space<vmem>> -> memref<1x128xi32, #tpu.memory_space<vmem>>
            %dma_start3A_94 = tpu.memref_squeeze %dma_start3A_93 : memref<1x128xi32, #tpu.memory_space<vmem>> -> memref<128xi32, #tpu.memory_space<vmem>>
            %dma_start3A_95 = arith.constant 0 : i32
            %dma_start3A_96 = arith.constant 0 : i32
            %dma_start3A_97 = tpu.memref_slice %arg16[%dma_start3A_95, %dma_start3A_96] : memref<10240x128xf32, #tpu.memory_space<vmem_shared>> -> memref<10240x128xf32, #tpu.memory_space<vmem_shared>>
            tpu.enqueue_indirect_dma source(%arg10 : memref<128x128xf32, #tpu.memory_space<vmem>>) target(%dma_start3A_97 : memref<10240x128xf32, #tpu.memory_space<vmem_shared>>) offsets(%dma_start3A_94 : memref<128xi32, #tpu.memory_space<vmem>>) semaphore(%run_scoped3A : memref<!tpu.dma_semaphore, #tpu.memory_space<semaphore_mem>>) {add = true}
            %dma_wait3A_98 = arith.constant 0 : i32
            %dma_wait3A_99 = tpu.memref_slice %arg9[%mul3A_59, %dma_wait3A_98] : memref<40x128xi32, #tpu.memory_space<vmem>> -> memref<1x128xi32, #tpu.memory_space<vmem>>
            %dma_wait3A_100 = tpu.memref_squeeze %dma_wait3A_99 : memref<1x128xi32, #tpu.memory_space<vmem>> -> memref<128xi32, #tpu.memory_space<vmem>>
            %dma_wait3A_101 = arith.constant 0 : i32
            %dma_wait3A_102 = arith.constant 0 : i32
            %dma_wait3A_103 = tpu.memref_slice %arg16[%dma_wait3A_101, %dma_wait3A_102] : memref<10240x128xf32, #tpu.memory_space<vmem_shared>> -> memref<10240x128xf32, #tpu.memory_space<vmem_shared>>
            tpu.wait_indirect_dma semaphore(%run_scoped3A : memref<!tpu.dma_semaphore, #tpu.memory_space<semaphore_mem>>) src(%arg10 : memref<128x128xf32, #tpu.memory_space<vmem>>) dst(%dma_wait3A_103 : memref<10240x128xf32, #tpu.memory_space<vmem_shared>>)
            tpu.yield
          }) : () -> ()
          %lt3A = arith.constant 19 : i32
          %lt3A_77 = arith.cmpi slt, %scan3A_56, %lt3A : i32
          %convert_element_type3A_78 = arith.extui %lt3A_77 : i1 to i32
          %cond3A_79 = arith.constant 0 : i32
          %cond3A_80 = arith.cmpi ne, %convert_element_type3A_78, %cond3A_79 : i32
          scf.if %cond3A_80 {
            %add3A_92 = arith.constant 2 : i32
            %add3A_93 = arith.addi %mul3A_59, %add3A_92 : i32
            %dma_start3A_94 = arith.constant 0 : i32
            %dma_start3A_95 = tpu.memref_slice %arg8[%add3A_93, %dma_start3A_94] : memref<40x128xi32, #tpu.memory_space<vmem>> -> memref<1x128xi32, #tpu.memory_space<vmem>>
            %dma_start3A_96 = tpu.memref_squeeze %dma_start3A_95 : memref<1x128xi32, #tpu.memory_space<vmem>> -> memref<128xi32, #tpu.memory_space<vmem>>
            %dma_start3A_97 = arith.constant 0 : i32
            %dma_start3A_98 = arith.constant 0 : i32
            %dma_start3A_99 = tpu.memref_slice %arg2[%dma_start3A_97, %dma_start3A_98] : memref<10240x128xf32, #tpu.memory_space<hbm>> -> memref<10240x128xf32, #tpu.memory_space<hbm>>
            tpu.enqueue_indirect_dma source(%dma_start3A_99 : memref<10240x128xf32, #tpu.memory_space<hbm>>) target(%arg10 : memref<128x128xf32, #tpu.memory_space<vmem>>) offsets(%dma_start3A_96 : memref<128xi32, #tpu.memory_space<vmem>>) semaphore(%arg12 : memref<!tpu.dma_semaphore, #tpu.memory_space<semaphore_mem>>)
          } else {
          }
          %add3A_81 = arith.constant 1 : i32
          %add3A_82 = arith.addi %mul3A_59, %add3A_81 : i32
          %dma_wait3A_83 = arith.constant 0 : i32
          %dma_wait3A_84 = tpu.memref_slice %arg8[%add3A_82, %dma_wait3A_83] : memref<40x128xi32, #tpu.memory_space<vmem>> -> memref<1x128xi32, #tpu.memory_space<vmem>>
          %dma_wait3A_85 = tpu.memref_squeeze %dma_wait3A_84 : memref<1x128xi32, #tpu.memory_space<vmem>> -> memref<128xi32, #tpu.memory_space<vmem>>
          %dma_wait3A_86 = arith.constant 0 : i32
          %dma_wait3A_87 = arith.constant 0 : i32
          %dma_wait3A_88 = tpu.memref_slice %arg2[%dma_wait3A_86, %dma_wait3A_87] : memref<10240x128xf32, #tpu.memory_space<hbm>> -> memref<10240x128xf32, #tpu.memory_space<hbm>>
          tpu.wait_indirect_dma semaphore(%arg13 : memref<!tpu.dma_semaphore, #tpu.memory_space<semaphore_mem>>) src(%dma_wait3A_88 : memref<10240x128xf32, #tpu.memory_space<hbm>>) dst(%arg11 : memref<128x128xf32, #tpu.memory_space<vmem>>)
          %add3A_89 = arith.constant 1 : i32
          %add3A_90 = arith.addi %mul3A_59, %add3A_89 : i32
          "tpu.region"() ({
            %run_scoped3A = tpu.sem_alloc : memref<!tpu.dma_semaphore, #tpu.memory_space<semaphore_mem>>
            %dma_start3A_92 = arith.constant 0 : i32
            %dma_start3A_93 = tpu.memref_slice %arg9[%add3A_90, %dma_start3A_92] : memref<40x128xi32, #tpu.memory_space<vmem>> -> memref<1x128xi32, #tpu.memory_space<vmem>>
            %dma_start3A_94 = tpu.memref_squeeze %dma_start3A_93 : memref<1x128xi32, #tpu.memory_space<vmem>> -> memref<128xi32, #tpu.memory_space<vmem>>
            %dma_start3A_95 = arith.constant 0 : i32
            %dma_start3A_96 = arith.constant 0 : i32
            %dma_start3A_97 = tpu.memref_slice %arg16[%dma_start3A_95, %dma_start3A_96] : memref<10240x128xf32, #tpu.memory_space<vmem_shared>> -> memref<10240x128xf32, #tpu.memory_space<vmem_shared>>
            tpu.enqueue_indirect_dma source(%arg11 : memref<128x128xf32, #tpu.memory_space<vmem>>) target(%dma_start3A_97 : memref<10240x128xf32, #tpu.memory_space<vmem_shared>>) offsets(%dma_start3A_94 : memref<128xi32, #tpu.memory_space<vmem>>) semaphore(%run_scoped3A : memref<!tpu.dma_semaphore, #tpu.memory_space<semaphore_mem>>) {add = true}
            %dma_wait3A_98 = arith.constant 0 : i32
            %dma_wait3A_99 = tpu.memref_slice %arg9[%add3A_90, %dma_wait3A_98] : memref<40x128xi32, #tpu.memory_space<vmem>> -> memref<1x128xi32, #tpu.memory_space<vmem>>
            %dma_wait3A_100 = tpu.memref_squeeze %dma_wait3A_99 : memref<1x128xi32, #tpu.memory_space<vmem>> -> memref<128xi32, #tpu.memory_space<vmem>>
            %dma_wait3A_101 = arith.constant 0 : i32
            %dma_wait3A_102 = arith.constant 0 : i32
            %dma_wait3A_103 = tpu.memref_slice %arg16[%dma_wait3A_101, %dma_wait3A_102] : memref<10240x128xf32, #tpu.memory_space<vmem_shared>> -> memref<10240x128xf32, #tpu.memory_space<vmem_shared>>
            tpu.wait_indirect_dma semaphore(%run_scoped3A : memref<!tpu.dma_semaphore, #tpu.memory_space<semaphore_mem>>) src(%arg11 : memref<128x128xf32, #tpu.memory_space<vmem>>) dst(%dma_wait3A_103 : memref<10240x128xf32, #tpu.memory_space<vmem_shared>>)
            tpu.yield
          }) : () -> ()
          %scan3A_91 = arith.constant 0 : i32
          scf.yield %scan3A_91 : i32
        }
        %scan3A_54 = arith.constant 20 : i32
        %scan3A_55 = arith.constant 0 : i32
        scf.yield %scan3A_55 : i32
      }
      %scan3A_40 = arith.constant 4 : i32
    } else {
    }
    %eq3A_18 = arith.constant 1 : i32
    %eq3A_19 = arith.cmpi eq, %arg0, %eq3A_18 : i32
    %convert_element_type3A_20 = arith.extui %eq3A_19 : i1 to i32
    %cond3A_21 = arith.constant 0 : i32
    %cond3A_22 = arith.cmpi ne, %convert_element_type3A_20, %cond3A_21 : i32
    scf.if %cond3A_22 {
      %scan3A_34 = arith.constant 0 : i32
      %scan3A_35 = arith.constant 0 : i32
      %scan3A_36 = arith.constant 4 : i32
      %scan3A_37 = arith.addi %scan3A_35, %scan3A_36 : i32
      %scan3A_38 = arith.constant 1 : i32
      %scan3A_39 = scf.for %scan3A_41 = %scan3A_35 to %scan3A_37 step %scan3A_38 iter_args(%scan3A_42 = %scan3A_34) -> (i32)  : i32 {
        %mul3A_43 = arith.constant 160 : i32
        %mul3A_44 = arith.muli %arg1, %mul3A_43 : i32
        %mul3A_45 = arith.constant 40 : i32
        %mul3A_46 = arith.muli %scan3A_41, %mul3A_45 : i32
        %add3A_47 = arith.addi %mul3A_44, %mul3A_46 : i32
        "tpu.region"() ({
          %run_scoped3A = tpu.sem_alloc : memref<!tpu.dma_semaphore, #tpu.memory_space<semaphore_mem>>
          %dma_start3A = arith.constant 0 : i32
          %dma_start3A_56 = tpu.memref_slice %arg4[%add3A_47, %dma_start3A] : memref<2560x128xi32, #tpu.memory_space<hbm>> -> memref<40x128xi32, #tpu.memory_space<hbm>>
          %dma_start3A_57 = arith.constant 0 : i32
          %dma_start3A_58 = tpu.memref_slice %arg4[%add3A_47, %dma_start3A_57] : memref<2560x128xi32, #tpu.memory_space<hbm>> -> memref<40x128xi32, #tpu.memory_space<hbm>>
          tpu.enqueue_dma source(%dma_start3A_58 : memref<40x128xi32, #tpu.memory_space<hbm>>) target(%arg8 : memref<40x128xi32, #tpu.memory_space<vmem>>) target_semaphore(%run_scoped3A : memref<!tpu.dma_semaphore, #tpu.memory_space<semaphore_mem>>)
          %dma_wait3A = arith.constant 0 : i32
          %dma_wait3A_59 = tpu.memref_slice %arg4[%add3A_47, %dma_wait3A] : memref<2560x128xi32, #tpu.memory_space<hbm>> -> memref<40x128xi32, #tpu.memory_space<hbm>>
          %dma_wait3A_60 = arith.constant 0 : i32
          %dma_wait3A_61 = tpu.memref_slice %arg4[%add3A_47, %dma_wait3A_60] : memref<2560x128xi32, #tpu.memory_space<hbm>> -> memref<40x128xi32, #tpu.memory_space<hbm>>
          tpu.wait_dma2 semaphore(%run_scoped3A : memref<!tpu.dma_semaphore, #tpu.memory_space<semaphore_mem>>) src(%dma_wait3A_61 : memref<40x128xi32, #tpu.memory_space<hbm>>) dst(%arg8 : memref<40x128xi32, #tpu.memory_space<vmem>>)
          tpu.yield
        }) : () -> ()
        "tpu.region"() ({
          %run_scoped3A = tpu.sem_alloc : memref<!tpu.dma_semaphore, #tpu.memory_space<semaphore_mem>>
          %dma_start3A = arith.constant 0 : i32
          %dma_start3A_56 = tpu.memref_slice %arg5[%add3A_47, %dma_start3A] : memref<2560x128xi32, #tpu.memory_space<hbm>> -> memref<40x128xi32, #tpu.memory_space<hbm>>
          %dma_start3A_57 = arith.constant 0 : i32
          %dma_start3A_58 = tpu.memref_slice %arg5[%add3A_47, %dma_start3A_57] : memref<2560x128xi32, #tpu.memory_space<hbm>> -> memref<40x128xi32, #tpu.memory_space<hbm>>
          tpu.enqueue_dma source(%dma_start3A_58 : memref<40x128xi32, #tpu.memory_space<hbm>>) target(%arg9 : memref<40x128xi32, #tpu.memory_space<vmem>>) target_semaphore(%run_scoped3A : memref<!tpu.dma_semaphore, #tpu.memory_space<semaphore_mem>>)
          %dma_wait3A = arith.constant 0 : i32
          %dma_wait3A_59 = tpu.memref_slice %arg5[%add3A_47, %dma_wait3A] : memref<2560x128xi32, #tpu.memory_space<hbm>> -> memref<40x128xi32, #tpu.memory_space<hbm>>
          %dma_wait3A_60 = arith.constant 0 : i32
          %dma_wait3A_61 = tpu.memref_slice %arg5[%add3A_47, %dma_wait3A_60] : memref<2560x128xi32, #tpu.memory_space<hbm>> -> memref<40x128xi32, #tpu.memory_space<hbm>>
          tpu.wait_dma2 semaphore(%run_scoped3A : memref<!tpu.dma_semaphore, #tpu.memory_space<semaphore_mem>>) src(%dma_wait3A_61 : memref<40x128xi32, #tpu.memory_space<hbm>>) dst(%arg9 : memref<40x128xi32, #tpu.memory_space<vmem>>)
          tpu.yield
        }) : () -> ()
        %scan3A_48 = arith.constant 0 : i32
        %scan3A_49 = arith.constant 0 : i32
        %scan3A_50 = arith.constant 20 : i32
        %scan3A_51 = arith.addi %scan3A_49, %scan3A_50 : i32
        %scan3A_52 = arith.constant 1 : i32
        %scan3A_53 = scf.for %scan3A_56 = %scan3A_49 to %scan3A_51 step %scan3A_52 iter_args(%scan3A_57 = %scan3A_48) -> (i32)  : i32 {
          %mul3A_58 = arith.constant 2 : i32
          %mul3A_59 = arith.muli %mul3A_58, %scan3A_56 : i32
          %eq3A_60 = arith.constant 0 : i32
          %eq3A_61 = arith.cmpi eq, %scan3A_56, %eq3A_60 : i32
          %convert_element_type3A_62 = arith.extui %eq3A_61 : i1 to i32
          %cond3A_63 = arith.constant 0 : i32
          %cond3A_64 = arith.cmpi ne, %convert_element_type3A_62, %cond3A_63 : i32
          scf.if %cond3A_64 {
            %dma_start3A_92 = arith.constant 0 : i32
            %dma_start3A_93 = tpu.memref_slice %arg8[%mul3A_59, %dma_start3A_92] : memref<40x128xi32, #tpu.memory_space<vmem>> -> memref<1x128xi32, #tpu.memory_space<vmem>>
            %dma_start3A_94 = tpu.memref_squeeze %dma_start3A_93 : memref<1x128xi32, #tpu.memory_space<vmem>> -> memref<128xi32, #tpu.memory_space<vmem>>
            %dma_start3A_95 = arith.constant 0 : i32
            %dma_start3A_96 = arith.constant 0 : i32
            %dma_start3A_97 = tpu.memref_slice %arg3[%dma_start3A_95, %dma_start3A_96] : memref<10240x128xf32, #tpu.memory_space<hbm>> -> memref<10240x128xf32, #tpu.memory_space<hbm>>
            tpu.enqueue_indirect_dma source(%dma_start3A_97 : memref<10240x128xf32, #tpu.memory_space<hbm>>) target(%arg10 : memref<128x128xf32, #tpu.memory_space<vmem>>) offsets(%dma_start3A_94 : memref<128xi32, #tpu.memory_space<vmem>>) semaphore(%arg12 : memref<!tpu.dma_semaphore, #tpu.memory_space<semaphore_mem>>)
          } else {
          }
          %add3A_65 = arith.constant 1 : i32
          %add3A_66 = arith.addi %mul3A_59, %add3A_65 : i32
          %dma_start3A = arith.constant 0 : i32
          %dma_start3A_67 = tpu.memref_slice %arg8[%add3A_66, %dma_start3A] : memref<40x128xi32, #tpu.memory_space<vmem>> -> memref<1x128xi32, #tpu.memory_space<vmem>>
          %dma_start3A_68 = tpu.memref_squeeze %dma_start3A_67 : memref<1x128xi32, #tpu.memory_space<vmem>> -> memref<128xi32, #tpu.memory_space<vmem>>
          %dma_start3A_69 = arith.constant 0 : i32
          %dma_start3A_70 = arith.constant 0 : i32
          %dma_start3A_71 = tpu.memref_slice %arg3[%dma_start3A_69, %dma_start3A_70] : memref<10240x128xf32, #tpu.memory_space<hbm>> -> memref<10240x128xf32, #tpu.memory_space<hbm>>
          tpu.enqueue_indirect_dma source(%dma_start3A_71 : memref<10240x128xf32, #tpu.memory_space<hbm>>) target(%arg11 : memref<128x128xf32, #tpu.memory_space<vmem>>) offsets(%dma_start3A_68 : memref<128xi32, #tpu.memory_space<vmem>>) semaphore(%arg13 : memref<!tpu.dma_semaphore, #tpu.memory_space<semaphore_mem>>)
          %dma_wait3A = arith.constant 0 : i32
          %dma_wait3A_72 = tpu.memref_slice %arg8[%mul3A_59, %dma_wait3A] : memref<40x128xi32, #tpu.memory_space<vmem>> -> memref<1x128xi32, #tpu.memory_space<vmem>>
          %dma_wait3A_73 = tpu.memref_squeeze %dma_wait3A_72 : memref<1x128xi32, #tpu.memory_space<vmem>> -> memref<128xi32, #tpu.memory_space<vmem>>
          %dma_wait3A_74 = arith.constant 0 : i32
          %dma_wait3A_75 = arith.constant 0 : i32
          %dma_wait3A_76 = tpu.memref_slice %arg3[%dma_wait3A_74, %dma_wait3A_75] : memref<10240x128xf32, #tpu.memory_space<hbm>> -> memref<10240x128xf32, #tpu.memory_space<hbm>>
          tpu.wait_indirect_dma semaphore(%arg12 : memref<!tpu.dma_semaphore, #tpu.memory_space<semaphore_mem>>) src(%dma_wait3A_76 : memref<10240x128xf32, #tpu.memory_space<hbm>>) dst(%arg10 : memref<128x128xf32, #tpu.memory_space<vmem>>)
          "tpu.region"() ({
            %run_scoped3A = tpu.sem_alloc : memref<!tpu.dma_semaphore, #tpu.memory_space<semaphore_mem>>
            %dma_start3A_92 = arith.constant 0 : i32
            %dma_start3A_93 = tpu.memref_slice %arg9[%mul3A_59, %dma_start3A_92] : memref<40x128xi32, #tpu.memory_space<vmem>> -> memref<1x128xi32, #tpu.memory_space<vmem>>
            %dma_start3A_94 = tpu.memref_squeeze %dma_start3A_93 : memref<1x128xi32, #tpu.memory_space<vmem>> -> memref<128xi32, #tpu.memory_space<vmem>>
            %dma_start3A_95 = arith.constant 0 : i32
            %dma_start3A_96 = arith.constant 0 : i32
            %dma_start3A_97 = tpu.memref_slice %arg16[%dma_start3A_95, %dma_start3A_96] : memref<10240x128xf32, #tpu.memory_space<vmem_shared>> -> memref<10240x128xf32, #tpu.memory_space<vmem_shared>>
            tpu.enqueue_indirect_dma source(%arg10 : memref<128x128xf32, #tpu.memory_space<vmem>>) target(%dma_start3A_97 : memref<10240x128xf32, #tpu.memory_space<vmem_shared>>) offsets(%dma_start3A_94 : memref<128xi32, #tpu.memory_space<vmem>>) semaphore(%run_scoped3A : memref<!tpu.dma_semaphore, #tpu.memory_space<semaphore_mem>>) {add = true}
            %dma_wait3A_98 = arith.constant 0 : i32
            %dma_wait3A_99 = tpu.memref_slice %arg9[%mul3A_59, %dma_wait3A_98] : memref<40x128xi32, #tpu.memory_space<vmem>> -> memref<1x128xi32, #tpu.memory_space<vmem>>
            %dma_wait3A_100 = tpu.memref_squeeze %dma_wait3A_99 : memref<1x128xi32, #tpu.memory_space<vmem>> -> memref<128xi32, #tpu.memory_space<vmem>>
            %dma_wait3A_101 = arith.constant 0 : i32
            %dma_wait3A_102 = arith.constant 0 : i32
            %dma_wait3A_103 = tpu.memref_slice %arg16[%dma_wait3A_101, %dma_wait3A_102] : memref<10240x128xf32, #tpu.memory_space<vmem_shared>> -> memref<10240x128xf32, #tpu.memory_space<vmem_shared>>
            tpu.wait_indirect_dma semaphore(%run_scoped3A : memref<!tpu.dma_semaphore, #tpu.memory_space<semaphore_mem>>) src(%arg10 : memref<128x128xf32, #tpu.memory_space<vmem>>) dst(%dma_wait3A_103 : memref<10240x128xf32, #tpu.memory_space<vmem_shared>>)
            tpu.yield
          }) : () -> ()
          %lt3A = arith.constant 19 : i32
          %lt3A_77 = arith.cmpi slt, %scan3A_56, %lt3A : i32
          %convert_element_type3A_78 = arith.extui %lt3A_77 : i1 to i32
          %cond3A_79 = arith.constant 0 : i32
          %cond3A_80 = arith.cmpi ne, %convert_element_type3A_78, %cond3A_79 : i32
          scf.if %cond3A_80 {
            %add3A_92 = arith.constant 2 : i32
            %add3A_93 = arith.addi %mul3A_59, %add3A_92 : i32
            %dma_start3A_94 = arith.constant 0 : i32
            %dma_start3A_95 = tpu.memref_slice %arg8[%add3A_93, %dma_start3A_94] : memref<40x128xi32, #tpu.memory_space<vmem>> -> memref<1x128xi32, #tpu.memory_space<vmem>>
            %dma_start3A_96 = tpu.memref_squeeze %dma_start3A_95 : memref<1x128xi32, #tpu.memory_space<vmem>> -> memref<128xi32, #tpu.memory_space<vmem>>
            %dma_start3A_97 = arith.constant 0 : i32
            %dma_start3A_98 = arith.constant 0 : i32
            %dma_start3A_99 = tpu.memref_slice %arg3[%dma_start3A_97, %dma_start3A_98] : memref<10240x128xf32, #tpu.memory_space<hbm>> -> memref<10240x128xf32, #tpu.memory_space<hbm>>
            tpu.enqueue_indirect_dma source(%dma_start3A_99 : memref<10240x128xf32, #tpu.memory_space<hbm>>) target(%arg10 : memref<128x128xf32, #tpu.memory_space<vmem>>) offsets(%dma_start3A_96 : memref<128xi32, #tpu.memory_space<vmem>>) semaphore(%arg12 : memref<!tpu.dma_semaphore, #tpu.memory_space<semaphore_mem>>)
          } else {
          }
          %add3A_81 = arith.constant 1 : i32
          %add3A_82 = arith.addi %mul3A_59, %add3A_81 : i32
          %dma_wait3A_83 = arith.constant 0 : i32
          %dma_wait3A_84 = tpu.memref_slice %arg8[%add3A_82, %dma_wait3A_83] : memref<40x128xi32, #tpu.memory_space<vmem>> -> memref<1x128xi32, #tpu.memory_space<vmem>>
          %dma_wait3A_85 = tpu.memref_squeeze %dma_wait3A_84 : memref<1x128xi32, #tpu.memory_space<vmem>> -> memref<128xi32, #tpu.memory_space<vmem>>
          %dma_wait3A_86 = arith.constant 0 : i32
          %dma_wait3A_87 = arith.constant 0 : i32
          %dma_wait3A_88 = tpu.memref_slice %arg3[%dma_wait3A_86, %dma_wait3A_87] : memref<10240x128xf32, #tpu.memory_space<hbm>> -> memref<10240x128xf32, #tpu.memory_space<hbm>>
          tpu.wait_indirect_dma semaphore(%arg13 : memref<!tpu.dma_semaphore, #tpu.memory_space<semaphore_mem>>) src(%dma_wait3A_88 : memref<10240x128xf32, #tpu.memory_space<hbm>>) dst(%arg11 : memref<128x128xf32, #tpu.memory_space<vmem>>)
          %add3A_89 = arith.constant 1 : i32
          %add3A_90 = arith.addi %mul3A_59, %add3A_89 : i32
          "tpu.region"() ({
            %run_scoped3A = tpu.sem_alloc : memref<!tpu.dma_semaphore, #tpu.memory_space<semaphore_mem>>
            %dma_start3A_92 = arith.constant 0 : i32
            %dma_start3A_93 = tpu.memref_slice %arg9[%add3A_90, %dma_start3A_92] : memref<40x128xi32, #tpu.memory_space<vmem>> -> memref<1x128xi32, #tpu.memory_space<vmem>>
            %dma_start3A_94 = tpu.memref_squeeze %dma_start3A_93 : memref<1x128xi32, #tpu.memory_space<vmem>> -> memref<128xi32, #tpu.memory_space<vmem>>
            %dma_start3A_95 = arith.constant 0 : i32
            %dma_start3A_96 = arith.constant 0 : i32
            %dma_start3A_97 = tpu.memref_slice %arg16[%dma_start3A_95, %dma_start3A_96] : memref<10240x128xf32, #tpu.memory_space<vmem_shared>> -> memref<10240x128xf32, #tpu.memory_space<vmem_shared>>
            tpu.enqueue_indirect_dma source(%arg11 : memref<128x128xf32, #tpu.memory_space<vmem>>) target(%dma_start3A_97 : memref<10240x128xf32, #tpu.memory_space<vmem_shared>>) offsets(%dma_start3A_94 : memref<128xi32, #tpu.memory_space<vmem>>) semaphore(%run_scoped3A : memref<!tpu.dma_semaphore, #tpu.memory_space<semaphore_mem>>) {add = true}
            %dma_wait3A_98 = arith.constant 0 : i32
            %dma_wait3A_99 = tpu.memref_slice %arg9[%add3A_90, %dma_wait3A_98] : memref<40x128xi32, #tpu.memory_space<vmem>> -> memref<1x128xi32, #tpu.memory_space<vmem>>
            %dma_wait3A_100 = tpu.memref_squeeze %dma_wait3A_99 : memref<1x128xi32, #tpu.memory_space<vmem>> -> memref<128xi32, #tpu.memory_space<vmem>>
            %dma_wait3A_101 = arith.constant 0 : i32
            %dma_wait3A_102 = arith.constant 0 : i32
            %dma_wait3A_103 = tpu.memref_slice %arg16[%dma_wait3A_101, %dma_wait3A_102] : memref<10240x128xf32, #tpu.memory_space<vmem_shared>> -> memref<10240x128xf32, #tpu.memory_space<vmem_shared>>
            tpu.wait_indirect_dma semaphore(%run_scoped3A : memref<!tpu.dma_semaphore, #tpu.memory_space<semaphore_mem>>) src(%arg11 : memref<128x128xf32, #tpu.memory_space<vmem>>) dst(%dma_wait3A_103 : memref<10240x128xf32, #tpu.memory_space<vmem_shared>>)
            tpu.yield
          }) : () -> ()
          %scan3A_91 = arith.constant 0 : i32
          scf.yield %scan3A_91 : i32
        }
        %scan3A_54 = arith.constant 20 : i32
        %scan3A_55 = arith.constant 0 : i32
        scf.yield %scan3A_55 : i32
      }
      %scan3A_40 = arith.constant 4 : i32
    } else {
    }
    %barrier3A_23 = arith.constant 0 : index
    tpu.barrier barrier_id(%barrier3A_23)
    %eq3A_24 = arith.constant 0 : i32
    %eq3A_25 = arith.cmpi eq, %arg0, %eq3A_24 : i32
    %convert_element_type3A_26 = arith.extui %eq3A_25 : i1 to i32
    %cond3A_27 = arith.constant 0 : i32
    %cond3A_28 = arith.cmpi ne, %convert_element_type3A_26, %cond3A_27 : i32
    scf.if %cond3A_28 {
      "tpu.region"() ({
        %run_scoped3A = tpu.sem_alloc : memref<!tpu.dma_semaphore, #tpu.memory_space<semaphore_mem>>
        %dma_start3A = arith.constant 0 : i32
        %dma_start3A_34 = tpu.memref_slice %arg6[%mul3A_6, %dma_start3A] : memref<10240x128xf32, #tpu.memory_space<hbm>> -> memref<640x128xf32, #tpu.memory_space<hbm>>
        %dma_start3A_35 = arith.constant 0 : i32
        %dma_start3A_36 = tpu.memref_slice %arg16[%mul3A_6, %dma_start3A_35] : memref<10240x128xf32, #tpu.memory_space<vmem_shared>> -> memref<640x128xf32, #tpu.memory_space<vmem_shared>>
        tpu.enqueue_dma source(%dma_start3A_36 : memref<640x128xf32, #tpu.memory_space<vmem_shared>>) target(%dma_start3A_34 : memref<640x128xf32, #tpu.memory_space<hbm>>) target_semaphore(%run_scoped3A : memref<!tpu.dma_semaphore, #tpu.memory_space<semaphore_mem>>)
        %dma_wait3A = arith.constant 0 : i32
        %dma_wait3A_37 = tpu.memref_slice %arg6[%mul3A_6, %dma_wait3A] : memref<10240x128xf32, #tpu.memory_space<hbm>> -> memref<640x128xf32, #tpu.memory_space<hbm>>
        %dma_wait3A_38 = arith.constant 0 : i32
        %dma_wait3A_39 = tpu.memref_slice %arg16[%mul3A_6, %dma_wait3A_38] : memref<10240x128xf32, #tpu.memory_space<vmem_shared>> -> memref<640x128xf32, #tpu.memory_space<vmem_shared>>
        tpu.wait_dma2 semaphore(%run_scoped3A : memref<!tpu.dma_semaphore, #tpu.memory_space<semaphore_mem>>) src(%dma_wait3A_39 : memref<640x128xf32, #tpu.memory_space<vmem_shared>>) dst(%dma_wait3A_37 : memref<640x128xf32, #tpu.memory_space<hbm>>)
        tpu.yield
      }) : () -> ()
    } else {
    }
    %eq3A_29 = arith.constant 1 : i32
    %eq3A_30 = arith.cmpi eq, %arg0, %eq3A_29 : i32
    %convert_element_type3A_31 = arith.extui %eq3A_30 : i1 to i32
    %cond3A_32 = arith.constant 0 : i32
    %cond3A_33 = arith.cmpi ne, %convert_element_type3A_31, %cond3A_32 : i32
    scf.if %cond3A_33 {
      "tpu.region"() ({
        %run_scoped3A = tpu.sem_alloc : memref<!tpu.dma_semaphore, #tpu.memory_space<semaphore_mem>>
        %dma_start3A = arith.constant 0 : i32
        %dma_start3A_34 = tpu.memref_slice %arg7[%mul3A_6, %dma_start3A] : memref<10240x128xf32, #tpu.memory_space<hbm>> -> memref<640x128xf32, #tpu.memory_space<hbm>>
        %dma_start3A_35 = arith.constant 0 : i32
        %dma_start3A_36 = tpu.memref_slice %arg16[%mul3A_6, %dma_start3A_35] : memref<10240x128xf32, #tpu.memory_space<vmem_shared>> -> memref<640x128xf32, #tpu.memory_space<vmem_shared>>
        tpu.enqueue_dma source(%dma_start3A_36 : memref<640x128xf32, #tpu.memory_space<vmem_shared>>) target(%dma_start3A_34 : memref<640x128xf32, #tpu.memory_space<hbm>>) target_semaphore(%run_scoped3A : memref<!tpu.dma_semaphore, #tpu.memory_space<semaphore_mem>>)
        %dma_wait3A = arith.constant 0 : i32
        %dma_wait3A_37 = tpu.memref_slice %arg7[%mul3A_6, %dma_wait3A] : memref<10240x128xf32, #tpu.memory_space<hbm>> -> memref<640x128xf32, #tpu.memory_space<hbm>>
        %dma_wait3A_38 = arith.constant 0 : i32
        %dma_wait3A_39 = tpu.memref_slice %arg16[%mul3A_6, %dma_wait3A_38] : memref<10240x128xf32, #tpu.memory_space<vmem_shared>> -> memref<640x128xf32, #tpu.memory_space<vmem_shared>>
        tpu.wait_dma2 semaphore(%run_scoped3A : memref<!tpu.dma_semaphore, #tpu.memory_space<semaphore_mem>>) src(%dma_wait3A_39 : memref<640x128xf32, #tpu.memory_space<vmem_shared>>) dst(%dma_wait3A_37 : memref<640x128xf32, #tpu.memory_space<hbm>>)
        tpu.yield
      }) : () -> ()
    } else {
    }
    return
  }
}

#map = affine_map<(d0, d1) -> (0, 0)>
module attributes {stable_mosaic.version = 14 : i64} {
  func.func @_sc_agg_body(%arg0: i32, %arg1: i32, %arg2: memref<10240x128xf32, #tpu.memory_space<hbm>>, %arg3: memref<10240x128xf32, #tpu.memory_space<hbm>>, %arg4: memref<2560x128xi32, #tpu.memory_space<hbm>>, %arg5: memref<2560x128xi32, #tpu.memory_space<hbm>>, %arg6: memref<10240x128xf32, #tpu.memory_space<hbm>>, %arg7: memref<10240x128xf32, #tpu.memory_space<hbm>>, %arg8: memref<40x128xi32, #tpu.memory_space<vmem>>, %arg9: memref<40x128xi32, #tpu.memory_space<vmem>>, %arg10: memref<128x128xf32, #tpu.memory_space<vmem>>, %arg11: memref<128x128xf32, #tpu.memory_space<vmem>>, %arg12: memref<!tpu.dma_semaphore, #tpu.memory_space<semaphore_mem>>, %arg13: memref<!tpu.dma_semaphore, #tpu.memory_space<semaphore_mem>>, %arg14: memref<!tpu.dma_semaphore, #tpu.memory_space<semaphore_mem>>, %arg15: memref<!tpu.dma_semaphore, #tpu.memory_space<semaphore_mem>>, %arg16: memref<10240x128xf32, #tpu.memory_space<vmem_shared>>) attributes {dimension_semantics = [#tpu.dimension_semantics<core_parallel>, #tpu.dimension_semantics<subcore_parallel>], iteration_bounds = array<i64: 2, 16>, scalar_prefetch = 0 : i64, scratch_operands = 9 : i64, tpu.core_type = #tpu.core_type<sc_vector_subcore>, window_params = [{transform_indices = #map}, {transform_indices = #map}, {transform_indices = #map}, {transform_indices = #map}, {transform_indices = #map}, {transform_indices = #map}]} {
    %scan3A = arith.constant 0 : i32
    %scan3A_0 = arith.constant 0 : i32
    %scan3A_1 = arith.constant 128 : i32
    %scan3A_2 = arith.addi %scan3A_0, %scan3A_1 : i32
    %scan3A_3 = arith.constant 1 : i32
    %scan3A_4 = scf.for %scan3A_34 = %scan3A_0 to %scan3A_2 step %scan3A_3 iter_args(%scan3A_35 = %scan3A) -> (i32)  : i32 {
      %broadcast_in_dim3A = arith.constant 0.000000e+00 : f32
      %broadcast_in_dim3A_36 = vector.broadcast %broadcast_in_dim3A : f32 to vector<16xf32>
      %swap3A = arith.index_cast %scan3A_34 : i32 to index
      %swap3A_37 = arith.constant 0 : index
      %swap3A_38 = tpu.vector_load %arg10[%swap3A, %swap3A_37] {strides = array<i32>} : memref<128x128xf32, #tpu.memory_space<vmem>>, vector<1x16xf32>,
      %swap3A_39 = vector.shape_cast %swap3A_38 : vector<1x16xf32> to vector<16xf32>
      %swap3A_40 = vector.shape_cast %broadcast_in_dim3A_36 : vector<16xf32> to vector<1x16xf32>
      tpu.vector_store %arg10[%swap3A, %swap3A_37], %swap3A_40 {strides = array<i32>} : memref<128x128xf32, #tpu.memory_space<vmem>>, vector<1x16xf32>,
      %broadcast_in_dim3A_41 = arith.constant 0.000000e+00 : f32
      %broadcast_in_dim3A_42 = vector.broadcast %broadcast_in_dim3A_41 : f32 to vector<16xf32>
      %swap3A_43 = arith.index_cast %scan3A_34 : i32 to index
      %swap3A_44 = arith.constant 16 : index
      %swap3A_45 = tpu.vector_load %arg10[%swap3A_43, %swap3A_44] {strides = array<i32>} : memref<128x128xf32, #tpu.memory_space<vmem>>, vector<1x16xf32>,
      %swap3A_46 = vector.shape_cast %swap3A_45 : vector<1x16xf32> to vector<16xf32>
      %swap3A_47 = vector.shape_cast %broadcast_in_dim3A_42 : vector<16xf32> to vector<1x16xf32>
      tpu.vector_store %arg10[%swap3A_43, %swap3A_44], %swap3A_47 {strides = array<i32>} : memref<128x128xf32, #tpu.memory_space<vmem>>, vector<1x16xf32>,
      %broadcast_in_dim3A_48 = arith.constant 0.000000e+00 : f32
      %broadcast_in_dim3A_49 = vector.broadcast %broadcast_in_dim3A_48 : f32 to vector<16xf32>
      %swap3A_50 = arith.index_cast %scan3A_34 : i32 to index
      %swap3A_51 = arith.constant 32 : index
      %swap3A_52 = tpu.vector_load %arg10[%swap3A_50, %swap3A_51] {strides = array<i32>} : memref<128x128xf32, #tpu.memory_space<vmem>>, vector<1x16xf32>,
      %swap3A_53 = vector.shape_cast %swap3A_52 : vector<1x16xf32> to vector<16xf32>
      %swap3A_54 = vector.shape_cast %broadcast_in_dim3A_49 : vector<16xf32> to vector<1x16xf32>
      tpu.vector_store %arg10[%swap3A_50, %swap3A_51], %swap3A_54 {strides = array<i32>} : memref<128x128xf32, #tpu.memory_space<vmem>>, vector<1x16xf32>,
      %broadcast_in_dim3A_55 = arith.constant 0.000000e+00 : f32
      %broadcast_in_dim3A_56 = vector.broadcast %broadcast_in_dim3A_55 : f32 to vector<16xf32>
      %swap3A_57 = arith.index_cast %scan3A_34 : i32 to index
      %swap3A_58 = arith.constant 48 : index
      %swap3A_59 = tpu.vector_load %arg10[%swap3A_57, %swap3A_58] {strides = array<i32>} : memref<128x128xf32, #tpu.memory_space<vmem>>, vector<1x16xf32>,
      %swap3A_60 = vector.shape_cast %swap3A_59 : vector<1x16xf32> to vector<16xf32>
      %swap3A_61 = vector.shape_cast %broadcast_in_dim3A_56 : vector<16xf32> to vector<1x16xf32>
      tpu.vector_store %arg10[%swap3A_57, %swap3A_58], %swap3A_61 {strides = array<i32>} : memref<128x128xf32, #tpu.memory_space<vmem>>, vector<1x16xf32>,
      %broadcast_in_dim3A_62 = arith.constant 0.000000e+00 : f32
      %broadcast_in_dim3A_63 = vector.broadcast %broadcast_in_dim3A_62 : f32 to vector<16xf32>
      %swap3A_64 = arith.index_cast %scan3A_34 : i32 to index
      %swap3A_65 = arith.constant 64 : index
      %swap3A_66 = tpu.vector_load %arg10[%swap3A_64, %swap3A_65] {strides = array<i32>} : memref<128x128xf32, #tpu.memory_space<vmem>>, vector<1x16xf32>,
      %swap3A_67 = vector.shape_cast %swap3A_66 : vector<1x16xf32> to vector<16xf32>
      %swap3A_68 = vector.shape_cast %broadcast_in_dim3A_63 : vector<16xf32> to vector<1x16xf32>
      tpu.vector_store %arg10[%swap3A_64, %swap3A_65], %swap3A_68 {strides = array<i32>} : memref<128x128xf32, #tpu.memory_space<vmem>>, vector<1x16xf32>,
      %broadcast_in_dim3A_69 = arith.constant 0.000000e+00 : f32
      %broadcast_in_dim3A_70 = vector.broadcast %broadcast_in_dim3A_69 : f32 to vector<16xf32>
      %swap3A_71 = arith.index_cast %scan3A_34 : i32 to index
      %swap3A_72 = arith.constant 80 : index
      %swap3A_73 = tpu.vector_load %arg10[%swap3A_71, %swap3A_72] {strides = array<i32>} : memref<128x128xf32, #tpu.memory_space<vmem>>, vector<1x16xf32>,
      %swap3A_74 = vector.shape_cast %swap3A_73 : vector<1x16xf32> to vector<16xf32>
      %swap3A_75 = vector.shape_cast %broadcast_in_dim3A_70 : vector<16xf32> to vector<1x16xf32>
      tpu.vector_store %arg10[%swap3A_71, %swap3A_72], %swap3A_75 {strides = array<i32>} : memref<128x128xf32, #tpu.memory_space<vmem>>, vector<1x16xf32>,
      %broadcast_in_dim3A_76 = arith.constant 0.000000e+00 : f32
      %broadcast_in_dim3A_77 = vector.broadcast %broadcast_in_dim3A_76 : f32 to vector<16xf32>
      %swap3A_78 = arith.index_cast %scan3A_34 : i32 to index
      %swap3A_79 = arith.constant 96 : index
      %swap3A_80 = tpu.vector_load %arg10[%swap3A_78, %swap3A_79] {strides = array<i32>} : memref<128x128xf32, #tpu.memory_space<vmem>>, vector<1x16xf32>,
      %swap3A_81 = vector.shape_cast %swap3A_80 : vector<1x16xf32> to vector<16xf32>
      %swap3A_82 = vector.shape_cast %broadcast_in_dim3A_77 : vector<16xf32> to vector<1x16xf32>
      tpu.vector_store %arg10[%swap3A_78, %swap3A_79], %swap3A_82 {strides = array<i32>} : memref<128x128xf32, #tpu.memory_space<vmem>>, vector<1x16xf32>,
      %broadcast_in_dim3A_83 = arith.constant 0.000000e+00 : f32
      %broadcast_in_dim3A_84 = vector.broadcast %broadcast_in_dim3A_83 : f32 to vector<16xf32>
      %swap3A_85 = arith.index_cast %scan3A_34 : i32 to index
      %swap3A_86 = arith.constant 112 : index
      %swap3A_87 = tpu.vector_load %arg10[%swap3A_85, %swap3A_86] {strides = array<i32>} : memref<128x128xf32, #tpu.memory_space<vmem>>, vector<1x16xf32>,
      %swap3A_88 = vector.shape_cast %swap3A_87 : vector<1x16xf32> to vector<16xf32>
      %swap3A_89 = vector.shape_cast %broadcast_in_dim3A_84 : vector<16xf32> to vector<1x16xf32>
      tpu.vector_store %arg10[%swap3A_85, %swap3A_86], %swap3A_89 {strides = array<i32>} : memref<128x128xf32, #tpu.memory_space<vmem>>, vector<1x16xf32>,
      %scan3A_90 = arith.constant 0 : i32
      scf.yield %scan3A_90 : i32
    }
    %scan3A_5 = arith.constant 128 : i32
    %mul3A = arith.constant 640 : i32
    %mul3A_6 = arith.muli %arg1, %mul3A : i32
    %add3A = arith.constant 0 : i32
    %add3A_7 = arith.addi %mul3A_6, %add3A : i32
    "tpu.region"() ({
      %run_scoped3A = tpu.sem_alloc : memref<!tpu.dma_semaphore, #tpu.memory_space<semaphore_mem>>
      %dma_start3A = arith.constant 0 : i32
      %dma_start3A_34 = tpu.memref_slice %arg16[%add3A_7, %dma_start3A] : memref<10240x128xf32, #tpu.memory_space<vmem_shared>> -> memref<128x128xf32, #tpu.memory_space<vmem_shared>>
      %dma_start3A_35 = arith.constant 0 : i32
      %dma_start3A_36 = tpu.memref_slice %arg16[%add3A_7, %dma_start3A_35] : memref<10240x128xf32, #tpu.memory_space<vmem_shared>> -> memref<128x128xf32, #tpu.memory_space<vmem_shared>>
      tpu.enqueue_dma source(%arg10 : memref<128x128xf32, #tpu.memory_space<vmem>>) target(%dma_start3A_36 : memref<128x128xf32, #tpu.memory_space<vmem_shared>>) target_semaphore(%run_scoped3A : memref<!tpu.dma_semaphore, #tpu.memory_space<semaphore_mem>>)
      %dma_wait3A = arith.constant 0 : i32
      %dma_wait3A_37 = tpu.memref_slice %arg16[%add3A_7, %dma_wait3A] : memref<10240x128xf32, #tpu.memory_space<vmem_shared>> -> memref<128x128xf32, #tpu.memory_space<vmem_shared>>
      %dma_wait3A_38 = arith.constant 0 : i32
      %dma_wait3A_39 = tpu.memref_slice %arg16[%add3A_7, %dma_wait3A_38] : memref<10240x128xf32, #tpu.memory_space<vmem_shared>> -> memref<128x128xf32, #tpu.memory_space<vmem_shared>>
      tpu.wait_dma2 semaphore(%run_scoped3A : memref<!tpu.dma_semaphore, #tpu.memory_space<semaphore_mem>>) src(%arg10 : memref<128x128xf32, #tpu.memory_space<vmem>>) dst(%dma_wait3A_39 : memref<128x128xf32, #tpu.memory_space<vmem_shared>>)
      tpu.yield
    }) : () -> ()
    %add3A_8 = arith.constant 128 : i32
    %add3A_9 = arith.addi %mul3A_6, %add3A_8 : i32
    "tpu.region"() ({
      %run_scoped3A = tpu.sem_alloc : memref<!tpu.dma_semaphore, #tpu.memory_space<semaphore_mem>>
      %dma_start3A = arith.constant 0 : i32
      %dma_start3A_34 = tpu.memref_slice %arg16[%add3A_9, %dma_start3A] : memref<10240x128xf32, #tpu.memory_space<vmem_shared>> -> memref<128x128xf32, #tpu.memory_space<vmem_shared>>
      %dma_start3A_35 = arith.constant 0 : i32
      %dma_start3A_36 = tpu.memref_slice %arg16[%add3A_9, %dma_start3A_35] : memref<10240x128xf32, #tpu.memory_space<vmem_shared>> -> memref<128x128xf32, #tpu.memory_space<vmem_shared>>
      tpu.enqueue_dma source(%arg10 : memref<128x128xf32, #tpu.memory_space<vmem>>) target(%dma_start3A_36 : memref<128x128xf32, #tpu.memory_space<vmem_shared>>) target_semaphore(%run_scoped3A : memref<!tpu.dma_semaphore, #tpu.memory_space<semaphore_mem>>)
      %dma_wait3A = arith.constant 0 : i32
      %dma_wait3A_37 = tpu.memref_slice %arg16[%add3A_9, %dma_wait3A] : memref<10240x128xf32, #tpu.memory_space<vmem_shared>> -> memref<128x128xf32, #tpu.memory_space<vmem_shared>>
      %dma_wait3A_38 = arith.constant 0 : i32
      %dma_wait3A_39 = tpu.memref_slice %arg16[%add3A_9, %dma_wait3A_38] : memref<10240x128xf32, #tpu.memory_space<vmem_shared>> -> memref<128x128xf32, #tpu.memory_space<vmem_shared>>
      tpu.wait_dma2 semaphore(%run_scoped3A : memref<!tpu.dma_semaphore, #tpu.memory_space<semaphore_mem>>) src(%arg10 : memref<128x128xf32, #tpu.memory_space<vmem>>) dst(%dma_wait3A_39 : memref<128x128xf32, #tpu.memory_space<vmem_shared>>)
      tpu.yield
    }) : () -> ()
    %add3A_10 = arith.constant 256 : i32
    %add3A_11 = arith.addi %mul3A_6, %add3A_10 : i32
    "tpu.region"() ({
      %run_scoped3A = tpu.sem_alloc : memref<!tpu.dma_semaphore, #tpu.memory_space<semaphore_mem>>
      %dma_start3A = arith.constant 0 : i32
      %dma_start3A_34 = tpu.memref_slice %arg16[%add3A_11, %dma_start3A] : memref<10240x128xf32, #tpu.memory_space<vmem_shared>> -> memref<128x128xf32, #tpu.memory_space<vmem_shared>>
      %dma_start3A_35 = arith.constant 0 : i32
      %dma_start3A_36 = tpu.memref_slice %arg16[%add3A_11, %dma_start3A_35] : memref<10240x128xf32, #tpu.memory_space<vmem_shared>> -> memref<128x128xf32, #tpu.memory_space<vmem_shared>>
      tpu.enqueue_dma source(%arg10 : memref<128x128xf32, #tpu.memory_space<vmem>>) target(%dma_start3A_36 : memref<128x128xf32, #tpu.memory_space<vmem_shared>>) target_semaphore(%run_scoped3A : memref<!tpu.dma_semaphore, #tpu.memory_space<semaphore_mem>>)
      %dma_wait3A = arith.constant 0 : i32
      %dma_wait3A_37 = tpu.memref_slice %arg16[%add3A_11, %dma_wait3A] : memref<10240x128xf32, #tpu.memory_space<vmem_shared>> -> memref<128x128xf32, #tpu.memory_space<vmem_shared>>
      %dma_wait3A_38 = arith.constant 0 : i32
      %dma_wait3A_39 = tpu.memref_slice %arg16[%add3A_11, %dma_wait3A_38] : memref<10240x128xf32, #tpu.memory_space<vmem_shared>> -> memref<128x128xf32, #tpu.memory_space<vmem_shared>>
      tpu.wait_dma2 semaphore(%run_scoped3A : memref<!tpu.dma_semaphore, #tpu.memory_space<semaphore_mem>>) src(%arg10 : memref<128x128xf32, #tpu.memory_space<vmem>>) dst(%dma_wait3A_39 : memref<128x128xf32, #tpu.memory_space<vmem_shared>>)
      tpu.yield
    }) : () -> ()
    %add3A_12 = arith.constant 384 : i32
    %add3A_13 = arith.addi %mul3A_6, %add3A_12 : i32
    "tpu.region"() ({
      %run_scoped3A = tpu.sem_alloc : memref<!tpu.dma_semaphore, #tpu.memory_space<semaphore_mem>>
      %dma_start3A = arith.constant 0 : i32
      %dma_start3A_34 = tpu.memref_slice %arg16[%add3A_13, %dma_start3A] : memref<10240x128xf32, #tpu.memory_space<vmem_shared>> -> memref<128x128xf32, #tpu.memory_space<vmem_shared>>
      %dma_start3A_35 = arith.constant 0 : i32
      %dma_start3A_36 = tpu.memref_slice %arg16[%add3A_13, %dma_start3A_35] : memref<10240x128xf32, #tpu.memory_space<vmem_shared>> -> memref<128x128xf32, #tpu.memory_space<vmem_shared>>
      tpu.enqueue_dma source(%arg10 : memref<128x128xf32, #tpu.memory_space<vmem>>) target(%dma_start3A_36 : memref<128x128xf32, #tpu.memory_space<vmem_shared>>) target_semaphore(%run_scoped3A : memref<!tpu.dma_semaphore, #tpu.memory_space<semaphore_mem>>)
      %dma_wait3A = arith.constant 0 : i32
      %dma_wait3A_37 = tpu.memref_slice %arg16[%add3A_13, %dma_wait3A] : memref<10240x128xf32, #tpu.memory_space<vmem_shared>> -> memref<128x128xf32, #tpu.memory_space<vmem_shared>>
      %dma_wait3A_38 = arith.constant 0 : i32
      %dma_wait3A_39 = tpu.memref_slice %arg16[%add3A_13, %dma_wait3A_38] : memref<10240x128xf32, #tpu.memory_space<vmem_shared>> -> memref<128x128xf32, #tpu.memory_space<vmem_shared>>
      tpu.wait_dma2 semaphore(%run_scoped3A : memref<!tpu.dma_semaphore, #tpu.memory_space<semaphore_mem>>) src(%arg10 : memref<128x128xf32, #tpu.memory_space<vmem>>) dst(%dma_wait3A_39 : memref<128x128xf32, #tpu.memory_space<vmem_shared>>)
      tpu.yield
    }) : () -> ()
    %add3A_14 = arith.constant 512 : i32
    %add3A_15 = arith.addi %mul3A_6, %add3A_14 : i32
    "tpu.region"() ({
      %run_scoped3A = tpu.sem_alloc : memref<!tpu.dma_semaphore, #tpu.memory_space<semaphore_mem>>
      %dma_start3A = arith.constant 0 : i32
      %dma_start3A_34 = tpu.memref_slice %arg16[%add3A_15, %dma_start3A] : memref<10240x128xf32, #tpu.memory_space<vmem_shared>> -> memref<128x128xf32, #tpu.memory_space<vmem_shared>>
      %dma_start3A_35 = arith.constant 0 : i32
      %dma_start3A_36 = tpu.memref_slice %arg16[%add3A_15, %dma_start3A_35] : memref<10240x128xf32, #tpu.memory_space<vmem_shared>> -> memref<128x128xf32, #tpu.memory_space<vmem_shared>>
      tpu.enqueue_dma source(%arg10 : memref<128x128xf32, #tpu.memory_space<vmem>>) target(%dma_start3A_36 : memref<128x128xf32, #tpu.memory_space<vmem_shared>>) target_semaphore(%run_scoped3A : memref<!tpu.dma_semaphore, #tpu.memory_space<semaphore_mem>>)
      %dma_wait3A = arith.constant 0 : i32
      %dma_wait3A_37 = tpu.memref_slice %arg16[%add3A_15, %dma_wait3A] : memref<10240x128xf32, #tpu.memory_space<vmem_shared>> -> memref<128x128xf32, #tpu.memory_space<vmem_shared>>
      %dma_wait3A_38 = arith.constant 0 : i32
      %dma_wait3A_39 = tpu.memref_slice %arg16[%add3A_15, %dma_wait3A_38] : memref<10240x128xf32, #tpu.memory_space<vmem_shared>> -> memref<128x128xf32, #tpu.memory_space<vmem_shared>>
      tpu.wait_dma2 semaphore(%run_scoped3A : memref<!tpu.dma_semaphore, #tpu.memory_space<semaphore_mem>>) src(%arg10 : memref<128x128xf32, #tpu.memory_space<vmem>>) dst(%dma_wait3A_39 : memref<128x128xf32, #tpu.memory_space<vmem_shared>>)
      tpu.yield
    }) : () -> ()
    %barrier3A = arith.constant 0 : index
    tpu.barrier barrier_id(%barrier3A)
    %eq3A = arith.constant 0 : i32
    %eq3A_16 = arith.cmpi eq, %arg0, %eq3A : i32
    %convert_element_type3A = arith.extui %eq3A_16 : i1 to i32
    %cond3A = arith.constant 0 : i32
    %cond3A_17 = arith.cmpi ne, %convert_element_type3A, %cond3A : i32
    scf.if %cond3A_17 {
      %scan3A_34 = arith.constant 0 : i32
      %scan3A_35 = arith.constant 0 : i32
      %scan3A_36 = arith.constant 4 : i32
      %scan3A_37 = arith.addi %scan3A_35, %scan3A_36 : i32
      %scan3A_38 = arith.constant 1 : i32
      %scan3A_39 = scf.for %scan3A_41 = %scan3A_35 to %scan3A_37 step %scan3A_38 iter_args(%scan3A_42 = %scan3A_34) -> (i32)  : i32 {
        %mul3A_43 = arith.constant 160 : i32
        %mul3A_44 = arith.muli %arg1, %mul3A_43 : i32
        %mul3A_45 = arith.constant 40 : i32
        %mul3A_46 = arith.muli %scan3A_41, %mul3A_45 : i32
        %add3A_47 = arith.addi %mul3A_44, %mul3A_46 : i32
        "tpu.region"() ({
          %run_scoped3A = tpu.sem_alloc : memref<!tpu.dma_semaphore, #tpu.memory_space<semaphore_mem>>
          %dma_start3A = arith.constant 0 : i32
          %dma_start3A_56 = tpu.memref_slice %arg4[%add3A_47, %dma_start3A] : memref<2560x128xi32, #tpu.memory_space<hbm>> -> memref<40x128xi32, #tpu.memory_space<hbm>>
          %dma_start3A_57 = arith.constant 0 : i32
          %dma_start3A_58 = tpu.memref_slice %arg4[%add3A_47, %dma_start3A_57] : memref<2560x128xi32, #tpu.memory_space<hbm>> -> memref<40x128xi32, #tpu.memory_space<hbm>>
          tpu.enqueue_dma source(%dma_start3A_58 : memref<40x128xi32, #tpu.memory_space<hbm>>) target(%arg8 : memref<40x128xi32, #tpu.memory_space<vmem>>) target_semaphore(%run_scoped3A : memref<!tpu.dma_semaphore, #tpu.memory_space<semaphore_mem>>)
          %dma_wait3A = arith.constant 0 : i32
          %dma_wait3A_59 = tpu.memref_slice %arg4[%add3A_47, %dma_wait3A] : memref<2560x128xi32, #tpu.memory_space<hbm>> -> memref<40x128xi32, #tpu.memory_space<hbm>>
          %dma_wait3A_60 = arith.constant 0 : i32
          %dma_wait3A_61 = tpu.memref_slice %arg4[%add3A_47, %dma_wait3A_60] : memref<2560x128xi32, #tpu.memory_space<hbm>> -> memref<40x128xi32, #tpu.memory_space<hbm>>
          tpu.wait_dma2 semaphore(%run_scoped3A : memref<!tpu.dma_semaphore, #tpu.memory_space<semaphore_mem>>) src(%dma_wait3A_61 : memref<40x128xi32, #tpu.memory_space<hbm>>) dst(%arg8 : memref<40x128xi32, #tpu.memory_space<vmem>>)
          tpu.yield
        }) : () -> ()
        "tpu.region"() ({
          %run_scoped3A = tpu.sem_alloc : memref<!tpu.dma_semaphore, #tpu.memory_space<semaphore_mem>>
          %dma_start3A = arith.constant 0 : i32
          %dma_start3A_56 = tpu.memref_slice %arg5[%add3A_47, %dma_start3A] : memref<2560x128xi32, #tpu.memory_space<hbm>> -> memref<40x128xi32, #tpu.memory_space<hbm>>
          %dma_start3A_57 = arith.constant 0 : i32
          %dma_start3A_58 = tpu.memref_slice %arg5[%add3A_47, %dma_start3A_57] : memref<2560x128xi32, #tpu.memory_space<hbm>> -> memref<40x128xi32, #tpu.memory_space<hbm>>
          tpu.enqueue_dma source(%dma_start3A_58 : memref<40x128xi32, #tpu.memory_space<hbm>>) target(%arg9 : memref<40x128xi32, #tpu.memory_space<vmem>>) target_semaphore(%run_scoped3A : memref<!tpu.dma_semaphore, #tpu.memory_space<semaphore_mem>>)
          %dma_wait3A = arith.constant 0 : i32
          %dma_wait3A_59 = tpu.memref_slice %arg5[%add3A_47, %dma_wait3A] : memref<2560x128xi32, #tpu.memory_space<hbm>> -> memref<40x128xi32, #tpu.memory_space<hbm>>
          %dma_wait3A_60 = arith.constant 0 : i32
          %dma_wait3A_61 = tpu.memref_slice %arg5[%add3A_47, %dma_wait3A_60] : memref<2560x128xi32, #tpu.memory_space<hbm>> -> memref<40x128xi32, #tpu.memory_space<hbm>>
          tpu.wait_dma2 semaphore(%run_scoped3A : memref<!tpu.dma_semaphore, #tpu.memory_space<semaphore_mem>>) src(%dma_wait3A_61 : memref<40x128xi32, #tpu.memory_space<hbm>>) dst(%arg9 : memref<40x128xi32, #tpu.memory_space<vmem>>)
          tpu.yield
        }) : () -> ()
        %scan3A_48 = arith.constant 0 : i32
        %scan3A_49 = arith.constant 0 : i32
        %scan3A_50 = arith.constant 20 : i32
        %scan3A_51 = arith.addi %scan3A_49, %scan3A_50 : i32
        %scan3A_52 = arith.constant 1 : i32
        %scan3A_53 = scf.for %scan3A_56 = %scan3A_49 to %scan3A_51 step %scan3A_52 iter_args(%scan3A_57 = %scan3A_48) -> (i32)  : i32 {
          %mul3A_58 = arith.constant 2 : i32
          %mul3A_59 = arith.muli %mul3A_58, %scan3A_56 : i32
          %eq3A_60 = arith.constant 0 : i32
          %eq3A_61 = arith.cmpi eq, %scan3A_56, %eq3A_60 : i32
          %convert_element_type3A_62 = arith.extui %eq3A_61 : i1 to i32
          %cond3A_63 = arith.constant 0 : i32
          %cond3A_64 = arith.cmpi ne, %convert_element_type3A_62, %cond3A_63 : i32
          scf.if %cond3A_64 {
            %dma_start3A_92 = arith.constant 0 : i32
            %dma_start3A_93 = tpu.memref_slice %arg8[%mul3A_59, %dma_start3A_92] : memref<40x128xi32, #tpu.memory_space<vmem>> -> memref<1x128xi32, #tpu.memory_space<vmem>>
            %dma_start3A_94 = tpu.memref_squeeze %dma_start3A_93 : memref<1x128xi32, #tpu.memory_space<vmem>> -> memref<128xi32, #tpu.memory_space<vmem>>
            %dma_start3A_95 = arith.constant 0 : i32
            %dma_start3A_96 = arith.constant 0 : i32
            %dma_start3A_97 = tpu.memref_slice %arg2[%dma_start3A_95, %dma_start3A_96] : memref<10240x128xf32, #tpu.memory_space<hbm>> -> memref<10240x128xf32, #tpu.memory_space<hbm>>
            tpu.enqueue_indirect_dma source(%dma_start3A_97 : memref<10240x128xf32, #tpu.memory_space<hbm>>) target(%arg10 : memref<128x128xf32, #tpu.memory_space<vmem>>) offsets(%dma_start3A_94 : memref<128xi32, #tpu.memory_space<vmem>>) semaphore(%arg12 : memref<!tpu.dma_semaphore, #tpu.memory_space<semaphore_mem>>)
          } else {
          }
          %add3A_65 = arith.constant 1 : i32
          %add3A_66 = arith.addi %mul3A_59, %add3A_65 : i32
          %dma_start3A = arith.constant 0 : i32
          %dma_start3A_67 = tpu.memref_slice %arg8[%add3A_66, %dma_start3A] : memref<40x128xi32, #tpu.memory_space<vmem>> -> memref<1x128xi32, #tpu.memory_space<vmem>>
          %dma_start3A_68 = tpu.memref_squeeze %dma_start3A_67 : memref<1x128xi32, #tpu.memory_space<vmem>> -> memref<128xi32, #tpu.memory_space<vmem>>
          %dma_start3A_69 = arith.constant 0 : i32
          %dma_start3A_70 = arith.constant 0 : i32
          %dma_start3A_71 = tpu.memref_slice %arg2[%dma_start3A_69, %dma_start3A_70] : memref<10240x128xf32, #tpu.memory_space<hbm>> -> memref<10240x128xf32, #tpu.memory_space<hbm>>
          tpu.enqueue_indirect_dma source(%dma_start3A_71 : memref<10240x128xf32, #tpu.memory_space<hbm>>) target(%arg11 : memref<128x128xf32, #tpu.memory_space<vmem>>) offsets(%dma_start3A_68 : memref<128xi32, #tpu.memory_space<vmem>>) semaphore(%arg13 : memref<!tpu.dma_semaphore, #tpu.memory_space<semaphore_mem>>)
          %dma_wait3A = arith.constant 0 : i32
          %dma_wait3A_72 = tpu.memref_slice %arg8[%mul3A_59, %dma_wait3A] : memref<40x128xi32, #tpu.memory_space<vmem>> -> memref<1x128xi32, #tpu.memory_space<vmem>>
          %dma_wait3A_73 = tpu.memref_squeeze %dma_wait3A_72 : memref<1x128xi32, #tpu.memory_space<vmem>> -> memref<128xi32, #tpu.memory_space<vmem>>
          %dma_wait3A_74 = arith.constant 0 : i32
          %dma_wait3A_75 = arith.constant 0 : i32
          %dma_wait3A_76 = tpu.memref_slice %arg2[%dma_wait3A_74, %dma_wait3A_75] : memref<10240x128xf32, #tpu.memory_space<hbm>> -> memref<10240x128xf32, #tpu.memory_space<hbm>>
          tpu.wait_indirect_dma semaphore(%arg12 : memref<!tpu.dma_semaphore, #tpu.memory_space<semaphore_mem>>) src(%dma_wait3A_76 : memref<10240x128xf32, #tpu.memory_space<hbm>>) dst(%arg10 : memref<128x128xf32, #tpu.memory_space<vmem>>)
          "tpu.region"() ({
            %run_scoped3A = tpu.sem_alloc : memref<!tpu.dma_semaphore, #tpu.memory_space<semaphore_mem>>
            %dma_start3A_92 = arith.constant 0 : i32
            %dma_start3A_93 = tpu.memref_slice %arg9[%mul3A_59, %dma_start3A_92] : memref<40x128xi32, #tpu.memory_space<vmem>> -> memref<1x128xi32, #tpu.memory_space<vmem>>
            %dma_start3A_94 = tpu.memref_squeeze %dma_start3A_93 : memref<1x128xi32, #tpu.memory_space<vmem>> -> memref<128xi32, #tpu.memory_space<vmem>>
            %dma_start3A_95 = arith.constant 0 : i32
            %dma_start3A_96 = arith.constant 0 : i32
            %dma_start3A_97 = tpu.memref_slice %arg16[%dma_start3A_95, %dma_start3A_96] : memref<10240x128xf32, #tpu.memory_space<vmem_shared>> -> memref<10240x128xf32, #tpu.memory_space<vmem_shared>>
            tpu.enqueue_indirect_dma source(%arg10 : memref<128x128xf32, #tpu.memory_space<vmem>>) target(%dma_start3A_97 : memref<10240x128xf32, #tpu.memory_space<vmem_shared>>) offsets(%dma_start3A_94 : memref<128xi32, #tpu.memory_space<vmem>>) semaphore(%run_scoped3A : memref<!tpu.dma_semaphore, #tpu.memory_space<semaphore_mem>>) {add = true}
            %dma_wait3A_98 = arith.constant 0 : i32
            %dma_wait3A_99 = tpu.memref_slice %arg9[%mul3A_59, %dma_wait3A_98] : memref<40x128xi32, #tpu.memory_space<vmem>> -> memref<1x128xi32, #tpu.memory_space<vmem>>
            %dma_wait3A_100 = tpu.memref_squeeze %dma_wait3A_99 : memref<1x128xi32, #tpu.memory_space<vmem>> -> memref<128xi32, #tpu.memory_space<vmem>>
            %dma_wait3A_101 = arith.constant 0 : i32
            %dma_wait3A_102 = arith.constant 0 : i32
            %dma_wait3A_103 = tpu.memref_slice %arg16[%dma_wait3A_101, %dma_wait3A_102] : memref<10240x128xf32, #tpu.memory_space<vmem_shared>> -> memref<10240x128xf32, #tpu.memory_space<vmem_shared>>
            tpu.wait_indirect_dma semaphore(%run_scoped3A : memref<!tpu.dma_semaphore, #tpu.memory_space<semaphore_mem>>) src(%arg10 : memref<128x128xf32, #tpu.memory_space<vmem>>) dst(%dma_wait3A_103 : memref<10240x128xf32, #tpu.memory_space<vmem_shared>>)
            tpu.yield
          }) : () -> ()
          %lt3A = arith.constant 19 : i32
          %lt3A_77 = arith.cmpi slt, %scan3A_56, %lt3A : i32
          %convert_element_type3A_78 = arith.extui %lt3A_77 : i1 to i32
          %cond3A_79 = arith.constant 0 : i32
          %cond3A_80 = arith.cmpi ne, %convert_element_type3A_78, %cond3A_79 : i32
          scf.if %cond3A_80 {
            %add3A_92 = arith.constant 2 : i32
            %add3A_93 = arith.addi %mul3A_59, %add3A_92 : i32
            %dma_start3A_94 = arith.constant 0 : i32
            %dma_start3A_95 = tpu.memref_slice %arg8[%add3A_93, %dma_start3A_94] : memref<40x128xi32, #tpu.memory_space<vmem>> -> memref<1x128xi32, #tpu.memory_space<vmem>>
            %dma_start3A_96 = tpu.memref_squeeze %dma_start3A_95 : memref<1x128xi32, #tpu.memory_space<vmem>> -> memref<128xi32, #tpu.memory_space<vmem>>
            %dma_start3A_97 = arith.constant 0 : i32
            %dma_start3A_98 = arith.constant 0 : i32
            %dma_start3A_99 = tpu.memref_slice %arg2[%dma_start3A_97, %dma_start3A_98] : memref<10240x128xf32, #tpu.memory_space<hbm>> -> memref<10240x128xf32, #tpu.memory_space<hbm>>
            tpu.enqueue_indirect_dma source(%dma_start3A_99 : memref<10240x128xf32, #tpu.memory_space<hbm>>) target(%arg10 : memref<128x128xf32, #tpu.memory_space<vmem>>) offsets(%dma_start3A_96 : memref<128xi32, #tpu.memory_space<vmem>>) semaphore(%arg12 : memref<!tpu.dma_semaphore, #tpu.memory_space<semaphore_mem>>)
          } else {
          }
          %add3A_81 = arith.constant 1 : i32
          %add3A_82 = arith.addi %mul3A_59, %add3A_81 : i32
          %dma_wait3A_83 = arith.constant 0 : i32
          %dma_wait3A_84 = tpu.memref_slice %arg8[%add3A_82, %dma_wait3A_83] : memref<40x128xi32, #tpu.memory_space<vmem>> -> memref<1x128xi32, #tpu.memory_space<vmem>>
          %dma_wait3A_85 = tpu.memref_squeeze %dma_wait3A_84 : memref<1x128xi32, #tpu.memory_space<vmem>> -> memref<128xi32, #tpu.memory_space<vmem>>
          %dma_wait3A_86 = arith.constant 0 : i32
          %dma_wait3A_87 = arith.constant 0 : i32
          %dma_wait3A_88 = tpu.memref_slice %arg2[%dma_wait3A_86, %dma_wait3A_87] : memref<10240x128xf32, #tpu.memory_space<hbm>> -> memref<10240x128xf32, #tpu.memory_space<hbm>>
          tpu.wait_indirect_dma semaphore(%arg13 : memref<!tpu.dma_semaphore, #tpu.memory_space<semaphore_mem>>) src(%dma_wait3A_88 : memref<10240x128xf32, #tpu.memory_space<hbm>>) dst(%arg11 : memref<128x128xf32, #tpu.memory_space<vmem>>)
          %add3A_89 = arith.constant 1 : i32
          %add3A_90 = arith.addi %mul3A_59, %add3A_89 : i32
          "tpu.region"() ({
            %run_scoped3A = tpu.sem_alloc : memref<!tpu.dma_semaphore, #tpu.memory_space<semaphore_mem>>
            %dma_start3A_92 = arith.constant 0 : i32
            %dma_start3A_93 = tpu.memref_slice %arg9[%add3A_90, %dma_start3A_92] : memref<40x128xi32, #tpu.memory_space<vmem>> -> memref<1x128xi32, #tpu.memory_space<vmem>>
            %dma_start3A_94 = tpu.memref_squeeze %dma_start3A_93 : memref<1x128xi32, #tpu.memory_space<vmem>> -> memref<128xi32, #tpu.memory_space<vmem>>
            %dma_start3A_95 = arith.constant 0 : i32
            %dma_start3A_96 = arith.constant 0 : i32
            %dma_start3A_97 = tpu.memref_slice %arg16[%dma_start3A_95, %dma_start3A_96] : memref<10240x128xf32, #tpu.memory_space<vmem_shared>> -> memref<10240x128xf32, #tpu.memory_space<vmem_shared>>
            tpu.enqueue_indirect_dma source(%arg11 : memref<128x128xf32, #tpu.memory_space<vmem>>) target(%dma_start3A_97 : memref<10240x128xf32, #tpu.memory_space<vmem_shared>>) offsets(%dma_start3A_94 : memref<128xi32, #tpu.memory_space<vmem>>) semaphore(%run_scoped3A : memref<!tpu.dma_semaphore, #tpu.memory_space<semaphore_mem>>) {add = true}
            %dma_wait3A_98 = arith.constant 0 : i32
            %dma_wait3A_99 = tpu.memref_slice %arg9[%add3A_90, %dma_wait3A_98] : memref<40x128xi32, #tpu.memory_space<vmem>> -> memref<1x128xi32, #tpu.memory_space<vmem>>
            %dma_wait3A_100 = tpu.memref_squeeze %dma_wait3A_99 : memref<1x128xi32, #tpu.memory_space<vmem>> -> memref<128xi32, #tpu.memory_space<vmem>>
            %dma_wait3A_101 = arith.constant 0 : i32
            %dma_wait3A_102 = arith.constant 0 : i32
            %dma_wait3A_103 = tpu.memref_slice %arg16[%dma_wait3A_101, %dma_wait3A_102] : memref<10240x128xf32, #tpu.memory_space<vmem_shared>> -> memref<10240x128xf32, #tpu.memory_space<vmem_shared>>
            tpu.wait_indirect_dma semaphore(%run_scoped3A : memref<!tpu.dma_semaphore, #tpu.memory_space<semaphore_mem>>) src(%arg11 : memref<128x128xf32, #tpu.memory_space<vmem>>) dst(%dma_wait3A_103 : memref<10240x128xf32, #tpu.memory_space<vmem_shared>>)
            tpu.yield
          }) : () -> ()
          %scan3A_91 = arith.constant 0 : i32
          scf.yield %scan3A_91 : i32
        }
        %scan3A_54 = arith.constant 20 : i32
        %scan3A_55 = arith.constant 0 : i32
        scf.yield %scan3A_55 : i32
      }
      %scan3A_40 = arith.constant 4 : i32
    } else {
    }
    %eq3A_18 = arith.constant 1 : i32
    %eq3A_19 = arith.cmpi eq, %arg0, %eq3A_18 : i32
    %convert_element_type3A_20 = arith.extui %eq3A_19 : i1 to i32
    %cond3A_21 = arith.constant 0 : i32
    %cond3A_22 = arith.cmpi ne, %convert_element_type3A_20, %cond3A_21 : i32
    scf.if %cond3A_22 {
      %scan3A_34 = arith.constant 0 : i32
      %scan3A_35 = arith.constant 0 : i32
      %scan3A_36 = arith.constant 4 : i32
      %scan3A_37 = arith.addi %scan3A_35, %scan3A_36 : i32
      %scan3A_38 = arith.constant 1 : i32
      %scan3A_39 = scf.for %scan3A_41 = %scan3A_35 to %scan3A_37 step %scan3A_38 iter_args(%scan3A_42 = %scan3A_34) -> (i32)  : i32 {
        %mul3A_43 = arith.constant 160 : i32
        %mul3A_44 = arith.muli %arg1, %mul3A_43 : i32
        %mul3A_45 = arith.constant 40 : i32
        %mul3A_46 = arith.muli %scan3A_41, %mul3A_45 : i32
        %add3A_47 = arith.addi %mul3A_44, %mul3A_46 : i32
        "tpu.region"() ({
          %run_scoped3A = tpu.sem_alloc : memref<!tpu.dma_semaphore, #tpu.memory_space<semaphore_mem>>
          %dma_start3A = arith.constant 0 : i32
          %dma_start3A_56 = tpu.memref_slice %arg4[%add3A_47, %dma_start3A] : memref<2560x128xi32, #tpu.memory_space<hbm>> -> memref<40x128xi32, #tpu.memory_space<hbm>>
          %dma_start3A_57 = arith.constant 0 : i32
          %dma_start3A_58 = tpu.memref_slice %arg4[%add3A_47, %dma_start3A_57] : memref<2560x128xi32, #tpu.memory_space<hbm>> -> memref<40x128xi32, #tpu.memory_space<hbm>>
          tpu.enqueue_dma source(%dma_start3A_58 : memref<40x128xi32, #tpu.memory_space<hbm>>) target(%arg8 : memref<40x128xi32, #tpu.memory_space<vmem>>) target_semaphore(%run_scoped3A : memref<!tpu.dma_semaphore, #tpu.memory_space<semaphore_mem>>)
          %dma_wait3A = arith.constant 0 : i32
          %dma_wait3A_59 = tpu.memref_slice %arg4[%add3A_47, %dma_wait3A] : memref<2560x128xi32, #tpu.memory_space<hbm>> -> memref<40x128xi32, #tpu.memory_space<hbm>>
          %dma_wait3A_60 = arith.constant 0 : i32
          %dma_wait3A_61 = tpu.memref_slice %arg4[%add3A_47, %dma_wait3A_60] : memref<2560x128xi32, #tpu.memory_space<hbm>> -> memref<40x128xi32, #tpu.memory_space<hbm>>
          tpu.wait_dma2 semaphore(%run_scoped3A : memref<!tpu.dma_semaphore, #tpu.memory_space<semaphore_mem>>) src(%dma_wait3A_61 : memref<40x128xi32, #tpu.memory_space<hbm>>) dst(%arg8 : memref<40x128xi32, #tpu.memory_space<vmem>>)
          tpu.yield
        }) : () -> ()
        "tpu.region"() ({
          %run_scoped3A = tpu.sem_alloc : memref<!tpu.dma_semaphore, #tpu.memory_space<semaphore_mem>>
          %dma_start3A = arith.constant 0 : i32
          %dma_start3A_56 = tpu.memref_slice %arg5[%add3A_47, %dma_start3A] : memref<2560x128xi32, #tpu.memory_space<hbm>> -> memref<40x128xi32, #tpu.memory_space<hbm>>
          %dma_start3A_57 = arith.constant 0 : i32
          %dma_start3A_58 = tpu.memref_slice %arg5[%add3A_47, %dma_start3A_57] : memref<2560x128xi32, #tpu.memory_space<hbm>> -> memref<40x128xi32, #tpu.memory_space<hbm>>
          tpu.enqueue_dma source(%dma_start3A_58 : memref<40x128xi32, #tpu.memory_space<hbm>>) target(%arg9 : memref<40x128xi32, #tpu.memory_space<vmem>>) target_semaphore(%run_scoped3A : memref<!tpu.dma_semaphore, #tpu.memory_space<semaphore_mem>>)
          %dma_wait3A = arith.constant 0 : i32
          %dma_wait3A_59 = tpu.memref_slice %arg5[%add3A_47, %dma_wait3A] : memref<2560x128xi32, #tpu.memory_space<hbm>> -> memref<40x128xi32, #tpu.memory_space<hbm>>
          %dma_wait3A_60 = arith.constant 0 : i32
          %dma_wait3A_61 = tpu.memref_slice %arg5[%add3A_47, %dma_wait3A_60] : memref<2560x128xi32, #tpu.memory_space<hbm>> -> memref<40x128xi32, #tpu.memory_space<hbm>>
          tpu.wait_dma2 semaphore(%run_scoped3A : memref<!tpu.dma_semaphore, #tpu.memory_space<semaphore_mem>>) src(%dma_wait3A_61 : memref<40x128xi32, #tpu.memory_space<hbm>>) dst(%arg9 : memref<40x128xi32, #tpu.memory_space<vmem>>)
          tpu.yield
        }) : () -> ()
        %scan3A_48 = arith.constant 0 : i32
        %scan3A_49 = arith.constant 0 : i32
        %scan3A_50 = arith.constant 20 : i32
        %scan3A_51 = arith.addi %scan3A_49, %scan3A_50 : i32
        %scan3A_52 = arith.constant 1 : i32
        %scan3A_53 = scf.for %scan3A_56 = %scan3A_49 to %scan3A_51 step %scan3A_52 iter_args(%scan3A_57 = %scan3A_48) -> (i32)  : i32 {
          %mul3A_58 = arith.constant 2 : i32
          %mul3A_59 = arith.muli %mul3A_58, %scan3A_56 : i32
          %eq3A_60 = arith.constant 0 : i32
          %eq3A_61 = arith.cmpi eq, %scan3A_56, %eq3A_60 : i32
          %convert_element_type3A_62 = arith.extui %eq3A_61 : i1 to i32
          %cond3A_63 = arith.constant 0 : i32
          %cond3A_64 = arith.cmpi ne, %convert_element_type3A_62, %cond3A_63 : i32
          scf.if %cond3A_64 {
            %dma_start3A_92 = arith.constant 0 : i32
            %dma_start3A_93 = tpu.memref_slice %arg8[%mul3A_59, %dma_start3A_92] : memref<40x128xi32, #tpu.memory_space<vmem>> -> memref<1x128xi32, #tpu.memory_space<vmem>>
            %dma_start3A_94 = tpu.memref_squeeze %dma_start3A_93 : memref<1x128xi32, #tpu.memory_space<vmem>> -> memref<128xi32, #tpu.memory_space<vmem>>
            %dma_start3A_95 = arith.constant 0 : i32
            %dma_start3A_96 = arith.constant 0 : i32
            %dma_start3A_97 = tpu.memref_slice %arg3[%dma_start3A_95, %dma_start3A_96] : memref<10240x128xf32, #tpu.memory_space<hbm>> -> memref<10240x128xf32, #tpu.memory_space<hbm>>
            tpu.enqueue_indirect_dma source(%dma_start3A_97 : memref<10240x128xf32, #tpu.memory_space<hbm>>) target(%arg10 : memref<128x128xf32, #tpu.memory_space<vmem>>) offsets(%dma_start3A_94 : memref<128xi32, #tpu.memory_space<vmem>>) semaphore(%arg12 : memref<!tpu.dma_semaphore, #tpu.memory_space<semaphore_mem>>)
          } else {
          }
          %add3A_65 = arith.constant 1 : i32
          %add3A_66 = arith.addi %mul3A_59, %add3A_65 : i32
          %dma_start3A = arith.constant 0 : i32
          %dma_start3A_67 = tpu.memref_slice %arg8[%add3A_66, %dma_start3A] : memref<40x128xi32, #tpu.memory_space<vmem>> -> memref<1x128xi32, #tpu.memory_space<vmem>>
          %dma_start3A_68 = tpu.memref_squeeze %dma_start3A_67 : memref<1x128xi32, #tpu.memory_space<vmem>> -> memref<128xi32, #tpu.memory_space<vmem>>
          %dma_start3A_69 = arith.constant 0 : i32
          %dma_start3A_70 = arith.constant 0 : i32
          %dma_start3A_71 = tpu.memref_slice %arg3[%dma_start3A_69, %dma_start3A_70] : memref<10240x128xf32, #tpu.memory_space<hbm>> -> memref<10240x128xf32, #tpu.memory_space<hbm>>
          tpu.enqueue_indirect_dma source(%dma_start3A_71 : memref<10240x128xf32, #tpu.memory_space<hbm>>) target(%arg11 : memref<128x128xf32, #tpu.memory_space<vmem>>) offsets(%dma_start3A_68 : memref<128xi32, #tpu.memory_space<vmem>>) semaphore(%arg13 : memref<!tpu.dma_semaphore, #tpu.memory_space<semaphore_mem>>)
          %dma_wait3A = arith.constant 0 : i32
          %dma_wait3A_72 = tpu.memref_slice %arg8[%mul3A_59, %dma_wait3A] : memref<40x128xi32, #tpu.memory_space<vmem>> -> memref<1x128xi32, #tpu.memory_space<vmem>>
          %dma_wait3A_73 = tpu.memref_squeeze %dma_wait3A_72 : memref<1x128xi32, #tpu.memory_space<vmem>> -> memref<128xi32, #tpu.memory_space<vmem>>
          %dma_wait3A_74 = arith.constant 0 : i32
          %dma_wait3A_75 = arith.constant 0 : i32
          %dma_wait3A_76 = tpu.memref_slice %arg3[%dma_wait3A_74, %dma_wait3A_75] : memref<10240x128xf32, #tpu.memory_space<hbm>> -> memref<10240x128xf32, #tpu.memory_space<hbm>>
          tpu.wait_indirect_dma semaphore(%arg12 : memref<!tpu.dma_semaphore, #tpu.memory_space<semaphore_mem>>) src(%dma_wait3A_76 : memref<10240x128xf32, #tpu.memory_space<hbm>>) dst(%arg10 : memref<128x128xf32, #tpu.memory_space<vmem>>)
          "tpu.region"() ({
            %run_scoped3A = tpu.sem_alloc : memref<!tpu.dma_semaphore, #tpu.memory_space<semaphore_mem>>
            %dma_start3A_92 = arith.constant 0 : i32
            %dma_start3A_93 = tpu.memref_slice %arg9[%mul3A_59, %dma_start3A_92] : memref<40x128xi32, #tpu.memory_space<vmem>> -> memref<1x128xi32, #tpu.memory_space<vmem>>
            %dma_start3A_94 = tpu.memref_squeeze %dma_start3A_93 : memref<1x128xi32, #tpu.memory_space<vmem>> -> memref<128xi32, #tpu.memory_space<vmem>>
            %dma_start3A_95 = arith.constant 0 : i32
            %dma_start3A_96 = arith.constant 0 : i32
            %dma_start3A_97 = tpu.memref_slice %arg16[%dma_start3A_95, %dma_start3A_96] : memref<10240x128xf32, #tpu.memory_space<vmem_shared>> -> memref<10240x128xf32, #tpu.memory_space<vmem_shared>>
            tpu.enqueue_indirect_dma source(%arg10 : memref<128x128xf32, #tpu.memory_space<vmem>>) target(%dma_start3A_97 : memref<10240x128xf32, #tpu.memory_space<vmem_shared>>) offsets(%dma_start3A_94 : memref<128xi32, #tpu.memory_space<vmem>>) semaphore(%run_scoped3A : memref<!tpu.dma_semaphore, #tpu.memory_space<semaphore_mem>>) {add = true}
            %dma_wait3A_98 = arith.constant 0 : i32
            %dma_wait3A_99 = tpu.memref_slice %arg9[%mul3A_59, %dma_wait3A_98] : memref<40x128xi32, #tpu.memory_space<vmem>> -> memref<1x128xi32, #tpu.memory_space<vmem>>
            %dma_wait3A_100 = tpu.memref_squeeze %dma_wait3A_99 : memref<1x128xi32, #tpu.memory_space<vmem>> -> memref<128xi32, #tpu.memory_space<vmem>>
            %dma_wait3A_101 = arith.constant 0 : i32
            %dma_wait3A_102 = arith.constant 0 : i32
            %dma_wait3A_103 = tpu.memref_slice %arg16[%dma_wait3A_101, %dma_wait3A_102] : memref<10240x128xf32, #tpu.memory_space<vmem_shared>> -> memref<10240x128xf32, #tpu.memory_space<vmem_shared>>
            tpu.wait_indirect_dma semaphore(%run_scoped3A : memref<!tpu.dma_semaphore, #tpu.memory_space<semaphore_mem>>) src(%arg10 : memref<128x128xf32, #tpu.memory_space<vmem>>) dst(%dma_wait3A_103 : memref<10240x128xf32, #tpu.memory_space<vmem_shared>>)
            tpu.yield
          }) : () -> ()
          %lt3A = arith.constant 19 : i32
          %lt3A_77 = arith.cmpi slt, %scan3A_56, %lt3A : i32
          %convert_element_type3A_78 = arith.extui %lt3A_77 : i1 to i32
          %cond3A_79 = arith.constant 0 : i32
          %cond3A_80 = arith.cmpi ne, %convert_element_type3A_78, %cond3A_79 : i32
          scf.if %cond3A_80 {
            %add3A_92 = arith.constant 2 : i32
            %add3A_93 = arith.addi %mul3A_59, %add3A_92 : i32
            %dma_start3A_94 = arith.constant 0 : i32
            %dma_start3A_95 = tpu.memref_slice %arg8[%add3A_93, %dma_start3A_94] : memref<40x128xi32, #tpu.memory_space<vmem>> -> memref<1x128xi32, #tpu.memory_space<vmem>>
            %dma_start3A_96 = tpu.memref_squeeze %dma_start3A_95 : memref<1x128xi32, #tpu.memory_space<vmem>> -> memref<128xi32, #tpu.memory_space<vmem>>
            %dma_start3A_97 = arith.constant 0 : i32
            %dma_start3A_98 = arith.constant 0 : i32
            %dma_start3A_99 = tpu.memref_slice %arg3[%dma_start3A_97, %dma_start3A_98] : memref<10240x128xf32, #tpu.memory_space<hbm>> -> memref<10240x128xf32, #tpu.memory_space<hbm>>
            tpu.enqueue_indirect_dma source(%dma_start3A_99 : memref<10240x128xf32, #tpu.memory_space<hbm>>) target(%arg10 : memref<128x128xf32, #tpu.memory_space<vmem>>) offsets(%dma_start3A_96 : memref<128xi32, #tpu.memory_space<vmem>>) semaphore(%arg12 : memref<!tpu.dma_semaphore, #tpu.memory_space<semaphore_mem>>)
          } else {
          }
          %add3A_81 = arith.constant 1 : i32
          %add3A_82 = arith.addi %mul3A_59, %add3A_81 : i32
          %dma_wait3A_83 = arith.constant 0 : i32
          %dma_wait3A_84 = tpu.memref_slice %arg8[%add3A_82, %dma_wait3A_83] : memref<40x128xi32, #tpu.memory_space<vmem>> -> memref<1x128xi32, #tpu.memory_space<vmem>>
          %dma_wait3A_85 = tpu.memref_squeeze %dma_wait3A_84 : memref<1x128xi32, #tpu.memory_space<vmem>> -> memref<128xi32, #tpu.memory_space<vmem>>
          %dma_wait3A_86 = arith.constant 0 : i32
          %dma_wait3A_87 = arith.constant 0 : i32
          %dma_wait3A_88 = tpu.memref_slice %arg3[%dma_wait3A_86, %dma_wait3A_87] : memref<10240x128xf32, #tpu.memory_space<hbm>> -> memref<10240x128xf32, #tpu.memory_space<hbm>>
          tpu.wait_indirect_dma semaphore(%arg13 : memref<!tpu.dma_semaphore, #tpu.memory_space<semaphore_mem>>) src(%dma_wait3A_88 : memref<10240x128xf32, #tpu.memory_space<hbm>>) dst(%arg11 : memref<128x128xf32, #tpu.memory_space<vmem>>)
          %add3A_89 = arith.constant 1 : i32
          %add3A_90 = arith.addi %mul3A_59, %add3A_89 : i32
          "tpu.region"() ({
            %run_scoped3A = tpu.sem_alloc : memref<!tpu.dma_semaphore, #tpu.memory_space<semaphore_mem>>
            %dma_start3A_92 = arith.constant 0 : i32
            %dma_start3A_93 = tpu.memref_slice %arg9[%add3A_90, %dma_start3A_92] : memref<40x128xi32, #tpu.memory_space<vmem>> -> memref<1x128xi32, #tpu.memory_space<vmem>>
            %dma_start3A_94 = tpu.memref_squeeze %dma_start3A_93 : memref<1x128xi32, #tpu.memory_space<vmem>> -> memref<128xi32, #tpu.memory_space<vmem>>
            %dma_start3A_95 = arith.constant 0 : i32
            %dma_start3A_96 = arith.constant 0 : i32
            %dma_start3A_97 = tpu.memref_slice %arg16[%dma_start3A_95, %dma_start3A_96] : memref<10240x128xf32, #tpu.memory_space<vmem_shared>> -> memref<10240x128xf32, #tpu.memory_space<vmem_shared>>
            tpu.enqueue_indirect_dma source(%arg11 : memref<128x128xf32, #tpu.memory_space<vmem>>) target(%dma_start3A_97 : memref<10240x128xf32, #tpu.memory_space<vmem_shared>>) offsets(%dma_start3A_94 : memref<128xi32, #tpu.memory_space<vmem>>) semaphore(%run_scoped3A : memref<!tpu.dma_semaphore, #tpu.memory_space<semaphore_mem>>) {add = true}
            %dma_wait3A_98 = arith.constant 0 : i32
            %dma_wait3A_99 = tpu.memref_slice %arg9[%add3A_90, %dma_wait3A_98] : memref<40x128xi32, #tpu.memory_space<vmem>> -> memref<1x128xi32, #tpu.memory_space<vmem>>
            %dma_wait3A_100 = tpu.memref_squeeze %dma_wait3A_99 : memref<1x128xi32, #tpu.memory_space<vmem>> -> memref<128xi32, #tpu.memory_space<vmem>>
            %dma_wait3A_101 = arith.constant 0 : i32
            %dma_wait3A_102 = arith.constant 0 : i32
            %dma_wait3A_103 = tpu.memref_slice %arg16[%dma_wait3A_101, %dma_wait3A_102] : memref<10240x128xf32, #tpu.memory_space<vmem_shared>> -> memref<10240x128xf32, #tpu.memory_space<vmem_shared>>
            tpu.wait_indirect_dma semaphore(%run_scoped3A : memref<!tpu.dma_semaphore, #tpu.memory_space<semaphore_mem>>) src(%arg11 : memref<128x128xf32, #tpu.memory_space<vmem>>) dst(%dma_wait3A_103 : memref<10240x128xf32, #tpu.memory_space<vmem_shared>>)
            tpu.yield
          }) : () -> ()
          %scan3A_91 = arith.constant 0 : i32
          scf.yield %scan3A_91 : i32
        }
        %scan3A_54 = arith.constant 20 : i32
        %scan3A_55 = arith.constant 0 : i32
        scf.yield %scan3A_55 : i32
      }
      %scan3A_40 = arith.constant 4 : i32
    } else {
    }
    %barrier3A_23 = arith.constant 0 : index
    tpu.barrier barrier_id(%barrier3A_23)
    %eq3A_24 = arith.constant 0 : i32
    %eq3A_25 = arith.cmpi eq, %arg0, %eq3A_24 : i32
    %convert_element_type3A_26 = arith.extui %eq3A_25 : i1 to i32
    %cond3A_27 = arith.constant 0 : i32
    %cond3A_28 = arith.cmpi ne, %convert_element_type3A_26, %cond3A_27 : i32
    scf.if %cond3A_28 {
      "tpu.region"() ({
        %run_scoped3A = tpu.sem_alloc : memref<!tpu.dma_semaphore, #tpu.memory_space<semaphore_mem>>
        %dma_start3A = arith.constant 0 : i32
        %dma_start3A_34 = tpu.memref_slice %arg6[%mul3A_6, %dma_start3A] : memref<10240x128xf32, #tpu.memory_space<hbm>> -> memref<640x128xf32, #tpu.memory_space<hbm>>
        %dma_start3A_35 = arith.constant 0 : i32
        %dma_start3A_36 = tpu.memref_slice %arg16[%mul3A_6, %dma_start3A_35] : memref<10240x128xf32, #tpu.memory_space<vmem_shared>> -> memref<640x128xf32, #tpu.memory_space<vmem_shared>>
        tpu.enqueue_dma source(%dma_start3A_36 : memref<640x128xf32, #tpu.memory_space<vmem_shared>>) target(%dma_start3A_34 : memref<640x128xf32, #tpu.memory_space<hbm>>) target_semaphore(%run_scoped3A : memref<!tpu.dma_semaphore, #tpu.memory_space<semaphore_mem>>)
        %dma_wait3A = arith.constant 0 : i32
        %dma_wait3A_37 = tpu.memref_slice %arg6[%mul3A_6, %dma_wait3A] : memref<10240x128xf32, #tpu.memory_space<hbm>> -> memref<640x128xf32, #tpu.memory_space<hbm>>
        %dma_wait3A_38 = arith.constant 0 : i32
        %dma_wait3A_39 = tpu.memref_slice %arg16[%mul3A_6, %dma_wait3A_38] : memref<10240x128xf32, #tpu.memory_space<vmem_shared>> -> memref<640x128xf32, #tpu.memory_space<vmem_shared>>
        tpu.wait_dma2 semaphore(%run_scoped3A : memref<!tpu.dma_semaphore, #tpu.memory_space<semaphore_mem>>) src(%dma_wait3A_39 : memref<640x128xf32, #tpu.memory_space<vmem_shared>>) dst(%dma_wait3A_37 : memref<640x128xf32, #tpu.memory_space<hbm>>)
        tpu.yield
      }) : () -> ()
    } else {
    }
    %eq3A_29 = arith.constant 1 : i32
    %eq3A_30 = arith.cmpi eq, %arg0, %eq3A_29 : i32
    %convert_element_type3A_31 = arith.extui %eq3A_30 : i1 to i32
    %cond3A_32 = arith.constant 0 : i32
    %cond3A_33 = arith.cmpi ne, %convert_element_type3A_31, %cond3A_32 : i32
    scf.if %cond3A_33 {
      "tpu.region"() ({
        %run_scoped3A = tpu.sem_alloc : memref<!tpu.dma_semaphore, #tpu.memory_space<semaphore_mem>>
        %dma_start3A = arith.constant 0 : i32
        %dma_start3A_34 = tpu.memref_slice %arg7[%mul3A_6, %dma_start3A] : memref<10240x128xf32, #tpu.memory_space<hbm>> -> memref<640x128xf32, #tpu.memory_space<hbm>>
        %dma_start3A_35 = arith.constant 0 : i32
        %dma_start3A_36 = tpu.memref_slice %arg16[%mul3A_6, %dma_start3A_35] : memref<10240x128xf32, #tpu.memory_space<vmem_shared>> -> memref<640x128xf32, #tpu.memory_space<vmem_shared>>
        tpu.enqueue_dma source(%dma_start3A_36 : memref<640x128xf32, #tpu.memory_space<vmem_shared>>) target(%dma_start3A_34 : memref<640x128xf32, #tpu.memory_space<hbm>>) target_semaphore(%run_scoped3A : memref<!tpu.dma_semaphore, #tpu.memory_space<semaphore_mem>>)
        %dma_wait3A = arith.constant 0 : i32
        %dma_wait3A_37 = tpu.memref_slice %arg7[%mul3A_6, %dma_wait3A] : memref<10240x128xf32, #tpu.memory_space<hbm>> -> memref<640x128xf32, #tpu.memory_space<hbm>>
        %dma_wait3A_38 = arith.constant 0 : i32
        %dma_wait3A_39 = tpu.memref_slice %arg16[%mul3A_6, %dma_wait3A_38] : memref<10240x128xf32, #tpu.memory_space<vmem_shared>> -> memref<640x128xf32, #tpu.memory_space<vmem_shared>>
        tpu.wait_dma2 semaphore(%run_scoped3A : memref<!tpu.dma_semaphore, #tpu.memory_space<semaphore_mem>>) src(%dma_wait3A_39 : memref<640x128xf32, #tpu.memory_space<vmem_shared>>) dst(%dma_wait3A_37 : memref<640x128xf32, #tpu.memory_space<hbm>>)
        tpu.yield
      }) : () -> ()
    } else {
    }
    return
  }
}

#map = affine_map<(d0, d1) -> (0, 0)>
module attributes {stable_mosaic.version = 14 : i64} {
  func.func @_sc_qgather_body(%arg0: i32, %arg1: i32, %arg2: memref<10240x256xf32, #tpu.memory_space<hbm>>, %arg3: memref<10240x256xf32, #tpu.memory_space<hbm>>, %arg4: memref<128x128xi32, #tpu.memory_space<hbm>>, %arg5: memref<16384x256xf32, #tpu.memory_space<hbm>>, %arg6: memref<16384x256xf32, #tpu.memory_space<hbm>>, %arg7: memref<8x128xi32, #tpu.memory_space<vmem>>, %arg8: memref<128x256xf32, #tpu.memory_space<vmem>>, %arg9: memref<!tpu.dma_semaphore, #tpu.memory_space<semaphore_mem>>) attributes {dimension_semantics = [#tpu.dimension_semantics<core_parallel>, #tpu.dimension_semantics<subcore_parallel>], iteration_bounds = array<i64: 2, 16>, scalar_prefetch = 0 : i64, scratch_operands = 3 : i64, tpu.core_type = #tpu.core_type<sc_vector_subcore>, window_params = [{transform_indices = #map}, {transform_indices = #map}, {transform_indices = #map}, {transform_indices = #map}, {transform_indices = #map}]} {
    %mul3A = arith.constant 2 : i32
    %mul3A_0 = arith.muli %arg1, %mul3A : i32
    %add3A = arith.addi %mul3A_0, %arg0 : i32
    %jit3A = arith.constant 2 : i32
    %div3A = arith.divsi %add3A, %jit3A : i32
    %sign3A = arith.constant 0 : i32
    %sign3A_1 = arith.cmpi sgt, %add3A, %sign3A : i32
    %sign3A_2 = arith.extui %sign3A_1 : i1 to i32
    %sign3A_3 = arith.constant 0 : i32
    %sign3A_4 = arith.cmpi slt, %add3A, %sign3A_3 : i32
    %sign3A_5 = arith.extui %sign3A_4 : i1 to i32
    %sign3A_6 = arith.subi %sign3A_2, %sign3A_5 : i32
    %sign3A_7 = arith.constant 0 : i32
    %sign3A_8 = arith.cmpi sgt, %jit3A, %sign3A_7 : i32
    %sign3A_9 = arith.extui %sign3A_8 : i1 to i32
    %sign3A_10 = arith.constant 0 : i32
    %sign3A_11 = arith.cmpi slt, %jit3A, %sign3A_10 : i32
    %sign3A_12 = arith.extui %sign3A_11 : i1 to i32
    %sign3A_13 = arith.subi %sign3A_9, %sign3A_12 : i32
    %ne3A = arith.cmpi ne, %sign3A_6, %sign3A_13 : i32
    %rem3A = arith.remsi %add3A, %jit3A : i32
    %ne3A_14 = arith.constant 0 : i32
    %ne3A_15 = arith.cmpi ne, %rem3A, %ne3A_14 : i32
    %and3A = arith.andi %ne3A, %ne3A_15 : i1
    %sub3A = arith.constant 1 : i32
    %sub3A_16 = arith.subi %div3A, %sub3A : i32
    %select_n3A = arith.select %and3A, %sub3A_16, %div3A : i32
    %mul3A_17 = arith.constant 8 : i32
    %mul3A_18 = arith.muli %select_n3A, %mul3A_17 : i32
    "tpu.region"() ({
      %run_scoped3A = tpu.sem_alloc : memref<!tpu.dma_semaphore, #tpu.memory_space<semaphore_mem>>
      %dma_start3A = arith.constant 0 : i32
      %dma_start3A_48 = tpu.memref_slice %arg4[%mul3A_18, %dma_start3A] : memref<128x128xi32, #tpu.memory_space<hbm>> -> memref<8x128xi32, #tpu.memory_space<hbm>>
      %dma_start3A_49 = arith.constant 0 : i32
      %dma_start3A_50 = tpu.memref_slice %arg4[%mul3A_18, %dma_start3A_49] : memref<128x128xi32, #tpu.memory_space<hbm>> -> memref<8x128xi32, #tpu.memory_space<hbm>>
      tpu.enqueue_dma source(%dma_start3A_50 : memref<8x128xi32, #tpu.memory_space<hbm>>) target(%arg7 : memref<8x128xi32, #tpu.memory_space<vmem>>) target_semaphore(%run_scoped3A : memref<!tpu.dma_semaphore, #tpu.memory_space<semaphore_mem>>)
      %dma_wait3A = arith.constant 0 : i32
      %dma_wait3A_51 = tpu.memref_slice %arg4[%mul3A_18, %dma_wait3A] : memref<128x128xi32, #tpu.memory_space<hbm>> -> memref<8x128xi32, #tpu.memory_space<hbm>>
      %dma_wait3A_52 = arith.constant 0 : i32
      %dma_wait3A_53 = tpu.memref_slice %arg4[%mul3A_18, %dma_wait3A_52] : memref<128x128xi32, #tpu.memory_space<hbm>> -> memref<8x128xi32, #tpu.memory_space<hbm>>
      tpu.wait_dma2 semaphore(%run_scoped3A : memref<!tpu.dma_semaphore, #tpu.memory_space<semaphore_mem>>) src(%dma_wait3A_53 : memref<8x128xi32, #tpu.memory_space<hbm>>) dst(%arg7 : memref<8x128xi32, #tpu.memory_space<vmem>>)
      tpu.yield
    }) : () -> ()
    %jit3A_19 = arith.constant 2 : i32
    %eq3A = arith.constant 0 : i32
    %eq3A_20 = arith.cmpi eq, %jit3A_19, %eq3A : i32
    %jit3A_21 = arith.constant 1 : i32
    %select_n3A_22 = arith.select %eq3A_20, %jit3A_21, %jit3A_19 : i32
    %rem3A_23 = arith.remsi %add3A, %select_n3A_22 : i32
    %ne3A_24 = arith.constant 0 : i32
    %ne3A_25 = arith.cmpi ne, %rem3A_23, %ne3A_24 : i32
    %lt3A = arith.constant 0 : i32
    %lt3A_26 = arith.cmpi slt, %rem3A_23, %lt3A : i32
    %lt3A_27 = arith.constant 0 : i32
    %lt3A_28 = arith.cmpi slt, %select_n3A_22, %lt3A_27 : i32
    %ne3A_29 = arith.xori %lt3A_26, %lt3A_28 : i1
    %and3A_30 = arith.andi %ne3A_29, %ne3A_25 : i1
    %add3A_31 = arith.addi %rem3A_23, %select_n3A_22 : i32
    %select_n3A_32 = arith.select %and3A_30, %add3A_31, %rem3A_23 : i32
    %mul3A_33 = arith.constant 4 : i32
    %mul3A_34 = arith.muli %select_n3A_32, %mul3A_33 : i32
    %scan3A = arith.constant 0 : i32
    %scan3A_35 = arith.constant 0 : i32
    %scan3A_36 = arith.constant 4 : i32
    %scan3A_37 = arith.addi %scan3A_35, %scan3A_36 : i32
    %scan3A_38 = arith.constant 1 : i32
    %scan3A_39 = scf.for %scan3A_48 = %scan3A_35 to %scan3A_37 step %scan3A_38 iter_args(%scan3A_49 = %scan3A) -> (i32)  : i32 {
      %add3A_50 = arith.addi %mul3A_34, %scan3A_48 : i32
      %dma_start3A = arith.constant 0 : i32
      %dma_start3A_51 = tpu.memref_slice %arg7[%add3A_50, %dma_start3A] : memref<8x128xi32, #tpu.memory_space<vmem>> -> memref<1x128xi32, #tpu.memory_space<vmem>>
      %dma_start3A_52 = tpu.memref_squeeze %dma_start3A_51 : memref<1x128xi32, #tpu.memory_space<vmem>> -> memref<128xi32, #tpu.memory_space<vmem>>
      %dma_start3A_53 = arith.constant 0 : i32
      %dma_start3A_54 = arith.constant 0 : i32
      %dma_start3A_55 = tpu.memref_slice %arg2[%dma_start3A_53, %dma_start3A_54] : memref<10240x256xf32, #tpu.memory_space<hbm>> -> memref<10240x256xf32, #tpu.memory_space<hbm>>
      tpu.enqueue_indirect_dma source(%dma_start3A_55 : memref<10240x256xf32, #tpu.memory_space<hbm>>) target(%arg8 : memref<128x256xf32, #tpu.memory_space<vmem>>) offsets(%dma_start3A_52 : memref<128xi32, #tpu.memory_space<vmem>>) semaphore(%arg9 : memref<!tpu.dma_semaphore, #tpu.memory_space<semaphore_mem>>)
      %dma_wait3A = arith.constant 0 : i32
      %dma_wait3A_56 = tpu.memref_slice %arg7[%add3A_50, %dma_wait3A] : memref<8x128xi32, #tpu.memory_space<vmem>> -> memref<1x128xi32, #tpu.memory_space<vmem>>
      %dma_wait3A_57 = tpu.memref_squeeze %dma_wait3A_56 : memref<1x128xi32, #tpu.memory_space<vmem>> -> memref<128xi32, #tpu.memory_space<vmem>>
      %dma_wait3A_58 = arith.constant 0 : i32
      %dma_wait3A_59 = arith.constant 0 : i32
      %dma_wait3A_60 = tpu.memref_slice %arg2[%dma_wait3A_58, %dma_wait3A_59] : memref<10240x256xf32, #tpu.memory_space<hbm>> -> memref<10240x256xf32, #tpu.memory_space<hbm>>
      tpu.wait_indirect_dma semaphore(%arg9 : memref<!tpu.dma_semaphore, #tpu.memory_space<semaphore_mem>>) src(%dma_wait3A_60 : memref<10240x256xf32, #tpu.memory_space<hbm>>) dst(%arg8 : memref<128x256xf32, #tpu.memory_space<vmem>>)
      %mul3A_61 = arith.constant 512 : i32
      %mul3A_62 = arith.muli %add3A, %mul3A_61 : i32
      %mul3A_63 = arith.constant 128 : i32
      %mul3A_64 = arith.muli %scan3A_48, %mul3A_63 : i32
      %add3A_65 = arith.addi %mul3A_62, %mul3A_64 : i32
      "tpu.region"() ({
        %run_scoped3A = tpu.sem_alloc : memref<!tpu.dma_semaphore, #tpu.memory_space<semaphore_mem>>
        %dma_start3A_67 = arith.constant 0 : i32
        %dma_start3A_68 = tpu.memref_slice %arg5[%add3A_65, %dma_start3A_67] : memref<16384x256xf32, #tpu.memory_space<hbm>> -> memref<128x256xf32, #tpu.memory_space<hbm>>
        %dma_start3A_69 = arith.constant 0 : i32
        %dma_start3A_70 = tpu.memref_slice %arg5[%add3A_65, %dma_start3A_69] : memref<16384x256xf32, #tpu.memory_space<hbm>> -> memref<128x256xf32, #tpu.memory_space<hbm>>
        tpu.enqueue_dma source(%arg8 : memref<128x256xf32, #tpu.memory_space<vmem>>) target(%dma_start3A_70 : memref<128x256xf32, #tpu.memory_space<hbm>>) target_semaphore(%run_scoped3A : memref<!tpu.dma_semaphore, #tpu.memory_space<semaphore_mem>>)
        %dma_wait3A_71 = arith.constant 0 : i32
        %dma_wait3A_72 = tpu.memref_slice %arg5[%add3A_65, %dma_wait3A_71] : memref<16384x256xf32, #tpu.memory_space<hbm>> -> memref<128x256xf32, #tpu.memory_space<hbm>>
        %dma_wait3A_73 = arith.constant 0 : i32
        %dma_wait3A_74 = tpu.memref_slice %arg5[%add3A_65, %dma_wait3A_73] : memref<16384x256xf32, #tpu.memory_space<hbm>> -> memref<128x256xf32, #tpu.memory_space<hbm>>
        tpu.wait_dma2 semaphore(%run_scoped3A : memref<!tpu.dma_semaphore, #tpu.memory_space<semaphore_mem>>) src(%arg8 : memref<128x256xf32, #tpu.memory_space<vmem>>) dst(%dma_wait3A_74 : memref<128x256xf32, #tpu.memory_space<hbm>>)
        tpu.yield
      }) : () -> ()
      %scan3A_66 = arith.constant 0 : i32
      scf.yield %scan3A_66 : i32
    }
    %scan3A_40 = arith.constant 4 : i32
    %scan3A_41 = arith.constant 0 : i32
    %scan3A_42 = arith.constant 0 : i32
    %scan3A_43 = arith.constant 4 : i32
    %scan3A_44 = arith.addi %scan3A_42, %scan3A_43 : i32
    %scan3A_45 = arith.constant 1 : i32
    %scan3A_46 = scf.for %scan3A_48 = %scan3A_42 to %scan3A_44 step %scan3A_45 iter_args(%scan3A_49 = %scan3A_41) -> (i32)  : i32 {
      %add3A_50 = arith.addi %mul3A_34, %scan3A_48 : i32
      %dma_start3A = arith.constant 0 : i32
      %dma_start3A_51 = tpu.memref_slice %arg7[%add3A_50, %dma_start3A] : memref<8x128xi32, #tpu.memory_space<vmem>> -> memref<1x128xi32, #tpu.memory_space<vmem>>
      %dma_start3A_52 = tpu.memref_squeeze %dma_start3A_51 : memref<1x128xi32, #tpu.memory_space<vmem>> -> memref<128xi32, #tpu.memory_space<vmem>>
      %dma_start3A_53 = arith.constant 0 : i32
      %dma_start3A_54 = arith.constant 0 : i32
      %dma_start3A_55 = tpu.memref_slice %arg3[%dma_start3A_53, %dma_start3A_54] : memref<10240x256xf32, #tpu.memory_space<hbm>> -> memref<10240x256xf32, #tpu.memory_space<hbm>>
      tpu.enqueue_indirect_dma source(%dma_start3A_55 : memref<10240x256xf32, #tpu.memory_space<hbm>>) target(%arg8 : memref<128x256xf32, #tpu.memory_space<vmem>>) offsets(%dma_start3A_52 : memref<128xi32, #tpu.memory_space<vmem>>) semaphore(%arg9 : memref<!tpu.dma_semaphore, #tpu.memory_space<semaphore_mem>>)
      %dma_wait3A = arith.constant 0 : i32
      %dma_wait3A_56 = tpu.memref_slice %arg7[%add3A_50, %dma_wait3A] : memref<8x128xi32, #tpu.memory_space<vmem>> -> memref<1x128xi32, #tpu.memory_space<vmem>>
      %dma_wait3A_57 = tpu.memref_squeeze %dma_wait3A_56 : memref<1x128xi32, #tpu.memory_space<vmem>> -> memref<128xi32, #tpu.memory_space<vmem>>
      %dma_wait3A_58 = arith.constant 0 : i32
      %dma_wait3A_59 = arith.constant 0 : i32
      %dma_wait3A_60 = tpu.memref_slice %arg3[%dma_wait3A_58, %dma_wait3A_59] : memref<10240x256xf32, #tpu.memory_space<hbm>> -> memref<10240x256xf32, #tpu.memory_space<hbm>>
      tpu.wait_indirect_dma semaphore(%arg9 : memref<!tpu.dma_semaphore, #tpu.memory_space<semaphore_mem>>) src(%dma_wait3A_60 : memref<10240x256xf32, #tpu.memory_space<hbm>>) dst(%arg8 : memref<128x256xf32, #tpu.memory_space<vmem>>)
      %mul3A_61 = arith.constant 512 : i32
      %mul3A_62 = arith.muli %add3A, %mul3A_61 : i32
      %mul3A_63 = arith.constant 128 : i32
      %mul3A_64 = arith.muli %scan3A_48, %mul3A_63 : i32
      %add3A_65 = arith.addi %mul3A_62, %mul3A_64 : i32
      "tpu.region"() ({
        %run_scoped3A = tpu.sem_alloc : memref<!tpu.dma_semaphore, #tpu.memory_space<semaphore_mem>>
        %dma_start3A_67 = arith.constant 0 : i32
        %dma_start3A_68 = tpu.memref_slice %arg6[%add3A_65, %dma_start3A_67] : memref<16384x256xf32, #tpu.memory_space<hbm>> -> memref<128x256xf32, #tpu.memory_space<hbm>>
        %dma_start3A_69 = arith.constant 0 : i32
        %dma_start3A_70 = tpu.memref_slice %arg6[%add3A_65, %dma_start3A_69] : memref<16384x256xf32, #tpu.memory_space<hbm>> -> memref<128x256xf32, #tpu.memory_space<hbm>>
        tpu.enqueue_dma source(%arg8 : memref<128x256xf32, #tpu.memory_space<vmem>>) target(%dma_start3A_70 : memref<128x256xf32, #tpu.memory_space<hbm>>) target_semaphore(%run_scoped3A : memref<!tpu.dma_semaphore, #tpu.memory_space<semaphore_mem>>)
        %dma_wait3A_71 = arith.constant 0 : i32
        %dma_wait3A_72 = tpu.memref_slice %arg6[%add3A_65, %dma_wait3A_71] : memref<16384x256xf32, #tpu.memory_space<hbm>> -> memref<128x256xf32, #tpu.memory_space<hbm>>
        %dma_wait3A_73 = arith.constant 0 : i32
        %dma_wait3A_74 = tpu.memref_slice %arg6[%add3A_65, %dma_wait3A_73] : memref<16384x256xf32, #tpu.memory_space<hbm>> -> memref<128x256xf32, #tpu.memory_space<hbm>>
        tpu.wait_dma2 semaphore(%run_scoped3A : memref<!tpu.dma_semaphore, #tpu.memory_space<semaphore_mem>>) src(%arg8 : memref<128x256xf32, #tpu.memory_space<vmem>>) dst(%dma_wait3A_74 : memref<128x256xf32, #tpu.memory_space<hbm>>)
        tpu.yield
      }) : () -> ()
      %scan3A_66 = arith.constant 0 : i32
      scf.yield %scan3A_66 : i32
    }
    %scan3A_47 = arith.constant 4 : i32
    return
  }
}

module attributes {stable_mosaic.version = 14 : i64} {
  func.func @_tc_l1_body(%arg0: i32, %arg1: memref<1024x128xf32, #tpu.memory_space<vmem>>, %arg2: memref<1024x128xf32, #tpu.memory_space<vmem>>, %arg3: memref<1024x128xf32, #tpu.memory_space<vmem>>, %arg4: memref<1024x128xf32, #tpu.memory_space<vmem>>, %arg5: memref<128x256xf32, #tpu.memory_space<vmem>>, %arg6: memref<1x256xf32, #tpu.memory_space<vmem>>, %arg7: memref<128x256xf32, #tpu.memory_space<vmem>>, %arg8: memref<1x256xf32, #tpu.memory_space<vmem>>, %arg9: memref<1024x128xf32, #tpu.memory_space<vmem>>, %arg10: memref<1024x128xf32, #tpu.memory_space<vmem>>, %arg11: memref<1024x128xf32, #tpu.memory_space<vmem>>, %arg12: memref<1024x128xf32, #tpu.memory_space<vmem>>) attributes {dimension_semantics = [#tpu.dimension_semantics<arbitrary>], iteration_bounds = array<i64: 10>, scalar_prefetch = 0 : i64, scratch_operands = 0 : i64, tpu.core_type = #tpu.core_type<tc>, window_params = [{transform_indices = @transform_0, window_bounds = array<i64: 1024, 128>}, {transform_indices = @transform_1, window_bounds = array<i64: 1024, 128>}, {transform_indices = @transform_2, window_bounds = array<i64: 1024, 128>}, {transform_indices = @transform_3, window_bounds = array<i64: 1024, 128>}, {pipeline_mode = #tpu.pipeline_mode<synchronous>, transform_indices = @transform_4, window_bounds = array<i64: 128, 256>}, {pipeline_mode = #tpu.pipeline_mode<synchronous>, transform_indices = @transform_5, window_bounds = array<i64: 1, 256>}, {pipeline_mode = #tpu.pipeline_mode<synchronous>, transform_indices = @transform_6, window_bounds = array<i64: 128, 256>}, {pipeline_mode = #tpu.pipeline_mode<synchronous>, transform_indices = @transform_7, window_bounds = array<i64: 1, 256>}, {transform_indices = @transform_8, window_bounds = array<i64: 1024, 128>}, {transform_indices = @transform_9, window_bounds = array<i64: 1024, 128>}, {transform_indices = @transform_10, window_bounds = array<i64: 1024, 128>}, {transform_indices = @transform_11, window_bounds = array<i64: 1024, 128>}]} {
    %get3A = arith.constant 0 : index
    %get3A_0 = arith.constant 0 : index
    %get3A_1 = vector.load %arg3[%get3A, %get3A_0] : memref<1024x128xf32, #tpu.memory_space<vmem>>, vector<1024x128xf32>
    %slice3A = vector.extract_strided_slice %get3A_1 {offsets = [0, 0], sizes = [1024, 1], strides = [1, 1]} : vector<1024x128xf32> to vector<1024x1xf32>
    %max3A = arith.constant 1.000000e+00 : f32
    %max3A_2 = vector.broadcast %max3A : f32 to vector<1024x1xf32>
    %max3A_3 = arith.maximumf %slice3A, %max3A_2 : vector<1024x1xf32>
    %rsqrt3A = math.rsqrt %max3A_3 : vector<1024x1xf32>
    %get3A_4 = arith.constant 0 : index
    %get3A_5 = arith.constant 0 : index
    %get3A_6 = vector.load %arg4[%get3A_4, %get3A_5] : memref<1024x128xf32, #tpu.memory_space<vmem>>, vector<1024x128xf32>
    %slice3A_7 = vector.extract_strided_slice %get3A_6 {offsets = [0, 0], sizes = [1024, 1], strides = [1, 1]} : vector<1024x128xf32> to vector<1024x1xf32>
    %max3A_8 = arith.constant 1.000000e+00 : f32
    %max3A_9 = vector.broadcast %max3A_8 : f32 to vector<1024x1xf32>
    %max3A_10 = arith.maximumf %slice3A_7, %max3A_9 : vector<1024x1xf32>
    %rsqrt3A_11 = math.rsqrt %max3A_10 : vector<1024x1xf32>
    %mul3A = arith.constant 1024 : i32
    %mul3A_12 = arith.muli %arg0, %mul3A : i32
    %iota3A = tpu.iota {dimensions = array<i32: 0>} : vector<1024x1xi32>
    %add3A = vector.broadcast %mul3A_12 : i32 to vector<1024x1xi32>
    %add3A_13 = arith.addi %add3A, %iota3A : vector<1024x1xi32>
    %lt3A = arith.constant 10000 : i32
    %lt3A_14 = vector.broadcast %lt3A : i32 to vector<1024x1xi32>
    %lt3A_15 = arith.cmpi slt, %add3A_13, %lt3A_14 : vector<1024x1xi32>
    %get3A_16 = arith.constant 0 : index
    %get3A_17 = arith.constant 0 : index
    %get3A_18 = vector.load %arg1[%get3A_16, %get3A_17] : memref<1024x128xf32, #tpu.memory_space<vmem>>, vector<1024x128xf32>
    %mul3A_19 = vector.broadcast %rsqrt3A : vector<1024x1xf32> to vector<1024x128xf32>
    %mul3A_20 = arith.mulf %get3A_18, %mul3A_19 : vector<1024x128xf32>
    %get3A_21 = arith.constant 0 : index
    %get3A_22 = arith.constant 0 : index
    %get3A_23 = vector.load %arg5[%get3A_21, %get3A_22] : memref<128x256xf32, #tpu.memory_space<vmem>>, vector<128x256xf32>
    %dot_general3A = arith.constant dense<0.000000e+00> : vector<1024x256xf32>
    %dot_general3A_24 = tpu.matmul %mul3A_20, %get3A_23, %dot_general3A {dimension_numbers = #tpu.dot_dimension_numbers<[1], [0], [0], [1], [0, 0, 1, 1], [], []>, transpose_lhs_hint = false} : vector<1024x128xf32>, vector<128x256xf32>, vector<1024x256xf32> -> vector<1024x256xf32>
    %get3A_25 = arith.constant 0 : index
    %get3A_26 = arith.constant 0 : index
    %get3A_27 = vector.load %arg6[%get3A_25, %get3A_26] : memref<1x256xf32, #tpu.memory_space<vmem>>, vector<1x256xf32>
    %add3A_28 = vector.broadcast %get3A_27 : vector<1x256xf32> to vector<1024x256xf32>
    %add3A_29 = arith.addf %dot_general3A_24, %add3A_28 : vector<1024x256xf32>
    %gt3A = arith.constant 0.000000e+00 : f32
    %gt3A_30 = vector.broadcast %gt3A : f32 to vector<1024x256xf32>
    %gt3A_31 = arith.cmpf ogt, %add3A_29, %gt3A_30 : vector<1024x256xf32>
    %exp3A = math.exp %add3A_29 : vector<1024x256xf32>
    %sub3A = arith.constant 1.000000e+00 : f32
    %sub3A_32 = vector.broadcast %sub3A : f32 to vector<1024x256xf32>
    %sub3A_33 = arith.subf %exp3A, %sub3A_32 : vector<1024x256xf32>
    %select_n3A = arith.select %gt3A_31, %add3A_29, %sub3A_33 : vector<1024x256xi1>, vector<1024x256xf32>
    %mul3A_34 = vector.broadcast %rsqrt3A_11 : vector<1024x1xf32> to vector<1024x256xf32>
    %mul3A_35 = arith.mulf %select_n3A, %mul3A_34 : vector<1024x256xf32>
    %jit3A = arith.constant 0.000000e+00 : f32
    %broadcast_in_dim3A = vector.shape_cast %lt3A_15 : vector<1024x1xi1> to vector<1024x1xi1>
    %broadcast_in_dim3A_36 = vector.broadcast %broadcast_in_dim3A : vector<1024x1xi1> to vector<1024x256xi1>
    %broadcast_in_dim3A_37 = vector.broadcast %jit3A : f32 to vector<1024x256xf32>
    %select_n3A_38 = arith.select %broadcast_in_dim3A_36, %mul3A_35, %broadcast_in_dim3A_37 : vector<1024x256xi1>, vector<1024x256xf32>
    %slice3A_39 = vector.extract_strided_slice %select_n3A_38 {offsets = [0, 0], sizes = [1024, 128], strides = [1, 1]} : vector<1024x256xf32> to vector<1024x128xf32>
    %swap3A = arith.constant 0 : index
    %swap3A_40 = arith.constant 0 : index
    %swap3A_41 = vector.load %arg9[%swap3A, %swap3A_40] : memref<1024x128xf32, #tpu.memory_space<vmem>>, vector<1024x128xf32>
    tpu.vector_store %arg9[%swap3A, %swap3A_40], %slice3A_39 {strides = array<i32>} : memref<1024x128xf32, #tpu.memory_space<vmem>>, vector<1024x128xf32>,
    %slice3A_42 = vector.extract_strided_slice %select_n3A_38 {offsets = [0, 128], sizes = [1024, 128], strides = [1, 1]} : vector<1024x256xf32> to vector<1024x128xf32>
    %swap3A_43 = arith.constant 0 : index
    %swap3A_44 = arith.constant 0 : index
    %swap3A_45 = vector.load %arg10[%swap3A_43, %swap3A_44] : memref<1024x128xf32, #tpu.memory_space<vmem>>, vector<1024x128xf32>
    tpu.vector_store %arg10[%swap3A_43, %swap3A_44], %slice3A_42 {strides = array<i32>} : memref<1024x128xf32, #tpu.memory_space<vmem>>, vector<1024x128xf32>,
    %get3A_46 = arith.constant 0 : index
    %get3A_47 = arith.constant 0 : index
    %get3A_48 = vector.load %arg2[%get3A_46, %get3A_47] : memref<1024x128xf32, #tpu.memory_space<vmem>>, vector<1024x128xf32>
    %mul3A_49 = vector.broadcast %rsqrt3A : vector<1024x1xf32> to vector<1024x128xf32>
    %mul3A_50 = arith.mulf %get3A_48, %mul3A_49 : vector<1024x128xf32>
    %get3A_51 = arith.constant 0 : index
    %get3A_52 = arith.constant 0 : index
    %get3A_53 = vector.load %arg7[%get3A_51, %get3A_52] : memref<128x256xf32, #tpu.memory_space<vmem>>, vector<128x256xf32>
    %dot_general3A_54 = arith.constant dense<0.000000e+00> : vector<1024x256xf32>
    %dot_general3A_55 = tpu.matmul %mul3A_50, %get3A_53, %dot_general3A_54 {dimension_numbers = #tpu.dot_dimension_numbers<[1], [0], [0], [1], [0, 0, 1, 1], [], []>, transpose_lhs_hint = false} : vector<1024x128xf32>, vector<128x256xf32>, vector<1024x256xf32> -> vector<1024x256xf32>
    %get3A_56 = arith.constant 0 : index
    %get3A_57 = arith.constant 0 : index
    %get3A_58 = vector.load %arg8[%get3A_56, %get3A_57] : memref<1x256xf32, #tpu.memory_space<vmem>>, vector<1x256xf32>
    %add3A_59 = vector.broadcast %get3A_58 : vector<1x256xf32> to vector<1024x256xf32>
    %add3A_60 = arith.addf %dot_general3A_55, %add3A_59 : vector<1024x256xf32>
    %gt3A_61 = arith.constant 0.000000e+00 : f32
    %gt3A_62 = vector.broadcast %gt3A_61 : f32 to vector<1024x256xf32>
    %gt3A_63 = arith.cmpf ogt, %add3A_60, %gt3A_62 : vector<1024x256xf32>
    %exp3A_64 = math.exp %add3A_60 : vector<1024x256xf32>
    %sub3A_65 = arith.constant 1.000000e+00 : f32
    %sub3A_66 = vector.broadcast %sub3A_65 : f32 to vector<1024x256xf32>
    %sub3A_67 = arith.subf %exp3A_64, %sub3A_66 : vector<1024x256xf32>
    %select_n3A_68 = arith.select %gt3A_63, %add3A_60, %sub3A_67 : vector<1024x256xi1>, vector<1024x256xf32>
    %mul3A_69 = vector.broadcast %rsqrt3A_11 : vector<1024x1xf32> to vector<1024x256xf32>
    %mul3A_70 = arith.mulf %select_n3A_68, %mul3A_69 : vector<1024x256xf32>
    %jit3A_71 = arith.constant 0.000000e+00 : f32
    %broadcast_in_dim3A_72 = vector.shape_cast %lt3A_15 : vector<1024x1xi1> to vector<1024x1xi1>
    %broadcast_in_dim3A_73 = vector.broadcast %broadcast_in_dim3A_72 : vector<1024x1xi1> to vector<1024x256xi1>
    %broadcast_in_dim3A_74 = vector.broadcast %jit3A_71 : f32 to vector<1024x256xf32>
    %select_n3A_75 = arith.select %broadcast_in_dim3A_73, %mul3A_70, %broadcast_in_dim3A_74 : vector<1024x256xi1>, vector<1024x256xf32>
    %slice3A_76 = vector.extract_strided_slice %select_n3A_75 {offsets = [0, 0], sizes = [1024, 128], strides = [1, 1]} : vector<1024x256xf32> to vector<1024x128xf32>
    %swap3A_77 = arith.constant 0 : index
    %swap3A_78 = arith.constant 0 : index
    %swap3A_79 = vector.load %arg11[%swap3A_77, %swap3A_78] : memref<1024x128xf32, #tpu.memory_space<vmem>>, vector<1024x128xf32>
    tpu.vector_store %arg11[%swap3A_77, %swap3A_78], %slice3A_76 {strides = array<i32>} : memref<1024x128xf32, #tpu.memory_space<vmem>>, vector<1024x128xf32>,
    %slice3A_80 = vector.extract_strided_slice %select_n3A_75 {offsets = [0, 128], sizes = [1024, 128], strides = [1, 1]} : vector<1024x256xf32> to vector<1024x128xf32>
    %swap3A_81 = arith.constant 0 : index
    %swap3A_82 = arith.constant 0 : index
    %swap3A_83 = vector.load %arg12[%swap3A_81, %swap3A_82] : memref<1024x128xf32, #tpu.memory_space<vmem>>, vector<1024x128xf32>
    tpu.vector_store %arg12[%swap3A_81, %swap3A_82], %slice3A_80 {strides = array<i32>} : memref<1024x128xf32, #tpu.memory_space<vmem>>, vector<1024x128xf32>,
    return
  }
  func.func @transform_0(%arg0: i32) -> (i32, i32) {
    %c0_i32 = arith.constant 0 : i32
    %c0_i32_0 = arith.constant 0 : i32
    return %arg0, %c0_i32 : i32, i32
  }
  func.func @transform_1(%arg0: i32) -> (i32, i32) {
    %c0_i32 = arith.constant 0 : i32
    %c0_i32_0 = arith.constant 0 : i32
    return %arg0, %c0_i32 : i32, i32
  }
  func.func @transform_2(%arg0: i32) -> (i32, i32) {
    %c0_i32 = arith.constant 0 : i32
    %c0_i32_0 = arith.constant 0 : i32
    return %arg0, %c0_i32 : i32, i32
  }
  func.func @transform_3(%arg0: i32) -> (i32, i32) {
    %c0_i32 = arith.constant 0 : i32
    %c0_i32_0 = arith.constant 0 : i32
    return %arg0, %c0_i32 : i32, i32
  }
  func.func @transform_4(%arg0: i32) -> (i32, i32) {
    %c0_i32 = arith.constant 0 : i32
    %c0_i32_0 = arith.constant 0 : i32
    %c0_i32_1 = arith.constant 0 : i32
    return %c0_i32, %c0_i32_0 : i32, i32
  }
  func.func @transform_5(%arg0: i32) -> (i32, i32) {
    %c0_i32 = arith.constant 0 : i32
    %c0_i32_0 = arith.constant 0 : i32
    %c0_i32_1 = arith.constant 0 : i32
    return %c0_i32, %c0_i32_0 : i32, i32
  }
  func.func @transform_6(%arg0: i32) -> (i32, i32) {
    %c0_i32 = arith.constant 0 : i32
    %c0_i32_0 = arith.constant 0 : i32
    %c0_i32_1 = arith.constant 0 : i32
    return %c0_i32, %c0_i32_0 : i32, i32
  }
  func.func @transform_7(%arg0: i32) -> (i32, i32) {
    %c0_i32 = arith.constant 0 : i32
    %c0_i32_0 = arith.constant 0 : i32
    %c0_i32_1 = arith.constant 0 : i32
    return %c0_i32, %c0_i32_0 : i32, i32
  }
  func.func @transform_8(%arg0: i32) -> (i32, i32) {
    %c0_i32 = arith.constant 0 : i32
    %c0_i32_0 = arith.constant 0 : i32
    return %arg0, %c0_i32 : i32, i32
  }
  func.func @transform_9(%arg0: i32) -> (i32, i32) {
    %c0_i32 = arith.constant 0 : i32
    %c0_i32_0 = arith.constant 0 : i32
    return %arg0, %c0_i32 : i32, i32
  }
  func.func @transform_10(%arg0: i32) -> (i32, i32) {
    %c0_i32 = arith.constant 0 : i32
    %c0_i32_0 = arith.constant 0 : i32
    return %arg0, %c0_i32 : i32, i32
  }
  func.func @transform_11(%arg0: i32) -> (i32, i32) {
    %c0_i32 = arith.constant 0 : i32
    %c0_i32_0 = arith.constant 0 : i32
    return %arg0, %c0_i32 : i32, i32
  }
}

module attributes {stable_mosaic.version = 14 : i64} {
  func.func @_tc_prep_body(%arg0: i32, %arg1: memref<1024x128xf32, #tpu.memory_space<vmem>>, %arg2: memref<1024x128xf32, #tpu.memory_space<vmem>>, %arg3: memref<1024x128xf32, #tpu.memory_space<vmem>>, %arg4: memref<1024x128xf32, #tpu.memory_space<vmem>>, %arg5: memref<1024x128xf32, #tpu.memory_space<vmem>>) attributes {dimension_semantics = [#tpu.dimension_semantics<arbitrary>], iteration_bounds = array<i64: 10>, scalar_prefetch = 0 : i64, scratch_operands = 0 : i64, tpu.core_type = #tpu.core_type<tc>, window_params = [{transform_indices = @transform_0, window_bounds = array<i64: 1024, 128>}, {transform_indices = @transform_1, window_bounds = array<i64: 1024, 128>}, {transform_indices = @transform_2, window_bounds = array<i64: 1024, 128>}, {transform_indices = @transform_3, window_bounds = array<i64: 1024, 128>}, {transform_indices = @transform_4, window_bounds = array<i64: 1024, 128>}]} {
    %get3A = arith.constant 0 : index
    %get3A_0 = arith.constant 0 : index
    %get3A_1 = vector.load %arg3[%get3A, %get3A_0] : memref<1024x128xf32, #tpu.memory_space<vmem>>, vector<1024x128xf32>
    %slice3A = vector.extract_strided_slice %get3A_1 {offsets = [0, 0], sizes = [1024, 1], strides = [1, 1]} : vector<1024x128xf32> to vector<1024x1xf32>
    %max3A = arith.constant 1.000000e+00 : f32
    %max3A_2 = vector.broadcast %max3A : f32 to vector<1024x1xf32>
    %max3A_3 = arith.maximumf %slice3A, %max3A_2 : vector<1024x1xf32>
    %rsqrt3A = math.rsqrt %max3A_3 : vector<1024x1xf32>
    %mul3A = arith.constant 1024 : i32
    %mul3A_4 = arith.muli %arg0, %mul3A : i32
    %iota3A = tpu.iota {dimensions = array<i32: 0>} : vector<1024x1xi32>
    %add3A = vector.broadcast %mul3A_4 : i32 to vector<1024x1xi32>
    %add3A_5 = arith.addi %add3A, %iota3A : vector<1024x1xi32>
    %lt3A = arith.constant 10000 : i32
    %lt3A_6 = vector.broadcast %lt3A : i32 to vector<1024x1xi32>
    %lt3A_7 = arith.cmpi slt, %add3A_5, %lt3A_6 : vector<1024x1xi32>
    %get3A_8 = arith.constant 0 : index
    %get3A_9 = arith.constant 0 : index
    %get3A_10 = vector.load %arg1[%get3A_8, %get3A_9] : memref<1024x128xf32, #tpu.memory_space<vmem>>, vector<1024x128xf32>
    %mul3A_11 = vector.broadcast %rsqrt3A : vector<1024x1xf32> to vector<1024x128xf32>
    %mul3A_12 = arith.mulf %get3A_10, %mul3A_11 : vector<1024x128xf32>
    %jit3A = arith.constant 0.000000e+00 : f32
    %broadcast_in_dim3A = vector.shape_cast %lt3A_7 : vector<1024x1xi1> to vector<1024x1xi1>
    %broadcast_in_dim3A_13 = vector.broadcast %broadcast_in_dim3A : vector<1024x1xi1> to vector<1024x128xi1>
    %broadcast_in_dim3A_14 = vector.broadcast %jit3A : f32 to vector<1024x128xf32>
    %select_n3A = arith.select %broadcast_in_dim3A_13, %mul3A_12, %broadcast_in_dim3A_14 : vector<1024x128xi1>, vector<1024x128xf32>
    %swap3A = arith.constant 0 : index
    %swap3A_15 = arith.constant 0 : index
    %swap3A_16 = vector.load %arg4[%swap3A, %swap3A_15] : memref<1024x128xf32, #tpu.memory_space<vmem>>, vector<1024x128xf32>
    tpu.vector_store %arg4[%swap3A, %swap3A_15], %select_n3A {strides = array<i32>} : memref<1024x128xf32, #tpu.memory_space<vmem>>, vector<1024x128xf32>,
    %get3A_17 = arith.constant 0 : index
    %get3A_18 = arith.constant 0 : index
    %get3A_19 = vector.load %arg2[%get3A_17, %get3A_18] : memref<1024x128xf32, #tpu.memory_space<vmem>>, vector<1024x128xf32>
    %mul3A_20 = vector.broadcast %rsqrt3A : vector<1024x1xf32> to vector<1024x128xf32>
    %mul3A_21 = arith.mulf %get3A_19, %mul3A_20 : vector<1024x128xf32>
    %jit3A_22 = arith.constant 0.000000e+00 : f32
    %broadcast_in_dim3A_23 = vector.shape_cast %lt3A_7 : vector<1024x1xi1> to vector<1024x1xi1>
    %broadcast_in_dim3A_24 = vector.broadcast %broadcast_in_dim3A_23 : vector<1024x1xi1> to vector<1024x128xi1>
    %broadcast_in_dim3A_25 = vector.broadcast %jit3A_22 : f32 to vector<1024x128xf32>
    %select_n3A_26 = arith.select %broadcast_in_dim3A_24, %mul3A_21, %broadcast_in_dim3A_25 : vector<1024x128xi1>, vector<1024x128xf32>
    %swap3A_27 = arith.constant 0 : index
    %swap3A_28 = arith.constant 0 : index
    %swap3A_29 = vector.load %arg5[%swap3A_27, %swap3A_28] : memref<1024x128xf32, #tpu.memory_space<vmem>>, vector<1024x128xf32>
    tpu.vector_store %arg5[%swap3A_27, %swap3A_28], %select_n3A_26 {strides = array<i32>} : memref<1024x128xf32, #tpu.memory_space<vmem>>, vector<1024x128xf32>,
    return
  }
  func.func @transform_0(%arg0: i32) -> (i32, i32) {
    %c0_i32 = arith.constant 0 : i32
    %c0_i32_0 = arith.constant 0 : i32
    return %arg0, %c0_i32 : i32, i32
  }
  func.func @transform_1(%arg0: i32) -> (i32, i32) {
    %c0_i32 = arith.constant 0 : i32
    %c0_i32_0 = arith.constant 0 : i32
    return %arg0, %c0_i32 : i32, i32
  }
  func.func @transform_2(%arg0: i32) -> (i32, i32) {
    %c0_i32 = arith.constant 0 : i32
    %c0_i32_0 = arith.constant 0 : i32
    return %arg0, %c0_i32 : i32, i32
  }
  func.func @transform_3(%arg0: i32) -> (i32, i32) {
    %c0_i32 = arith.constant 0 : i32
    %c0_i32_0 = arith.constant 0 : i32
    return %arg0, %c0_i32 : i32, i32
  }
  func.func @transform_4(%arg0: i32) -> (i32, i32) {
    %c0_i32 = arith.constant 0 : i32
    %c0_i32_0 = arith.constant 0 : i32
    return %arg0, %c0_i32 : i32, i32
  }
}

module attributes {stable_mosaic.version = 14 : i64} {
  func.func @_tc_l2_body(%arg0: i32, %arg1: memref<1024x128xf32, #tpu.memory_space<vmem>>, %arg2: memref<1024x128xf32, #tpu.memory_space<vmem>>, %arg3: memref<1024x128xf32, #tpu.memory_space<vmem>>, %arg4: memref<1024x128xf32, #tpu.memory_space<vmem>>, %arg5: memref<1024x128xf32, #tpu.memory_space<vmem>>, %arg6: memref<256x256xf32, #tpu.memory_space<vmem>>, %arg7: memref<1x256xf32, #tpu.memory_space<vmem>>, %arg8: memref<256x256xf32, #tpu.memory_space<vmem>>, %arg9: memref<1x256xf32, #tpu.memory_space<vmem>>, %arg10: memref<1024x256xf32, #tpu.memory_space<vmem>>, %arg11: memref<1024x256xf32, #tpu.memory_space<vmem>>) attributes {dimension_semantics = [#tpu.dimension_semantics<arbitrary>], iteration_bounds = array<i64: 10>, scalar_prefetch = 0 : i64, scratch_operands = 0 : i64, tpu.core_type = #tpu.core_type<tc>, window_params = [{transform_indices = @transform_0, window_bounds = array<i64: 1024, 128>}, {transform_indices = @transform_1, window_bounds = array<i64: 1024, 128>}, {transform_indices = @transform_2, window_bounds = array<i64: 1024, 128>}, {transform_indices = @transform_3, window_bounds = array<i64: 1024, 128>}, {transform_indices = @transform_4, window_bounds = array<i64: 1024, 128>}, {pipeline_mode = #tpu.pipeline_mode<synchronous>, transform_indices = @transform_5, window_bounds = array<i64: 256, 256>}, {pipeline_mode = #tpu.pipeline_mode<synchronous>, transform_indices = @transform_6, window_bounds = array<i64: 1, 256>}, {pipeline_mode = #tpu.pipeline_mode<synchronous>, transform_indices = @transform_7, window_bounds = array<i64: 256, 256>}, {pipeline_mode = #tpu.pipeline_mode<synchronous>, transform_indices = @transform_8, window_bounds = array<i64: 1, 256>}, {transform_indices = @transform_9, window_bounds = array<i64: 1024, 256>}, {transform_indices = @transform_10, window_bounds = array<i64: 1024, 256>}]} {
    %get3A = arith.constant 0 : index
    %get3A_0 = arith.constant 0 : index
    %get3A_1 = vector.load %arg5[%get3A, %get3A_0] : memref<1024x128xf32, #tpu.memory_space<vmem>>, vector<1024x128xf32>
    %slice3A = vector.extract_strided_slice %get3A_1 {offsets = [0, 0], sizes = [1024, 1], strides = [1, 1]} : vector<1024x128xf32> to vector<1024x1xf32>
    %max3A = arith.constant 1.000000e+00 : f32
    %max3A_2 = vector.broadcast %max3A : f32 to vector<1024x1xf32>
    %max3A_3 = arith.maximumf %slice3A, %max3A_2 : vector<1024x1xf32>
    %rsqrt3A = math.rsqrt %max3A_3 : vector<1024x1xf32>
    %get3A_4 = arith.constant 0 : index
    %get3A_5 = arith.constant 0 : index
    %get3A_6 = vector.load %arg6[%get3A_4, %get3A_5] : memref<256x256xf32, #tpu.memory_space<vmem>>, vector<256x256xf32>
    %get3A_7 = arith.constant 0 : index
    %get3A_8 = arith.constant 0 : index
    %get3A_9 = vector.load %arg8[%get3A_7, %get3A_8] : memref<256x256xf32, #tpu.memory_space<vmem>>, vector<256x256xf32>
    %get3A_10 = arith.constant 0 : index
    %get3A_11 = arith.constant 0 : index
    %get3A_12 = vector.load %arg1[%get3A_10, %get3A_11] : memref<1024x128xf32, #tpu.memory_space<vmem>>, vector<1024x128xf32>
    %mul3A = vector.broadcast %rsqrt3A : vector<1024x1xf32> to vector<1024x128xf32>
    %mul3A_13 = arith.mulf %get3A_12, %mul3A : vector<1024x128xf32>
    %slice3A_14 = vector.extract_strided_slice %get3A_6 {offsets = [0, 0], sizes = [128, 256], strides = [1, 1]} : vector<256x256xf32> to vector<128x256xf32>
    %dot_general3A = arith.constant dense<0.000000e+00> : vector<1024x256xf32>
    %dot_general3A_15 = tpu.matmul %mul3A_13, %slice3A_14, %dot_general3A {dimension_numbers = #tpu.dot_dimension_numbers<[1], [0], [0], [1], [0, 0, 1, 1], [], []>, transpose_lhs_hint = false} : vector<1024x128xf32>, vector<128x256xf32>, vector<1024x256xf32> -> vector<1024x256xf32>
    %get3A_16 = arith.constant 0 : index
    %get3A_17 = arith.constant 0 : index
    %get3A_18 = vector.load %arg2[%get3A_16, %get3A_17] : memref<1024x128xf32, #tpu.memory_space<vmem>>, vector<1024x128xf32>
    %mul3A_19 = vector.broadcast %rsqrt3A : vector<1024x1xf32> to vector<1024x128xf32>
    %mul3A_20 = arith.mulf %get3A_18, %mul3A_19 : vector<1024x128xf32>
    %slice3A_21 = vector.extract_strided_slice %get3A_6 {offsets = [128, 0], sizes = [128, 256], strides = [1, 1]} : vector<256x256xf32> to vector<128x256xf32>
    %dot_general3A_22 = arith.constant dense<0.000000e+00> : vector<1024x256xf32>
    %dot_general3A_23 = tpu.matmul %mul3A_20, %slice3A_21, %dot_general3A_22 {dimension_numbers = #tpu.dot_dimension_numbers<[1], [0], [0], [1], [0, 0, 1, 1], [], []>, transpose_lhs_hint = false} : vector<1024x128xf32>, vector<128x256xf32>, vector<1024x256xf32> -> vector<1024x256xf32>
    %add3A = arith.addf %dot_general3A_15, %dot_general3A_23 : vector<1024x256xf32>
    %get3A_24 = arith.constant 0 : index
    %get3A_25 = arith.constant 0 : index
    %get3A_26 = vector.load %arg7[%get3A_24, %get3A_25] : memref<1x256xf32, #tpu.memory_space<vmem>>, vector<1x256xf32>
    %add3A_27 = vector.broadcast %get3A_26 : vector<1x256xf32> to vector<1024x256xf32>
    %add3A_28 = arith.addf %add3A, %add3A_27 : vector<1024x256xf32>
    %swap3A = arith.constant 0 : index
    %swap3A_29 = arith.constant 0 : index
    %swap3A_30 = vector.load %arg10[%swap3A, %swap3A_29] : memref<1024x256xf32, #tpu.memory_space<vmem>>, vector<1024x256xf32>
    tpu.vector_store %arg10[%swap3A, %swap3A_29], %add3A_28 {strides = array<i32>} : memref<1024x256xf32, #tpu.memory_space<vmem>>, vector<1024x256xf32>,
    %get3A_31 = arith.constant 0 : index
    %get3A_32 = arith.constant 0 : index
    %get3A_33 = vector.load %arg3[%get3A_31, %get3A_32] : memref<1024x128xf32, #tpu.memory_space<vmem>>, vector<1024x128xf32>
    %mul3A_34 = vector.broadcast %rsqrt3A : vector<1024x1xf32> to vector<1024x128xf32>
    %mul3A_35 = arith.mulf %get3A_33, %mul3A_34 : vector<1024x128xf32>
    %slice3A_36 = vector.extract_strided_slice %get3A_9 {offsets = [0, 0], sizes = [128, 256], strides = [1, 1]} : vector<256x256xf32> to vector<128x256xf32>
    %dot_general3A_37 = arith.constant dense<0.000000e+00> : vector<1024x256xf32>
    %dot_general3A_38 = tpu.matmul %mul3A_35, %slice3A_36, %dot_general3A_37 {dimension_numbers = #tpu.dot_dimension_numbers<[1], [0], [0], [1], [0, 0, 1, 1], [], []>, transpose_lhs_hint = false} : vector<1024x128xf32>, vector<128x256xf32>, vector<1024x256xf32> -> vector<1024x256xf32>
    %get3A_39 = arith.constant 0 : index
    %get3A_40 = arith.constant 0 : index
    %get3A_41 = vector.load %arg4[%get3A_39, %get3A_40] : memref<1024x128xf32, #tpu.memory_space<vmem>>, vector<1024x128xf32>
    %mul3A_42 = vector.broadcast %rsqrt3A : vector<1024x1xf32> to vector<1024x128xf32>
    %mul3A_43 = arith.mulf %get3A_41, %mul3A_42 : vector<1024x128xf32>
    %slice3A_44 = vector.extract_strided_slice %get3A_9 {offsets = [128, 0], sizes = [128, 256], strides = [1, 1]} : vector<256x256xf32> to vector<128x256xf32>
    %dot_general3A_45 = arith.constant dense<0.000000e+00> : vector<1024x256xf32>
    %dot_general3A_46 = tpu.matmul %mul3A_43, %slice3A_44, %dot_general3A_45 {dimension_numbers = #tpu.dot_dimension_numbers<[1], [0], [0], [1], [0, 0, 1, 1], [], []>, transpose_lhs_hint = false} : vector<1024x128xf32>, vector<128x256xf32>, vector<1024x256xf32> -> vector<1024x256xf32>
    %add3A_47 = arith.addf %dot_general3A_38, %dot_general3A_46 : vector<1024x256xf32>
    %get3A_48 = arith.constant 0 : index
    %get3A_49 = arith.constant 0 : index
    %get3A_50 = vector.load %arg9[%get3A_48, %get3A_49] : memref<1x256xf32, #tpu.memory_space<vmem>>, vector<1x256xf32>
    %add3A_51 = vector.broadcast %get3A_50 : vector<1x256xf32> to vector<1024x256xf32>
    %add3A_52 = arith.addf %add3A_47, %add3A_51 : vector<1024x256xf32>
    %swap3A_53 = arith.constant 0 : index
    %swap3A_54 = arith.constant 0 : index
    %swap3A_55 = vector.load %arg11[%swap3A_53, %swap3A_54] : memref<1024x256xf32, #tpu.memory_space<vmem>>, vector<1024x256xf32>
    tpu.vector_store %arg11[%swap3A_53, %swap3A_54], %add3A_52 {strides = array<i32>} : memref<1024x256xf32, #tpu.memory_space<vmem>>, vector<1024x256xf32>,
    return
  }
  func.func @transform_0(%arg0: i32) -> (i32, i32) {
    %c0_i32 = arith.constant 0 : i32
    %c0_i32_0 = arith.constant 0 : i32
    return %arg0, %c0_i32 : i32, i32
  }
  func.func @transform_1(%arg0: i32) -> (i32, i32) {
    %c0_i32 = arith.constant 0 : i32
    %c0_i32_0 = arith.constant 0 : i32
    return %arg0, %c0_i32 : i32, i32
  }
  func.func @transform_2(%arg0: i32) -> (i32, i32) {
    %c0_i32 = arith.constant 0 : i32
    %c0_i32_0 = arith.constant 0 : i32
    return %arg0, %c0_i32 : i32, i32
  }
  func.func @transform_3(%arg0: i32) -> (i32, i32) {
    %c0_i32 = arith.constant 0 : i32
    %c0_i32_0 = arith.constant 0 : i32
    return %arg0, %c0_i32 : i32, i32
  }
  func.func @transform_4(%arg0: i32) -> (i32, i32) {
    %c0_i32 = arith.constant 0 : i32
    %c0_i32_0 = arith.constant 0 : i32
    return %arg0, %c0_i32 : i32, i32
  }
  func.func @transform_5(%arg0: i32) -> (i32, i32) {
    %c0_i32 = arith.constant 0 : i32
    %c0_i32_0 = arith.constant 0 : i32
    %c0_i32_1 = arith.constant 0 : i32
    return %c0_i32, %c0_i32_0 : i32, i32
  }
  func.func @transform_6(%arg0: i32) -> (i32, i32) {
    %c0_i32 = arith.constant 0 : i32
    %c0_i32_0 = arith.constant 0 : i32
    %c0_i32_1 = arith.constant 0 : i32
    return %c0_i32, %c0_i32_0 : i32, i32
  }
  func.func @transform_7(%arg0: i32) -> (i32, i32) {
    %c0_i32 = arith.constant 0 : i32
    %c0_i32_0 = arith.constant 0 : i32
    %c0_i32_1 = arith.constant 0 : i32
    return %c0_i32, %c0_i32_0 : i32, i32
  }
  func.func @transform_8(%arg0: i32) -> (i32, i32) {
    %c0_i32 = arith.constant 0 : i32
    %c0_i32_0 = arith.constant 0 : i32
    %c0_i32_1 = arith.constant 0 : i32
    return %c0_i32, %c0_i32_0 : i32, i32
  }
  func.func @transform_9(%arg0: i32) -> (i32, i32) {
    %c0_i32 = arith.constant 0 : i32
    %c0_i32_0 = arith.constant 0 : i32
    return %arg0, %c0_i32 : i32, i32
  }
  func.func @transform_10(%arg0: i32) -> (i32, i32) {
    %c0_i32 = arith.constant 0 : i32
    %c0_i32_0 = arith.constant 0 : i32
    return %arg0, %c0_i32 : i32, i32
  }
}

module attributes {stable_mosaic.version = 14 : i64} {
  func.func @_tc_mlp_body(%arg0: i32, %arg1: memref<1024x256xf32, #tpu.memory_space<vmem>>, %arg2: memref<1024x256xf32, #tpu.memory_space<vmem>>, %arg3: memref<256x256xf32, #tpu.memory_space<vmem>>, %arg4: memref<1x256xf32, #tpu.memory_space<vmem>>, %arg5: memref<256x256xf32, #tpu.memory_space<vmem>>, %arg6: memref<1x256xf32, #tpu.memory_space<vmem>>, %arg7: memref<256x256xf32, #tpu.memory_space<vmem>>, %arg8: memref<1x256xf32, #tpu.memory_space<vmem>>, %arg9: memref<256x256xf32, #tpu.memory_space<vmem>>, %arg10: memref<1x256xf32, #tpu.memory_space<vmem>>, %arg11: memref<1024x256xf32, #tpu.memory_space<vmem>>, %arg12: memref<1024x256xf32, #tpu.memory_space<vmem>>) attributes {dimension_semantics = [#tpu.dimension_semantics<arbitrary>], iteration_bounds = array<i64: 16>, scalar_prefetch = 0 : i64, scratch_operands = 0 : i64, tpu.core_type = #tpu.core_type<tc>, window_params = [{transform_indices = @transform_0, window_bounds = array<i64: 1024, 256>}, {transform_indices = @transform_1, window_bounds = array<i64: 1024, 256>}, {pipeline_mode = #tpu.pipeline_mode<synchronous>, transform_indices = @transform_2, window_bounds = array<i64: 256, 256>}, {pipeline_mode = #tpu.pipeline_mode<synchronous>, transform_indices = @transform_3, window_bounds = array<i64: 1, 256>}, {pipeline_mode = #tpu.pipeline_mode<synchronous>, transform_indices = @transform_4, window_bounds = array<i64: 256, 256>}, {pipeline_mode = #tpu.pipeline_mode<synchronous>, transform_indices = @transform_5, window_bounds = array<i64: 1, 256>}, {pipeline_mode = #tpu.pipeline_mode<synchronous>, transform_indices = @transform_6, window_bounds = array<i64: 256, 256>}, {pipeline_mode = #tpu.pipeline_mode<synchronous>, transform_indices = @transform_7, window_bounds = array<i64: 1, 256>}, {pipeline_mode = #tpu.pipeline_mode<synchronous>, transform_indices = @transform_8, window_bounds = array<i64: 256, 256>}, {pipeline_mode = #tpu.pipeline_mode<synchronous>, transform_indices = @transform_9, window_bounds = array<i64: 1, 256>}, {transform_indices = @transform_10, window_bounds = array<i64: 1024, 256>}, {transform_indices = @transform_11, window_bounds = array<i64: 1024, 256>}]} {
    %get3A = arith.constant 0 : index
    %get3A_0 = arith.constant 0 : index
    %get3A_1 = vector.load %arg2[%get3A, %get3A_0] : memref<1024x256xf32, #tpu.memory_space<vmem>>, vector<1024x256xf32>
    %get3A_2 = arith.constant 0 : index
    %get3A_3 = arith.constant 0 : index
    %get3A_4 = vector.load %arg3[%get3A_2, %get3A_3] : memref<256x256xf32, #tpu.memory_space<vmem>>, vector<256x256xf32>
    %dot_general3A = arith.constant dense<0.000000e+00> : vector<1024x256xf32>
    %dot_general3A_5 = tpu.matmul %get3A_1, %get3A_4, %dot_general3A {dimension_numbers = #tpu.dot_dimension_numbers<[1], [0], [0], [1], [0, 0, 1, 1], [], []>, transpose_lhs_hint = false} : vector<1024x256xf32>, vector<256x256xf32>, vector<1024x256xf32> -> vector<1024x256xf32>
    %get3A_6 = arith.constant 0 : index
    %get3A_7 = arith.constant 0 : index
    %get3A_8 = vector.load %arg4[%get3A_6, %get3A_7] : memref<1x256xf32, #tpu.memory_space<vmem>>, vector<1x256xf32>
    %add3A = vector.broadcast %get3A_8 : vector<1x256xf32> to vector<1024x256xf32>
    %add3A_9 = arith.addf %dot_general3A_5, %add3A : vector<1024x256xf32>
    %gt3A = arith.constant 0.000000e+00 : f32
    %gt3A_10 = vector.broadcast %gt3A : f32 to vector<1024x256xf32>
    %gt3A_11 = arith.cmpf ogt, %add3A_9, %gt3A_10 : vector<1024x256xf32>
    %exp3A = math.exp %add3A_9 : vector<1024x256xf32>
    %sub3A = arith.constant 1.000000e+00 : f32
    %sub3A_12 = vector.broadcast %sub3A : f32 to vector<1024x256xf32>
    %sub3A_13 = arith.subf %exp3A, %sub3A_12 : vector<1024x256xf32>
    %select_n3A = arith.select %gt3A_11, %add3A_9, %sub3A_13 : vector<1024x256xi1>, vector<1024x256xf32>
    %get3A_14 = arith.constant 0 : index
    %get3A_15 = arith.constant 0 : index
    %get3A_16 = vector.load %arg5[%get3A_14, %get3A_15] : memref<256x256xf32, #tpu.memory_space<vmem>>, vector<256x256xf32>
    %dot_general3A_17 = arith.constant dense<0.000000e+00> : vector<1024x256xf32>
    %dot_general3A_18 = tpu.matmul %select_n3A, %get3A_16, %dot_general3A_17 {dimension_numbers = #tpu.dot_dimension_numbers<[1], [0], [0], [1], [0, 0, 1, 1], [], []>, transpose_lhs_hint = false} : vector<1024x256xf32>, vector<256x256xf32>, vector<1024x256xf32> -> vector<1024x256xf32>
    %get3A_19 = arith.constant 0 : index
    %get3A_20 = arith.constant 0 : index
    %get3A_21 = vector.load %arg6[%get3A_19, %get3A_20] : memref<1x256xf32, #tpu.memory_space<vmem>>, vector<1x256xf32>
    %add3A_22 = vector.broadcast %get3A_21 : vector<1x256xf32> to vector<1024x256xf32>
    %add3A_23 = arith.addf %dot_general3A_18, %add3A_22 : vector<1024x256xf32>
    %gt3A_24 = arith.constant 0.000000e+00 : f32
    %gt3A_25 = vector.broadcast %gt3A_24 : f32 to vector<1024x256xf32>
    %gt3A_26 = arith.cmpf ogt, %add3A_23, %gt3A_25 : vector<1024x256xf32>
    %exp3A_27 = math.exp %add3A_23 : vector<1024x256xf32>
    %sub3A_28 = arith.constant 1.000000e+00 : f32
    %sub3A_29 = vector.broadcast %sub3A_28 : f32 to vector<1024x256xf32>
    %sub3A_30 = arith.subf %exp3A_27, %sub3A_29 : vector<1024x256xf32>
    %select_n3A_31 = arith.select %gt3A_26, %add3A_23, %sub3A_30 : vector<1024x256xi1>, vector<1024x256xf32>
    %swap3A = arith.constant 0 : index
    %swap3A_32 = arith.constant 0 : index
    %swap3A_33 = vector.load %arg11[%swap3A, %swap3A_32] : memref<1024x256xf32, #tpu.memory_space<vmem>>, vector<1024x256xf32>
    tpu.vector_store %arg11[%swap3A, %swap3A_32], %select_n3A_31 {strides = array<i32>} : memref<1024x256xf32, #tpu.memory_space<vmem>>, vector<1024x256xf32>,
    %get3A_34 = arith.constant 0 : index
    %get3A_35 = arith.constant 0 : index
    %get3A_36 = vector.load %arg1[%get3A_34, %get3A_35] : memref<1024x256xf32, #tpu.memory_space<vmem>>, vector<1024x256xf32>
    %get3A_37 = arith.constant 0 : index
    %get3A_38 = arith.constant 0 : index
    %get3A_39 = vector.load %arg7[%get3A_37, %get3A_38] : memref<256x256xf32, #tpu.memory_space<vmem>>, vector<256x256xf32>
    %dot_general3A_40 = arith.constant dense<0.000000e+00> : vector<1024x256xf32>
    %dot_general3A_41 = tpu.matmul %get3A_36, %get3A_39, %dot_general3A_40 {dimension_numbers = #tpu.dot_dimension_numbers<[1], [0], [0], [1], [0, 0, 1, 1], [], []>, transpose_lhs_hint = false} : vector<1024x256xf32>, vector<256x256xf32>, vector<1024x256xf32> -> vector<1024x256xf32>
    %get3A_42 = arith.constant 0 : index
    %get3A_43 = arith.constant 0 : index
    %get3A_44 = vector.load %arg8[%get3A_42, %get3A_43] : memref<1x256xf32, #tpu.memory_space<vmem>>, vector<1x256xf32>
    %add3A_45 = vector.broadcast %get3A_44 : vector<1x256xf32> to vector<1024x256xf32>
    %add3A_46 = arith.addf %dot_general3A_41, %add3A_45 : vector<1024x256xf32>
    %gt3A_47 = arith.constant 0.000000e+00 : f32
    %gt3A_48 = vector.broadcast %gt3A_47 : f32 to vector<1024x256xf32>
    %gt3A_49 = arith.cmpf ogt, %add3A_46, %gt3A_48 : vector<1024x256xf32>
    %exp3A_50 = math.exp %add3A_46 : vector<1024x256xf32>
    %sub3A_51 = arith.constant 1.000000e+00 : f32
    %sub3A_52 = vector.broadcast %sub3A_51 : f32 to vector<1024x256xf32>
    %sub3A_53 = arith.subf %exp3A_50, %sub3A_52 : vector<1024x256xf32>
    %select_n3A_54 = arith.select %gt3A_49, %add3A_46, %sub3A_53 : vector<1024x256xi1>, vector<1024x256xf32>
    %get3A_55 = arith.constant 0 : index
    %get3A_56 = arith.constant 0 : index
    %get3A_57 = vector.load %arg9[%get3A_55, %get3A_56] : memref<256x256xf32, #tpu.memory_space<vmem>>, vector<256x256xf32>
    %dot_general3A_58 = arith.constant dense<0.000000e+00> : vector<1024x256xf32>
    %dot_general3A_59 = tpu.matmul %select_n3A_54, %get3A_57, %dot_general3A_58 {dimension_numbers = #tpu.dot_dimension_numbers<[1], [0], [0], [1], [0, 0, 1, 1], [], []>, transpose_lhs_hint = false} : vector<1024x256xf32>, vector<256x256xf32>, vector<1024x256xf32> -> vector<1024x256xf32>
    %get3A_60 = arith.constant 0 : index
    %get3A_61 = arith.constant 0 : index
    %get3A_62 = vector.load %arg10[%get3A_60, %get3A_61] : memref<1x256xf32, #tpu.memory_space<vmem>>, vector<1x256xf32>
    %add3A_63 = vector.broadcast %get3A_62 : vector<1x256xf32> to vector<1024x256xf32>
    %add3A_64 = arith.addf %dot_general3A_59, %add3A_63 : vector<1024x256xf32>
    %gt3A_65 = arith.constant 0.000000e+00 : f32
    %gt3A_66 = vector.broadcast %gt3A_65 : f32 to vector<1024x256xf32>
    %gt3A_67 = arith.cmpf ogt, %add3A_64, %gt3A_66 : vector<1024x256xf32>
    %exp3A_68 = math.exp %add3A_64 : vector<1024x256xf32>
    %sub3A_69 = arith.constant 1.000000e+00 : f32
    %sub3A_70 = vector.broadcast %sub3A_69 : f32 to vector<1024x256xf32>
    %sub3A_71 = arith.subf %exp3A_68, %sub3A_70 : vector<1024x256xf32>
    %select_n3A_72 = arith.select %gt3A_67, %add3A_64, %sub3A_71 : vector<1024x256xi1>, vector<1024x256xf32>
    %swap3A_73 = arith.constant 0 : index
    %swap3A_74 = arith.constant 0 : index
    %swap3A_75 = vector.load %arg12[%swap3A_73, %swap3A_74] : memref<1024x256xf32, #tpu.memory_space<vmem>>, vector<1024x256xf32>
    tpu.vector_store %arg12[%swap3A_73, %swap3A_74], %select_n3A_72 {strides = array<i32>} : memref<1024x256xf32, #tpu.memory_space<vmem>>, vector<1024x256xf32>,
    return
  }
  func.func @transform_0(%arg0: i32) -> (i32, i32) {
    %c0_i32 = arith.constant 0 : i32
    %c0_i32_0 = arith.constant 0 : i32
    return %arg0, %c0_i32 : i32, i32
  }
  func.func @transform_1(%arg0: i32) -> (i32, i32) {
    %c0_i32 = arith.constant 0 : i32
    %c0_i32_0 = arith.constant 0 : i32
    return %arg0, %c0_i32 : i32, i32
  }
  func.func @transform_2(%arg0: i32) -> (i32, i32) {
    %c0_i32 = arith.constant 0 : i32
    %c0_i32_0 = arith.constant 0 : i32
    %c0_i32_1 = arith.constant 0 : i32
    return %c0_i32, %c0_i32_0 : i32, i32
  }
  func.func @transform_3(%arg0: i32) -> (i32, i32) {
    %c0_i32 = arith.constant 0 : i32
    %c0_i32_0 = arith.constant 0 : i32
    %c0_i32_1 = arith.constant 0 : i32
    return %c0_i32, %c0_i32_0 : i32, i32
  }
  func.func @transform_4(%arg0: i32) -> (i32, i32) {
    %c0_i32 = arith.constant 0 : i32
    %c0_i32_0 = arith.constant 0 : i32
    %c0_i32_1 = arith.constant 0 : i32
    return %c0_i32, %c0_i32_0 : i32, i32
  }
  func.func @transform_5(%arg0: i32) -> (i32, i32) {
    %c0_i32 = arith.constant 0 : i32
    %c0_i32_0 = arith.constant 0 : i32
    %c0_i32_1 = arith.constant 0 : i32
    return %c0_i32, %c0_i32_0 : i32, i32
  }
  func.func @transform_6(%arg0: i32) -> (i32, i32) {
    %c0_i32 = arith.constant 0 : i32
    %c0_i32_0 = arith.constant 0 : i32
    %c0_i32_1 = arith.constant 0 : i32
    return %c0_i32, %c0_i32_0 : i32, i32
  }
  func.func @transform_7(%arg0: i32) -> (i32, i32) {
    %c0_i32 = arith.constant 0 : i32
    %c0_i32_0 = arith.constant 0 : i32
    %c0_i32_1 = arith.constant 0 : i32
    return %c0_i32, %c0_i32_0 : i32, i32
  }
  func.func @transform_8(%arg0: i32) -> (i32, i32) {
    %c0_i32 = arith.constant 0 : i32
    %c0_i32_0 = arith.constant 0 : i32
    %c0_i32_1 = arith.constant 0 : i32
    return %c0_i32, %c0_i32_0 : i32, i32
  }
  func.func @transform_9(%arg0: i32) -> (i32, i32) {
    %c0_i32 = arith.constant 0 : i32
    %c0_i32_0 = arith.constant 0 : i32
    %c0_i32_1 = arith.constant 0 : i32
    return %c0_i32, %c0_i32_0 : i32, i32
  }
  func.func @transform_10(%arg0: i32) -> (i32, i32) {
    %c0_i32 = arith.constant 0 : i32
    %c0_i32_0 = arith.constant 0 : i32
    return %arg0, %c0_i32 : i32, i32
  }
  func.func @transform_11(%arg0: i32) -> (i32, i32) {
    %c0_i32 = arith.constant 0 : i32
    %c0_i32_0 = arith.constant 0 : i32
    return %arg0, %c0_i32 : i32, i32
  }
}

</mosaic_0001>

<sc_bundles>
// kernel: kernel.11.cloned.1.call-start
scs
__scs_entry_jumppad:
0x0: {  	(pc) =	sbr.rel $0x88, $3  }
0x1: {  	(tag) =	ssettag $0x0;
	lr =	simm.s32 $0x1  }
0x2: {  	[smem:$0x3F8D] =	sst lr;
	_ =	strace $0xD0000000  }
0x3: {  	_ = 	snop  }
0x4: {  	_ = 	snop  }
0x5: {  	_ = 	snop  }
0x6: {  	_ = 	snop  }
0x7: {  	_ = 	snop  }
__scs_overlays_trampoline_lowered:
0x8: {  	[smem:$0x3F9C] =	sst s0  }
0x9: {  	[smem:$0x3F9D] =	sst s1  }
0xa: {  	[smem:$0x3F9E] =	sst s2  }
0xb: {  	[smem:$0x3F9F] =	sst s3  }
0xc: {  	[smem:$0x3FA0] =	sst s4  }
0xd: {  	[smem:$0x3FA1] =	sst s5  }
0xe: {  	[smem:$0x3FA2] =	sst s6  }
0xf: {  	[smem:$0x3FA3] =	sst s7  }
0x10: {  	[smem:$0x3FA4] =	sst s8  }
0x11: {  	[smem:$0x3FA5] =	sst s9;
	s0 =	simm.s32 @!p0 $0x0  }
0x12: {  	s1 =	sld [smem:$0x3F8B];
	s0 =	simm.s32 @p0 $0x1  }
0x13: {  	[smem:$0x3FA6] =	sst s0;
	s0 =	simm.s32 @!p1 $0x0  }
0x14: {  	s2 =	sld [smem:$0x3F8A];
	s0 =	simm.s32 @p1 $0x1  }
0x15: {  	[smem:$0x3FA7] =	sst s0;
	s0 =	simm.s32 @!p2 $0x0  }
0x16: {  	s3 =	sld [smem:$0x3FDB];
	s0 =	simm.s32 @p2 $0x1  }
0x17: {  	s4 =	simm.s32 $0x1BF5;
	[smem:$0x3FA9] =	sst s0  }
0x18: {  	s0 =	sld [smem:$0x3F8C];
	_ =	swait.ge [sflag:s4], $0x0  }
0x19: {  	s7 =	sld [smem:$0x3F8D]  }
0x1a: {  	s8 =	sadd.s32 $0xFFFFE003, lr  }
0x1b: {  	s9 =	sadd.s32 $0xFFFFFEF7, lr;
	s5 =	simm.s32 $0xFFFFFFFF;
	p2 =	slt.u32 s8, $0xFFFFF086  }
0x1c: {  	p1 =	slt.u32 s9, $0xF7A;
	s5 =	simm.s32 @!p2 $0x0  }
0x1d: {  	s5 =	simm.s32 @p1 $0x1;
	p0 =	seq.s32 s7, s2  }
0x1e: {  	s7 =	smul.u32 @!p0 $0xF7A, s2;
	p2 =	seq.s32 @!p0 s5, $0x0  }
0x1f: {  	s9 =	smul.u32 $0xF7A, s1;
	s8 =	simm.s32 @!p0 $0x1BF5;
	p2 =	por !p2, p0  }
0x20: {  	[sflag:s8] =	ssyncset.s32 @!p0 $0xFFFFF086;
	s6 =	sadd.s32 @!p0 s3, s7;
	s7 =	simm.s32 @!p0 $0x108  }
0x21: {  	s3 =	sadd.s32 s3, s9;
	s6 =	sadd.s32 @!p0 $0x88, s6;
	s7 =	simm.s32 @p2 $0x1082  }
0x22: {  	[simem:s7], [sflag:s8] =	dma.local @!p0 [hbm:s6], $0xF7A  }
0x23: {  	s9 =	sor.u32 $0xD0000000, s2;
	s6 =	simm.s32 $0x108;
	_ =	swait.ge @!p0 [sflag:s8], $0x0  }
0x24: {  	s3 =	sadd.s32 $0x88, s3;
	s6 =	simm.s32 @!p1 $0x1082;
	[sflag:s4] =	ssyncset.s32 $0xFFFFF086  }
0x25: {  	[simem:s6], [sflag:s4] =	dma.local [hbm:s3], $0xF7A  }
0x26: {  	[smem:$0x3F8D] =	sst s1;
	(tag) =	ssettag s2;
	_ =	strace s9  }
0x27: {  	s1 =	sld [smem:$0x3F9D]  }
0x28: {  	s2 =	sld [smem:$0x3F9E]  }
0x29: {  	s4 =	sld [smem:$0x3FA0]  }
0x2a: {  	p0 =	seq.s32 s5, $0x0;
	s5 =	sld [smem:$0x3FA1]  }
0x2b: {  	s6 =	sld [smem:$0x3FA2]  }
0x2c: {  	s7 =	sld [smem:$0x3FA3]  }
0x2d: {  	s3 =	simm.s32 $0x108;
	s8 =	sld [smem:$0x3FA4]  }
0x2e: {  	s3 =	simm.s32 @!p0 $0x1082;
	s9 =	sld [smem:$0x3FA5]  }
0x2f: {  	lr =	sadd.s32 s0, s3;
	s0 =	sld [smem:$0x3F9C]  }
0x30: {  	s3 =	sld [smem:$0x3F9F]  }
0x31: {  	[smem:$0x3FA8] =	sst s10  }
0x32: {  	s10 =	sld [smem:$0x3FA6];
	_ =	sdelay $0x3  }
0x33: {  	p0 =	seq.s32 s10, $0x1;
	s10 =	sld [smem:$0x3FA8];
	_ =	sdelay $0x3  }
0x34: {  	[smem:$0x3FA8] =	sst s10  }
0x35: {  	s10 =	sld [smem:$0x3FA7];
	_ =	sdelay $0x3  }
0x36: {  	p1 =	seq.s32 s10, $0x1;
	s10 =	sld [smem:$0x3FA8];
	_ =	sdelay $0x3  }
0x37: {  	[smem:$0x3FA8] =	sst s10  }
0x38: {  	s10 =	sld [smem:$0x3FA9]  }
0x39: {  	_ = 	snop;
	(pc) =	sbr.ind lr, $3  }
0x3a: {  	_ = 	snop  }
0x3b: {  	_ = 	snop  }
0x3c: {  	p2 =	seq.s32 s10, $0x1;
	s10 =	sld [smem:$0x3FA8]  }
0x3d: {  	_ =	shalt  }
0x3e: {  	_ =	shalt  }
0x3f: {  	_ =	shalt  }
0x40: {  	_ =	shalt  }
0x41: {  	_ =	shalt  }
0x42: {  	_ =	shalt  }
0x43: {  	_ =	shalt  }
0x44: {  	_ =	shalt  }
0x45: {  	_ =	shalt  }
0x46: {  	_ =	shalt  }
0x47: {  	_ =	shalt  }
0x48: {  	_ =	shalt  }
0x49: {  	_ =	shalt  }
0x4a: {  	_ =	shalt  }
0x4b: {  	_ =	shalt  }
0x4c: {  	_ =	shalt  }
0x4d: {  	_ =	shalt  }
0x4e: {  	_ =	shalt  }
0x4f: {  	_ =	shalt  }
0x50: {  	_ =	shalt  }
0x51: {  	_ =	shalt  }
0x52: {  	_ =	shalt  }
0x53: {  	_ =	shalt  }
0x54: {  	_ =	shalt  }
0x55: {  	_ =	shalt  }
0x56: {  	_ =	shalt  }
0x57: {  	_ =	shalt  }
0x58: {  	_ =	shalt  }
0x59: {  	_ =	shalt  }
0x5a: {  	_ =	shalt  }
0x5b: {  	_ =	shalt  }
0x5c: {  	_ =	shalt  }
0x5d: {  	_ =	shalt  }
0x5e: {  	_ =	shalt  }
0x5f: {  	_ =	shalt  }
0x60: {  	_ =	shalt  }
0x61: {  	_ =	shalt  }
0x62: {  	_ =	shalt  }
0x63: {  	_ =	shalt  }
0x64: {  	_ =	shalt  }
0x65: {  	_ =	shalt  }
0x66: {  	_ =	shalt  }
0x67: {  	_ =	shalt  }
0x68: {  	_ =	shalt  }
0x69: {  	_ =	shalt  }
0x6a: {  	_ =	shalt  }
0x6b: {  	_ =	shalt  }
0x6c: {  	_ =	shalt  }
0x6d: {  	_ =	shalt  }
0x6e: {  	_ =	shalt  }
0x6f: {  	_ =	shalt  }
0x70: {  	_ =	shalt  }
0x71: {  	_ =	shalt  }
0x72: {  	_ =	shalt  }
0x73: {  	_ =	shalt  }
0x74: {  	_ =	shalt  }
0x75: {  	_ =	shalt  }
0x76: {  	_ =	shalt  }
0x77: {  	_ =	shalt  }
0x78: {  	_ =	shalt  }
0x79: {  	_ =	shalt  }
0x7a: {  	_ =	shalt  }
0x7b: {  	_ =	shalt  }
0x7c: {  	_ =	shalt  }
0x7d: {  	_ =	shalt  }
0x7e: {  	_ =	shalt  }
0x7f: {  	_ =	shalt  }
0x80: {  	_ =	shalt  }
0x81: {  	_ =	shalt  }
0x82: {  	_ =	shalt  }
0x83: {  	_ =	shalt  }
0x84: {  	_ =	shalt  }
0x85: {  	_ =	shalt  }
0x86: {  	_ =	shalt  }
0x87: {  	_ =	shalt  }
.Lfunc_end0:
.L_simem_size_0:
called_computation_lowered:
.L_overlay_start_0:
0x88: {  	s2 =	sld [smem:$0x3FD9]  }
0x89: {  	s3 =	sld [smem:$0x3FFE];
	_ =	sdelay $0x1  }
0x8a: {  	s1 =	srdreg.scid  }
0x8b: {  	s0 =	sand.u32 $0x1, s1  }
0x8c: {  	s16 =	sshll.u32 s0, $0xA;
	s2 =	sadd.s32 s3, s2  }
0x8d: {  	s2 =	sadd.s32 s2, s16  }
0x8e: {  	[smem:$0x3FB4] =	sst s2  }
0x8f: {  	_ = 	snop  }
0x90: {  	(tm) =	ssettm $0x1  }
0x91: {  	s17 =	sld [smem:$0x3FFB];
	_ =	sdelay $0x3  }
0x92: {  	_ =	strace s17  }
0x93: {  	s2 =	sld [smem:$0x3FFC];
	_ =	sdelay $0x3  }
0x94: {  	_ =	strace s2  }
0x95: {  	s2 =	sld [smem:$0x3FFD];
	_ =	sdelay $0x3  }
0x96: {  	_ =	strace s2  }
0x97: {  	_ =	strace $0x8FFFFFFF  }
0x98: {  	s18 =	sld [smem:$0x3FDB];
	_ =	sdelay $0x1  }
0x99: {  	s19 =	simm.s32 $_scs_section_size  }
0x9a: {  	s4 =	simm.s32 $_size__tile_overlayer_lowered;
	s5 =	simm.s32 $_tile_overlayer_lowered  }
0x9b: {  	s22 =	simm.s32 $0x1BFF;
	s21 =	sshll.u32 s5, $0x1;
	s2 =	sadd.s32 s19, s18  }
0x9c: {  	s6 =	simm.s32 $0x0;
	s20 =	sshll.u32 s4, $0x1;
	s4 =	sadd.s32 s21, s2  }
0x9d: {  	[timem:s6], [sflag:s22] =	dma.local [hbm:s4], s20  }
0x9e: {  	_ =	swait.ge [sflag:s22], s20  }
0x9f: {  	s3 =	ssub.s32 $0x0, s20;
	[sflag:s22] =	ssyncset.done $0x0  }
0xa0: {  	[sflag:s22] =	ssyncadd.s32 s3;
	_ =	sdelay $0x1  }
0xa1: {  	s23 =	simm.s32 $0x1B8B  }
0xa2: {  	_ =	swait.ge [sflag:s23], $0x1  }
0xa3: {  	[sflag:s23] =	ssyncset.done $0x0  }
0xa4: {  	s25 =	simm.s32 $0x1B8E;
	s24 =	sld [smem:$0x3FFE];
	[sflag:s23] =	ssyncadd.s32 $0xFFFFFFFF  }
0xa5: {  	s26 =	simm.s32 $execute0_lowered;
	[smem:$0x3FD2] =	sst s25  }
0xa6: {  	s4 =	sshll.u32 s26, $0x1;
	_ =	strace $0x80000046;
	[dreg:$0x1] =	wrdreg $0xFFFFFFFF  }
0xa7: {  	s28 =	simm.s32 $_size_execute0_lowered;
	s2 =	sadd.s32 s2, s4;
	[dreg:$0x0] =	wrdreg $0x0  }
0xa8: {  	s4 =	sshll.u32 s28, $0x1;
	[dreg:$0x2] =	wrdreg s2  }
0xa9: {  	[dreg:$0x3] =	wrdreg s4  }
0xaa: {  	[dreg:$0x4] =	wrdreg $0xC0  }
0xab: {  	_ =	task [dreg:s6], $0x5FFFF  }
0xac: {  	[dreg:$0x1] =	wrdreg $0xFFFFFFFF  }
0xad: {  	[dreg:$0x0] =	wrdreg $0x60  }
0xae: {  	[dreg:$0x2] =	wrdreg s24  }
0xaf: {  	[dreg:$0x3] =	wrdreg $0x94000  }
0xb0: {  	[dreg:$0x4] =	wrdreg $0x9  }
0xb1: {  	_ =	task.clear_ibuf [dreg:s6], $0x5FFFF;
	_ =	strace $0x90000046  }
0xb2: {  	s29 =	simm.s32 $0x9;
	_ =	strace $0x80000048  }
0xb3: {  	_ =	swait.ge [sflag:s29], $0x1  }
0xb4: {  	[sflag:s29] =	ssyncadd.s32 $0xFFFFFFFF  }
0xb5: {  	_ =	strace $0x90000048  }
0xb6: {  	_ =	sfence  }
0xb7: {  	s30 =	sld [smem:$0x0];
	_ =	sdelay $0x2  }
0xb8: {  	s31 =	sshll.u32 s1, $0xD;
	s1 =	sshrl.u32 s1, $0x2  }
0xb9: {  	s3 =	sand.u32 $0x4000, s31;
	s1 =	sadd.s32 s1, s30  }
0xba: {  	s0 =	sor.u32 s3, s0;
	s1 =	sshll.u32 s1, $0x11  }
0xbb: {  	s0 =	sor.u32 s1, s0  }
0xbc: {  	s0 =	sadd.s32 $0x8F2B, s0  }
0xbd: {  	[sflag:s0] =	ssyncadd.remote.s32 $0x1  }
0xbe: {  	_ =	sfence.sel $0xFFFF  }
0xbf: {  	[dreg:$0x0] =	wrdreg $0xFFFFFFFF;
	(pc) =	sbr.abs _section_cstart, $3  }
0xc0: {  	[dreg:$0x1] =	wrdreg $0xFFFFFFFF  }
0xc1: {  	_ =	task.clear_ibuf [dreg:s6], $0x2FFFF;
	_ =	strace $0x9FFFFFFF  }
0xc2: {  	(tm) =	ssettm $0x7FFFFFFF  }
0xc3: {  	_ =	shalt  }
tec
execute0_lowered:
.L_overlay_start_1:
0x0: {  	(tag) =	ssettag $0x1  }
0x1: {  	s5 =	rddreg [dreg:$0x0]  }
0x2: {  	s2 =	rddreg [dreg:$0x1]  }
0x3: {  	s0 =	rddreg [dreg:$0x2];
	s3 =	simm.s32 $0x0  }
0x4: {  	s1 =	stileid.u32;
	s4 =	srdreg.scid;
	s23 =	simm.s32 $0x80  }
0x5: {  	s24 =	simm.s32 $0x1400;
	[smem:$0x7FF] =	sst s3;
	s6 =	smul.u32 $0x50000, s1  }
0x6: {  	s20 =	sadd.s32 $0x11200, s5;
	s16 =	sadd.s32 $0x7200, s5;
	s21 =	sand.u32 $0x1, s4  }
0x7: {  	s4 =	sadd.s32 $0x1B200, s5;
	s5 =	sadd.s32 $0x43200, s5;
	s17 =	smul.u32 $0xA00, s1  }
0x8: {  	s11 =	smul.u32 $0x2800, s1;
	_ =	strace $0x80000047;
	s7 =	ssub.s32 $0x2, s21  }
0x9: {  	p0 =	seq.s32 s21, $0x0;
	s21 =	simm.s32 $0x5400;
	s6 =	sshrl.u32 s6, $0x2  }
0xa: {  	s8 =	sshrl.u32 s7, $0x1;
	s13 =	sadd.s32 s16, s17;
	s18 =	sadd.s32 $0x280, s17  }
0xb: {  	s19 =	sadd.s32 $0x500, s17;
	s22 =	sadd.s32 $0x780, s17;
	s17 =	sadd.s32 s20, s17  }
.Ltmp0:
0xc: {  	s6 =	sadd.s32 s6, s2;
	s12 =	ssub.s32 s7, s8;
	(pc) =	sbr.rel .LBB2_1-.Ltmp0, $4  }
0xd: {  	s14 =	sadd.s32 s16, s18;
	s15 =	sadd.s32 s16, s19;
	s16 =	sadd.s32 s16, s22  }
0xe: {  	s18 =	sadd.s32 s20, s18;
	s19 =	sadd.s32 s20, s19;
	s20 =	sadd.s32 s20, s22  }
0xf: {  	s22 =	simm.s32 $0x1;
	s7 =	sadd.s32 $0x4000, s6;
	s8 =	sadd.s32 $0x8000, s6  }
0x10: {  	v0 =	vimm.f32 $0.0e+00;
	v1 =	vimm.f32 $1.000000000e+00;
	s9 =	sadd.s32 $0xC000, s6;
	s10 =	sadd.s32 $0x10000, s6;
	s12 =	smax.u32 s12, $0x1  }
.LBB2_14:
0x11: {  	[sflag:s22] =	ssyncadd.s32 $0xFFFFC000;
	s25 =	smov.u32 s5  }
.LBB2_24:
0x12: {  	s25 =	sadd.s32 s25, s11;
	s3 =	sadd.s32 $0x1, s3  }
0x13: {  	s26 =	sshll.u32 s1, $0x6;
	[bflag:$0x0] =	sbarrier.arrive $0xFFFF;
	p1 =	sne.s32 s3, s12  }
.Ltmp1:
0x14: {  	s28 =	sshrl.u32 s6, $0x3;
	s26 =	sor.u32 $0x1C01, s26;
	(pc) =	sbr.rel @!p1 .LBB2_25-.Ltmp1, $4  }
0x15: {  	[hbm:s25], [sflag:s26] =	dma.local [spmem:s28], $0x2800  }
0x16: {  	_ =	swait.ge [sflag:s22], $0x2800  }
0x17: {  	[sflag:s22] =	ssyncset.done $0x0  }
0x18: {  	[sflag:s22] =	ssyncadd.s32 $0xFFFFD800  }
.LBB2_1:
0x19: {  	s25 =	simm.s32 $0x0;
	s26 =	simm.s32 $0x200  }
.LBB2_2:
0x1a: {  	p1 =	sne.s32 s26, $0xFE00;
	[tilespmem:s25+$0x5470] =	vst v0  }
0x1b: {  	[tilespmem:s25+$0x5400] =	vst v0  }
0x1c: {  	[tilespmem:s25+$0x5410] =	vst v0  }
.Ltmp2:
0x1d: {  	[tilespmem:s25+$0x5420] =	vst v0;
	(pc) =	sbr.rel @p1 .LBB2_2-.Ltmp2, $4  }
0x1e: {  	[tilespmem:s25+$0x5430] =	vst v0  }
0x1f: {  	[tilespmem:s25+$0x5440] =	vst v0  }
0x20: {  	[tilespmem:s25+$0x5450] =	vst v0  }
0x21: {  	[tilespmem:s25+$0x5460] =	vst v0;
	s25 =	sshra.s32 s26, $0x2;
	s26 =	sadd.s32 $0x200, s26  }
0x22: {  	[tilespmem:s25+$0x5470] =	vst v0  }
0x23: {  	[tilespmem:s25+$0x5400] =	vst v0  }
0x24: {  	[tilespmem:s25+$0x5410] =	vst v0  }
0x25: {  	[tilespmem:s25+$0x5420] =	vst v0  }
0x26: {  	[tilespmem:s25+$0x5430] =	vst v0  }
0x27: {  	[tilespmem:s25+$0x5440] =	vst v0  }
0x28: {  	[tilespmem:s25+$0x5450] =	vst v0  }
0x29: {  	[tilespmem:s25+$0x5460] =	vst v0;
	s25 =	simm.s32 $0x0;
	s26 =	simm.s32 $0x200  }
.LBB2_4:
0x2a: {  	p1 =	sne.s32 s26, $0xFE00;
	[tilespmem:s25+$0x1470] =	vst v1  }
0x2b: {  	[tilespmem:s25+$0x1400] =	vst v1  }
0x2c: {  	[tilespmem:s25+$0x1410] =	vst v1  }
.Ltmp3:
0x2d: {  	[tilespmem:s25+$0x1420] =	vst v1;
	(pc) =	sbr.rel @p1 .LBB2_4-.Ltmp3, $4  }
0x2e: {  	[tilespmem:s25+$0x1430] =	vst v1  }
0x2f: {  	[tilespmem:s25+$0x1440] =	vst v1  }
0x30: {  	[tilespmem:s25+$0x1450] =	vst v1  }
0x31: {  	[tilespmem:s25+$0x1460] =	vst v1;
	s25 =	sshra.s32 s26, $0x2;
	s26 =	sadd.s32 $0x200, s26  }
0x32: {  	[tilespmem:s25+$0x1470] =	vst v1  }
0x33: {  	[tilespmem:s25+$0x1400] =	vst v1  }
0x34: {  	[tilespmem:s25+$0x1410] =	vst v1  }
0x35: {  	[tilespmem:s25+$0x1420] =	vst v1  }
0x36: {  	[tilespmem:s25+$0x1430] =	vst v1  }
0x37: {  	[tilespmem:s25+$0x1440] =	vst v1  }
0x38: {  	[tilespmem:s25+$0x1450] =	vst v1  }
0x39: {  	[tilespmem:s25+$0x1460] =	vst v1  }
0x3a: {  	[spmem:s6] =	stream.linear.scatter [tilespmem:s21], [sflag:$0x1], $0x4000, $0x38;
	[tilespmem:$0x1D400] =	vst v63  }
0x3b: {  	_ =	swait.ge [sflag:s22], $0x4000  }
0x3c: {  	[sflag:s22] =	ssyncset.done $0x0  }
0x3d: {  	[sflag:s22] =	ssyncadd.s32 $0xFFFFC000  }
0x3e: {  	[spmem:s7] =	stream.linear.scatter [tilespmem:s21], [sflag:$0x1], $0x4000, $0x38;
	[tilespmem:$0x1D400] =	vst v63  }
0x3f: {  	_ =	swait.ge [sflag:s22], $0x4000  }
0x40: {  	[sflag:s22] =	ssyncset.done $0x0  }
0x41: {  	[sflag:s22] =	ssyncadd.s32 $0xFFFFC000  }
0x42: {  	[spmem:s8] =	stream.linear.scatter [tilespmem:s21], [sflag:$0x1], $0x4000, $0x38;
	[tilespmem:$0x1D400] =	vst v63  }
0x43: {  	_ =	swait.ge [sflag:s22], $0x4000  }
0x44: {  	[sflag:s22] =	ssyncset.done $0x0  }
0x45: {  	[sflag:s22] =	ssyncadd.s32 $0xFFFFC000  }
0x46: {  	[spmem:s9] =	stream.linear.scatter [tilespmem:s21], [sflag:$0x1], $0x4000, $0x38;
	[tilespmem:$0x1D400] =	vst v63  }
0x47: {  	_ =	swait.ge [sflag:s22], $0x4000  }
0x48: {  	[sflag:s22] =	ssyncset.done $0x0  }
0x49: {  	[sflag:s22] =	ssyncadd.s32 $0xFFFFC000  }
0x4a: {  	[spmem:s10] =	stream.linear.scatter [tilespmem:s21], [sflag:$0x1], $0x4000, $0x38;
	[tilespmem:$0x1D400] =	vst v63  }
.Ltmp4:
0x4b: {  	_ =	swait.ge [sflag:s22], $0x4000;
	(pc) =	sbr.rel @!p0 .LBB2_6-.Ltmp4, $4  }
0x4c: {  	[sflag:s22] =	ssyncset.done $0x0  }
0x4d: {  	[sflag:s22] =	ssyncadd.s32 $0xFFFFC000  }
0x4e: {  	[bflag:$0x0] =	sbarrier.arrive $0xFFFF  }
0x4f: {  	s25 =	simm.s32 $0x0  }
0x50: {  	[tilespmem:s25], [sflag:$0x1] =	stream.linear.gather [hbm4b:s17+s25], $0x1400, $0x38;
	[tilespmem:$0x1D400] =	vst v63  }
0x51: {  	_ =	swait.ge [sflag:s22], $0x1400  }
0x52: {  	[sflag:s22] =	ssyncset.done $0x0  }
0x53: {  	s31 =	simm.s32 $0x0;
	[sflag:s22] =	ssyncadd.s32 $0xFFFFEC00  }
0x54: {  	[spmem:s2] =	stream.indirect.scatter.add.f32 [tilespmem:s24], [sflag:$0x1], $0x80, s31, s23, $0xb8;
	[tilespmem:$0x1D400] =	vst v63  }
0x55: {  	_ =	swait.ge [sflag:s22], $0x4000  }
0x56: {  	s25 =	simm.s32 $0x200;
	[sflag:s22] =	ssyncset.done $0x0  }
.LBB2_16:
0x57: {  	s26 =	sshra.s32 s25, $0x2;
	[sflag:s22] =	ssyncadd.s32 $0xFFFFC000;
	p1 =	sne.s32 s25, $0x4E00  }
0x58: {  	[spmem:s2] =	stream.indirect.scatter.add.f32 [tilespmem:s24], [sflag:$0x1], $0x80, s26, s23, $0xb8;
	[tilespmem:$0x1D400] =	vst v63  }
.Ltmp5:
0x59: {  	_ = 	snop;
	(pc) =	sbr.rel @p1 .LBB2_16-.Ltmp5, $4  }
0x5a: {  	_ = 	snop  }
0x5b: {  	s25 =	sadd.s32 $0x200, s25  }
0x5c: {  	_ =	swait.ge [sflag:s22], $0x4000  }
0x5d: {  	[sflag:s22] =	ssyncset.done $0x0  }
0x5e: {  	[sflag:s22] =	ssyncadd.s32 $0xFFFFC000;
	s25 =	simm.s32 $0x0  }
0x5f: {  	[tilespmem:s25], [sflag:$0x1] =	stream.linear.gather [hbm4b:s18+s25], $0x1400, $0x38;
	[tilespmem:$0x1D400] =	vst v63  }
0x60: {  	_ =	swait.ge [sflag:s22], $0x1400  }
0x61: {  	[sflag:s22] =	ssyncset.done $0x0  }
0x62: {  	s31 =	simm.s32 $0x0;
	[sflag:s22] =	ssyncadd.s32 $0xFFFFEC00  }
0x63: {  	[spmem:s2] =	stream.indirect.scatter.add.f32 [tilespmem:s24], [sflag:$0x1], $0x80, s31, s23, $0xb8;
	[tilespmem:$0x1D400] =	vst v63  }
0x64: {  	_ =	swait.ge [sflag:s22], $0x4000  }
0x65: {  	s25 =	simm.s32 $0x200;
	[sflag:s22] =	ssyncset.done $0x0  }
.LBB2_18:
0x66: {  	s26 =	sshra.s32 s25, $0x2;
	[sflag:s22] =	ssyncadd.s32 $0xFFFFC000;
	p1 =	sne.s32 s25, $0x4E00  }
0x67: {  	[spmem:s2] =	stream.indirect.scatter.add.f32 [tilespmem:s24], [sflag:$0x1], $0x80, s26, s23, $0xb8;
	[tilespmem:$0x1D400] =	vst v63  }
.Ltmp6:
0x68: {  	_ = 	snop;
	(pc) =	sbr.rel @p1 .LBB2_18-.Ltmp6, $4  }
0x69: {  	_ = 	snop  }
0x6a: {  	s25 =	sadd.s32 $0x200, s25  }
0x6b: {  	_ =	swait.ge [sflag:s22], $0x4000  }
0x6c: {  	[sflag:s22] =	ssyncset.done $0x0  }
0x6d: {  	[sflag:s22] =	ssyncadd.s32 $0xFFFFC000;
	s25 =	simm.s32 $0x0  }
0x6e: {  	[tilespmem:s25], [sflag:$0x1] =	stream.linear.gather [hbm4b:s19+s25], $0x1400, $0x38;
	[tilespmem:$0x1D400] =	vst v63  }
0x6f: {  	_ =	swait.ge [sflag:s22], $0x1400  }
0x70: {  	[sflag:s22] =	ssyncset.done $0x0  }
0x71: {  	s31 =	simm.s32 $0x0;
	[sflag:s22] =	ssyncadd.s32 $0xFFFFEC00  }
0x72: {  	[spmem:s2] =	stream.indirect.scatter.add.f32 [tilespmem:s24], [sflag:$0x1], $0x80, s31, s23, $0xb8;
	[tilespmem:$0x1D400] =	vst v63  }
0x73: {  	_ =	swait.ge [sflag:s22], $0x4000  }
0x74: {  	s25 =	simm.s32 $0x200;
	[sflag:s22] =	ssyncset.done $0x0  }
.LBB2_20:
0x75: {  	s26 =	sshra.s32 s25, $0x2;
	[sflag:s22] =	ssyncadd.s32 $0xFFFFC000;
	p1 =	sne.s32 s25, $0x4E00  }
0x76: {  	[spmem:s2] =	stream.indirect.scatter.add.f32 [tilespmem:s24], [sflag:$0x1], $0x80, s26, s23, $0xb8;
	[tilespmem:$0x1D400] =	vst v63  }
.Ltmp7:
0x77: {  	_ = 	snop;
	(pc) =	sbr.rel @p1 .LBB2_20-.Ltmp7, $4  }
0x78: {  	_ = 	snop  }
0x79: {  	s25 =	sadd.s32 $0x200, s25  }
0x7a: {  	_ =	swait.ge [sflag:s22], $0x4000  }
0x7b: {  	[sflag:s22] =	ssyncset.done $0x0  }
0x7c: {  	[sflag:s22] =	ssyncadd.s32 $0xFFFFC000;
	s25 =	simm.s32 $0x0  }
0x7d: {  	[tilespmem:s25], [sflag:$0x1] =	stream.linear.gather [hbm4b:s20+s25], $0x1400, $0x38;
	[tilespmem:$0x1D400] =	vst v63  }
0x7e: {  	_ =	swait.ge [sflag:s22], $0x1400  }
0x7f: {  	[sflag:s22] =	ssyncset.done $0x0  }
0x80: {  	s31 =	simm.s32 $0x0;
	[sflag:s22] =	ssyncadd.s32 $0xFFFFEC00  }
0x81: {  	[spmem:s2] =	stream.indirect.scatter.add.f32 [tilespmem:s24], [sflag:$0x1], $0x80, s31, s23, $0xb8;
	[tilespmem:$0x1D400] =	vst v63  }
0x82: {  	_ =	swait.ge [sflag:s22], $0x4000  }
0x83: {  	s25 =	simm.s32 $0x200;
	[sflag:s22] =	ssyncset.done $0x0  }
.LBB2_22:
0x84: {  	s26 =	sshra.s32 s25, $0x2;
	[sflag:s22] =	ssyncadd.s32 $0xFFFFC000;
	p1 =	seq.s32 s25, $0x4E00  }
0x85: {  	[spmem:s2] =	stream.indirect.scatter.add.f32 [tilespmem:s24], [sflag:$0x1], $0x80, s26, s23, $0xb8;
	[tilespmem:$0x1D400] =	vst v63  }
.Ltmp8:
0x86: {  	_ = 	snop;
	(pc) =	sbr.rel @!p1 .LBB2_22-.Ltmp8, $4  }
0x87: {  	_ = 	snop  }
0x88: {  	s25 =	sadd.s32 $0x200, s25  }
0x89: {  	_ =	swait.ge [sflag:s22], $0x4000  }
0x8a: {  	[sflag:s22] =	ssyncset.done $0x0  }
.Ltmp9:
0x8b: {  	(pc) =	sbr.rel .LBB2_24-.Ltmp9, $2  }
0x8c: {  	_ =	sdelay $0x2  }
0x8d: {  	[sflag:s22] =	ssyncadd.s32 $0xFFFFC000;
	s25 =	smov.u32 s4  }
.LBB2_6:
0x8e: {  	[tilespmem:s25], [sflag:$0x1] =	stream.linear.gather [hbm4b:s13+s25], $0x1400, $0x38;
	[tilespmem:$0x1D400] =	vst v63  }
0x8f: {  	_ =	swait.ge [sflag:s22], $0x1400  }
0x90: {  	[sflag:s22] =	ssyncset.done $0x0  }
0x91: {  	s31 =	simm.s32 $0x0;
	[sflag:s22] =	ssyncadd.s32 $0xFFFFEC00  }
0x92: {  	[spmem:s2] =	stream.indirect.scatter.add.f32 [tilespmem:s24], [sflag:$0x1], $0x80, s31, s23, $0xb8;
	[tilespmem:$0x1D400] =	vst v63  }
0x93: {  	_ =	swait.ge [sflag:s22], $0x4000  }
0x94: {  	s25 =	simm.s32 $0x200;
	[sflag:s22] =	ssyncset.done $0x0  }
.LBB2_7:
0x95: {  	s26 =	sshra.s32 s25, $0x2;
	[sflag:s22] =	ssyncadd.s32 $0xFFFFC000;
	p1 =	sne.s32 s25, $0x4E00  }
0x96: {  	[spmem:s2] =	stream.indirect.scatter.add.f32 [tilespmem:s24], [sflag:$0x1], $0x80, s26, s23, $0xb8;
	[tilespmem:$0x1D400] =	vst v63  }
.Ltmp10:
0x97: {  	_ = 	snop;
	(pc) =	sbr.rel @p1 .LBB2_7-.Ltmp10, $4  }
0x98: {  	_ = 	snop  }
0x99: {  	s25 =	sadd.s32 $0x200, s25  }
0x9a: {  	_ =	swait.ge [sflag:s22], $0x4000  }
0x9b: {  	[sflag:s22] =	ssyncset.done $0x0  }
0x9c: {  	[sflag:s22] =	ssyncadd.s32 $0xFFFFC000;
	s25 =	simm.s32 $0x0  }
0x9d: {  	[tilespmem:s25], [sflag:$0x1] =	stream.linear.gather [hbm4b:s14+s25], $0x1400, $0x38;
	[tilespmem:$0x1D400] =	vst v63  }
0x9e: {  	_ =	swait.ge [sflag:s22], $0x1400  }
0x9f: {  	[sflag:s22] =	ssyncset.done $0x0  }
0xa0: {  	s31 =	simm.s32 $0x0;
	[sflag:s22] =	ssyncadd.s32 $0xFFFFEC00  }
0xa1: {  	[spmem:s2] =	stream.indirect.scatter.add.f32 [tilespmem:s24], [sflag:$0x1], $0x80, s31, s23, $0xb8;
	[tilespmem:$0x1D400] =	vst v63  }
0xa2: {  	_ =	swait.ge [sflag:s22], $0x4000  }
0xa3: {  	s25 =	simm.s32 $0x200;
	[sflag:s22] =	ssyncset.done $0x0  }
.LBB2_9:
0xa4: {  	s26 =	sshra.s32 s25, $0x2;
	[sflag:s22] =	ssyncadd.s32 $0xFFFFC000;
	p1 =	sne.s32 s25, $0x4E00  }
0xa5: {  	[spmem:s2] =	stream.indirect.scatter.add.f32 [tilespmem:s24], [sflag:$0x1], $0x80, s26, s23, $0xb8;
	[tilespmem:$0x1D400] =	vst v63  }
.Ltmp11:
0xa6: {  	_ = 	snop;
	(pc) =	sbr.rel @p1 .LBB2_9-.Ltmp11, $4  }
0xa7: {  	_ = 	snop  }
0xa8: {  	s25 =	sadd.s32 $0x200, s25  }
0xa9: {  	_ =	swait.ge [sflag:s22], $0x4000  }
0xaa: {  	[sflag:s22] =	ssyncset.done $0x0  }
0xab: {  	[sflag:s22] =	ssyncadd.s32 $0xFFFFC000;
	s25 =	simm.s32 $0x0  }
0xac: {  	[tilespmem:s25], [sflag:$0x1] =	stream.linear.gather [hbm4b:s15+s25], $0x1400, $0x38;
	[tilespmem:$0x1D400] =	vst v63  }
0xad: {  	_ =	swait.ge [sflag:s22], $0x1400  }
0xae: {  	[sflag:s22] =	ssyncset.done $0x0  }
0xaf: {  	s31 =	simm.s32 $0x0;
	[sflag:s22] =	ssyncadd.s32 $0xFFFFEC00  }
0xb0: {  	[spmem:s2] =	stream.indirect.scatter.add.f32 [tilespmem:s24], [sflag:$0x1], $0x80, s31, s23, $0xb8;
	[tilespmem:$0x1D400] =	vst v63  }
0xb1: {  	_ =	swait.ge [sflag:s22], $0x4000  }
0xb2: {  	s25 =	simm.s32 $0x200;
	[sflag:s22] =	ssyncset.done $0x0  }
.LBB2_11:
0xb3: {  	s26 =	sshra.s32 s25, $0x2;
	[sflag:s22] =	ssyncadd.s32 $0xFFFFC000;
	p1 =	sne.s32 s25, $0x4E00  }
0xb4: {  	[spmem:s2] =	stream.indirect.scatter.add.f32 [tilespmem:s24], [sflag:$0x1], $0x80, s26, s23, $0xb8;
	[tilespmem:$0x1D400] =	vst v63  }
.Ltmp12:
0xb5: {  	_ = 	snop;
	(pc) =	sbr.rel @p1 .LBB2_11-.Ltmp12, $4  }
0xb6: {  	_ = 	snop  }
0xb7: {  	s25 =	sadd.s32 $0x200, s25  }
0xb8: {  	_ =	swait.ge [sflag:s22], $0x4000  }
0xb9: {  	[sflag:s22] =	ssyncset.done $0x0  }
0xba: {  	[sflag:s22] =	ssyncadd.s32 $0xFFFFC000;
	s25 =	simm.s32 $0x0  }
0xbb: {  	[tilespmem:s25], [sflag:$0x1] =	stream.linear.gather [hbm4b:s16+s25], $0x1400, $0x38;
	[tilespmem:$0x1D400] =	vst v63  }
0xbc: {  	_ =	swait.ge [sflag:s22], $0x1400  }
0xbd: {  	[sflag:s22] =	ssyncset.done $0x0  }
0xbe: {  	s31 =	simm.s32 $0x0;
	[sflag:s22] =	ssyncadd.s32 $0xFFFFEC00  }
0xbf: {  	[spmem:s2] =	stream.indirect.scatter.add.f32 [tilespmem:s24], [sflag:$0x1], $0x80, s31, s23, $0xb8;
	[tilespmem:$0x1D400] =	vst v63  }
0xc0: {  	_ =	swait.ge [sflag:s22], $0x4000  }
0xc1: {  	s25 =	simm.s32 $0x200;
	[sflag:s22] =	ssyncset.done $0x0  }
.LBB2_13:
0xc2: {  	s26 =	sshra.s32 s25, $0x2;
	[sflag:s22] =	ssyncadd.s32 $0xFFFFC000;
	p1 =	sne.s32 s25, $0x4E00  }
0xc3: {  	[spmem:s2] =	stream.indirect.scatter.add.f32 [tilespmem:s24], [sflag:$0x1], $0x80, s26, s23, $0xb8;
	[tilespmem:$0x1D400] =	vst v63  }
.Ltmp13:
0xc4: {  	_ = 	snop;
	(pc) =	sbr.rel @p1 .LBB2_13-.Ltmp13, $4  }
0xc5: {  	_ = 	snop  }
0xc6: {  	s25 =	sadd.s32 $0x200, s25  }
0xc7: {  	_ =	swait.ge [sflag:s22], $0x4000  }
0xc8: {  	[sflag:s22] =	ssyncset.done $0x0  }
.Ltmp14:
0xc9: {  	_ = 	snop;
	(pc) =	sbr.rel .LBB2_14-.Ltmp14, $1  }
0xca: {  	_ =	sdelay $0x3  }
.LBB2_25:
0xcb: {  	_ =	sfence.sel $0x180000  }
0xcc: {  	[bflag:$0x0] =	sbarrier.arrive $0xFFFF  }
0xcd: {  	p0 =	sne.s32 s1, $0x0;
	_ =	strace $0x90000047  }
0xce: {  	s0 =	sadd.s32 @!p0 $0x100000, s0;
	[bflag:$0x2] =	sbarrier.arrive $0xFFFF  }
0xcf: {  	[sflag:s0] =	ssyncadd.tile.s32 @!p0 $0x1;
	_ =	shalt  }
.Lfunc_end2:
_tile_overlayer_lowered:
.L_overlay_start_2:
0xd0: {  	(tag) =	ssettag $0x2  }
0xd1: {  	s0 =	rddreg [dreg:$0x0];
	s2 =	stileid.u32  }
0xd2: {  	s1 =	rddreg [dreg:$0x1];
	p0 =	sne.s32 s2, $0x0  }
0xd3: {  	s3 =	rddreg [dreg:$0x2];
	[bflag:$0x3] =	sbarrier.arrive $0xFFFF;
	s2 =	simm.s32 @!p0 $0x1C01  }
0xd4: {  	[timem:s3], [sflag:s2] =	dma.local @!p0 [hbm:s0], s1  }
0xd5: {  	s0 =	simm.s32 @!p0 $0x1  }
0xd6: {  	_ =	swait.ge @!p0 [sflag:s0], s1  }
0xd7: {  	s1 =	ssub.s32 @!p0 $0x0, s1;
	[sflag:s0] =	ssyncset.done @!p0 $0x0  }
0xd8: {  	[sflag:s0] =	ssyncadd.s32 @!p0 s1  }
0xd9: {  	[bflag:$0x3] =	sbarrier.arrive $0xFFFF  }
0xda: {  	_ =	shalt  }

// kernel: kernel.14.cloned.1.call-start
scs
__scs_entry_jumppad:
0x0: {  	(pc) =	sbr.rel $0x88, $3  }
0x1: {  	(tag) =	ssettag $0x0;
	lr =	simm.s32 $0x1  }
0x2: {  	[smem:$0x3F8D] =	sst lr;
	_ =	strace $0xD0000000  }
0x3: {  	_ = 	snop  }
0x4: {  	_ = 	snop  }
0x5: {  	_ = 	snop  }
0x6: {  	_ = 	snop  }
0x7: {  	_ = 	snop  }
__scs_overlays_trampoline_lowered:
0x8: {  	[smem:$0x3F9C] =	sst s0  }
0x9: {  	[smem:$0x3F9D] =	sst s1  }
0xa: {  	[smem:$0x3F9E] =	sst s2  }
0xb: {  	[smem:$0x3F9F] =	sst s3  }
0xc: {  	[smem:$0x3FA0] =	sst s4  }
0xd: {  	[smem:$0x3FA1] =	sst s5  }
0xe: {  	[smem:$0x3FA2] =	sst s6  }
0xf: {  	[smem:$0x3FA3] =	sst s7  }
0x10: {  	[smem:$0x3FA4] =	sst s8  }
0x11: {  	[smem:$0x3FA5] =	sst s9;
	s0 =	simm.s32 @!p0 $0x0  }
0x12: {  	s1 =	sld [smem:$0x3F8B];
	s0 =	simm.s32 @p0 $0x1  }
0x13: {  	[smem:$0x3FA6] =	sst s0;
	s0 =	simm.s32 @!p1 $0x0  }
0x14: {  	s2 =	sld [smem:$0x3F8A];
	s0 =	simm.s32 @p1 $0x1  }
0x15: {  	[smem:$0x3FA7] =	sst s0;
	s0 =	simm.s32 @!p2 $0x0  }
0x16: {  	s3 =	sld [smem:$0x3FDB];
	s0 =	simm.s32 @p2 $0x1  }
0x17: {  	s4 =	simm.s32 $0x1BF5;
	[smem:$0x3FA9] =	sst s0  }
0x18: {  	s0 =	sld [smem:$0x3F8C];
	_ =	swait.ge [sflag:s4], $0x0  }
0x19: {  	s7 =	sld [smem:$0x3F8D]  }
0x1a: {  	s8 =	sadd.s32 $0xFFFFE003, lr  }
0x1b: {  	s9 =	sadd.s32 $0xFFFFFEF7, lr;
	s5 =	simm.s32 $0xFFFFFFFF;
	p2 =	slt.u32 s8, $0xFFFFF086  }
0x1c: {  	p1 =	slt.u32 s9, $0xF7A;
	s5 =	simm.s32 @!p2 $0x0  }
0x1d: {  	s5 =	simm.s32 @p1 $0x1;
	p0 =	seq.s32 s7, s2  }
0x1e: {  	s7 =	smul.u32 @!p0 $0xF7A, s2;
	p2 =	seq.s32 @!p0 s5, $0x0  }
0x1f: {  	s9 =	smul.u32 $0xF7A, s1;
	s8 =	simm.s32 @!p0 $0x1BF5;
	p2 =	por !p2, p0  }
0x20: {  	[sflag:s8] =	ssyncset.s32 @!p0 $0xFFFFF086;
	s6 =	sadd.s32 @!p0 s3, s7;
	s7 =	simm.s32 @!p0 $0x108  }
0x21: {  	s3 =	sadd.s32 s3, s9;
	s6 =	sadd.s32 @!p0 $0x88, s6;
	s7 =	simm.s32 @p2 $0x1082  }
0x22: {  	[simem:s7], [sflag:s8] =	dma.local @!p0 [hbm:s6], $0xF7A  }
0x23: {  	s9 =	sor.u32 $0xD0000000, s2;
	s6 =	simm.s32 $0x108;
	_ =	swait.ge @!p0 [sflag:s8], $0x0  }
0x24: {  	s3 =	sadd.s32 $0x88, s3;
	s6 =	simm.s32 @!p1 $0x1082;
	[sflag:s4] =	ssyncset.s32 $0xFFFFF086  }
0x25: {  	[simem:s6], [sflag:s4] =	dma.local [hbm:s3], $0xF7A  }
0x26: {  	[smem:$0x3F8D] =	sst s1;
	(tag) =	ssettag s2;
	_ =	strace s9  }
0x27: {  	s1 =	sld [smem:$0x3F9D]  }
0x28: {  	s2 =	sld [smem:$0x3F9E]  }
0x29: {  	s4 =	sld [smem:$0x3FA0]  }
0x2a: {  	p0 =	seq.s32 s5, $0x0;
	s5 =	sld [smem:$0x3FA1]  }
0x2b: {  	s6 =	sld [smem:$0x3FA2]  }
0x2c: {  	s7 =	sld [smem:$0x3FA3]  }
0x2d: {  	s3 =	simm.s32 $0x108;
	s8 =	sld [smem:$0x3FA4]  }
0x2e: {  	s3 =	simm.s32 @!p0 $0x1082;
	s9 =	sld [smem:$0x3FA5]  }
0x2f: {  	lr =	sadd.s32 s0, s3;
	s0 =	sld [smem:$0x3F9C]  }
0x30: {  	s3 =	sld [smem:$0x3F9F]  }
0x31: {  	[smem:$0x3FA8] =	sst s10  }
0x32: {  	s10 =	sld [smem:$0x3FA6];
	_ =	sdelay $0x3  }
0x33: {  	p0 =	seq.s32 s10, $0x1;
	s10 =	sld [smem:$0x3FA8];
	_ =	sdelay $0x3  }
0x34: {  	[smem:$0x3FA8] =	sst s10  }
0x35: {  	s10 =	sld [smem:$0x3FA7];
	_ =	sdelay $0x3  }
0x36: {  	p1 =	seq.s32 s10, $0x1;
	s10 =	sld [smem:$0x3FA8];
	_ =	sdelay $0x3  }
0x37: {  	[smem:$0x3FA8] =	sst s10  }
0x38: {  	s10 =	sld [smem:$0x3FA9]  }
0x39: {  	_ = 	snop;
	(pc) =	sbr.ind lr, $3  }
0x3a: {  	_ = 	snop  }
0x3b: {  	_ = 	snop  }
0x3c: {  	p2 =	seq.s32 s10, $0x1;
	s10 =	sld [smem:$0x3FA8]  }
0x3d: {  	_ =	shalt  }
0x3e: {  	_ =	shalt  }
0x3f: {  	_ =	shalt  }
0x40: {  	_ =	shalt  }
0x41: {  	_ =	shalt  }
0x42: {  	_ =	shalt  }
0x43: {  	_ =	shalt  }
0x44: {  	_ =	shalt  }
0x45: {  	_ =	shalt  }
0x46: {  	_ =	shalt  }
0x47: {  	_ =	shalt  }
0x48: {  	_ =	shalt  }
0x49: {  	_ =	shalt  }
0x4a: {  	_ =	shalt  }
0x4b: {  	_ =	shalt  }
0x4c: {  	_ =	shalt  }
0x4d: {  	_ =	shalt  }
0x4e: {  	_ =	shalt  }
0x4f: {  	_ =	shalt  }
0x50: {  	_ =	shalt  }
0x51: {  	_ =	shalt  }
0x52: {  	_ =	shalt  }
0x53: {  	_ =	shalt  }
0x54: {  	_ =	shalt  }
0x55: {  	_ =	shalt  }
0x56: {  	_ =	shalt  }
0x57: {  	_ =	shalt  }
0x58: {  	_ =	shalt  }
0x59: {  	_ =	shalt  }
0x5a: {  	_ =	shalt  }
0x5b: {  	_ =	shalt  }
0x5c: {  	_ =	shalt  }
0x5d: {  	_ =	shalt  }
0x5e: {  	_ =	shalt  }
0x5f: {  	_ =	shalt  }
0x60: {  	_ =	shalt  }
0x61: {  	_ =	shalt  }
0x62: {  	_ =	shalt  }
0x63: {  	_ =	shalt  }
0x64: {  	_ =	shalt  }
0x65: {  	_ =	shalt  }
0x66: {  	_ =	shalt  }
0x67: {  	_ =	shalt  }
0x68: {  	_ =	shalt  }
0x69: {  	_ =	shalt  }
0x6a: {  	_ =	shalt  }
0x6b: {  	_ =	shalt  }
0x6c: {  	_ =	shalt  }
0x6d: {  	_ =	shalt  }
0x6e: {  	_ =	shalt  }
0x6f: {  	_ =	shalt  }
0x70: {  	_ =	shalt  }
0x71: {  	_ =	shalt  }
0x72: {  	_ =	shalt  }
0x73: {  	_ =	shalt  }
0x74: {  	_ =	shalt  }
0x75: {  	_ =	shalt  }
0x76: {  	_ =	shalt  }
0x77: {  	_ =	shalt  }
0x78: {  	_ =	shalt  }
0x79: {  	_ =	shalt  }
0x7a: {  	_ =	shalt  }
0x7b: {  	_ =	shalt  }
0x7c: {  	_ =	shalt  }
0x7d: {  	_ =	shalt  }
0x7e: {  	_ =	shalt  }
0x7f: {  	_ =	shalt  }
0x80: {  	_ =	shalt  }
0x81: {  	_ =	shalt  }
0x82: {  	_ =	shalt  }
0x83: {  	_ =	shalt  }
0x84: {  	_ =	shalt  }
0x85: {  	_ =	shalt  }
0x86: {  	_ =	shalt  }
0x87: {  	_ =	shalt  }
.Lfunc_end0:
.L_simem_size_0:
called_computation.1_lowered:
.L_overlay_start_0:
0x88: {  	s2 =	sld [smem:$0x3FD9]  }
0x89: {  	s3 =	sld [smem:$0x3FFE];
	_ =	sdelay $0x1  }
0x8a: {  	s1 =	srdreg.scid  }
0x8b: {  	s0 =	sand.u32 $0x1, s1  }
0x8c: {  	s14 =	sshll.u32 s0, $0xA;
	s2 =	sadd.s32 s3, s2  }
0x8d: {  	s2 =	sadd.s32 s2, s14  }
0x8e: {  	[smem:$0x3FB4] =	sst s2  }
0x8f: {  	_ = 	snop  }
0x90: {  	s2 =	sld [smem:$0x3FD0];
	_ =	sdelay $0x2  }
0x91: {  	s15 =	simm.s32 $0xB;
	s4 =	simm.s32 $0x10  }
0x92: {  	[smem:s4], [sflag:s15] =	dma.local [hbm:s2], $0x1  }
0x93: {  	_ =	swait.eq [sflag:s15], $0x1  }
0x94: {  	s16 =	sld [smem:$0x10]  }
0x95: {  	s17 =	sld [smem:$0x11];
	[sflag:s15] =	ssyncset.done $0x0  }
0x96: {  	s5 =	sld [smem:$0x12];
	[sflag:s15] =	ssyncadd.s32 $0xFFFFFFFF  }
0x97: {  	s18 =	sld [smem:$0x13];
	(tm) =	ssettm $0x1  }
0x98: {  	s6 =	sld [smem:$0x3FFB];
	_ =	sdelay $0x3  }
0x99: {  	_ =	strace s6  }
0x9a: {  	s6 =	sld [smem:$0x3FFC];
	_ =	sdelay $0x3  }
0x9b: {  	_ =	strace s6  }
0x9c: {  	s6 =	sld [smem:$0x3FFD];
	_ =	sdelay $0x3  }
0x9d: {  	_ =	strace s6  }
0x9e: {  	_ =	strace $0x8FFFFFFF  }
0x9f: {  	s19 =	sld [smem:$0x3FDB];
	_ =	sdelay $0x1  }
0xa0: {  	s7 =	simm.s32 $_scs_section_size  }
0xa1: {  	s8 =	simm.s32 $_size__tile_overlayer_lowered;
	s9 =	simm.s32 $_tile_overlayer_lowered  }
0xa2: {  	s22 =	simm.s32 $0x1BFF;
	s21 =	sshll.u32 s9, $0x1;
	s6 =	sadd.s32 s7, s19  }
0xa3: {  	s10 =	simm.s32 $0x0;
	s20 =	sshll.u32 s8, $0x1;
	s8 =	sadd.s32 s21, s6  }
0xa4: {  	[timem:s10], [sflag:s22] =	dma.local [hbm:s8], s20  }
0xa5: {  	_ =	swait.ge [sflag:s22], s20  }
0xa6: {  	s7 =	ssub.s32 $0x0, s20;
	[sflag:s22] =	ssyncset.done $0x0  }
0xa7: {  	[sflag:s22] =	ssyncadd.s32 s7;
	_ =	sdelay $0x1  }
0xa8: {  	s23 =	simm.s32 $0x1B8B  }
0xa9: {  	_ =	swait.ge [sflag:s23], $0x1  }
0xaa: {  	[sflag:s23] =	ssyncset.done $0x0  }
0xab: {  	s25 =	simm.s32 $0x1B8E;
	s24 =	sld [smem:$0x3FFE];
	[sflag:s23] =	ssyncadd.s32 $0xFFFFFFFF  }
0xac: {  	s26 =	simm.s32 $execute0_lowered;
	[smem:$0x3FD2] =	sst s25  }
0xad: {  	s8 =	sshll.u32 s26, $0x1;
	_ =	strace $0x80000049;
	[dreg:$0x1] =	wrdreg $0xFFFFFFFF  }
0xae: {  	s28 =	simm.s32 $_size_execute0_lowered;
	s6 =	sadd.s32 s6, s8;
	[dreg:$0x0] =	wrdreg $0x0  }
0xaf: {  	s8 =	sshll.u32 s28, $0x1;
	[dreg:$0x2] =	wrdreg s6  }
0xb0: {  	[dreg:$0x3] =	wrdreg s8  }
0xb1: {  	[dreg:$0x4] =	wrdreg $0xC0  }
0xb2: {  	_ =	task [dreg:s10], $0x5FFFF  }
0xb3: {  	[dreg:$0x1] =	wrdreg $0xFFFFFFFF  }
0xb4: {  	[dreg:$0x0] =	wrdreg $0x60  }
0xb5: {  	[dreg:$0x2] =	wrdreg s17  }
0xb6: {  	[dreg:$0x3] =	wrdreg s16  }
0xb7: {  	[dreg:$0x4] =	wrdreg s24  }
0xb8: {  	[dreg:$0x5] =	wrdreg s18  }
0xb9: {  	[dreg:$0x6] =	wrdreg s5  }
0xba: {  	[dreg:$0x7] =	wrdreg $0xA8000  }
0xbb: {  	[dreg:$0x8] =	wrdreg $0x9  }
0xbc: {  	_ =	task.clear_ibuf [dreg:s10], $0x9FFFF;
	_ =	strace $0x90000049  }
0xbd: {  	s29 =	simm.s32 $0x9;
	_ =	strace $0x8000004B  }
0xbe: {  	_ =	swait.ge [sflag:s29], $0x1  }
0xbf: {  	[sflag:s29] =	ssyncadd.s32 $0xFFFFFFFF  }
0xc0: {  	_ =	strace $0x9000004B  }
0xc1: {  	_ =	sfence  }
0xc2: {  	s30 =	sld [smem:$0x0];
	_ =	sdelay $0x2  }
0xc3: {  	s31 =	sshll.u32 s1, $0xD;
	s1 =	sshrl.u32 s1, $0x2  }
0xc4: {  	s3 =	sand.u32 $0x4000, s31;
	s1 =	sadd.s32 s1, s30  }
0xc5: {  	s0 =	sor.u32 s3, s0;
	s1 =	sshll.u32 s1, $0x11  }
0xc6: {  	s0 =	sor.u32 s1, s0  }
0xc7: {  	s0 =	sadd.s32 $0x8F2B, s0  }
0xc8: {  	[sflag:s0] =	ssyncadd.remote.s32 $0x1  }
0xc9: {  	_ =	sfence.sel $0xFFFF  }
0xca: {  	[dreg:$0x0] =	wrdreg $0xFFFFFFFF;
	(pc) =	sbr.abs _section_cstart, $3  }
0xcb: {  	[dreg:$0x1] =	wrdreg $0xFFFFFFFF  }
0xcc: {  	_ =	task.clear_ibuf [dreg:s10], $0x2FFFF;
	_ =	strace $0x9FFFFFFF  }
0xcd: {  	(tm) =	ssettm $0x7FFFFFFF  }
tec
execute0_lowered:
.L_overlay_start_1:
0x0: {  	(tag) =	ssettag $0x1  }
0x1: {  	s1 =	rddreg [dreg:$0x0]  }
0x2: {  	s2 =	rddreg [dreg:$0x1]  }
0x3: {  	s0 =	rddreg [dreg:$0x2]  }
0x4: {  	s6 =	rddreg [dreg:$0x5];
	s7 =	simm.s32 $0x0;
	s3 =	srdreg.scid  }
0x5: {  	s5 =	stileid.u32;
	s18 =	simm.s32 $0x2800;
	s19 =	simm.s32 $0x3  }
0x6: {  	s20 =	simm.s32 $0x1400;
	s21 =	simm.s32 $0x80;
	s22 =	simm.s32 $0x6800  }
0x7: {  	s23 =	simm.s32 $0x1;
	s24 =	simm.s32 $0x100;
	s28 =	simm.s32 $0x1380  }
0x8: {  	s29 =	simm.s32 $0x2700;
	s30 =	simm.s32 $0x2780;
	s31 =	simm.s32 $0x0  }
0x9: {  	[smem:$0x7FF] =	sst s7;
	s3 =	sand.u32 $0x1, s3;
	s4 =	smul.u32 $0x50000, s5  }
0xa: {  	s8 =	sadd.s32 $0x11200, s0;
	s9 =	sadd.s32 $0x7200, s0;
	s13 =	smul.u32 $0xA0, s5  }
0xb: {  	s16 =	smul.u32 $0x2800, s5;
	_ =	strace $0x8000004A;
	s10 =	ssub.s32 $0x2, s3  }
.Ltmp0:
0xc: {  	s11 =	sshrl.u32 s10, $0x1;
	s4 =	sshrl.u32 s4, $0x2;
	(pc) =	sbr.rel .LBB2_1-.Ltmp0, $4  }
0xd: {  	p0 =	sne.s32 s3, $0x0;
	s25 =	ssub.s32 s10, s11;
	s10 =	sadd.s32 s4, s6  }
0xe: {  	s4 =	sadd.s32 $0x4000, s10;
	s26 =	sadd.s32 $0x8000, s10;
	s14 =	sadd.s32 $0xC000, s10  }
0xf: {  	s15 =	sadd.s32 $0x10000, s10;
	s17 =	smax.u32 s25, $0x1;
	[dreg:$0x7] =	wrdreg s4  }
0x10: {  	v0 =	vimm.f32 $0.0e+00;
	s25 =	simm.s32 $0x2;
	[dreg:$0x8] =	wrdreg s26;
	s26 =	simm.s32 $0x1480  }
.LBB2_12:
0x11: {  	s0 =	sadd.s32 s0, s16;
	s3 =	stileid.u32;
	s31 =	sadd.s32 $0x1, s31  }
0x12: {  	[bflag:$0x0] =	sbarrier.arrive $0xFFFF;
	s3 =	sshll.u32 s3, $0x6;
	p1 =	sne.s32 s31, s17  }
.Ltmp1:
0x13: {  	s4 =	sshrl.u32 s10, $0x3;
	s3 =	sor.u32 $0x1C03, s3;
	(pc) =	sbr.rel @!p1 .LBB2_13-.Ltmp1, $4  }
0x14: {  	[hbm:s0], [sflag:s3] =	dma.local [spmem:s4], $0x2800  }
0x15: {  	_ =	swait.ge [sflag:s19], $0x2800  }
0x16: {  	[sflag:s19] =	ssyncset.done $0x0  }
0x17: {  	[sflag:s19] =	ssyncadd.s32 $0xFFFFD800  }
.LBB2_1:
0x18: {  	s0 =	simm.s32 $0x0;
	s3 =	simm.s32 $0x200  }
.LBB2_2:
0x19: {  	p1 =	sne.s32 s3, $0xFE00;
	[tilespmem:s0+$0x2870] =	vst v0  }
0x1a: {  	[tilespmem:s0+$0x2800] =	vst v0  }
0x1b: {  	[tilespmem:s0+$0x2810] =	vst v0  }
.Ltmp2:
0x1c: {  	[tilespmem:s0+$0x2820] =	vst v0;
	(pc) =	sbr.rel @p1 .LBB2_2-.Ltmp2, $4  }
0x1d: {  	[tilespmem:s0+$0x2830] =	vst v0  }
0x1e: {  	[tilespmem:s0+$0x2840] =	vst v0  }
0x1f: {  	[tilespmem:s0+$0x2850] =	vst v0  }
0x20: {  	[tilespmem:s0+$0x2860] =	vst v0;
	s0 =	sshra.s32 s3, $0x2;
	s3 =	sadd.s32 $0x200, s3  }
0x21: {  	[tilespmem:s0+$0x2870] =	vst v0  }
0x22: {  	[tilespmem:s0+$0x2800] =	vst v0  }
0x23: {  	[tilespmem:s0+$0x2810] =	vst v0  }
0x24: {  	[tilespmem:s0+$0x2820] =	vst v0  }
0x25: {  	[tilespmem:s0+$0x2830] =	vst v0  }
0x26: {  	[tilespmem:s0+$0x2840] =	vst v0  }
0x27: {  	[tilespmem:s0+$0x2850] =	vst v0  }
0x28: {  	[tilespmem:s0+$0x2860] =	vst v0  }
0x29: {  	[spmem:s10] =	stream.linear.scatter [tilespmem:s18], [sflag:$0x3], $0x4000, $0x38;
	[tilespmem:$0x1E800] =	vst v63  }
0x2a: {  	_ =	swait.ge [sflag:s19], $0x4000  }
0x2b: {  	[sflag:s19] =	ssyncset.done $0x0  }
0x2c: {  	s11 =	rddreg [dreg:$0x7];
	[sflag:s19] =	ssyncadd.s32 $0xFFFFC000  }
0x2d: {  	[spmem:s11] =	stream.linear.scatter [tilespmem:s18], [sflag:$0x3], $0x4000, $0x38;
	[tilespmem:$0x1E800] =	vst v63  }
0x2e: {  	_ =	swait.ge [sflag:s19], $0x4000  }
0x2f: {  	[sflag:s19] =	ssyncset.done $0x0  }
0x30: {  	s12 =	rddreg [dreg:$0x8];
	[sflag:s19] =	ssyncadd.s32 $0xFFFFC000  }
0x31: {  	[spmem:s12] =	stream.linear.scatter [tilespmem:s18], [sflag:$0x3], $0x4000, $0x38;
	[tilespmem:$0x1E800] =	vst v63  }
0x32: {  	_ =	swait.ge [sflag:s19], $0x4000  }
0x33: {  	[sflag:s19] =	ssyncset.done $0x0  }
0x34: {  	[sflag:s19] =	ssyncadd.s32 $0xFFFFC000  }
0x35: {  	[spmem:s14] =	stream.linear.scatter [tilespmem:s18], [sflag:$0x3], $0x4000, $0x38;
	[tilespmem:$0x1E800] =	vst v63  }
0x36: {  	_ =	swait.ge [sflag:s19], $0x4000  }
0x37: {  	[sflag:s19] =	ssyncset.done $0x0  }
0x38: {  	[sflag:s19] =	ssyncadd.s32 $0xFFFFC000  }
0x39: {  	[spmem:s15] =	stream.linear.scatter [tilespmem:s18], [sflag:$0x3], $0x4000, $0x38;
	[tilespmem:$0x1E800] =	vst v63  }
.Ltmp3:
0x3a: {  	_ =	swait.ge [sflag:s19], $0x4000;
	(pc) =	sbr.rel @p0 .LBB2_8-.Ltmp3, $4  }
0x3b: {  	[sflag:s19] =	ssyncset.done $0x0  }
0x3c: {  	[sflag:s19] =	ssyncadd.s32 $0xFFFFC000  }
0x3d: {  	[bflag:$0x0] =	sbarrier.arrive $0xFFFF  }
0x3e: {  	s0 =	simm.s32 $0x0  }
.LBB2_4:
0x3f: {  	s3 =	smul.u32 $0x28, s0;
	_ =	sdelay $0x1  }
0x40: {  	s3 =	sadd.s32 s13, s3  }
0x41: {  	s3 =	sshll.u32 s3, $0x4  }
0x42: {  	s4 =	sadd.s32 s8, s3  }
0x43: {  	[tilespmem:s7], [sflag:$0x3] =	stream.linear.gather [hbm4b:s4+s7], $0x1400, $0x38;
	[tilespmem:$0x1E800] =	vst v63  }
0x44: {  	_ =	swait.ge [sflag:s19], $0x1400  }
0x45: {  	[sflag:s19] =	ssyncset.done $0x0  }
0x46: {  	s3 =	sadd.s32 s9, s3;
	[sflag:s19] =	ssyncadd.s32 $0xFFFFEC00  }
0x47: {  	[tilespmem:s20], [sflag:$0x3] =	stream.linear.gather [hbm4b:s3+s7], $0x1400, $0x38;
	[tilespmem:$0x1E800] =	vst v63  }
0x48: {  	_ =	swait.ge [sflag:s19], $0x1400  }
0x49: {  	[sflag:s19] =	ssyncset.done $0x0  }
0x4a: {  	[sflag:s19] =	ssyncadd.s32 $0xFFFFEC00  }
0x4b: {  	[tilespmem:s18], [sflag:$0x1] =	stream.indirect.gather [hbm4b:s1+s21], $0x80, s7, s21, $0xb8;
	[tilespmem:$0x1E800] =	vst v63  }
0x4c: {  	_ = 	snop  }
0x4d: {  	[tilespmem:s22], [sflag:$0x2] =	stream.indirect.gather [hbm4b:s1+s21], $0x80, s21, s21, $0xb8;
	[tilespmem:$0x1E800] =	vst v63  }
0x4e: {  	_ =	swait.ge [sflag:s23], $0x4000  }
0x4f: {  	[sflag:s23] =	ssyncset.done $0x0  }
0x50: {  	[sflag:s23] =	ssyncadd.s32 $0xFFFFC000  }
0x51: {  	[spmem:s6] =	stream.indirect.scatter.add.f32 [tilespmem:s18], [sflag:$0x3], $0x80, s20, s21, $0xb8;
	[tilespmem:$0x1E800] =	vst v63  }
0x52: {  	_ =	swait.ge [sflag:s19], $0x4000  }
0x53: {  	[sflag:s19] =	ssyncset.done $0x0  }
0x54: {  	[sflag:s19] =	ssyncadd.s32 $0xFFFFC000  }
0x55: {  	[tilespmem:s18], [sflag:$0x1] =	stream.indirect.gather [hbm4b:s1+s21], $0x80, s24, s21, $0xb8;
	[tilespmem:$0x1E800] =	vst v63  }
0x56: {  	_ =	swait.ge [sflag:s25], $0x4000  }
0x57: {  	[sflag:s25] =	ssyncset.done $0x0  }
0x58: {  	[sflag:s25] =	ssyncadd.s32 $0xFFFFC000  }
0x59: {  	[spmem:s6] =	stream.indirect.scatter.add.f32 [tilespmem:s22], [sflag:$0x3], $0x80, s26, s21, $0xb8;
	[tilespmem:$0x1E800] =	vst v63  }
0x5a: {  	_ =	swait.ge [sflag:s19], $0x4000  }
0x5b: {  	[sflag:s19] =	ssyncset.done $0x0  }
0x5c: {  	s4 =	simm.s32 $0x180;
	[sflag:s19] =	ssyncadd.s32 $0xFFFFC000  }
0x5d: {  	[tilespmem:s22], [sflag:$0x2] =	stream.indirect.gather [hbm4b:s1+s21], $0x80, s4, s21, $0xb8;
	[tilespmem:$0x1E800] =	vst v63  }
0x5e: {  	_ =	swait.ge [sflag:s23], $0x4000  }
0x5f: {  	[sflag:s23] =	ssyncset.done $0x0  }
0x60: {  	s5 =	simm.s32 $0x1500;
	[sflag:s23] =	ssyncadd.s32 $0xFFFFC000  }
0x61: {  	[spmem:s6] =	stream.indirect.scatter.add.f32 [tilespmem:s18], [sflag:$0x3], $0x80, s5, s21, $0xb8;
	[tilespmem:$0x1E800] =	vst v63  }
0x62: {  	_ =	swait.ge [sflag:s19], $0x4000  }
0x63: {  	[sflag:s19] =	ssyncset.done $0x0  }
0x64: {  	s11 =	simm.s32 $0x200;
	[sflag:s19] =	ssyncadd.s32 $0xFFFFC000  }
0x65: {  	[tilespmem:s18], [sflag:$0x1] =	stream.indirect.gather [hbm4b:s1+s21], $0x80, s11, s21, $0xb8;
	[tilespmem:$0x1E800] =	vst v63  }
0x66: {  	_ =	swait.ge [sflag:s25], $0x4000  }
0x67: {  	[sflag:s25] =	ssyncset.done $0x0  }
0x68: {  	s12 =	simm.s32 $0x1580;
	[sflag:s25] =	ssyncadd.s32 $0xFFFFC000  }
0x69: {  	[spmem:s6] =	stream.indirect.scatter.add.f32 [tilespmem:s22], [sflag:$0x3], $0x80, s12, s21, $0xb8;
	[tilespmem:$0x1E800] =	vst v63  }
0x6a: {  	_ =	swait.ge [sflag:s19], $0x4000  }
0x6b: {  	s3 =	simm.s32 $0xFFFFEF00;
	s4 =	simm.s32 $0xFFFFC000;
	[sflag:s19] =	ssyncset.done $0x0  }
.LBB2_5:
0x6c: {  	s5 =	sadd.s32 $0x1380, s3  }
0x6d: {  	[sflag:s19] =	ssyncadd.s32 $0xFFFFC000;
	s11 =	smov.u32 s4;
	s12 =	sadd.s32 $0x400, s4  }
0x6e: {  	[tilespmem:s22], [sflag:$0x2] =	stream.indirect.gather [hbm4b:s1+s21], $0x80, s5, s21, $0xb8;
	[tilespmem:$0x1E800] =	vst v63  }
0x6f: {  	p1 =	sne.s32 s4, $0xFFFFFC00;
	_ =	swait.ge [sflag:s23], $0x4000  }
0x70: {  	[sflag:s23] =	ssyncset.done $0x0  }
0x71: {  	s4 =	sadd.s32 $0x2700, s3;
	[sflag:s23] =	ssyncadd.s32 $0xFFFFC000  }
0x72: {  	[spmem:s6] =	stream.indirect.scatter.add.f32 [tilespmem:s18], [sflag:$0x3], $0x80, s4, s21, $0xb8;
	[tilespmem:$0x1E800] =	vst v63  }
0x73: {  	_ =	swait.ge [sflag:s19], $0x4000  }
0x74: {  	[sflag:s19] =	ssyncset.done $0x0  }
0x75: {  	s4 =	sadd.s32 $0x1400, s3;
	[sflag:s19] =	ssyncadd.s32 $0xFFFFC000  }
0x76: {  	[tilespmem:s18], [sflag:$0x1] =	stream.indirect.gather [hbm4b:s1+s21], $0x80, s4, s21, $0xb8;
	[tilespmem:$0x1E800] =	vst v63  }
0x77: {  	_ =	swait.ge [sflag:s25], $0x4000  }
.Ltmp4:
0x78: {  	[sflag:s25] =	ssyncset.done $0x0;
	(pc) =	sbr.rel @p1 .LBB2_5-.Ltmp4, $4  }
0x79: {  	s3 =	sadd.s32 $0x2780, s3;
	[sflag:s25] =	ssyncadd.s32 $0xFFFFC000  }
0x7a: {  	[spmem:s6] =	stream.indirect.scatter.add.f32 [tilespmem:s22], [sflag:$0x3], $0x80, s3, s21, $0xb8;
	[tilespmem:$0x1E800] =	vst v63  }
0x7b: {  	_ =	swait.ge [sflag:s19], $0x4000  }
0x7c: {  	s4 =	smov.u32 s12;
	s3 =	sshra.s32 s11, $0x2;
	[sflag:s19] =	ssyncset.done $0x0  }
0x7d: {  	s4 =	sadd.s32 $0x1380, s3;
	[sflag:s19] =	ssyncadd.s32 $0xFFFFC000  }
0x7e: {  	[tilespmem:s22], [sflag:$0x2] =	stream.indirect.gather [hbm4b:s1+s21], $0x80, s4, s21, $0xb8;
	[tilespmem:$0x1E800] =	vst v63  }
0x7f: {  	_ =	swait.ge [sflag:s23], $0x4000  }
0x80: {  	[sflag:s23] =	ssyncset.done $0x0  }
0x81: {  	s5 =	sadd.s32 $0x2700, s3;
	[sflag:s23] =	ssyncadd.s32 $0xFFFFC000  }
0x82: {  	[spmem:s6] =	stream.indirect.scatter.add.f32 [tilespmem:s18], [sflag:$0x3], $0x80, s5, s21, $0xb8;
	[tilespmem:$0x1E800] =	vst v63  }
0x83: {  	_ =	swait.ge [sflag:s19], $0x4000  }
0x84: {  	[sflag:s19] =	ssyncset.done $0x0  }
0x85: {  	s11 =	sadd.s32 $0x1400, s3;
	[sflag:s19] =	ssyncadd.s32 $0xFFFFC000  }
0x86: {  	[tilespmem:s18], [sflag:$0x1] =	stream.indirect.gather [hbm4b:s1+s21], $0x80, s11, s21, $0xb8;
	[tilespmem:$0x1E800] =	vst v63  }
0x87: {  	_ =	swait.ge [sflag:s25], $0x4000  }
0x88: {  	[sflag:s25] =	ssyncset.done $0x0  }
0x89: {  	s12 =	sadd.s32 $0x2780, s3;
	[sflag:s25] =	ssyncadd.s32 $0xFFFFC000  }
0x8a: {  	[spmem:s6] =	stream.indirect.scatter.add.f32 [tilespmem:s22], [sflag:$0x3], $0x80, s12, s21, $0xb8;
	[tilespmem:$0x1E800] =	vst v63  }
0x8b: {  	_ =	swait.ge [sflag:s19], $0x4000  }
0x8c: {  	[sflag:s19] =	ssyncset.done $0x0  }
0x8d: {  	[sflag:s19] =	ssyncadd.s32 $0xFFFFC000  }
0x8e: {  	[tilespmem:s22], [sflag:$0x2] =	stream.indirect.gather [hbm4b:s1+s21], $0x80, s28, s21, $0xb8;
	[tilespmem:$0x1E800] =	vst v63  }
0x8f: {  	_ =	swait.ge [sflag:s23], $0x4000  }
0x90: {  	[sflag:s23] =	ssyncset.done $0x0  }
0x91: {  	[sflag:s23] =	ssyncadd.s32 $0xFFFFC000  }
0x92: {  	[spmem:s6] =	stream.indirect.scatter.add.f32 [tilespmem:s18], [sflag:$0x3], $0x80, s29, s21, $0xb8;
	[tilespmem:$0x1E800] =	vst v63  }
0x93: {  	_ =	swait.ge [sflag:s19], $0x4000  }
0x94: {  	[sflag:s19] =	ssyncset.done $0x0  }
0x95: {  	[sflag:s19] =	ssyncadd.s32 $0xFFFFC000  }
0x96: {  	s0 =	sadd.s32 $0x1, s0;
	_ =	swait.ge [sflag:s25], $0x4000  }
0x97: {  	p1 =	seq.s32 s0, $0x4;
	[sflag:s25] =	ssyncset.done $0x0  }
.Ltmp5:
0x98: {  	[sflag:s25] =	ssyncadd.s32 $0xFFFFC000;
	(pc) =	sbr.rel @!p1 .LBB2_4-.Ltmp5, $4  }
0x99: {  	[spmem:s6] =	stream.indirect.scatter.add.f32 [tilespmem:s22], [sflag:$0x3], $0x80, s30, s21, $0xb8;
	[tilespmem:$0x1E800] =	vst v63  }
0x9a: {  	_ =	swait.ge [sflag:s19], $0x4000  }
0x9b: {  	[sflag:s19] =	ssyncset.done $0x0  }
0x9c: {  	[sflag:s19] =	ssyncadd.s32 $0xFFFFC000  }
.Ltmp6:
0x9d: {  	(pc) =	sbr.rel .LBB2_12-.Ltmp6, $2  }
0x9e: {  	_ =	sdelay $0x2  }
0x9f: {  	s0 =	rddreg [dreg:$0x3]  }
.LBB2_8:
0xa0: {  	s3 =	smul.u32 $0x28, s0;
	_ =	sdelay $0x1  }
0xa1: {  	s3 =	sadd.s32 s13, s3  }
0xa2: {  	s3 =	sshll.u32 s3, $0x4  }
0xa3: {  	s4 =	sadd.s32 s8, s3  }
0xa4: {  	[tilespmem:s7], [sflag:$0x3] =	stream.linear.gather [hbm4b:s4+s7], $0x1400, $0x38;
	[tilespmem:$0x1E800] =	vst v63  }
0xa5: {  	_ =	swait.ge [sflag:s19], $0x1400  }
0xa6: {  	[sflag:s19] =	ssyncset.done $0x0  }
0xa7: {  	s3 =	sadd.s32 s9, s3;
	[sflag:s19] =	ssyncadd.s32 $0xFFFFEC00  }
0xa8: {  	[tilespmem:s20], [sflag:$0x3] =	stream.linear.gather [hbm4b:s3+s7], $0x1400, $0x38;
	[tilespmem:$0x1E800] =	vst v63  }
0xa9: {  	_ =	swait.ge [sflag:s19], $0x1400  }
0xaa: {  	[sflag:s19] =	ssyncset.done $0x0  }
0xab: {  	[sflag:s19] =	ssyncadd.s32 $0xFFFFEC00  }
0xac: {  	[tilespmem:s18], [sflag:$0x1] =	stream.indirect.gather [hbm4b:s2+s21], $0x80, s7, s21, $0xb8;
	[tilespmem:$0x1E800] =	vst v63  }
0xad: {  	_ = 	snop  }
0xae: {  	[tilespmem:s22], [sflag:$0x2] =	stream.indirect.gather [hbm4b:s2+s21], $0x80, s21, s21, $0xb8;
	[tilespmem:$0x1E800] =	vst v63  }
0xaf: {  	_ =	swait.ge [sflag:s23], $0x4000  }
0xb0: {  	[sflag:s23] =	ssyncset.done $0x0  }
0xb1: {  	[sflag:s23] =	ssyncadd.s32 $0xFFFFC000  }
0xb2: {  	[spmem:s6] =	stream.indirect.scatter.add.f32 [tilespmem:s18], [sflag:$0x3], $0x80, s20, s21, $0xb8;
	[tilespmem:$0x1E800] =	vst v63  }
0xb3: {  	_ =	swait.ge [sflag:s19], $0x4000  }
0xb4: {  	[sflag:s19] =	ssyncset.done $0x0  }
0xb5: {  	[sflag:s19] =	ssyncadd.s32 $0xFFFFC000  }
0xb6: {  	[tilespmem:s18], [sflag:$0x1] =	stream.indirect.gather [hbm4b:s2+s21], $0x80, s24, s21, $0xb8;
	[tilespmem:$0x1E800] =	vst v63  }
0xb7: {  	_ =	swait.ge [sflag:s25], $0x4000  }
0xb8: {  	[sflag:s25] =	ssyncset.done $0x0  }
0xb9: {  	[sflag:s25] =	ssyncadd.s32 $0xFFFFC000  }
0xba: {  	[spmem:s6] =	stream.indirect.scatter.add.f32 [tilespmem:s22], [sflag:$0x3], $0x80, s26, s21, $0xb8;
	[tilespmem:$0x1E800] =	vst v63  }
0xbb: {  	_ =	swait.ge [sflag:s19], $0x4000  }
0xbc: {  	[sflag:s19] =	ssyncset.done $0x0  }
0xbd: {  	s4 =	simm.s32 $0x180;
	[sflag:s19] =	ssyncadd.s32 $0xFFFFC000  }
0xbe: {  	[tilespmem:s22], [sflag:$0x2] =	stream.indirect.gather [hbm4b:s2+s21], $0x80, s4, s21, $0xb8;
	[tilespmem:$0x1E800] =	vst v63  }
0xbf: {  	_ =	swait.ge [sflag:s23], $0x4000  }
0xc0: {  	[sflag:s23] =	ssyncset.done $0x0  }
0xc1: {  	s5 =	simm.s32 $0x1500;
	[sflag:s23] =	ssyncadd.s32 $0xFFFFC000  }
0xc2: {  	[spmem:s6] =	stream.indirect.scatter.add.f32 [tilespmem:s18], [sflag:$0x3], $0x80, s5, s21, $0xb8;
	[tilespmem:$0x1E800] =	vst v63  }
0xc3: {  	_ =	swait.ge [sflag:s19], $0x4000  }
0xc4: {  	[sflag:s19] =	ssyncset.done $0x0  }
0xc5: {  	s11 =	simm.s32 $0x200;
	[sflag:s19] =	ssyncadd.s32 $0xFFFFC000  }
0xc6: {  	[tilespmem:s18], [sflag:$0x1] =	stream.indirect.gather [hbm4b:s2+s21], $0x80, s11, s21, $0xb8;
	[tilespmem:$0x1E800] =	vst v63  }
0xc7: {  	_ =	swait.ge [sflag:s25], $0x4000  }
0xc8: {  	[sflag:s25] =	ssyncset.done $0x0  }
0xc9: {  	s12 =	simm.s32 $0x1580;
	[sflag:s25] =	ssyncadd.s32 $0xFFFFC000  }
0xca: {  	[spmem:s6] =	stream.indirect.scatter.add.f32 [tilespmem:s22], [sflag:$0x3], $0x80, s12, s21, $0xb8;
	[tilespmem:$0x1E800] =	vst v63  }
0xcb: {  	_ =	swait.ge [sflag:s19], $0x4000  }
0xcc: {  	s3 =	simm.s32 $0xFFFFEF00;
	s4 =	simm.s32 $0xFFFFC000;
	[sflag:s19] =	ssyncset.done $0x0  }
.LBB2_9:
0xcd: {  	s5 =	sadd.s32 $0x1380, s3  }
0xce: {  	[sflag:s19] =	ssyncadd.s32 $0xFFFFC000;
	s11 =	smov.u32 s4;
	s12 =	sadd.s32 $0x400, s4  }
0xcf: {  	[tilespmem:s22], [sflag:$0x2] =	stream.indirect.gather [hbm4b:s2+s21], $0x80, s5, s21, $0xb8;
	[tilespmem:$0x1E800] =	vst v63  }
0xd0: {  	p1 =	sne.s32 s4, $0xFFFFFC00;
	_ =	swait.ge [sflag:s23], $0x4000  }
0xd1: {  	[sflag:s23] =	ssyncset.done $0x0  }
0xd2: {  	s4 =	sadd.s32 $0x2700, s3;
	[sflag:s23] =	ssyncadd.s32 $0xFFFFC000  }
0xd3: {  	[spmem:s6] =	stream.indirect.scatter.add.f32 [tilespmem:s18], [sflag:$0x3], $0x80, s4, s21, $0xb8;
	[tilespmem:$0x1E800] =	vst v63  }
0xd4: {  	_ =	swait.ge [sflag:s19], $0x4000  }
0xd5: {  	[sflag:s19] =	ssyncset.done $0x0  }
0xd6: {  	s4 =	sadd.s32 $0x1400, s3;
	[sflag:s19] =	ssyncadd.s32 $0xFFFFC000  }
0xd7: {  	[tilespmem:s18], [sflag:$0x1] =	stream.indirect.gather [hbm4b:s2+s21], $0x80, s4, s21, $0xb8;
	[tilespmem:$0x1E800] =	vst v63  }
0xd8: {  	_ =	swait.ge [sflag:s25], $0x4000  }
.Ltmp7:
0xd9: {  	[sflag:s25] =	ssyncset.done $0x0;
	(pc) =	sbr.rel @p1 .LBB2_9-.Ltmp7, $4  }
0xda: {  	s3 =	sadd.s32 $0x2780, s3;
	[sflag:s25] =	ssyncadd.s32 $0xFFFFC000  }
0xdb: {  	[spmem:s6] =	stream.indirect.scatter.add.f32 [tilespmem:s22], [sflag:$0x3], $0x80, s3, s21, $0xb8;
	[tilespmem:$0x1E800] =	vst v63  }
0xdc: {  	_ =	swait.ge [sflag:s19], $0x4000  }
0xdd: {  	s4 =	smov.u32 s12;
	s3 =	sshra.s32 s11, $0x2;
	[sflag:s19] =	ssyncset.done $0x0  }
0xde: {  	s4 =	sadd.s32 $0x1380, s3;
	[sflag:s19] =	ssyncadd.s32 $0xFFFFC000  }
0xdf: {  	[tilespmem:s22], [sflag:$0x2] =	stream.indirect.gather [hbm4b:s2+s21], $0x80, s4, s21, $0xb8;
	[tilespmem:$0x1E800] =	vst v63  }
0xe0: {  	_ =	swait.ge [sflag:s23], $0x4000  }
0xe1: {  	[sflag:s23] =	ssyncset.done $0x0  }
0xe2: {  	s5 =	sadd.s32 $0x2700, s3;
	[sflag:s23] =	ssyncadd.s32 $0xFFFFC000  }
0xe3: {  	[spmem:s6] =	stream.indirect.scatter.add.f32 [tilespmem:s18], [sflag:$0x3], $0x80, s5, s21, $0xb8;
	[tilespmem:$0x1E800] =	vst v63  }
0xe4: {  	_ =	swait.ge [sflag:s19], $0x4000  }
0xe5: {  	[sflag:s19] =	ssyncset.done $0x0  }
0xe6: {  	s11 =	sadd.s32 $0x1400, s3;
	[sflag:s19] =	ssyncadd.s32 $0xFFFFC000  }
0xe7: {  	[tilespmem:s18], [sflag:$0x1] =	stream.indirect.gather [hbm4b:s2+s21], $0x80, s11, s21, $0xb8;
	[tilespmem:$0x1E800] =	vst v63  }
0xe8: {  	_ =	swait.ge [sflag:s25], $0x4000  }
0xe9: {  	[sflag:s25] =	ssyncset.done $0x0  }
0xea: {  	s12 =	sadd.s32 $0x2780, s3;
	[sflag:s25] =	ssyncadd.s32 $0xFFFFC000  }
0xeb: {  	[spmem:s6] =	stream.indirect.scatter.add.f32 [tilespmem:s22], [sflag:$0x3], $0x80, s12, s21, $0xb8;
	[tilespmem:$0x1E800] =	vst v63  }
0xec: {  	_ =	swait.ge [sflag:s19], $0x4000  }
0xed: {  	[sflag:s19] =	ssyncset.done $0x0  }
0xee: {  	[sflag:s19] =	ssyncadd.s32 $0xFFFFC000  }
0xef: {  	[tilespmem:s22], [sflag:$0x2] =	stream.indirect.gather [hbm4b:s2+s21], $0x80, s28, s21, $0xb8;
	[tilespmem:$0x1E800] =	vst v63  }
0xf0: {  	_ =	swait.ge [sflag:s23], $0x4000  }
0xf1: {  	[sflag:s23] =	ssyncset.done $0x0  }
0xf2: {  	[sflag:s23] =	ssyncadd.s32 $0xFFFFC000  }
0xf3: {  	[spmem:s6] =	stream.indirect.scatter.add.f32 [tilespmem:s18], [sflag:$0x3], $0x80, s29, s21, $0xb8;
	[tilespmem:$0x1E800] =	vst v63  }
0xf4: {  	_ =	swait.ge [sflag:s19], $0x4000  }
0xf5: {  	[sflag:s19] =	ssyncset.done $0x0  }
0xf6: {  	[sflag:s19] =	ssyncadd.s32 $0xFFFFC000  }
0xf7: {  	s0 =	sadd.s32 $0x1, s0;
	_ =	swait.ge [sflag:s25], $0x4000  }
0xf8: {  	p1 =	sne.s32 s0, $0x4;
	[sflag:s25] =	ssyncset.done $0x0  }
.Ltmp8:
0xf9: {  	[sflag:s25] =	ssyncadd.s32 $0xFFFFC000;
	(pc) =	sbr.rel @p1 .LBB2_8-.Ltmp8, $4  }
0xfa: {  	[spmem:s6] =	stream.indirect.scatter.add.f32 [tilespmem:s22], [sflag:$0x3], $0x80, s30, s21, $0xb8;
	[tilespmem:$0x1E800] =	vst v63  }
0xfb: {  	_ =	swait.ge [sflag:s19], $0x4000  }
0xfc: {  	[sflag:s19] =	ssyncset.done $0x0  }
0xfd: {  	[sflag:s19] =	ssyncadd.s32 $0xFFFFC000  }
.Ltmp9:
0xfe: {  	(pc) =	sbr.rel .LBB2_12-.Ltmp9, $2  }
0xff: {  	_ =	sdelay $0x2  }
0x100: {  	s0 =	rddreg [dreg:$0x4]  }
.LBB2_13:
0x101: {  	_ =	sfence.sel $0x180000  }
0x102: {  	[bflag:$0x0] =	sbarrier.arrive $0xFFFF  }
0x103: {  	_ =	strace $0x9000004A  }
0x104: {  	s0 =	stileid.u32;
	[bflag:$0x2] =	sbarrier.arrive $0xFFFF  }
0x105: {  	p0 =	sne.s32 s0, $0x0;
	s0 =	rddreg [dreg:$0x6]  }
0x106: {  	s0 =	sadd.s32 @!p0 $0x100000, s0  }
0x107: {  	[sflag:s0] =	ssyncadd.tile.s32 @!p0 $0x1;
	_ =	shalt  }
.Lfunc_end2:
_tile_overlayer_lowered:
.L_overlay_start_2:
0x108: {  	(tag) =	ssettag $0x2  }
0x109: {  	s0 =	rddreg [dreg:$0x0];
	s2 =	stileid.u32  }
0x10a: {  	s1 =	rddreg [dreg:$0x1];
	p0 =	sne.s32 s2, $0x0  }
0x10b: {  	s3 =	rddreg [dreg:$0x2];
	[bflag:$0x3] =	sbarrier.arrive $0xFFFF;
	s2 =	simm.s32 @!p0 $0x1C03  }
0x10c: {  	[timem:s3], [sflag:s2] =	dma.local @!p0 [hbm:s0], s1  }
0x10d: {  	s0 =	simm.s32 @!p0 $0x3  }
0x10e: {  	_ =	swait.ge @!p0 [sflag:s0], s1  }
0x10f: {  	s1 =	ssub.s32 @!p0 $0x0, s1;
	[sflag:s0] =	ssyncset.done @!p0 $0x0  }
0x110: {  	[sflag:s0] =	ssyncadd.s32 @!p0 s1  }
0x111: {  	[bflag:$0x3] =	sbarrier.arrive $0xFFFF  }
0x112: {  	_ =	shalt  }

// kernel: kernel.17.cloned.1.call-start
scs
__scs_entry_jumppad:
0x0: {  	(pc) =	sbr.rel $0x88, $3  }
0x1: {  	(tag) =	ssettag $0x0;
	lr =	simm.s32 $0x1  }
0x2: {  	[smem:$0x3F8D] =	sst lr;
	_ =	strace $0xD0000000  }
0x3: {  	_ = 	snop  }
0x4: {  	_ = 	snop  }
0x5: {  	_ = 	snop  }
0x6: {  	_ = 	snop  }
0x7: {  	_ = 	snop  }
__scs_overlays_trampoline_lowered:
0x8: {  	[smem:$0x3F9C] =	sst s0  }
0x9: {  	[smem:$0x3F9D] =	sst s1  }
0xa: {  	[smem:$0x3F9E] =	sst s2  }
0xb: {  	[smem:$0x3F9F] =	sst s3  }
0xc: {  	[smem:$0x3FA0] =	sst s4  }
0xd: {  	[smem:$0x3FA1] =	sst s5  }
0xe: {  	[smem:$0x3FA2] =	sst s6  }
0xf: {  	[smem:$0x3FA3] =	sst s7  }
0x10: {  	[smem:$0x3FA4] =	sst s8  }
0x11: {  	[smem:$0x3FA5] =	sst s9;
	s0 =	simm.s32 @!p0 $0x0  }
0x12: {  	s1 =	sld [smem:$0x3F8B];
	s0 =	simm.s32 @p0 $0x1  }
0x13: {  	[smem:$0x3FA6] =	sst s0;
	s0 =	simm.s32 @!p1 $0x0  }
0x14: {  	s2 =	sld [smem:$0x3F8A];
	s0 =	simm.s32 @p1 $0x1  }
0x15: {  	[smem:$0x3FA7] =	sst s0;
	s0 =	simm.s32 @!p2 $0x0  }
0x16: {  	s3 =	sld [smem:$0x3FDB];
	s0 =	simm.s32 @p2 $0x1  }
0x17: {  	s4 =	simm.s32 $0x1BF5;
	[smem:$0x3FA9] =	sst s0  }
0x18: {  	s0 =	sld [smem:$0x3F8C];
	_ =	swait.ge [sflag:s4], $0x0  }
0x19: {  	s7 =	sld [smem:$0x3F8D]  }
0x1a: {  	s8 =	sadd.s32 $0xFFFFE003, lr  }
0x1b: {  	s9 =	sadd.s32 $0xFFFFFEF7, lr;
	s5 =	simm.s32 $0xFFFFFFFF;
	p2 =	slt.u32 s8, $0xFFFFF086  }
0x1c: {  	p1 =	slt.u32 s9, $0xF7A;
	s5 =	simm.s32 @!p2 $0x0  }
0x1d: {  	s5 =	simm.s32 @p1 $0x1;
	p0 =	seq.s32 s7, s2  }
0x1e: {  	s7 =	smul.u32 @!p0 $0xF7A, s2;
	p2 =	seq.s32 @!p0 s5, $0x0  }
0x1f: {  	s9 =	smul.u32 $0xF7A, s1;
	s8 =	simm.s32 @!p0 $0x1BF5;
	p2 =	por !p2, p0  }
0x20: {  	[sflag:s8] =	ssyncset.s32 @!p0 $0xFFFFF086;
	s6 =	sadd.s32 @!p0 s3, s7;
	s7 =	simm.s32 @!p0 $0x108  }
0x21: {  	s3 =	sadd.s32 s3, s9;
	s6 =	sadd.s32 @!p0 $0x88, s6;
	s7 =	simm.s32 @p2 $0x1082  }
0x22: {  	[simem:s7], [sflag:s8] =	dma.local @!p0 [hbm:s6], $0xF7A  }
0x23: {  	s9 =	sor.u32 $0xD0000000, s2;
	s6 =	simm.s32 $0x108;
	_ =	swait.ge @!p0 [sflag:s8], $0x0  }
0x24: {  	s3 =	sadd.s32 $0x88, s3;
	s6 =	simm.s32 @!p1 $0x1082;
	[sflag:s4] =	ssyncset.s32 $0xFFFFF086  }
0x25: {  	[simem:s6], [sflag:s4] =	dma.local [hbm:s3], $0xF7A  }
0x26: {  	[smem:$0x3F8D] =	sst s1;
	(tag) =	ssettag s2;
	_ =	strace s9  }
0x27: {  	s1 =	sld [smem:$0x3F9D]  }
0x28: {  	s2 =	sld [smem:$0x3F9E]  }
0x29: {  	s4 =	sld [smem:$0x3FA0]  }
0x2a: {  	p0 =	seq.s32 s5, $0x0;
	s5 =	sld [smem:$0x3FA1]  }
0x2b: {  	s6 =	sld [smem:$0x3FA2]  }
0x2c: {  	s7 =	sld [smem:$0x3FA3]  }
0x2d: {  	s3 =	simm.s32 $0x108;
	s8 =	sld [smem:$0x3FA4]  }
0x2e: {  	s3 =	simm.s32 @!p0 $0x1082;
	s9 =	sld [smem:$0x3FA5]  }
0x2f: {  	lr =	sadd.s32 s0, s3;
	s0 =	sld [smem:$0x3F9C]  }
0x30: {  	s3 =	sld [smem:$0x3F9F]  }
0x31: {  	[smem:$0x3FA8] =	sst s10  }
0x32: {  	s10 =	sld [smem:$0x3FA6];
	_ =	sdelay $0x3  }
0x33: {  	p0 =	seq.s32 s10, $0x1;
	s10 =	sld [smem:$0x3FA8];
	_ =	sdelay $0x3  }
0x34: {  	[smem:$0x3FA8] =	sst s10  }
0x35: {  	s10 =	sld [smem:$0x3FA7];
	_ =	sdelay $0x3  }
0x36: {  	p1 =	seq.s32 s10, $0x1;
	s10 =	sld [smem:$0x3FA8];
	_ =	sdelay $0x3  }
0x37: {  	[smem:$0x3FA8] =	sst s10  }
0x38: {  	s10 =	sld [smem:$0x3FA9]  }
0x39: {  	_ = 	snop;
	(pc) =	sbr.ind lr, $3  }
0x3a: {  	_ = 	snop  }
0x3b: {  	_ = 	snop  }
0x3c: {  	p2 =	seq.s32 s10, $0x1;
	s10 =	sld [smem:$0x3FA8]  }
0x3d: {  	_ =	shalt  }
0x3e: {  	_ =	shalt  }
0x3f: {  	_ =	shalt  }
0x40: {  	_ =	shalt  }
0x41: {  	_ =	shalt  }
0x42: {  	_ =	shalt  }
0x43: {  	_ =	shalt  }
0x44: {  	_ =	shalt  }
0x45: {  	_ =	shalt  }
0x46: {  	_ =	shalt  }
0x47: {  	_ =	shalt  }
0x48: {  	_ =	shalt  }
0x49: {  	_ =	shalt  }
0x4a: {  	_ =	shalt  }
0x4b: {  	_ =	shalt  }
0x4c: {  	_ =	shalt  }
0x4d: {  	_ =	shalt  }
0x4e: {  	_ =	shalt  }
0x4f: {  	_ =	shalt  }
0x50: {  	_ =	shalt  }
0x51: {  	_ =	shalt  }
0x52: {  	_ =	shalt  }
0x53: {  	_ =	shalt  }
0x54: {  	_ =	shalt  }
0x55: {  	_ =	shalt  }
0x56: {  	_ =	shalt  }
0x57: {  	_ =	shalt  }
0x58: {  	_ =	shalt  }
0x59: {  	_ =	shalt  }
0x5a: {  	_ =	shalt  }
0x5b: {  	_ =	shalt  }
0x5c: {  	_ =	shalt  }
0x5d: {  	_ =	shalt  }
0x5e: {  	_ =	shalt  }
0x5f: {  	_ =	shalt  }
0x60: {  	_ =	shalt  }
0x61: {  	_ =	shalt  }
0x62: {  	_ =	shalt  }
0x63: {  	_ =	shalt  }
0x64: {  	_ =	shalt  }
0x65: {  	_ =	shalt  }
0x66: {  	_ =	shalt  }
0x67: {  	_ =	shalt  }
0x68: {  	_ =	shalt  }
0x69: {  	_ =	shalt  }
0x6a: {  	_ =	shalt  }
0x6b: {  	_ =	shalt  }
0x6c: {  	_ =	shalt  }
0x6d: {  	_ =	shalt  }
0x6e: {  	_ =	shalt  }
0x6f: {  	_ =	shalt  }
0x70: {  	_ =	shalt  }
0x71: {  	_ =	shalt  }
0x72: {  	_ =	shalt  }
0x73: {  	_ =	shalt  }
0x74: {  	_ =	shalt  }
0x75: {  	_ =	shalt  }
0x76: {  	_ =	shalt  }
0x77: {  	_ =	shalt  }
0x78: {  	_ =	shalt  }
0x79: {  	_ =	shalt  }
0x7a: {  	_ =	shalt  }
0x7b: {  	_ =	shalt  }
0x7c: {  	_ =	shalt  }
0x7d: {  	_ =	shalt  }
0x7e: {  	_ =	shalt  }
0x7f: {  	_ =	shalt  }
0x80: {  	_ =	shalt  }
0x81: {  	_ =	shalt  }
0x82: {  	_ =	shalt  }
0x83: {  	_ =	shalt  }
0x84: {  	_ =	shalt  }
0x85: {  	_ =	shalt  }
0x86: {  	_ =	shalt  }
0x87: {  	_ =	shalt  }
.Lfunc_end0:
.L_simem_size_0:
called_computation.2_lowered:
.L_overlay_start_0:
0x88: {  	s2 =	sld [smem:$0x3FD9]  }
0x89: {  	s3 =	sld [smem:$0x3FFE];
	_ =	sdelay $0x1  }
0x8a: {  	s1 =	srdreg.scid  }
0x8b: {  	s0 =	sand.u32 $0x1, s1  }
0x8c: {  	s14 =	sshll.u32 s0, $0xA;
	s2 =	sadd.s32 s3, s2  }
0x8d: {  	s2 =	sadd.s32 s2, s14  }
0x8e: {  	[smem:$0x3FB4] =	sst s2  }
0x8f: {  	_ = 	snop  }
0x90: {  	s2 =	sld [smem:$0x3FD0];
	_ =	sdelay $0x2  }
0x91: {  	s15 =	simm.s32 $0xB;
	s4 =	simm.s32 $0x10  }
0x92: {  	[smem:s4], [sflag:s15] =	dma.local [hbm:s2], $0x1  }
0x93: {  	_ =	swait.eq [sflag:s15], $0x1  }
0x94: {  	[sflag:s15] =	ssyncset.done $0x0  }
0x95: {  	s16 =	sld [smem:$0x10];
	[sflag:s15] =	ssyncadd.s32 $0xFFFFFFFF  }
0x96: {  	s17 =	sld [smem:$0x11];
	(tm) =	ssettm $0x1  }
0x97: {  	s18 =	sld [smem:$0x3FFB];
	_ =	sdelay $0x3  }
0x98: {  	_ =	strace s18  }
0x99: {  	s4 =	sld [smem:$0x3FFC];
	_ =	sdelay $0x3  }
0x9a: {  	_ =	strace s4  }
0x9b: {  	s4 =	sld [smem:$0x3FFD];
	_ =	sdelay $0x3  }
0x9c: {  	_ =	strace s4  }
0x9d: {  	_ =	strace $0x8FFFFFFF  }
0x9e: {  	s19 =	sld [smem:$0x3FDB];
	_ =	sdelay $0x1  }
0x9f: {  	s5 =	simm.s32 $_scs_section_size  }
0xa0: {  	s6 =	simm.s32 $_size__tile_overlayer_lowered;
	s7 =	simm.s32 $_tile_overlayer_lowered  }
0xa1: {  	s22 =	simm.s32 $0x1BFF;
	s21 =	sshll.u32 s7, $0x1;
	s4 =	sadd.s32 s5, s19  }
0xa2: {  	s8 =	simm.s32 $0x0;
	s20 =	sshll.u32 s6, $0x1;
	s6 =	sadd.s32 s21, s4  }
0xa3: {  	[timem:s8], [sflag:s22] =	dma.local [hbm:s6], s20  }
0xa4: {  	_ =	swait.ge [sflag:s22], s20  }
0xa5: {  	s5 =	ssub.s32 $0x0, s20;
	[sflag:s22] =	ssyncset.done $0x0  }
0xa6: {  	[sflag:s22] =	ssyncadd.s32 s5;
	_ =	sdelay $0x1  }
0xa7: {  	s23 =	simm.s32 $0x1B8B  }
0xa8: {  	_ =	swait.ge [sflag:s23], $0x1  }
0xa9: {  	[sflag:s23] =	ssyncset.done $0x0  }
0xaa: {  	s25 =	simm.s32 $0x1B8E;
	s24 =	sld [smem:$0x3FFE];
	[sflag:s23] =	ssyncadd.s32 $0xFFFFFFFF  }
0xab: {  	s26 =	simm.s32 $execute0_lowered;
	[smem:$0x3FD2] =	sst s25  }
0xac: {  	s6 =	sshll.u32 s26, $0x1;
	_ =	strace $0x8000004C;
	[dreg:$0x1] =	wrdreg $0xFFFFFFFF  }
0xad: {  	s28 =	simm.s32 $_size_execute0_lowered;
	s4 =	sadd.s32 s4, s6;
	[dreg:$0x0] =	wrdreg $0x0  }
0xae: {  	s6 =	sshll.u32 s28, $0x1;
	[dreg:$0x2] =	wrdreg s4  }
0xaf: {  	[dreg:$0x3] =	wrdreg s6  }
0xb0: {  	[dreg:$0x4] =	wrdreg $0xC0  }
0xb1: {  	_ =	task [dreg:s8], $0x5FFFF  }
0xb2: {  	[dreg:$0x1] =	wrdreg $0xFFFFFFFF  }
0xb3: {  	[dreg:$0x0] =	wrdreg $0x60  }
0xb4: {  	[dreg:$0x2] =	wrdreg s17  }
0xb5: {  	[dreg:$0x3] =	wrdreg s16  }
0xb6: {  	[dreg:$0x4] =	wrdreg s24  }
0xb7: {  	[dreg:$0x5] =	wrdreg $0xA8000  }
0xb8: {  	[dreg:$0x6] =	wrdreg $0x9  }
0xb9: {  	_ =	task.clear_ibuf [dreg:s8], $0x7FFFF;
	_ =	strace $0x9000004C  }
0xba: {  	s29 =	simm.s32 $0x9;
	_ =	strace $0x8000004E  }
0xbb: {  	_ =	swait.ge [sflag:s29], $0x1  }
0xbc: {  	[sflag:s29] =	ssyncadd.s32 $0xFFFFFFFF  }
0xbd: {  	_ =	strace $0x9000004E  }
0xbe: {  	_ =	sfence  }
0xbf: {  	s30 =	sld [smem:$0x0];
	_ =	sdelay $0x2  }
0xc0: {  	s31 =	sshll.u32 s1, $0xD;
	s1 =	sshrl.u32 s1, $0x2  }
0xc1: {  	s3 =	sand.u32 $0x4000, s31;
	s1 =	sadd.s32 s1, s30  }
0xc2: {  	s0 =	sor.u32 s3, s0;
	s1 =	sshll.u32 s1, $0x11  }
0xc3: {  	s0 =	sor.u32 s1, s0  }
0xc4: {  	s0 =	sadd.s32 $0x8F2B, s0  }
0xc5: {  	[sflag:s0] =	ssyncadd.remote.s32 $0x1  }
0xc6: {  	_ =	sfence.sel $0xFFFF  }
0xc7: {  	[dreg:$0x0] =	wrdreg $0xFFFFFFFF;
	(pc) =	sbr.abs _section_cstart, $3  }
0xc8: {  	[dreg:$0x1] =	wrdreg $0xFFFFFFFF  }
0xc9: {  	_ =	task.clear_ibuf [dreg:s8], $0x2FFFF;
	_ =	strace $0x9FFFFFFF  }
0xca: {  	(tm) =	ssettm $0x7FFFFFFF  }
0xcb: {  	_ =	shalt  }
tec
execute0_lowered:
.L_overlay_start_1:
0x0: {  	(tag) =	ssettag $0x1  }
0x1: {  	s1 =	rddreg [dreg:$0x0]  }
0x2: {  	s2 =	rddreg [dreg:$0x1]  }
0x3: {  	s0 =	rddreg [dreg:$0x2]  }
0x4: {  	s3 =	rddreg [dreg:$0x3]  }
0x5: {  	s5 =	simm.s32 $0x0;
	s6 =	srdreg.scid;
	s4 =	stileid.u32  }
0x6: {  	s18 =	simm.s32 $0x2800;
	s19 =	simm.s32 $0x3;
	s20 =	simm.s32 $0x1400  }
0x7: {  	s21 =	simm.s32 $0x80;
	s22 =	simm.s32 $0x6800;
	s23 =	simm.s32 $0x1  }
0x8: {  	s28 =	simm.s32 $0x1380;
	s29 =	simm.s32 $0x2700;
	s30 =	simm.s32 $0x2780  }
0x9: {  	s31 =	simm.s32 $0x0;
	[smem:$0x7FF] =	sst s5;
	s8 =	sand.u32 $0x1, s6  }
0xa: {  	s9 =	smul.u32 $0x50000, s4;
	s6 =	sadd.s32 $0x11200, s0;
	s7 =	sadd.s32 $0x7200, s0  }
0xb: {  	s11 =	sadd.s32 $0x1B200, s0;
	s0 =	sadd.s32 $0x6B200, s0;
	s13 =	smul.u32 $0xA0, s4  }
0xc: {  	s16 =	smul.u32 $0x2800, s4;
	_ =	strace $0x8000004D;
	[dreg:$0x5] =	wrdreg s11  }
0xd: {  	s10 =	ssub.s32 $0x2, s8;
	[dreg:$0x6] =	wrdreg s0;
	p0 =	sne.s32 s8, $0x0  }
.Ltmp0:
0xe: {  	s24 =	sshrl.u32 s10, $0x1;
	s9 =	sshrl.u32 s9, $0x2;
	(pc) =	sbr.rel .LBB2_1-.Ltmp0, $4  }
0xf: {  	s25 =	ssub.s32 s10, s24;
	s10 =	sadd.s32 s9, s3;
	s24 =	simm.s32 $0x100  }
0x10: {  	s9 =	sadd.s32 $0x4000, s10;
	s26 =	sadd.s32 $0x8000, s10;
	s14 =	sadd.s32 $0xC000, s10  }
0x11: {  	s15 =	sadd.s32 $0x10000, s10;
	s17 =	smax.u32 s25, $0x1;
	[dreg:$0x7] =	wrdreg s9  }
0x12: {  	v0 =	vimm.f32 $0.0e+00;
	s25 =	simm.s32 $0x2;
	[dreg:$0x8] =	wrdreg s26;
	s26 =	simm.s32 $0x1480  }
.LBB2_12:
0x13: {  	s0 =	sadd.s32 s0, s16;
	s4 =	stileid.u32;
	s31 =	sadd.s32 $0x1, s31  }
0x14: {  	[bflag:$0x0] =	sbarrier.arrive $0xFFFF;
	s4 =	sshll.u32 s4, $0x6;
	p1 =	sne.s32 s31, s17  }
.Ltmp1:
0x15: {  	s8 =	sshrl.u32 s10, $0x3;
	s4 =	sor.u32 $0x1C03, s4;
	(pc) =	sbr.rel @!p1 .LBB2_13-.Ltmp1, $4  }
0x16: {  	[hbm:s0], [sflag:s4] =	dma.local [spmem:s8], $0x2800  }
0x17: {  	_ =	swait.ge [sflag:s19], $0x2800  }
0x18: {  	[sflag:s19] =	ssyncset.done $0x0  }
0x19: {  	[sflag:s19] =	ssyncadd.s32 $0xFFFFD800  }
.LBB2_1:
0x1a: {  	s0 =	simm.s32 $0x0;
	s8 =	simm.s32 $0x200  }
.LBB2_2:
0x1b: {  	p1 =	sne.s32 s8, $0xFE00;
	[tilespmem:s0+$0x2870] =	vst v0  }
0x1c: {  	[tilespmem:s0+$0x2800] =	vst v0  }
0x1d: {  	[tilespmem:s0+$0x2810] =	vst v0  }
.Ltmp2:
0x1e: {  	[tilespmem:s0+$0x2820] =	vst v0;
	(pc) =	sbr.rel @p1 .LBB2_2-.Ltmp2, $4  }
0x1f: {  	[tilespmem:s0+$0x2830] =	vst v0  }
0x20: {  	[tilespmem:s0+$0x2840] =	vst v0  }
0x21: {  	[tilespmem:s0+$0x2850] =	vst v0  }
0x22: {  	[tilespmem:s0+$0x2860] =	vst v0;
	s0 =	sshra.s32 s8, $0x2;
	s8 =	sadd.s32 $0x200, s8  }
0x23: {  	[tilespmem:s0+$0x2870] =	vst v0  }
0x24: {  	[tilespmem:s0+$0x2800] =	vst v0  }
0x25: {  	[tilespmem:s0+$0x2810] =	vst v0  }
0x26: {  	[tilespmem:s0+$0x2820] =	vst v0  }
0x27: {  	[tilespmem:s0+$0x2830] =	vst v0  }
0x28: {  	[tilespmem:s0+$0x2840] =	vst v0  }
0x29: {  	[tilespmem:s0+$0x2850] =	vst v0  }
0x2a: {  	[tilespmem:s0+$0x2860] =	vst v0  }
0x2b: {  	[spmem:s10] =	stream.linear.scatter [tilespmem:s18], [sflag:$0x3], $0x4000, $0x38;
	[tilespmem:$0x1E800] =	vst v63  }
0x2c: {  	_ =	swait.ge [sflag:s19], $0x4000  }
0x2d: {  	[sflag:s19] =	ssyncset.done $0x0  }
0x2e: {  	s11 =	rddreg [dreg:$0x7];
	[sflag:s19] =	ssyncadd.s32 $0xFFFFC000  }
0x2f: {  	[spmem:s11] =	stream.linear.scatter [tilespmem:s18], [sflag:$0x3], $0x4000, $0x38;
	[tilespmem:$0x1E800] =	vst v63  }
0x30: {  	_ =	swait.ge [sflag:s19], $0x4000  }
0x31: {  	[sflag:s19] =	ssyncset.done $0x0  }
0x32: {  	s12 =	rddreg [dreg:$0x8];
	[sflag:s19] =	ssyncadd.s32 $0xFFFFC000  }
0x33: {  	[spmem:s12] =	stream.linear.scatter [tilespmem:s18], [sflag:$0x3], $0x4000, $0x38;
	[tilespmem:$0x1E800] =	vst v63  }
0x34: {  	_ =	swait.ge [sflag:s19], $0x4000  }
0x35: {  	[sflag:s19] =	ssyncset.done $0x0  }
0x36: {  	[sflag:s19] =	ssyncadd.s32 $0xFFFFC000  }
0x37: {  	[spmem:s14] =	stream.linear.scatter [tilespmem:s18], [sflag:$0x3], $0x4000, $0x38;
	[tilespmem:$0x1E800] =	vst v63  }
0x38: {  	_ =	swait.ge [sflag:s19], $0x4000  }
0x39: {  	[sflag:s19] =	ssyncset.done $0x0  }
0x3a: {  	[sflag:s19] =	ssyncadd.s32 $0xFFFFC000  }
0x3b: {  	[spmem:s15] =	stream.linear.scatter [tilespmem:s18], [sflag:$0x3], $0x4000, $0x38;
	[tilespmem:$0x1E800] =	vst v63  }
.Ltmp3:
0x3c: {  	_ =	swait.ge [sflag:s19], $0x4000;
	(pc) =	sbr.rel @p0 .LBB2_8-.Ltmp3, $4  }
0x3d: {  	[sflag:s19] =	ssyncset.done $0x0  }
0x3e: {  	[sflag:s19] =	ssyncadd.s32 $0xFFFFC000  }
0x3f: {  	[bflag:$0x0] =	sbarrier.arrive $0xFFFF  }
0x40: {  	s0 =	simm.s32 $0x0  }
.LBB2_4:
0x41: {  	s8 =	smul.u32 $0x28, s0;
	_ =	sdelay $0x1  }
0x42: {  	s8 =	sadd.s32 s13, s8  }
0x43: {  	s8 =	sshll.u32 s8, $0x4  }
0x44: {  	s9 =	sadd.s32 s6, s8  }
0x45: {  	[tilespmem:s5], [sflag:$0x3] =	stream.linear.gather [hbm4b:s9+s5], $0x1400, $0x38;
	[tilespmem:$0x1E800] =	vst v63  }
0x46: {  	_ =	swait.ge [sflag:s19], $0x1400  }
0x47: {  	[sflag:s19] =	ssyncset.done $0x0  }
0x48: {  	s8 =	sadd.s32 s7, s8;
	[sflag:s19] =	ssyncadd.s32 $0xFFFFEC00  }
0x49: {  	[tilespmem:s20], [sflag:$0x3] =	stream.linear.gather [hbm4b:s8+s5], $0x1400, $0x38;
	[tilespmem:$0x1E800] =	vst v63  }
0x4a: {  	_ =	swait.ge [sflag:s19], $0x1400  }
0x4b: {  	[sflag:s19] =	ssyncset.done $0x0  }
0x4c: {  	[sflag:s19] =	ssyncadd.s32 $0xFFFFEC00  }
0x4d: {  	[tilespmem:s18], [sflag:$0x1] =	stream.indirect.gather [hbm4b:s1+s21], $0x80, s5, s21, $0xb8;
	[tilespmem:$0x1E800] =	vst v63  }
0x4e: {  	_ = 	snop  }
0x4f: {  	[tilespmem:s22], [sflag:$0x2] =	stream.indirect.gather [hbm4b:s1+s21], $0x80, s21, s21, $0xb8;
	[tilespmem:$0x1E800] =	vst v63  }
0x50: {  	_ =	swait.ge [sflag:s23], $0x4000  }
0x51: {  	[sflag:s23] =	ssyncset.done $0x0  }
0x52: {  	[sflag:s23] =	ssyncadd.s32 $0xFFFFC000  }
0x53: {  	[spmem:s3] =	stream.indirect.scatter.add.f32 [tilespmem:s18], [sflag:$0x3], $0x80, s20, s21, $0xb8;
	[tilespmem:$0x1E800] =	vst v63  }
0x54: {  	_ =	swait.ge [sflag:s19], $0x4000  }
0x55: {  	[sflag:s19] =	ssyncset.done $0x0  }
0x56: {  	[sflag:s19] =	ssyncadd.s32 $0xFFFFC000  }
0x57: {  	[tilespmem:s18], [sflag:$0x1] =	stream.indirect.gather [hbm4b:s1+s21], $0x80, s24, s21, $0xb8;
	[tilespmem:$0x1E800] =	vst v63  }
0x58: {  	_ =	swait.ge [sflag:s25], $0x4000  }
0x59: {  	[sflag:s25] =	ssyncset.done $0x0  }
0x5a: {  	[sflag:s25] =	ssyncadd.s32 $0xFFFFC000  }
0x5b: {  	[spmem:s3] =	stream.indirect.scatter.add.f32 [tilespmem:s22], [sflag:$0x3], $0x80, s26, s21, $0xb8;
	[tilespmem:$0x1E800] =	vst v63  }
0x5c: {  	_ =	swait.ge [sflag:s19], $0x4000  }
0x5d: {  	[sflag:s19] =	ssyncset.done $0x0  }
0x5e: {  	s4 =	simm.s32 $0x180;
	[sflag:s19] =	ssyncadd.s32 $0xFFFFC000  }
0x5f: {  	[tilespmem:s22], [sflag:$0x2] =	stream.indirect.gather [hbm4b:s1+s21], $0x80, s4, s21, $0xb8;
	[tilespmem:$0x1E800] =	vst v63  }
0x60: {  	_ =	swait.ge [sflag:s23], $0x4000  }
0x61: {  	[sflag:s23] =	ssyncset.done $0x0  }
0x62: {  	s9 =	simm.s32 $0x1500;
	[sflag:s23] =	ssyncadd.s32 $0xFFFFC000  }
0x63: {  	[spmem:s3] =	stream.indirect.scatter.add.f32 [tilespmem:s18], [sflag:$0x3], $0x80, s9, s21, $0xb8;
	[tilespmem:$0x1E800] =	vst v63  }
0x64: {  	_ =	swait.ge [sflag:s19], $0x4000  }
0x65: {  	[sflag:s19] =	ssyncset.done $0x0  }
0x66: {  	s11 =	simm.s32 $0x200;
	[sflag:s19] =	ssyncadd.s32 $0xFFFFC000  }
0x67: {  	[tilespmem:s18], [sflag:$0x1] =	stream.indirect.gather [hbm4b:s1+s21], $0x80, s11, s21, $0xb8;
	[tilespmem:$0x1E800] =	vst v63  }
0x68: {  	_ =	swait.ge [sflag:s25], $0x4000  }
0x69: {  	[sflag:s25] =	ssyncset.done $0x0  }
0x6a: {  	s12 =	simm.s32 $0x1580;
	[sflag:s25] =	ssyncadd.s32 $0xFFFFC000  }
0x6b: {  	[spmem:s3] =	stream.indirect.scatter.add.f32 [tilespmem:s22], [sflag:$0x3], $0x80, s12, s21, $0xb8;
	[tilespmem:$0x1E800] =	vst v63  }
0x6c: {  	_ =	swait.ge [sflag:s19], $0x4000  }
0x6d: {  	s8 =	simm.s32 $0xFFFFEF00;
	s9 =	simm.s32 $0xFFFFC000;
	[sflag:s19] =	ssyncset.done $0x0  }
.LBB2_5:
0x6e: {  	s4 =	sadd.s32 $0x1380, s8  }
0x6f: {  	[sflag:s19] =	ssyncadd.s32 $0xFFFFC000;
	s11 =	smov.u32 s9;
	s12 =	sadd.s32 $0x400, s9  }
0x70: {  	[tilespmem:s22], [sflag:$0x2] =	stream.indirect.gather [hbm4b:s1+s21], $0x80, s4, s21, $0xb8;
	[tilespmem:$0x1E800] =	vst v63  }
0x71: {  	p1 =	sne.s32 s9, $0xFFFFFC00;
	_ =	swait.ge [sflag:s23], $0x4000  }
0x72: {  	[sflag:s23] =	ssyncset.done $0x0  }
0x73: {  	s4 =	sadd.s32 $0x2700, s8;
	[sflag:s23] =	ssyncadd.s32 $0xFFFFC000  }
0x74: {  	[spmem:s3] =	stream.indirect.scatter.add.f32 [tilespmem:s18], [sflag:$0x3], $0x80, s4, s21, $0xb8;
	[tilespmem:$0x1E800] =	vst v63  }
0x75: {  	_ =	swait.ge [sflag:s19], $0x4000  }
0x76: {  	[sflag:s19] =	ssyncset.done $0x0  }
0x77: {  	s4 =	sadd.s32 $0x1400, s8;
	[sflag:s19] =	ssyncadd.s32 $0xFFFFC000  }
0x78: {  	[tilespmem:s18], [sflag:$0x1] =	stream.indirect.gather [hbm4b:s1+s21], $0x80, s4, s21, $0xb8;
	[tilespmem:$0x1E800] =	vst v63  }
0x79: {  	_ =	swait.ge [sflag:s25], $0x4000  }
.Ltmp4:
0x7a: {  	[sflag:s25] =	ssyncset.done $0x0;
	(pc) =	sbr.rel @p1 .LBB2_5-.Ltmp4, $4  }
0x7b: {  	s4 =	sadd.s32 $0x2780, s8;
	[sflag:s25] =	ssyncadd.s32 $0xFFFFC000  }
0x7c: {  	[spmem:s3] =	stream.indirect.scatter.add.f32 [tilespmem:s22], [sflag:$0x3], $0x80, s4, s21, $0xb8;
	[tilespmem:$0x1E800] =	vst v63  }
0x7d: {  	_ =	swait.ge [sflag:s19], $0x4000  }
0x7e: {  	s9 =	smov.u32 s12;
	s8 =	sshra.s32 s11, $0x2;
	[sflag:s19] =	ssyncset.done $0x0  }
0x7f: {  	s4 =	sadd.s32 $0x1380, s8;
	[sflag:s19] =	ssyncadd.s32 $0xFFFFC000  }
0x80: {  	[tilespmem:s22], [sflag:$0x2] =	stream.indirect.gather [hbm4b:s1+s21], $0x80, s4, s21, $0xb8;
	[tilespmem:$0x1E800] =	vst v63  }
0x81: {  	_ =	swait.ge [sflag:s23], $0x4000  }
0x82: {  	[sflag:s23] =	ssyncset.done $0x0  }
0x83: {  	s9 =	sadd.s32 $0x2700, s8;
	[sflag:s23] =	ssyncadd.s32 $0xFFFFC000  }
0x84: {  	[spmem:s3] =	stream.indirect.scatter.add.f32 [tilespmem:s18], [sflag:$0x3], $0x80, s9, s21, $0xb8;
	[tilespmem:$0x1E800] =	vst v63  }
0x85: {  	_ =	swait.ge [sflag:s19], $0x4000  }
0x86: {  	[sflag:s19] =	ssyncset.done $0x0  }
0x87: {  	s11 =	sadd.s32 $0x1400, s8;
	[sflag:s19] =	ssyncadd.s32 $0xFFFFC000  }
0x88: {  	[tilespmem:s18], [sflag:$0x1] =	stream.indirect.gather [hbm4b:s1+s21], $0x80, s11, s21, $0xb8;
	[tilespmem:$0x1E800] =	vst v63  }
0x89: {  	_ =	swait.ge [sflag:s25], $0x4000  }
0x8a: {  	[sflag:s25] =	ssyncset.done $0x0  }
0x8b: {  	s12 =	sadd.s32 $0x2780, s8;
	[sflag:s25] =	ssyncadd.s32 $0xFFFFC000  }
0x8c: {  	[spmem:s3] =	stream.indirect.scatter.add.f32 [tilespmem:s22], [sflag:$0x3], $0x80, s12, s21, $0xb8;
	[tilespmem:$0x1E800] =	vst v63  }
0x8d: {  	_ =	swait.ge [sflag:s19], $0x4000  }
0x8e: {  	[sflag:s19] =	ssyncset.done $0x0  }
0x8f: {  	[sflag:s19] =	ssyncadd.s32 $0xFFFFC000  }
0x90: {  	[tilespmem:s22], [sflag:$0x2] =	stream.indirect.gather [hbm4b:s1+s21], $0x80, s28, s21, $0xb8;
	[tilespmem:$0x1E800] =	vst v63  }
0x91: {  	_ =	swait.ge [sflag:s23], $0x4000  }
0x92: {  	[sflag:s23] =	ssyncset.done $0x0  }
0x93: {  	[sflag:s23] =	ssyncadd.s32 $0xFFFFC000  }
0x94: {  	[spmem:s3] =	stream.indirect.scatter.add.f32 [tilespmem:s18], [sflag:$0x3], $0x80, s29, s21, $0xb8;
	[tilespmem:$0x1E800] =	vst v63  }
0x95: {  	_ =	swait.ge [sflag:s19], $0x4000  }
0x96: {  	[sflag:s19] =	ssyncset.done $0x0  }
0x97: {  	[sflag:s19] =	ssyncadd.s32 $0xFFFFC000  }
0x98: {  	s0 =	sadd.s32 $0x1, s0;
	_ =	swait.ge [sflag:s25], $0x4000  }
0x99: {  	p1 =	seq.s32 s0, $0x4;
	[sflag:s25] =	ssyncset.done $0x0  }
.Ltmp5:
0x9a: {  	[sflag:s25] =	ssyncadd.s32 $0xFFFFC000;
	(pc) =	sbr.rel @!p1 .LBB2_4-.Ltmp5, $4  }
0x9b: {  	[spmem:s3] =	stream.indirect.scatter.add.f32 [tilespmem:s22], [sflag:$0x3], $0x80, s30, s21, $0xb8;
	[tilespmem:$0x1E800] =	vst v63  }
0x9c: {  	_ =	swait.ge [sflag:s19], $0x4000  }
0x9d: {  	[sflag:s19] =	ssyncset.done $0x0  }
0x9e: {  	[sflag:s19] =	ssyncadd.s32 $0xFFFFC000  }
.Ltmp6:
0x9f: {  	(pc) =	sbr.rel .LBB2_12-.Ltmp6, $2  }
0xa0: {  	_ =	sdelay $0x2  }
0xa1: {  	s0 =	rddreg [dreg:$0x5]  }
.LBB2_8:
0xa2: {  	s4 =	smul.u32 $0x28, s0;
	_ =	sdelay $0x1  }
0xa3: {  	s4 =	sadd.s32 s13, s4  }
0xa4: {  	s4 =	sshll.u32 s4, $0x4  }
0xa5: {  	s8 =	sadd.s32 s6, s4  }
0xa6: {  	[tilespmem:s5], [sflag:$0x3] =	stream.linear.gather [hbm4b:s8+s5], $0x1400, $0x38;
	[tilespmem:$0x1E800] =	vst v63  }
0xa7: {  	_ =	swait.ge [sflag:s19], $0x1400  }
0xa8: {  	[sflag:s19] =	ssyncset.done $0x0  }
0xa9: {  	s4 =	sadd.s32 s7, s4;
	[sflag:s19] =	ssyncadd.s32 $0xFFFFEC00  }
0xaa: {  	[tilespmem:s20], [sflag:$0x3] =	stream.linear.gather [hbm4b:s4+s5], $0x1400, $0x38;
	[tilespmem:$0x1E800] =	vst v63  }
0xab: {  	_ =	swait.ge [sflag:s19], $0x1400  }
0xac: {  	[sflag:s19] =	ssyncset.done $0x0  }
0xad: {  	[sflag:s19] =	ssyncadd.s32 $0xFFFFEC00  }
0xae: {  	[tilespmem:s18], [sflag:$0x1] =	stream.indirect.gather [hbm4b:s2+s21], $0x80, s5, s21, $0xb8;
	[tilespmem:$0x1E800] =	vst v63  }
0xaf: {  	_ = 	snop  }
0xb0: {  	[tilespmem:s22], [sflag:$0x2] =	stream.indirect.gather [hbm4b:s2+s21], $0x80, s21, s21, $0xb8;
	[tilespmem:$0x1E800] =	vst v63  }
0xb1: {  	_ =	swait.ge [sflag:s23], $0x4000  }
0xb2: {  	[sflag:s23] =	ssyncset.done $0x0  }
0xb3: {  	[sflag:s23] =	ssyncadd.s32 $0xFFFFC000  }
0xb4: {  	[spmem:s3] =	stream.indirect.scatter.add.f32 [tilespmem:s18], [sflag:$0x3], $0x80, s20, s21, $0xb8;
	[tilespmem:$0x1E800] =	vst v63  }
0xb5: {  	_ =	swait.ge [sflag:s19], $0x4000  }
0xb6: {  	[sflag:s19] =	ssyncset.done $0x0  }
0xb7: {  	[sflag:s19] =	ssyncadd.s32 $0xFFFFC000  }
0xb8: {  	[tilespmem:s18], [sflag:$0x1] =	stream.indirect.gather [hbm4b:s2+s21], $0x80, s24, s21, $0xb8;
	[tilespmem:$0x1E800] =	vst v63  }
0xb9: {  	_ =	swait.ge [sflag:s25], $0x4000  }
0xba: {  	[sflag:s25] =	ssyncset.done $0x0  }
0xbb: {  	[sflag:s25] =	ssyncadd.s32 $0xFFFFC000  }
0xbc: {  	[spmem:s3] =	stream.indirect.scatter.add.f32 [tilespmem:s22], [sflag:$0x3], $0x80, s26, s21, $0xb8;
	[tilespmem:$0x1E800] =	vst v63  }
0xbd: {  	_ =	swait.ge [sflag:s19], $0x4000  }
0xbe: {  	[sflag:s19] =	ssyncset.done $0x0  }
0xbf: {  	s8 =	simm.s32 $0x180;
	[sflag:s19] =	ssyncadd.s32 $0xFFFFC000  }
0xc0: {  	[tilespmem:s22], [sflag:$0x2] =	stream.indirect.gather [hbm4b:s2+s21], $0x80, s8, s21, $0xb8;
	[tilespmem:$0x1E800] =	vst v63  }
0xc1: {  	_ =	swait.ge [sflag:s23], $0x4000  }
0xc2: {  	[sflag:s23] =	ssyncset.done $0x0  }
0xc3: {  	s9 =	simm.s32 $0x1500;
	[sflag:s23] =	ssyncadd.s32 $0xFFFFC000  }
0xc4: {  	[spmem:s3] =	stream.indirect.scatter.add.f32 [tilespmem:s18], [sflag:$0x3], $0x80, s9, s21, $0xb8;
	[tilespmem:$0x1E800] =	vst v63  }
0xc5: {  	_ =	swait.ge [sflag:s19], $0x4000  }
0xc6: {  	[sflag:s19] =	ssyncset.done $0x0  }
0xc7: {  	s11 =	simm.s32 $0x200;
	[sflag:s19] =	ssyncadd.s32 $0xFFFFC000  }
0xc8: {  	[tilespmem:s18], [sflag:$0x1] =	stream.indirect.gather [hbm4b:s2+s21], $0x80, s11, s21, $0xb8;
	[tilespmem:$0x1E800] =	vst v63  }
0xc9: {  	_ =	swait.ge [sflag:s25], $0x4000  }
0xca: {  	[sflag:s25] =	ssyncset.done $0x0  }
0xcb: {  	s12 =	simm.s32 $0x1580;
	[sflag:s25] =	ssyncadd.s32 $0xFFFFC000  }
0xcc: {  	[spmem:s3] =	stream.indirect.scatter.add.f32 [tilespmem:s22], [sflag:$0x3], $0x80, s12, s21, $0xb8;
	[tilespmem:$0x1E800] =	vst v63  }
0xcd: {  	_ =	swait.ge [sflag:s19], $0x4000  }
0xce: {  	s8 =	simm.s32 $0xFFFFEF00;
	s9 =	simm.s32 $0xFFFFC000;
	[sflag:s19] =	ssyncset.done $0x0  }
.LBB2_9:
0xcf: {  	s4 =	sadd.s32 $0x1380, s8  }
0xd0: {  	[sflag:s19] =	ssyncadd.s32 $0xFFFFC000;
	s11 =	smov.u32 s9;
	s12 =	sadd.s32 $0x400, s9  }
0xd1: {  	[tilespmem:s22], [sflag:$0x2] =	stream.indirect.gather [hbm4b:s2+s21], $0x80, s4, s21, $0xb8;
	[tilespmem:$0x1E800] =	vst v63  }
0xd2: {  	p1 =	sne.s32 s9, $0xFFFFFC00;
	_ =	swait.ge [sflag:s23], $0x4000  }
0xd3: {  	[sflag:s23] =	ssyncset.done $0x0  }
0xd4: {  	s4 =	sadd.s32 $0x2700, s8;
	[sflag:s23] =	ssyncadd.s32 $0xFFFFC000  }
0xd5: {  	[spmem:s3] =	stream.indirect.scatter.add.f32 [tilespmem:s18], [sflag:$0x3], $0x80, s4, s21, $0xb8;
	[tilespmem:$0x1E800] =	vst v63  }
0xd6: {  	_ =	swait.ge [sflag:s19], $0x4000  }
0xd7: {  	[sflag:s19] =	ssyncset.done $0x0  }
0xd8: {  	s4 =	sadd.s32 $0x1400, s8;
	[sflag:s19] =	ssyncadd.s32 $0xFFFFC000  }
0xd9: {  	[tilespmem:s18], [sflag:$0x1] =	stream.indirect.gather [hbm4b:s2+s21], $0x80, s4, s21, $0xb8;
	[tilespmem:$0x1E800] =	vst v63  }
0xda: {  	_ =	swait.ge [sflag:s25], $0x4000  }
.Ltmp7:
0xdb: {  	[sflag:s25] =	ssyncset.done $0x0;
	(pc) =	sbr.rel @p1 .LBB2_9-.Ltmp7, $4  }
0xdc: {  	s4 =	sadd.s32 $0x2780, s8;
	[sflag:s25] =	ssyncadd.s32 $0xFFFFC000  }
0xdd: {  	[spmem:s3] =	stream.indirect.scatter.add.f32 [tilespmem:s22], [sflag:$0x3], $0x80, s4, s21, $0xb8;
	[tilespmem:$0x1E800] =	vst v63  }
0xde: {  	_ =	swait.ge [sflag:s19], $0x4000  }
0xdf: {  	s9 =	smov.u32 s12;
	s8 =	sshra.s32 s11, $0x2;
	[sflag:s19] =	ssyncset.done $0x0  }
0xe0: {  	s4 =	sadd.s32 $0x1380, s8;
	[sflag:s19] =	ssyncadd.s32 $0xFFFFC000  }
0xe1: {  	[tilespmem:s22], [sflag:$0x2] =	stream.indirect.gather [hbm4b:s2+s21], $0x80, s4, s21, $0xb8;
	[tilespmem:$0x1E800] =	vst v63  }
0xe2: {  	_ =	swait.ge [sflag:s23], $0x4000  }
0xe3: {  	[sflag:s23] =	ssyncset.done $0x0  }
0xe4: {  	s9 =	sadd.s32 $0x2700, s8;
	[sflag:s23] =	ssyncadd.s32 $0xFFFFC000  }
0xe5: {  	[spmem:s3] =	stream.indirect.scatter.add.f32 [tilespmem:s18], [sflag:$0x3], $0x80, s9, s21, $0xb8;
	[tilespmem:$0x1E800] =	vst v63  }
0xe6: {  	_ =	swait.ge [sflag:s19], $0x4000  }
0xe7: {  	[sflag:s19] =	ssyncset.done $0x0  }
0xe8: {  	s11 =	sadd.s32 $0x1400, s8;
	[sflag:s19] =	ssyncadd.s32 $0xFFFFC000  }
0xe9: {  	[tilespmem:s18], [sflag:$0x1] =	stream.indirect.gather [hbm4b:s2+s21], $0x80, s11, s21, $0xb8;
	[tilespmem:$0x1E800] =	vst v63  }
0xea: {  	_ =	swait.ge [sflag:s25], $0x4000  }
0xeb: {  	[sflag:s25] =	ssyncset.done $0x0  }
0xec: {  	s12 =	sadd.s32 $0x2780, s8;
	[sflag:s25] =	ssyncadd.s32 $0xFFFFC000  }
0xed: {  	[spmem:s3] =	stream.indirect.scatter.add.f32 [tilespmem:s22], [sflag:$0x3], $0x80, s12, s21, $0xb8;
	[tilespmem:$0x1E800] =	vst v63  }
0xee: {  	_ =	swait.ge [sflag:s19], $0x4000  }
0xef: {  	[sflag:s19] =	ssyncset.done $0x0  }
0xf0: {  	[sflag:s19] =	ssyncadd.s32 $0xFFFFC000  }
0xf1: {  	[tilespmem:s22], [sflag:$0x2] =	stream.indirect.gather [hbm4b:s2+s21], $0x80, s28, s21, $0xb8;
	[tilespmem:$0x1E800] =	vst v63  }
0xf2: {  	_ =	swait.ge [sflag:s23], $0x4000  }
0xf3: {  	[sflag:s23] =	ssyncset.done $0x0  }
0xf4: {  	[sflag:s23] =	ssyncadd.s32 $0xFFFFC000  }
0xf5: {  	[spmem:s3] =	stream.indirect.scatter.add.f32 [tilespmem:s18], [sflag:$0x3], $0x80, s29, s21, $0xb8;
	[tilespmem:$0x1E800] =	vst v63  }
0xf6: {  	_ =	swait.ge [sflag:s19], $0x4000  }
0xf7: {  	[sflag:s19] =	ssyncset.done $0x0  }
0xf8: {  	[sflag:s19] =	ssyncadd.s32 $0xFFFFC000  }
0xf9: {  	s0 =	sadd.s32 $0x1, s0;
	_ =	swait.ge [sflag:s25], $0x4000  }
0xfa: {  	p1 =	sne.s32 s0, $0x4;
	[sflag:s25] =	ssyncset.done $0x0  }
.Ltmp8:
0xfb: {  	[sflag:s25] =	ssyncadd.s32 $0xFFFFC000;
	(pc) =	sbr.rel @p1 .LBB2_8-.Ltmp8, $4  }
0xfc: {  	[spmem:s3] =	stream.indirect.scatter.add.f32 [tilespmem:s22], [sflag:$0x3], $0x80, s30, s21, $0xb8;
	[tilespmem:$0x1E800] =	vst v63  }
0xfd: {  	_ =	swait.ge [sflag:s19], $0x4000  }
0xfe: {  	[sflag:s19] =	ssyncset.done $0x0  }
0xff: {  	[sflag:s19] =	ssyncadd.s32 $0xFFFFC000  }
.Ltmp9:
0x100: {  	(pc) =	sbr.rel .LBB2_12-.Ltmp9, $2  }
0x101: {  	_ =	sdelay $0x2  }
0x102: {  	s0 =	rddreg [dreg:$0x6]  }
.LBB2_13:
0x103: {  	_ =	sfence.sel $0x180000  }
0x104: {  	[bflag:$0x0] =	sbarrier.arrive $0xFFFF  }
0x105: {  	_ =	strace $0x9000004D  }
0x106: {  	s0 =	stileid.u32;
	[bflag:$0x2] =	sbarrier.arrive $0xFFFF  }
0x107: {  	p0 =	sne.s32 s0, $0x0;
	s0 =	rddreg [dreg:$0x4]  }
0x108: {  	s0 =	sadd.s32 @!p0 $0x100000, s0  }
0x109: {  	[sflag:s0] =	ssyncadd.tile.s32 @!p0 $0x1;
	_ =	shalt  }
.Lfunc_end2:
_tile_overlayer_lowered:
.L_overlay_start_2:
0x10a: {  	(tag) =	ssettag $0x2  }
0x10b: {  	s0 =	rddreg [dreg:$0x0];
	s2 =	stileid.u32  }
0x10c: {  	s1 =	rddreg [dreg:$0x1];
	p0 =	sne.s32 s2, $0x0  }
0x10d: {  	s3 =	rddreg [dreg:$0x2];
	[bflag:$0x3] =	sbarrier.arrive $0xFFFF;
	s2 =	simm.s32 @!p0 $0x1C03  }
0x10e: {  	[timem:s3], [sflag:s2] =	dma.local @!p0 [hbm:s0], s1  }
0x10f: {  	s0 =	simm.s32 @!p0 $0x3  }
0x110: {  	_ =	swait.ge @!p0 [sflag:s0], s1  }
0x111: {  	s1 =	ssub.s32 @!p0 $0x0, s1;
	[sflag:s0] =	ssyncset.done @!p0 $0x0  }
0x112: {  	[sflag:s0] =	ssyncadd.s32 @!p0 s1  }
0x113: {  	[bflag:$0x3] =	sbarrier.arrive $0xFFFF  }
0x114: {  	_ =	shalt  }

// kernel: kernel.20.cloned.1.call-start
scs
__scs_entry_jumppad:
0x0: {  	(pc) =	sbr.rel $0x88, $3  }
0x1: {  	(tag) =	ssettag $0x0;
	lr =	simm.s32 $0x1  }
0x2: {  	[smem:$0x3F8D] =	sst lr;
	_ =	strace $0xD0000000  }
0x3: {  	_ = 	snop  }
0x4: {  	_ = 	snop  }
0x5: {  	_ = 	snop  }
0x6: {  	_ = 	snop  }
0x7: {  	_ = 	snop  }
__scs_overlays_trampoline_lowered:
0x8: {  	[smem:$0x3F9C] =	sst s0  }
0x9: {  	[smem:$0x3F9D] =	sst s1  }
0xa: {  	[smem:$0x3F9E] =	sst s2  }
0xb: {  	[smem:$0x3F9F] =	sst s3  }
0xc: {  	[smem:$0x3FA0] =	sst s4  }
0xd: {  	[smem:$0x3FA1] =	sst s5  }
0xe: {  	[smem:$0x3FA2] =	sst s6  }
0xf: {  	[smem:$0x3FA3] =	sst s7  }
0x10: {  	[smem:$0x3FA4] =	sst s8  }
0x11: {  	[smem:$0x3FA5] =	sst s9;
	s0 =	simm.s32 @!p0 $0x0  }
0x12: {  	s1 =	sld [smem:$0x3F8B];
	s0 =	simm.s32 @p0 $0x1  }
0x13: {  	[smem:$0x3FA6] =	sst s0;
	s0 =	simm.s32 @!p1 $0x0  }
0x14: {  	s2 =	sld [smem:$0x3F8A];
	s0 =	simm.s32 @p1 $0x1  }
0x15: {  	[smem:$0x3FA7] =	sst s0;
	s0 =	simm.s32 @!p2 $0x0  }
0x16: {  	s3 =	sld [smem:$0x3FDB];
	s0 =	simm.s32 @p2 $0x1  }
0x17: {  	s4 =	simm.s32 $0x1BF5;
	[smem:$0x3FA9] =	sst s0  }
0x18: {  	s0 =	sld [smem:$0x3F8C];
	_ =	swait.ge [sflag:s4], $0x0  }
0x19: {  	s7 =	sld [smem:$0x3F8D]  }
0x1a: {  	s8 =	sadd.s32 $0xFFFFE003, lr  }
0x1b: {  	s9 =	sadd.s32 $0xFFFFFEF7, lr;
	s5 =	simm.s32 $0xFFFFFFFF;
	p2 =	slt.u32 s8, $0xFFFFF086  }
0x1c: {  	p1 =	slt.u32 s9, $0xF7A;
	s5 =	simm.s32 @!p2 $0x0  }
0x1d: {  	s5 =	simm.s32 @p1 $0x1;
	p0 =	seq.s32 s7, s2  }
0x1e: {  	s7 =	smul.u32 @!p0 $0xF7A, s2;
	p2 =	seq.s32 @!p0 s5, $0x0  }
0x1f: {  	s9 =	smul.u32 $0xF7A, s1;
	s8 =	simm.s32 @!p0 $0x1BF5;
	p2 =	por !p2, p0  }
0x20: {  	[sflag:s8] =	ssyncset.s32 @!p0 $0xFFFFF086;
	s6 =	sadd.s32 @!p0 s3, s7;
	s7 =	simm.s32 @!p0 $0x108  }
0x21: {  	s3 =	sadd.s32 s3, s9;
	s6 =	sadd.s32 @!p0 $0x88, s6;
	s7 =	simm.s32 @p2 $0x1082  }
0x22: {  	[simem:s7], [sflag:s8] =	dma.local @!p0 [hbm:s6], $0xF7A  }
0x23: {  	s9 =	sor.u32 $0xD0000000, s2;
	s6 =	simm.s32 $0x108;
	_ =	swait.ge @!p0 [sflag:s8], $0x0  }
0x24: {  	s3 =	sadd.s32 $0x88, s3;
	s6 =	simm.s32 @!p1 $0x1082;
	[sflag:s4] =	ssyncset.s32 $0xFFFFF086  }
0x25: {  	[simem:s6], [sflag:s4] =	dma.local [hbm:s3], $0xF7A  }
0x26: {  	[smem:$0x3F8D] =	sst s1;
	(tag) =	ssettag s2;
	_ =	strace s9  }
0x27: {  	s1 =	sld [smem:$0x3F9D]  }
0x28: {  	s2 =	sld [smem:$0x3F9E]  }
0x29: {  	s4 =	sld [smem:$0x3FA0]  }
0x2a: {  	p0 =	seq.s32 s5, $0x0;
	s5 =	sld [smem:$0x3FA1]  }
0x2b: {  	s6 =	sld [smem:$0x3FA2]  }
0x2c: {  	s7 =	sld [smem:$0x3FA3]  }
0x2d: {  	s3 =	simm.s32 $0x108;
	s8 =	sld [smem:$0x3FA4]  }
0x2e: {  	s3 =	simm.s32 @!p0 $0x1082;
	s9 =	sld [smem:$0x3FA5]  }
0x2f: {  	lr =	sadd.s32 s0, s3;
	s0 =	sld [smem:$0x3F9C]  }
0x30: {  	s3 =	sld [smem:$0x3F9F]  }
0x31: {  	[smem:$0x3FA8] =	sst s10  }
0x32: {  	s10 =	sld [smem:$0x3FA6];
	_ =	sdelay $0x3  }
0x33: {  	p0 =	seq.s32 s10, $0x1;
	s10 =	sld [smem:$0x3FA8];
	_ =	sdelay $0x3  }
0x34: {  	[smem:$0x3FA8] =	sst s10  }
0x35: {  	s10 =	sld [smem:$0x3FA7];
	_ =	sdelay $0x3  }
0x36: {  	p1 =	seq.s32 s10, $0x1;
	s10 =	sld [smem:$0x3FA8];
	_ =	sdelay $0x3  }
0x37: {  	[smem:$0x3FA8] =	sst s10  }
0x38: {  	s10 =	sld [smem:$0x3FA9]  }
0x39: {  	_ = 	snop;
	(pc) =	sbr.ind lr, $3  }
0x3a: {  	_ = 	snop  }
0x3b: {  	_ = 	snop  }
0x3c: {  	p2 =	seq.s32 s10, $0x1;
	s10 =	sld [smem:$0x3FA8]  }
0x3d: {  	_ =	shalt  }
0x3e: {  	_ =	shalt  }
0x3f: {  	_ =	shalt  }
0x40: {  	_ =	shalt  }
0x41: {  	_ =	shalt  }
0x42: {  	_ =	shalt  }
0x43: {  	_ =	shalt  }
0x44: {  	_ =	shalt  }
0x45: {  	_ =	shalt  }
0x46: {  	_ =	shalt  }
0x47: {  	_ =	shalt  }
0x48: {  	_ =	shalt  }
0x49: {  	_ =	shalt  }
0x4a: {  	_ =	shalt  }
0x4b: {  	_ =	shalt  }
0x4c: {  	_ =	shalt  }
0x4d: {  	_ =	shalt  }
0x4e: {  	_ =	shalt  }
0x4f: {  	_ =	shalt  }
0x50: {  	_ =	shalt  }
0x51: {  	_ =	shalt  }
0x52: {  	_ =	shalt  }
0x53: {  	_ =	shalt  }
0x54: {  	_ =	shalt  }
0x55: {  	_ =	shalt  }
0x56: {  	_ =	shalt  }
0x57: {  	_ =	shalt  }
0x58: {  	_ =	shalt  }
0x59: {  	_ =	shalt  }
0x5a: {  	_ =	shalt  }
0x5b: {  	_ =	shalt  }
0x5c: {  	_ =	shalt  }
0x5d: {  	_ =	shalt  }
0x5e: {  	_ =	shalt  }
0x5f: {  	_ =	shalt  }
0x60: {  	_ =	shalt  }
0x61: {  	_ =	shalt  }
0x62: {  	_ =	shalt  }
0x63: {  	_ =	shalt  }
0x64: {  	_ =	shalt  }
0x65: {  	_ =	shalt  }
0x66: {  	_ =	shalt  }
0x67: {  	_ =	shalt  }
0x68: {  	_ =	shalt  }
0x69: {  	_ =	shalt  }
0x6a: {  	_ =	shalt  }
0x6b: {  	_ =	shalt  }
0x6c: {  	_ =	shalt  }
0x6d: {  	_ =	shalt  }
0x6e: {  	_ =	shalt  }
0x6f: {  	_ =	shalt  }
0x70: {  	_ =	shalt  }
0x71: {  	_ =	shalt  }
0x72: {  	_ =	shalt  }
0x73: {  	_ =	shalt  }
0x74: {  	_ =	shalt  }
0x75: {  	_ =	shalt  }
0x76: {  	_ =	shalt  }
0x77: {  	_ =	shalt  }
0x78: {  	_ =	shalt  }
0x79: {  	_ =	shalt  }
0x7a: {  	_ =	shalt  }
0x7b: {  	_ =	shalt  }
0x7c: {  	_ =	shalt  }
0x7d: {  	_ =	shalt  }
0x7e: {  	_ =	shalt  }
0x7f: {  	_ =	shalt  }
0x80: {  	_ =	shalt  }
0x81: {  	_ =	shalt  }
0x82: {  	_ =	shalt  }
0x83: {  	_ =	shalt  }
0x84: {  	_ =	shalt  }
0x85: {  	_ =	shalt  }
0x86: {  	_ =	shalt  }
0x87: {  	_ =	shalt  }
.Lfunc_end0:
.L_simem_size_0:
called_computation.3_lowered:
.L_overlay_start_0:
0x88: {  	s2 =	sld [smem:$0x3FD9]  }
0x89: {  	s3 =	sld [smem:$0x3FFE];
	_ =	sdelay $0x1  }
0x8a: {  	s1 =	srdreg.scid  }
0x8b: {  	s0 =	sand.u32 $0x1, s1  }
0x8c: {  	s15 =	sshll.u32 s0, $0xA;
	s2 =	sadd.s32 s3, s2  }
0x8d: {  	s2 =	sadd.s32 s2, s15  }
0x8e: {  	[smem:$0x3FB4] =	sst s2  }
0x8f: {  	_ = 	snop  }
0x90: {  	s2 =	sld [smem:$0x3FD0];
	_ =	sdelay $0x2  }
0x91: {  	s4 =	simm.s32 $0xB;
	s16 =	simm.s32 $0x10  }
0x92: {  	[smem:s16], [sflag:s4] =	dma.local [hbm:s2], $0x1  }
0x93: {  	_ =	swait.eq [sflag:s4], $0x1  }
0x94: {  	[sflag:s4] =	ssyncset.done $0x0  }
0x95: {  	s17 =	sld [smem:$0x12];
	[sflag:s4] =	ssyncadd.s32 $0xFFFFFFFF  }
0x96: {  	s18 =	sld [smem:$0x13];
	(tm) =	ssettm $0x1  }
0x97: {  	s19 =	sld [smem:$0x3FFB];
	_ =	sdelay $0x3  }
0x98: {  	_ =	strace s19  }
0x99: {  	s2 =	sld [smem:$0x3FFC];
	_ =	sdelay $0x3  }
0x9a: {  	_ =	strace s2  }
0x9b: {  	s2 =	sld [smem:$0x3FFD];
	_ =	sdelay $0x3  }
0x9c: {  	_ =	strace s2  }
0x9d: {  	_ =	strace $0x8FFFFFFF  }
0x9e: {  	s20 =	sld [smem:$0x3FDB];
	_ =	sdelay $0x1  }
0x9f: {  	s5 =	simm.s32 $_scs_section_size  }
0xa0: {  	s6 =	simm.s32 $_size__tile_overlayer_lowered;
	s7 =	simm.s32 $_tile_overlayer_lowered  }
0xa1: {  	s8 =	simm.s32 $0x1BFF;
	s21 =	sshll.u32 s7, $0x1;
	s5 =	sadd.s32 s5, s20  }
0xa2: {  	s22 =	simm.s32 $0x0;
	s6 =	sshll.u32 s6, $0x1;
	s7 =	sadd.s32 s21, s5  }
0xa3: {  	[timem:s22], [sflag:s8] =	dma.local [hbm:s7], s6  }
0xa4: {  	_ =	swait.ge [sflag:s8], s6  }
0xa5: {  	s6 =	ssub.s32 $0x0, s6;
	[sflag:s8] =	ssyncset.done $0x0  }
0xa6: {  	[sflag:s8] =	ssyncadd.s32 s6;
	_ =	sdelay $0x1  }
0xa7: {  	s23 =	simm.s32 $0x1B8B  }
0xa8: {  	_ =	swait.ge [sflag:s23], $0x1  }
0xa9: {  	[sflag:s23] =	ssyncset.done $0x0  }
0xaa: {  	[sflag:s23] =	ssyncadd.s32 $0xFFFFFFFF  }
0xab: {  	s6 =	sld [smem:$0x0]  }
0xac: {  	s7 =	sand.u32 $0xFFFFFFFE, s1  }
0xad: {  	p0 =	sne.s32 s1, s7  }
0xae: {  	s7 =	sshll.u32 @p0 s7, $0xE  }
0xaf: {  	s7 =	sadd.s32 @p0 $0x11B8D, s7;
	s8 =	sshll.u32 @p0 s6, $0x11  }
0xb0: {  	s7 =	sor.u32 @p0 s8, s7  }
0xb1: {  	[sflag:s7] =	ssyncadd.remote.s32 @p0 $0x1;
	_ =	sdelay $0x1  }
0xb2: {  	s7 =	simm.s32 @p0 $0x1B8D  }
0xb3: {  	_ =	swait.eq @p0 [sflag:s7], $0x1  }
0xb4: {  	[sflag:s7] =	ssyncadd.s32 @p0 $0xFFFFFFFF  }
0xb5: {  	s8 =	sshll.u32 @!p0 s1, $0xE  }
0xb6: {  	s8 =	sor.u32 @!p0 $0x4000, s8;
	s7 =	simm.s32 @!p0 $0x1B8D  }
0xb7: {  	s6 =	sshll.u32 @!p0 s6, $0x11;
	s8 =	sadd.s32 @!p0 $0x11B8D, s8;
	_ =	swait.eq @!p0 [sflag:s7], $0x1  }
0xb8: {  	s6 =	sor.u32 @!p0 s6, s8;
	[sflag:s7] =	ssyncadd.s32 @!p0 $0xFFFFFFFF  }
0xb9: {  	s25 =	simm.s32 $0x1B8E;
	s24 =	sld [smem:$0x3FFE];
	[sflag:s6] =	ssyncadd.remote.s32 @!p0 $0x1  }
0xba: {  	s26 =	simm.s32 $execute0_lowered;
	[smem:$0x3FD2] =	sst s25  }
0xbb: {  	s7 =	sshll.u32 s26, $0x1;
	_ =	strace $0x8000004F;
	[dreg:$0x1] =	wrdreg $0xFFFFFFFF  }
0xbc: {  	s28 =	simm.s32 $_size_execute0_lowered;
	s5 =	sadd.s32 s5, s7;
	[dreg:$0x0] =	wrdreg $0x0  }
0xbd: {  	s7 =	sshll.u32 s28, $0x1;
	[dreg:$0x2] =	wrdreg s5  }
0xbe: {  	[dreg:$0x3] =	wrdreg s7  }
0xbf: {  	[dreg:$0x4] =	wrdreg $0xC0  }
0xc0: {  	_ =	task [dreg:s22], $0x5FFFF  }
0xc1: {  	[dreg:$0x1] =	wrdreg $0xFFFFFFFF  }
0xc2: {  	[dreg:$0x0] =	wrdreg $0x60  }
0xc3: {  	[dreg:$0x2] =	wrdreg s18  }
0xc4: {  	[dreg:$0x3] =	wrdreg s17  }
0xc5: {  	[dreg:$0x4] =	wrdreg s24  }
0xc6: {  	[dreg:$0x5] =	wrdreg $0xA8000  }
0xc7: {  	[dreg:$0x6] =	wrdreg $0xA  }
0xc8: {  	_ =	task.clear_ibuf [dreg:s22], $0x7FFFF;
	_ =	strace $0x9000004F  }
0xc9: {  	s29 =	simm.s32 $0xA;
	_ =	strace $0x80000051  }
0xca: {  	_ =	swait.ge [sflag:s29], $0x1  }
0xcb: {  	[sflag:s29] =	ssyncadd.s32 $0xFFFFFFFF  }
0xcc: {  	_ =	strace $0x90000051  }
0xcd: {  	_ =	sfence  }
0xce: {  	s30 =	sld [smem:$0x0];
	_ =	sdelay $0x2  }
0xcf: {  	s31 =	sshll.u32 s1, $0xD;
	s1 =	sshrl.u32 s1, $0x2  }
0xd0: {  	s4 =	sand.u32 $0x4000, s31;
	s1 =	sadd.s32 s1, s30  }
0xd1: {  	s0 =	sor.u32 s4, s0;
	s1 =	sshll.u32 s1, $0x11  }
0xd2: {  	s0 =	sor.u32 s1, s0  }
0xd3: {  	s0 =	sadd.s32 $0x8F2B, s0  }
0xd4: {  	[sflag:s0] =	ssyncadd.remote.s32 $0x1  }
0xd5: {  	_ =	sfence.sel $0xFFFF  }
0xd6: {  	[dreg:$0x0] =	wrdreg $0xFFFFFFFF;
	(pc) =	sbr.abs _section_cstart, $3  }
0xd7: {  	[dreg:$0x1] =	wrdreg $0xFFFFFFFF  }
0xd8: {  	_ =	task.clear_ibuf [dreg:s22], $0x2FFFF;
	_ =	strace $0x9FFFFFFF  }
0xd9: {  	(tm) =	ssettm $0x7FFFFFFF  }
tec
execute0_lowered:
.L_overlay_start_1:
0x0: {  	(tag) =	ssettag $0x1  }
0x1: {  	s1 =	rddreg [dreg:$0x0]  }
0x2: {  	s2 =	rddreg [dreg:$0x1]  }
0x3: {  	s0 =	rddreg [dreg:$0x2]  }
0x4: {  	s3 =	rddreg [dreg:$0x3]  }
0x5: {  	s5 =	simm.s32 $0x0;
	s6 =	srdreg.scid;
	s4 =	stileid.u32  }
0x6: {  	s18 =	simm.s32 $0x2800;
	s19 =	simm.s32 $0x3;
	s20 =	simm.s32 $0x1400  }
0x7: {  	s21 =	simm.s32 $0x80;
	s22 =	simm.s32 $0x6800;
	s23 =	simm.s32 $0x1  }
0x8: {  	s28 =	simm.s32 $0x1380;
	s29 =	simm.s32 $0x2700;
	s30 =	simm.s32 $0x2780  }
0x9: {  	s31 =	simm.s32 $0x0;
	[smem:$0x7FF] =	sst s5;
	s8 =	sand.u32 $0x1, s6  }
0xa: {  	s9 =	smul.u32 $0x50000, s4;
	s6 =	sadd.s32 $0x11200, s0;
	s7 =	sadd.s32 $0x7200, s0  }
0xb: {  	s11 =	sadd.s32 $0x93200, s0;
	s0 =	sadd.s32 $0xBB200, s0;
	s13 =	smul.u32 $0xA0, s4  }
0xc: {  	s16 =	smul.u32 $0x2800, s4;
	_ =	strace $0x80000050;
	[dreg:$0x5] =	wrdreg s11  }
0xd: {  	s10 =	ssub.s32 $0x2, s8;
	[dreg:$0x6] =	wrdreg s0;
	p0 =	sne.s32 s8, $0x0  }
.Ltmp0:
0xe: {  	s24 =	sshrl.u32 s10, $0x1;
	s9 =	sshrl.u32 s9, $0x2;
	(pc) =	sbr.rel .LBB2_1-.Ltmp0, $4  }
0xf: {  	s25 =	ssub.s32 s10, s24;
	s10 =	sadd.s32 s9, s3;
	s24 =	simm.s32 $0x100  }
0x10: {  	s9 =	sadd.s32 $0x4000, s10;
	s26 =	sadd.s32 $0x8000, s10;
	s14 =	sadd.s32 $0xC000, s10  }
0x11: {  	s15 =	sadd.s32 $0x10000, s10;
	s17 =	smax.u32 s25, $0x1;
	[dreg:$0x7] =	wrdreg s9  }
0x12: {  	v0 =	vimm.f32 $0.0e+00;
	s25 =	simm.s32 $0x2;
	[dreg:$0x8] =	wrdreg s26;
	s26 =	simm.s32 $0x1480  }
.LBB2_12:
0x13: {  	s0 =	sadd.s32 s0, s16;
	s4 =	stileid.u32;
	s31 =	sadd.s32 $0x1, s31  }
0x14: {  	[bflag:$0x0] =	sbarrier.arrive $0xFFFF;
	s4 =	sshll.u32 s4, $0x6;
	p1 =	sne.s32 s31, s17  }
.Ltmp1:
0x15: {  	s8 =	sshrl.u32 s10, $0x3;
	s4 =	sor.u32 $0x1C03, s4;
	(pc) =	sbr.rel @!p1 .LBB2_13-.Ltmp1, $4  }
0x16: {  	[hbm:s0], [sflag:s4] =	dma.local [spmem:s8], $0x2800  }
0x17: {  	_ =	swait.ge [sflag:s19], $0x2800  }
0x18: {  	[sflag:s19] =	ssyncset.done $0x0  }
0x19: {  	[sflag:s19] =	ssyncadd.s32 $0xFFFFD800  }
.LBB2_1:
0x1a: {  	s0 =	simm.s32 $0x0;
	s8 =	simm.s32 $0x200  }
.LBB2_2:
0x1b: {  	p1 =	sne.s32 s8, $0xFE00;
	[tilespmem:s0+$0x2870] =	vst v0  }
0x1c: {  	[tilespmem:s0+$0x2800] =	vst v0  }
0x1d: {  	[tilespmem:s0+$0x2810] =	vst v0  }
.Ltmp2:
0x1e: {  	[tilespmem:s0+$0x2820] =	vst v0;
	(pc) =	sbr.rel @p1 .LBB2_2-.Ltmp2, $4  }
0x1f: {  	[tilespmem:s0+$0x2830] =	vst v0  }
0x20: {  	[tilespmem:s0+$0x2840] =	vst v0  }
0x21: {  	[tilespmem:s0+$0x2850] =	vst v0  }
0x22: {  	[tilespmem:s0+$0x2860] =	vst v0;
	s0 =	sshra.s32 s8, $0x2;
	s8 =	sadd.s32 $0x200, s8  }
0x23: {  	[tilespmem:s0+$0x2870] =	vst v0  }
0x24: {  	[tilespmem:s0+$0x2800] =	vst v0  }
0x25: {  	[tilespmem:s0+$0x2810] =	vst v0  }
0x26: {  	[tilespmem:s0+$0x2820] =	vst v0  }
0x27: {  	[tilespmem:s0+$0x2830] =	vst v0  }
0x28: {  	[tilespmem:s0+$0x2840] =	vst v0  }
0x29: {  	[tilespmem:s0+$0x2850] =	vst v0  }
0x2a: {  	[tilespmem:s0+$0x2860] =	vst v0  }
0x2b: {  	[spmem:s10] =	stream.linear.scatter [tilespmem:s18], [sflag:$0x3], $0x4000, $0x38;
	[tilespmem:$0x1E800] =	vst v63  }
0x2c: {  	_ =	swait.ge [sflag:s19], $0x4000  }
0x2d: {  	[sflag:s19] =	ssyncset.done $0x0  }
0x2e: {  	s11 =	rddreg [dreg:$0x7];
	[sflag:s19] =	ssyncadd.s32 $0xFFFFC000  }
0x2f: {  	[spmem:s11] =	stream.linear.scatter [tilespmem:s18], [sflag:$0x3], $0x4000, $0x38;
	[tilespmem:$0x1E800] =	vst v63  }
0x30: {  	_ =	swait.ge [sflag:s19], $0x4000  }
0x31: {  	[sflag:s19] =	ssyncset.done $0x0  }
0x32: {  	s12 =	rddreg [dreg:$0x8];
	[sflag:s19] =	ssyncadd.s32 $0xFFFFC000  }
0x33: {  	[spmem:s12] =	stream.linear.scatter [tilespmem:s18], [sflag:$0x3], $0x4000, $0x38;
	[tilespmem:$0x1E800] =	vst v63  }
0x34: {  	_ =	swait.ge [sflag:s19], $0x4000  }
0x35: {  	[sflag:s19] =	ssyncset.done $0x0  }
0x36: {  	[sflag:s19] =	ssyncadd.s32 $0xFFFFC000  }
0x37: {  	[spmem:s14] =	stream.linear.scatter [tilespmem:s18], [sflag:$0x3], $0x4000, $0x38;
	[tilespmem:$0x1E800] =	vst v63  }
0x38: {  	_ =	swait.ge [sflag:s19], $0x4000  }
0x39: {  	[sflag:s19] =	ssyncset.done $0x0  }
0x3a: {  	[sflag:s19] =	ssyncadd.s32 $0xFFFFC000  }
0x3b: {  	[spmem:s15] =	stream.linear.scatter [tilespmem:s18], [sflag:$0x3], $0x4000, $0x38;
	[tilespmem:$0x1E800] =	vst v63  }
.Ltmp3:
0x3c: {  	_ =	swait.ge [sflag:s19], $0x4000;
	(pc) =	sbr.rel @p0 .LBB2_8-.Ltmp3, $4  }
0x3d: {  	[sflag:s19] =	ssyncset.done $0x0  }
0x3e: {  	[sflag:s19] =	ssyncadd.s32 $0xFFFFC000  }
0x3f: {  	[bflag:$0x0] =	sbarrier.arrive $0xFFFF  }
0x40: {  	s0 =	simm.s32 $0x0  }
.LBB2_4:
0x41: {  	s8 =	smul.u32 $0x28, s0;
	_ =	sdelay $0x1  }
0x42: {  	s8 =	sadd.s32 s13, s8  }
0x43: {  	s8 =	sshll.u32 s8, $0x4  }
0x44: {  	s9 =	sadd.s32 s6, s8  }
0x45: {  	[tilespmem:s5], [sflag:$0x3] =	stream.linear.gather [hbm4b:s9+s5], $0x1400, $0x38;
	[tilespmem:$0x1E800] =	vst v63  }
0x46: {  	_ =	swait.ge [sflag:s19], $0x1400  }
0x47: {  	[sflag:s19] =	ssyncset.done $0x0  }
0x48: {  	s8 =	sadd.s32 s7, s8;
	[sflag:s19] =	ssyncadd.s32 $0xFFFFEC00  }
0x49: {  	[tilespmem:s20], [sflag:$0x3] =	stream.linear.gather [hbm4b:s8+s5], $0x1400, $0x38;
	[tilespmem:$0x1E800] =	vst v63  }
0x4a: {  	_ =	swait.ge [sflag:s19], $0x1400  }
0x4b: {  	[sflag:s19] =	ssyncset.done $0x0  }
0x4c: {  	[sflag:s19] =	ssyncadd.s32 $0xFFFFEC00  }
0x4d: {  	[tilespmem:s18], [sflag:$0x1] =	stream.indirect.gather [hbm4b:s1+s21], $0x80, s5, s21, $0xb8;
	[tilespmem:$0x1E800] =	vst v63  }
0x4e: {  	_ = 	snop  }
0x4f: {  	[tilespmem:s22], [sflag:$0x2] =	stream.indirect.gather [hbm4b:s1+s21], $0x80, s21, s21, $0xb8;
	[tilespmem:$0x1E800] =	vst v63  }
0x50: {  	_ =	swait.ge [sflag:s23], $0x4000  }
0x51: {  	[sflag:s23] =	ssyncset.done $0x0  }
0x52: {  	[sflag:s23] =	ssyncadd.s32 $0xFFFFC000  }
0x53: {  	[spmem:s3] =	stream.indirect.scatter.add.f32 [tilespmem:s18], [sflag:$0x3], $0x80, s20, s21, $0xb8;
	[tilespmem:$0x1E800] =	vst v63  }
0x54: {  	_ =	swait.ge [sflag:s19], $0x4000  }
0x55: {  	[sflag:s19] =	ssyncset.done $0x0  }
0x56: {  	[sflag:s19] =	ssyncadd.s32 $0xFFFFC000  }
0x57: {  	[tilespmem:s18], [sflag:$0x1] =	stream.indirect.gather [hbm4b:s1+s21], $0x80, s24, s21, $0xb8;
	[tilespmem:$0x1E800] =	vst v63  }
0x58: {  	_ =	swait.ge [sflag:s25], $0x4000  }
0x59: {  	[sflag:s25] =	ssyncset.done $0x0  }
0x5a: {  	[sflag:s25] =	ssyncadd.s32 $0xFFFFC000  }
0x5b: {  	[spmem:s3] =	stream.indirect.scatter.add.f32 [tilespmem:s22], [sflag:$0x3], $0x80, s26, s21, $0xb8;
	[tilespmem:$0x1E800] =	vst v63  }
0x5c: {  	_ =	swait.ge [sflag:s19], $0x4000  }
0x5d: {  	[sflag:s19] =	ssyncset.done $0x0  }
0x5e: {  	s4 =	simm.s32 $0x180;
	[sflag:s19] =	ssyncadd.s32 $0xFFFFC000  }
0x5f: {  	[tilespmem:s22], [sflag:$0x2] =	stream.indirect.gather [hbm4b:s1+s21], $0x80, s4, s21, $0xb8;
	[tilespmem:$0x1E800] =	vst v63  }
0x60: {  	_ =	swait.ge [sflag:s23], $0x4000  }
0x61: {  	[sflag:s23] =	ssyncset.done $0x0  }
0x62: {  	s9 =	simm.s32 $0x1500;
	[sflag:s23] =	ssyncadd.s32 $0xFFFFC000  }
0x63: {  	[spmem:s3] =	stream.indirect.scatter.add.f32 [tilespmem:s18], [sflag:$0x3], $0x80, s9, s21, $0xb8;
	[tilespmem:$0x1E800] =	vst v63  }
0x64: {  	_ =	swait.ge [sflag:s19], $0x4000  }
0x65: {  	[sflag:s19] =	ssyncset.done $0x0  }
0x66: {  	s11 =	simm.s32 $0x200;
	[sflag:s19] =	ssyncadd.s32 $0xFFFFC000  }
0x67: {  	[tilespmem:s18], [sflag:$0x1] =	stream.indirect.gather [hbm4b:s1+s21], $0x80, s11, s21, $0xb8;
	[tilespmem:$0x1E800] =	vst v63  }
0x68: {  	_ =	swait.ge [sflag:s25], $0x4000  }
0x69: {  	[sflag:s25] =	ssyncset.done $0x0  }
0x6a: {  	s12 =	simm.s32 $0x1580;
	[sflag:s25] =	ssyncadd.s32 $0xFFFFC000  }
0x6b: {  	[spmem:s3] =	stream.indirect.scatter.add.f32 [tilespmem:s22], [sflag:$0x3], $0x80, s12, s21, $0xb8;
	[tilespmem:$0x1E800] =	vst v63  }
0x6c: {  	_ =	swait.ge [sflag:s19], $0x4000  }
0x6d: {  	s8 =	simm.s32 $0xFFFFEF00;
	s9 =	simm.s32 $0xFFFFC000;
	[sflag:s19] =	ssyncset.done $0x0  }
.LBB2_5:
0x6e: {  	s4 =	sadd.s32 $0x1380, s8  }
0x6f: {  	[sflag:s19] =	ssyncadd.s32 $0xFFFFC000;
	s11 =	smov.u32 s9;
	s12 =	sadd.s32 $0x400, s9  }
0x70: {  	[tilespmem:s22], [sflag:$0x2] =	stream.indirect.gather [hbm4b:s1+s21], $0x80, s4, s21, $0xb8;
	[tilespmem:$0x1E800] =	vst v63  }
0x71: {  	p1 =	sne.s32 s9, $0xFFFFFC00;
	_ =	swait.ge [sflag:s23], $0x4000  }
0x72: {  	[sflag:s23] =	ssyncset.done $0x0  }
0x73: {  	s4 =	sadd.s32 $0x2700, s8;
	[sflag:s23] =	ssyncadd.s32 $0xFFFFC000  }
0x74: {  	[spmem:s3] =	stream.indirect.scatter.add.f32 [tilespmem:s18], [sflag:$0x3], $0x80, s4, s21, $0xb8;
	[tilespmem:$0x1E800] =	vst v63  }
0x75: {  	_ =	swait.ge [sflag:s19], $0x4000  }
0x76: {  	[sflag:s19] =	ssyncset.done $0x0  }
0x77: {  	s4 =	sadd.s32 $0x1400, s8;
	[sflag:s19] =	ssyncadd.s32 $0xFFFFC000  }
0x78: {  	[tilespmem:s18], [sflag:$0x1] =	stream.indirect.gather [hbm4b:s1+s21], $0x80, s4, s21, $0xb8;
	[tilespmem:$0x1E800] =	vst v63  }
0x79: {  	_ =	swait.ge [sflag:s25], $0x4000  }
.Ltmp4:
0x7a: {  	[sflag:s25] =	ssyncset.done $0x0;
	(pc) =	sbr.rel @p1 .LBB2_5-.Ltmp4, $4  }
0x7b: {  	s4 =	sadd.s32 $0x2780, s8;
	[sflag:s25] =	ssyncadd.s32 $0xFFFFC000  }
0x7c: {  	[spmem:s3] =	stream.indirect.scatter.add.f32 [tilespmem:s22], [sflag:$0x3], $0x80, s4, s21, $0xb8;
	[tilespmem:$0x1E800] =	vst v63  }
0x7d: {  	_ =	swait.ge [sflag:s19], $0x4000  }
0x7e: {  	s9 =	smov.u32 s12;
	s8 =	sshra.s32 s11, $0x2;
	[sflag:s19] =	ssyncset.done $0x0  }
0x7f: {  	s4 =	sadd.s32 $0x1380, s8;
	[sflag:s19] =	ssyncadd.s32 $0xFFFFC000  }
0x80: {  	[tilespmem:s22], [sflag:$0x2] =	stream.indirect.gather [hbm4b:s1+s21], $0x80, s4, s21, $0xb8;
	[tilespmem:$0x1E800] =	vst v63  }
0x81: {  	_ =	swait.ge [sflag:s23], $0x4000  }
0x82: {  	[sflag:s23] =	ssyncset.done $0x0  }
0x83: {  	s9 =	sadd.s32 $0x2700, s8;
	[sflag:s23] =	ssyncadd.s32 $0xFFFFC000  }
0x84: {  	[spmem:s3] =	stream.indirect.scatter.add.f32 [tilespmem:s18], [sflag:$0x3], $0x80, s9, s21, $0xb8;
	[tilespmem:$0x1E800] =	vst v63  }
0x85: {  	_ =	swait.ge [sflag:s19], $0x4000  }
0x86: {  	[sflag:s19] =	ssyncset.done $0x0  }
0x87: {  	s11 =	sadd.s32 $0x1400, s8;
	[sflag:s19] =	ssyncadd.s32 $0xFFFFC000  }
0x88: {  	[tilespmem:s18], [sflag:$0x1] =	stream.indirect.gather [hbm4b:s1+s21], $0x80, s11, s21, $0xb8;
	[tilespmem:$0x1E800] =	vst v63  }
0x89: {  	_ =	swait.ge [sflag:s25], $0x4000  }
0x8a: {  	[sflag:s25] =	ssyncset.done $0x0  }
0x8b: {  	s12 =	sadd.s32 $0x2780, s8;
	[sflag:s25] =	ssyncadd.s32 $0xFFFFC000  }
0x8c: {  	[spmem:s3] =	stream.indirect.scatter.add.f32 [tilespmem:s22], [sflag:$0x3], $0x80, s12, s21, $0xb8;
	[tilespmem:$0x1E800] =	vst v63  }
0x8d: {  	_ =	swait.ge [sflag:s19], $0x4000  }
0x8e: {  	[sflag:s19] =	ssyncset.done $0x0  }
0x8f: {  	[sflag:s19] =	ssyncadd.s32 $0xFFFFC000  }
0x90: {  	[tilespmem:s22], [sflag:$0x2] =	stream.indirect.gather [hbm4b:s1+s21], $0x80, s28, s21, $0xb8;
	[tilespmem:$0x1E800] =	vst v63  }
0x91: {  	_ =	swait.ge [sflag:s23], $0x4000  }
0x92: {  	[sflag:s23] =	ssyncset.done $0x0  }
0x93: {  	[sflag:s23] =	ssyncadd.s32 $0xFFFFC000  }
0x94: {  	[spmem:s3] =	stream.indirect.scatter.add.f32 [tilespmem:s18], [sflag:$0x3], $0x80, s29, s21, $0xb8;
	[tilespmem:$0x1E800] =	vst v63  }
0x95: {  	_ =	swait.ge [sflag:s19], $0x4000  }
0x96: {  	[sflag:s19] =	ssyncset.done $0x0  }
0x97: {  	[sflag:s19] =	ssyncadd.s32 $0xFFFFC000  }
0x98: {  	s0 =	sadd.s32 $0x1, s0;
	_ =	swait.ge [sflag:s25], $0x4000  }
0x99: {  	p1 =	seq.s32 s0, $0x4;
	[sflag:s25] =	ssyncset.done $0x0  }
.Ltmp5:
0x9a: {  	[sflag:s25] =	ssyncadd.s32 $0xFFFFC000;
	(pc) =	sbr.rel @!p1 .LBB2_4-.Ltmp5, $4  }
0x9b: {  	[spmem:s3] =	stream.indirect.scatter.add.f32 [tilespmem:s22], [sflag:$0x3], $0x80, s30, s21, $0xb8;
	[tilespmem:$0x1E800] =	vst v63  }
0x9c: {  	_ =	swait.ge [sflag:s19], $0x4000  }
0x9d: {  	[sflag:s19] =	ssyncset.done $0x0  }
0x9e: {  	[sflag:s19] =	ssyncadd.s32 $0xFFFFC000  }
.Ltmp6:
0x9f: {  	(pc) =	sbr.rel .LBB2_12-.Ltmp6, $2  }
0xa0: {  	_ =	sdelay $0x2  }
0xa1: {  	s0 =	rddreg [dreg:$0x5]  }
.LBB2_8:
0xa2: {  	s4 =	smul.u32 $0x28, s0;
	_ =	sdelay $0x1  }
0xa3: {  	s4 =	sadd.s32 s13, s4  }
0xa4: {  	s4 =	sshll.u32 s4, $0x4  }
0xa5: {  	s8 =	sadd.s32 s6, s4  }
0xa6: {  	[tilespmem:s5], [sflag:$0x3] =	stream.linear.gather [hbm4b:s8+s5], $0x1400, $0x38;
	[tilespmem:$0x1E800] =	vst v63  }
0xa7: {  	_ =	swait.ge [sflag:s19], $0x1400  }
0xa8: {  	[sflag:s19] =	ssyncset.done $0x0  }
0xa9: {  	s4 =	sadd.s32 s7, s4;
	[sflag:s19] =	ssyncadd.s32 $0xFFFFEC00  }
0xaa: {  	[tilespmem:s20], [sflag:$0x3] =	stream.linear.gather [hbm4b:s4+s5], $0x1400, $0x38;
	[tilespmem:$0x1E800] =	vst v63  }
0xab: {  	_ =	swait.ge [sflag:s19], $0x1400  }
0xac: {  	[sflag:s19] =	ssyncset.done $0x0  }
0xad: {  	[sflag:s19] =	ssyncadd.s32 $0xFFFFEC00  }
0xae: {  	[tilespmem:s18], [sflag:$0x1] =	stream.indirect.gather [hbm4b:s2+s21], $0x80, s5, s21, $0xb8;
	[tilespmem:$0x1E800] =	vst v63  }
0xaf: {  	_ = 	snop  }
0xb0: {  	[tilespmem:s22], [sflag:$0x2] =	stream.indirect.gather [hbm4b:s2+s21], $0x80, s21, s21, $0xb8;
	[tilespmem:$0x1E800] =	vst v63  }
0xb1: {  	_ =	swait.ge [sflag:s23], $0x4000  }
0xb2: {  	[sflag:s23] =	ssyncset.done $0x0  }
0xb3: {  	[sflag:s23] =	ssyncadd.s32 $0xFFFFC000  }
0xb4: {  	[spmem:s3] =	stream.indirect.scatter.add.f32 [tilespmem:s18], [sflag:$0x3], $0x80, s20, s21, $0xb8;
	[tilespmem:$0x1E800] =	vst v63  }
0xb5: {  	_ =	swait.ge [sflag:s19], $0x4000  }
0xb6: {  	[sflag:s19] =	ssyncset.done $0x0  }
0xb7: {  	[sflag:s19] =	ssyncadd.s32 $0xFFFFC000  }
0xb8: {  	[tilespmem:s18], [sflag:$0x1] =	stream.indirect.gather [hbm4b:s2+s21], $0x80, s24, s21, $0xb8;
	[tilespmem:$0x1E800] =	vst v63  }
0xb9: {  	_ =	swait.ge [sflag:s25], $0x4000  }
0xba: {  	[sflag:s25] =	ssyncset.done $0x0  }
0xbb: {  	[sflag:s25] =	ssyncadd.s32 $0xFFFFC000  }
0xbc: {  	[spmem:s3] =	stream.indirect.scatter.add.f32 [tilespmem:s22], [sflag:$0x3], $0x80, s26, s21, $0xb8;
	[tilespmem:$0x1E800] =	vst v63  }
0xbd: {  	_ =	swait.ge [sflag:s19], $0x4000  }
0xbe: {  	[sflag:s19] =	ssyncset.done $0x0  }
0xbf: {  	s8 =	simm.s32 $0x180;
	[sflag:s19] =	ssyncadd.s32 $0xFFFFC000  }
0xc0: {  	[tilespmem:s22], [sflag:$0x2] =	stream.indirect.gather [hbm4b:s2+s21], $0x80, s8, s21, $0xb8;
	[tilespmem:$0x1E800] =	vst v63  }
0xc1: {  	_ =	swait.ge [sflag:s23], $0x4000  }
0xc2: {  	[sflag:s23] =	ssyncset.done $0x0  }
0xc3: {  	s9 =	simm.s32 $0x1500;
	[sflag:s23] =	ssyncadd.s32 $0xFFFFC000  }
0xc4: {  	[spmem:s3] =	stream.indirect.scatter.add.f32 [tilespmem:s18], [sflag:$0x3], $0x80, s9, s21, $0xb8;
	[tilespmem:$0x1E800] =	vst v63  }
0xc5: {  	_ =	swait.ge [sflag:s19], $0x4000  }
0xc6: {  	[sflag:s19] =	ssyncset.done $0x0  }
0xc7: {  	s11 =	simm.s32 $0x200;
	[sflag:s19] =	ssyncadd.s32 $0xFFFFC000  }
0xc8: {  	[tilespmem:s18], [sflag:$0x1] =	stream.indirect.gather [hbm4b:s2+s21], $0x80, s11, s21, $0xb8;
	[tilespmem:$0x1E800] =	vst v63  }
0xc9: {  	_ =	swait.ge [sflag:s25], $0x4000  }
0xca: {  	[sflag:s25] =	ssyncset.done $0x0  }
0xcb: {  	s12 =	simm.s32 $0x1580;
	[sflag:s25] =	ssyncadd.s32 $0xFFFFC000  }
0xcc: {  	[spmem:s3] =	stream.indirect.scatter.add.f32 [tilespmem:s22], [sflag:$0x3], $0x80, s12, s21, $0xb8;
	[tilespmem:$0x1E800] =	vst v63  }
0xcd: {  	_ =	swait.ge [sflag:s19], $0x4000  }
0xce: {  	s8 =	simm.s32 $0xFFFFEF00;
	s9 =	simm.s32 $0xFFFFC000;
	[sflag:s19] =	ssyncset.done $0x0  }
.LBB2_9:
0xcf: {  	s4 =	sadd.s32 $0x1380, s8  }
0xd0: {  	[sflag:s19] =	ssyncadd.s32 $0xFFFFC000;
	s11 =	smov.u32 s9;
	s12 =	sadd.s32 $0x400, s9  }
0xd1: {  	[tilespmem:s22], [sflag:$0x2] =	stream.indirect.gather [hbm4b:s2+s21], $0x80, s4, s21, $0xb8;
	[tilespmem:$0x1E800] =	vst v63  }
0xd2: {  	p1 =	sne.s32 s9, $0xFFFFFC00;
	_ =	swait.ge [sflag:s23], $0x4000  }
0xd3: {  	[sflag:s23] =	ssyncset.done $0x0  }
0xd4: {  	s4 =	sadd.s32 $0x2700, s8;
	[sflag:s23] =	ssyncadd.s32 $0xFFFFC000  }
0xd5: {  	[spmem:s3] =	stream.indirect.scatter.add.f32 [tilespmem:s18], [sflag:$0x3], $0x80, s4, s21, $0xb8;
	[tilespmem:$0x1E800] =	vst v63  }
0xd6: {  	_ =	swait.ge [sflag:s19], $0x4000  }
0xd7: {  	[sflag:s19] =	ssyncset.done $0x0  }
0xd8: {  	s4 =	sadd.s32 $0x1400, s8;
	[sflag:s19] =	ssyncadd.s32 $0xFFFFC000  }
0xd9: {  	[tilespmem:s18], [sflag:$0x1] =	stream.indirect.gather [hbm4b:s2+s21], $0x80, s4, s21, $0xb8;
	[tilespmem:$0x1E800] =	vst v63  }
0xda: {  	_ =	swait.ge [sflag:s25], $0x4000  }
.Ltmp7:
0xdb: {  	[sflag:s25] =	ssyncset.done $0x0;
	(pc) =	sbr.rel @p1 .LBB2_9-.Ltmp7, $4  }
0xdc: {  	s4 =	sadd.s32 $0x2780, s8;
	[sflag:s25] =	ssyncadd.s32 $0xFFFFC000  }
0xdd: {  	[spmem:s3] =	stream.indirect.scatter.add.f32 [tilespmem:s22], [sflag:$0x3], $0x80, s4, s21, $0xb8;
	[tilespmem:$0x1E800] =	vst v63  }
0xde: {  	_ =	swait.ge [sflag:s19], $0x4000  }
0xdf: {  	s9 =	smov.u32 s12;
	s8 =	sshra.s32 s11, $0x2;
	[sflag:s19] =	ssyncset.done $0x0  }
0xe0: {  	s4 =	sadd.s32 $0x1380, s8;
	[sflag:s19] =	ssyncadd.s32 $0xFFFFC000  }
0xe1: {  	[tilespmem:s22], [sflag:$0x2] =	stream.indirect.gather [hbm4b:s2+s21], $0x80, s4, s21, $0xb8;
	[tilespmem:$0x1E800] =	vst v63  }
0xe2: {  	_ =	swait.ge [sflag:s23], $0x4000  }
0xe3: {  	[sflag:s23] =	ssyncset.done $0x0  }
0xe4: {  	s9 =	sadd.s32 $0x2700, s8;
	[sflag:s23] =	ssyncadd.s32 $0xFFFFC000  }
0xe5: {  	[spmem:s3] =	stream.indirect.scatter.add.f32 [tilespmem:s18], [sflag:$0x3], $0x80, s9, s21, $0xb8;
	[tilespmem:$0x1E800] =	vst v63  }
0xe6: {  	_ =	swait.ge [sflag:s19], $0x4000  }
0xe7: {  	[sflag:s19] =	ssyncset.done $0x0  }
0xe8: {  	s11 =	sadd.s32 $0x1400, s8;
	[sflag:s19] =	ssyncadd.s32 $0xFFFFC000  }
0xe9: {  	[tilespmem:s18], [sflag:$0x1] =	stream.indirect.gather [hbm4b:s2+s21], $0x80, s11, s21, $0xb8;
	[tilespmem:$0x1E800] =	vst v63  }
0xea: {  	_ =	swait.ge [sflag:s25], $0x4000  }
0xeb: {  	[sflag:s25] =	ssyncset.done $0x0  }
0xec: {  	s12 =	sadd.s32 $0x2780, s8;
	[sflag:s25] =	ssyncadd.s32 $0xFFFFC000  }
0xed: {  	[spmem:s3] =	stream.indirect.scatter.add.f32 [tilespmem:s22], [sflag:$0x3], $0x80, s12, s21, $0xb8;
	[tilespmem:$0x1E800] =	vst v63  }
0xee: {  	_ =	swait.ge [sflag:s19], $0x4000  }
0xef: {  	[sflag:s19] =	ssyncset.done $0x0  }
0xf0: {  	[sflag:s19] =	ssyncadd.s32 $0xFFFFC000  }
0xf1: {  	[tilespmem:s22], [sflag:$0x2] =	stream.indirect.gather [hbm4b:s2+s21], $0x80, s28, s21, $0xb8;
	[tilespmem:$0x1E800] =	vst v63  }
0xf2: {  	_ =	swait.ge [sflag:s23], $0x4000  }
0xf3: {  	[sflag:s23] =	ssyncset.done $0x0  }
0xf4: {  	[sflag:s23] =	ssyncadd.s32 $0xFFFFC000  }
0xf5: {  	[spmem:s3] =	stream.indirect.scatter.add.f32 [tilespmem:s18], [sflag:$0x3], $0x80, s29, s21, $0xb8;
	[tilespmem:$0x1E800] =	vst v63  }
0xf6: {  	_ =	swait.ge [sflag:s19], $0x4000  }
0xf7: {  	[sflag:s19] =	ssyncset.done $0x0  }
0xf8: {  	[sflag:s19] =	ssyncadd.s32 $0xFFFFC000  }
0xf9: {  	s0 =	sadd.s32 $0x1, s0;
	_ =	swait.ge [sflag:s25], $0x4000  }
0xfa: {  	p1 =	sne.s32 s0, $0x4;
	[sflag:s25] =	ssyncset.done $0x0  }
.Ltmp8:
0xfb: {  	[sflag:s25] =	ssyncadd.s32 $0xFFFFC000;
	(pc) =	sbr.rel @p1 .LBB2_8-.Ltmp8, $4  }
0xfc: {  	[spmem:s3] =	stream.indirect.scatter.add.f32 [tilespmem:s22], [sflag:$0x3], $0x80, s30, s21, $0xb8;
	[tilespmem:$0x1E800] =	vst v63  }
0xfd: {  	_ =	swait.ge [sflag:s19], $0x4000  }
0xfe: {  	[sflag:s19] =	ssyncset.done $0x0  }
0xff: {  	[sflag:s19] =	ssyncadd.s32 $0xFFFFC000  }
.Ltmp9:
0x100: {  	(pc) =	sbr.rel .LBB2_12-.Ltmp9, $2  }
0x101: {  	_ =	sdelay $0x2  }
0x102: {  	s0 =	rddreg [dreg:$0x6]  }
.LBB2_13:
0x103: {  	_ =	sfence.sel $0x180000  }
0x104: {  	[bflag:$0x0] =	sbarrier.arrive $0xFFFF  }
0x105: {  	_ =	strace $0x90000050  }
0x106: {  	s0 =	stileid.u32;
	[bflag:$0x2] =	sbarrier.arrive $0xFFFF  }
0x107: {  	p0 =	sne.s32 s0, $0x0;
	s0 =	rddreg [dreg:$0x4]  }
0x108: {  	s0 =	sadd.s32 @!p0 $0x100000, s0  }
0x109: {  	[sflag:s0] =	ssyncadd.tile.s32 @!p0 $0x1;
	_ =	shalt  }
.Lfunc_end2:
_tile_overlayer_lowered:
.L_overlay_start_2:
0x10a: {  	(tag) =	ssettag $0x2  }
0x10b: {  	s0 =	rddreg [dreg:$0x0];
	s2 =	stileid.u32  }
0x10c: {  	s1 =	rddreg [dreg:$0x1];
	p0 =	sne.s32 s2, $0x0  }
0x10d: {  	s3 =	rddreg [dreg:$0x2];
	[bflag:$0x3] =	sbarrier.arrive $0xFFFF;
	s2 =	simm.s32 @!p0 $0x1C03  }
0x10e: {  	[timem:s3], [sflag:s2] =	dma.local @!p0 [hbm:s0], s1  }
0x10f: {  	s0 =	simm.s32 @!p0 $0x3  }
0x110: {  	_ =	swait.ge @!p0 [sflag:s0], s1  }
0x111: {  	s1 =	ssub.s32 @!p0 $0x0, s1;
	[sflag:s0] =	ssyncset.done @!p0 $0x0  }
0x112: {  	[sflag:s0] =	ssyncadd.s32 @!p0 s1  }
0x113: {  	[bflag:$0x3] =	sbarrier.arrive $0xFFFF  }
0x114: {  	_ =	shalt  }

// kernel: kernel.23.cloned.1.call-start
scs
__scs_entry_jumppad:
0x0: {  	(pc) =	sbr.rel $0x88, $3  }
0x1: {  	(tag) =	ssettag $0x0;
	lr =	simm.s32 $0x1  }
0x2: {  	[smem:$0x3F8D] =	sst lr;
	_ =	strace $0xD0000000  }
0x3: {  	_ = 	snop  }
0x4: {  	_ = 	snop  }
0x5: {  	_ = 	snop  }
0x6: {  	_ = 	snop  }
0x7: {  	_ = 	snop  }
__scs_overlays_trampoline_lowered:
0x8: {  	[smem:$0x3F9C] =	sst s0  }
0x9: {  	[smem:$0x3F9D] =	sst s1  }
0xa: {  	[smem:$0x3F9E] =	sst s2  }
0xb: {  	[smem:$0x3F9F] =	sst s3  }
0xc: {  	[smem:$0x3FA0] =	sst s4  }
0xd: {  	[smem:$0x3FA1] =	sst s5  }
0xe: {  	[smem:$0x3FA2] =	sst s6  }
0xf: {  	[smem:$0x3FA3] =	sst s7  }
0x10: {  	[smem:$0x3FA4] =	sst s8  }
0x11: {  	[smem:$0x3FA5] =	sst s9;
	s0 =	simm.s32 @!p0 $0x0  }
0x12: {  	s1 =	sld [smem:$0x3F8B];
	s0 =	simm.s32 @p0 $0x1  }
0x13: {  	[smem:$0x3FA6] =	sst s0;
	s0 =	simm.s32 @!p1 $0x0  }
0x14: {  	s2 =	sld [smem:$0x3F8A];
	s0 =	simm.s32 @p1 $0x1  }
0x15: {  	[smem:$0x3FA7] =	sst s0;
	s0 =	simm.s32 @!p2 $0x0  }
0x16: {  	s3 =	sld [smem:$0x3FDB];
	s0 =	simm.s32 @p2 $0x1  }
0x17: {  	s4 =	simm.s32 $0x1BF5;
	[smem:$0x3FA9] =	sst s0  }
0x18: {  	s0 =	sld [smem:$0x3F8C];
	_ =	swait.ge [sflag:s4], $0x0  }
0x19: {  	s7 =	sld [smem:$0x3F8D]  }
0x1a: {  	s8 =	sadd.s32 $0xFFFFE003, lr  }
0x1b: {  	s9 =	sadd.s32 $0xFFFFFEF7, lr;
	s5 =	simm.s32 $0xFFFFFFFF;
	p2 =	slt.u32 s8, $0xFFFFF086  }
0x1c: {  	p1 =	slt.u32 s9, $0xF7A;
	s5 =	simm.s32 @!p2 $0x0  }
0x1d: {  	s5 =	simm.s32 @p1 $0x1;
	p0 =	seq.s32 s7, s2  }
0x1e: {  	s7 =	smul.u32 @!p0 $0xF7A, s2;
	p2 =	seq.s32 @!p0 s5, $0x0  }
0x1f: {  	s9 =	smul.u32 $0xF7A, s1;
	s8 =	simm.s32 @!p0 $0x1BF5;
	p2 =	por !p2, p0  }
0x20: {  	[sflag:s8] =	ssyncset.s32 @!p0 $0xFFFFF086;
	s6 =	sadd.s32 @!p0 s3, s7;
	s7 =	simm.s32 @!p0 $0x108  }
0x21: {  	s3 =	sadd.s32 s3, s9;
	s6 =	sadd.s32 @!p0 $0x88, s6;
	s7 =	simm.s32 @p2 $0x1082  }
0x22: {  	[simem:s7], [sflag:s8] =	dma.local @!p0 [hbm:s6], $0xF7A  }
0x23: {  	s9 =	sor.u32 $0xD0000000, s2;
	s6 =	simm.s32 $0x108;
	_ =	swait.ge @!p0 [sflag:s8], $0x0  }
0x24: {  	s3 =	sadd.s32 $0x88, s3;
	s6 =	simm.s32 @!p1 $0x1082;
	[sflag:s4] =	ssyncset.s32 $0xFFFFF086  }
0x25: {  	[simem:s6], [sflag:s4] =	dma.local [hbm:s3], $0xF7A  }
0x26: {  	[smem:$0x3F8D] =	sst s1;
	(tag) =	ssettag s2;
	_ =	strace s9  }
0x27: {  	s1 =	sld [smem:$0x3F9D]  }
0x28: {  	s2 =	sld [smem:$0x3F9E]  }
0x29: {  	s4 =	sld [smem:$0x3FA0]  }
0x2a: {  	p0 =	seq.s32 s5, $0x0;
	s5 =	sld [smem:$0x3FA1]  }
0x2b: {  	s6 =	sld [smem:$0x3FA2]  }
0x2c: {  	s7 =	sld [smem:$0x3FA3]  }
0x2d: {  	s3 =	simm.s32 $0x108;
	s8 =	sld [smem:$0x3FA4]  }
0x2e: {  	s3 =	simm.s32 @!p0 $0x1082;
	s9 =	sld [smem:$0x3FA5]  }
0x2f: {  	lr =	sadd.s32 s0, s3;
	s0 =	sld [smem:$0x3F9C]  }
0x30: {  	s3 =	sld [smem:$0x3F9F]  }
0x31: {  	[smem:$0x3FA8] =	sst s10  }
0x32: {  	s10 =	sld [smem:$0x3FA6];
	_ =	sdelay $0x3  }
0x33: {  	p0 =	seq.s32 s10, $0x1;
	s10 =	sld [smem:$0x3FA8];
	_ =	sdelay $0x3  }
0x34: {  	[smem:$0x3FA8] =	sst s10  }
0x35: {  	s10 =	sld [smem:$0x3FA7];
	_ =	sdelay $0x3  }
0x36: {  	p1 =	seq.s32 s10, $0x1;
	s10 =	sld [smem:$0x3FA8];
	_ =	sdelay $0x3  }
0x37: {  	[smem:$0x3FA8] =	sst s10  }
0x38: {  	s10 =	sld [smem:$0x3FA9]  }
0x39: {  	_ = 	snop;
	(pc) =	sbr.ind lr, $3  }
0x3a: {  	_ = 	snop  }
0x3b: {  	_ = 	snop  }
0x3c: {  	p2 =	seq.s32 s10, $0x1;
	s10 =	sld [smem:$0x3FA8]  }
0x3d: {  	_ =	shalt  }
0x3e: {  	_ =	shalt  }
0x3f: {  	_ =	shalt  }
0x40: {  	_ =	shalt  }
0x41: {  	_ =	shalt  }
0x42: {  	_ =	shalt  }
0x43: {  	_ =	shalt  }
0x44: {  	_ =	shalt  }
0x45: {  	_ =	shalt  }
0x46: {  	_ =	shalt  }
0x47: {  	_ =	shalt  }
0x48: {  	_ =	shalt  }
0x49: {  	_ =	shalt  }
0x4a: {  	_ =	shalt  }
0x4b: {  	_ =	shalt  }
0x4c: {  	_ =	shalt  }
0x4d: {  	_ =	shalt  }
0x4e: {  	_ =	shalt  }
0x4f: {  	_ =	shalt  }
0x50: {  	_ =	shalt  }
0x51: {  	_ =	shalt  }
0x52: {  	_ =	shalt  }
0x53: {  	_ =	shalt  }
0x54: {  	_ =	shalt  }
0x55: {  	_ =	shalt  }
0x56: {  	_ =	shalt  }
0x57: {  	_ =	shalt  }
0x58: {  	_ =	shalt  }
0x59: {  	_ =	shalt  }
0x5a: {  	_ =	shalt  }
0x5b: {  	_ =	shalt  }
0x5c: {  	_ =	shalt  }
0x5d: {  	_ =	shalt  }
0x5e: {  	_ =	shalt  }
0x5f: {  	_ =	shalt  }
0x60: {  	_ =	shalt  }
0x61: {  	_ =	shalt  }
0x62: {  	_ =	shalt  }
0x63: {  	_ =	shalt  }
0x64: {  	_ =	shalt  }
0x65: {  	_ =	shalt  }
0x66: {  	_ =	shalt  }
0x67: {  	_ =	shalt  }
0x68: {  	_ =	shalt  }
0x69: {  	_ =	shalt  }
0x6a: {  	_ =	shalt  }
0x6b: {  	_ =	shalt  }
0x6c: {  	_ =	shalt  }
0x6d: {  	_ =	shalt  }
0x6e: {  	_ =	shalt  }
0x6f: {  	_ =	shalt  }
0x70: {  	_ =	shalt  }
0x71: {  	_ =	shalt  }
0x72: {  	_ =	shalt  }
0x73: {  	_ =	shalt  }
0x74: {  	_ =	shalt  }
0x75: {  	_ =	shalt  }
0x76: {  	_ =	shalt  }
0x77: {  	_ =	shalt  }
0x78: {  	_ =	shalt  }
0x79: {  	_ =	shalt  }
0x7a: {  	_ =	shalt  }
0x7b: {  	_ =	shalt  }
0x7c: {  	_ =	shalt  }
0x7d: {  	_ =	shalt  }
0x7e: {  	_ =	shalt  }
0x7f: {  	_ =	shalt  }
0x80: {  	_ =	shalt  }
0x81: {  	_ =	shalt  }
0x82: {  	_ =	shalt  }
0x83: {  	_ =	shalt  }
0x84: {  	_ =	shalt  }
0x85: {  	_ =	shalt  }
0x86: {  	_ =	shalt  }
0x87: {  	_ =	shalt  }
.Lfunc_end0:
.L_simem_size_0:
called_computation.4_lowered:
.L_overlay_start_0:
0x88: {  	s2 =	sld [smem:$0x3FD9]  }
0x89: {  	s3 =	sld [smem:$0x3FFE];
	_ =	sdelay $0x1  }
0x8a: {  	s1 =	srdreg.scid  }
0x8b: {  	s0 =	sand.u32 $0x1, s1  }
0x8c: {  	s14 =	sshll.u32 s0, $0xA;
	s2 =	sadd.s32 s3, s2  }
0x8d: {  	s2 =	sadd.s32 s2, s14  }
0x8e: {  	[smem:$0x3FB4] =	sst s2  }
0x8f: {  	_ = 	snop  }
0x90: {  	s2 =	sld [smem:$0x3FD0];
	_ =	sdelay $0x2  }
0x91: {  	s15 =	simm.s32 $0xB;
	s4 =	simm.s32 $0x10  }
0x92: {  	[smem:s4], [sflag:s15] =	dma.local [hbm:s2], $0x1  }
0x93: {  	_ =	swait.eq [sflag:s15], $0x1  }
0x94: {  	s16 =	sld [smem:$0x10]  }
0x95: {  	s17 =	sld [smem:$0x11];
	[sflag:s15] =	ssyncset.done $0x0  }
0x96: {  	s5 =	sld [smem:$0x12];
	[sflag:s15] =	ssyncadd.s32 $0xFFFFFFFF  }
0x97: {  	s18 =	sld [smem:$0x13];
	(tm) =	ssettm $0x1  }
0x98: {  	s6 =	sld [smem:$0x3FFB];
	_ =	sdelay $0x3  }
0x99: {  	_ =	strace s6  }
0x9a: {  	s6 =	sld [smem:$0x3FFC];
	_ =	sdelay $0x3  }
0x9b: {  	_ =	strace s6  }
0x9c: {  	s6 =	sld [smem:$0x3FFD];
	_ =	sdelay $0x3  }
0x9d: {  	_ =	strace s6  }
0x9e: {  	_ =	strace $0x8FFFFFFF  }
0x9f: {  	s19 =	sld [smem:$0x3FDB];
	_ =	sdelay $0x1  }
0xa0: {  	s7 =	simm.s32 $_scs_section_size  }
0xa1: {  	s8 =	simm.s32 $_size__tile_overlayer_lowered;
	s9 =	simm.s32 $_tile_overlayer_lowered  }
0xa2: {  	s22 =	simm.s32 $0x1BFF;
	s21 =	sshll.u32 s9, $0x1;
	s6 =	sadd.s32 s7, s19  }
0xa3: {  	s10 =	simm.s32 $0x0;
	s20 =	sshll.u32 s8, $0x1;
	s8 =	sadd.s32 s21, s6  }
0xa4: {  	[timem:s10], [sflag:s22] =	dma.local [hbm:s8], s20  }
0xa5: {  	_ =	swait.ge [sflag:s22], s20  }
0xa6: {  	s7 =	ssub.s32 $0x0, s20;
	[sflag:s22] =	ssyncset.done $0x0  }
0xa7: {  	[sflag:s22] =	ssyncadd.s32 s7;
	_ =	sdelay $0x1  }
0xa8: {  	s23 =	simm.s32 $0x1B8B  }
0xa9: {  	_ =	swait.ge [sflag:s23], $0x1  }
0xaa: {  	[sflag:s23] =	ssyncset.done $0x0  }
0xab: {  	s25 =	simm.s32 $0x1B8E;
	s24 =	sld [smem:$0x3FFE];
	[sflag:s23] =	ssyncadd.s32 $0xFFFFFFFF  }
0xac: {  	s26 =	simm.s32 $execute0_lowered;
	[smem:$0x3FD2] =	sst s25  }
0xad: {  	s8 =	sshll.u32 s26, $0x1;
	_ =	strace $0x80000052;
	[dreg:$0x1] =	wrdreg $0xFFFFFFFF  }
0xae: {  	s28 =	simm.s32 $_size_execute0_lowered;
	s6 =	sadd.s32 s6, s8;
	[dreg:$0x0] =	wrdreg $0x0  }
0xaf: {  	s8 =	sshll.u32 s28, $0x1;
	[dreg:$0x2] =	wrdreg s6  }
0xb0: {  	[dreg:$0x3] =	wrdreg s8  }
0xb1: {  	[dreg:$0x4] =	wrdreg $0xC0  }
0xb2: {  	_ =	task [dreg:s10], $0x5FFFF  }
0xb3: {  	[dreg:$0x1] =	wrdreg $0xFFFFFFFF  }
0xb4: {  	[dreg:$0x0] =	wrdreg $0x60  }
0xb5: {  	[dreg:$0x2] =	wrdreg s18  }
0xb6: {  	[dreg:$0x3] =	wrdreg s5  }
0xb7: {  	[dreg:$0x4] =	wrdreg s24  }
0xb8: {  	[dreg:$0x5] =	wrdreg s16  }
0xb9: {  	[dreg:$0x6] =	wrdreg s17  }
0xba: {  	[dreg:$0x7] =	wrdreg $0x9  }
0xbb: {  	_ =	task.clear_ibuf [dreg:s10], $0x8FFFF;
	_ =	strace $0x90000052  }
0xbc: {  	s29 =	simm.s32 $0x9;
	_ =	strace $0x80000054  }
0xbd: {  	_ =	swait.ge [sflag:s29], $0x1  }
0xbe: {  	[sflag:s29] =	ssyncadd.s32 $0xFFFFFFFF  }
0xbf: {  	_ =	strace $0x90000054  }
0xc0: {  	_ =	sfence  }
0xc1: {  	s30 =	sld [smem:$0x0];
	_ =	sdelay $0x2  }
0xc2: {  	s31 =	sshll.u32 s1, $0xD;
	s1 =	sshrl.u32 s1, $0x2  }
0xc3: {  	s3 =	sand.u32 $0x4000, s31;
	s1 =	sadd.s32 s1, s30  }
0xc4: {  	s0 =	sor.u32 s3, s0;
	s1 =	sshll.u32 s1, $0x11  }
0xc5: {  	s0 =	sor.u32 s1, s0  }
0xc6: {  	s0 =	sadd.s32 $0x8F2B, s0  }
0xc7: {  	[sflag:s0] =	ssyncadd.remote.s32 $0x1  }
0xc8: {  	_ =	sfence.sel $0xFFFF  }
0xc9: {  	[dreg:$0x0] =	wrdreg $0xFFFFFFFF;
	(pc) =	sbr.abs _section_cstart, $3  }
0xca: {  	[dreg:$0x1] =	wrdreg $0xFFFFFFFF  }
0xcb: {  	_ =	task.clear_ibuf [dreg:s10], $0x2FFFF;
	_ =	strace $0x9FFFFFFF  }
0xcc: {  	(tm) =	ssettm $0x7FFFFFFF  }
0xcd: {  	_ =	shalt  }
tec
execute0_lowered:
.L_overlay_start_1:
0x0: {  	(tag) =	ssettag $0x1  }
0x1: {  	s1 =	rddreg [dreg:$0x0]  }
0x2: {  	s6 =	rddreg [dreg:$0x2]  }
0x3: {  	s2 =	srdreg.scid;
	s8 =	rddreg [dreg:$0x3]  }
0x4: {  	s0 =	stileid.u32;
	s9 =	rddreg [dreg:$0x4];
	s5 =	simm.s32 $0x1  }
0x5: {  	s12 =	simm.s32 $0x400;
	s13 =	simm.s32 $0xC00;
	s14 =	simm.s32 $0x1400  }
0x6: {  	s15 =	simm.s32 $0x1C00;
	s16 =	simm.s32 $0x2400;
	s17 =	simm.s32 $0x2C00  }
0x7: {  	s18 =	simm.s32 $0x3400;
	s19 =	simm.s32 $0x3C00;
	s20 =	simm.s32 $0x4400  }
0x8: {  	s21 =	simm.s32 $0x4C00;
	s22 =	simm.s32 $0x5400;
	s23 =	simm.s32 $0x5C00  }
0x9: {  	s24 =	simm.s32 $0x6400;
	s25 =	simm.s32 $0x6C00;
	s28 =	simm.s32 $0x7C00  }
0xa: {  	s29 =	simm.s32 $0x0;
	s3 =	sand.u32 $0x1, s2;
	s4 =	sshll.u32 s0, $0x1  }
0xb: {  	s2 =	rddreg [dreg:$0x1];
	s30 =	sshll.u32 s0, $0xF;
	s4 =	sor.u32 s3, s4  }
0xc: {  	p1 =	seq.s32 s3, $0x1;
	s10 =	ssub.s32 $0x2, s3;
	p0 =	seq.s32 s4, $0x0  }
0xd: {  	s8 =	sadd.s32 s30, s8;
	s31 =	sshll.u32 s3, $0xE;
	p0 =	por !p0, !p1  }
0xe: {  	s3 =	sshll.u32 s3, $0x9;
	s4 =	simm.s32 $0x0;
	p0 =	por !p0, !p0  }
0xf: {  	s11 =	sshrl.u32 s10, $0x1;
	s8 =	sadd.s32 s31, s8;
	s5 =	simm.s32 @!p0 $0x0  }
0x10: {  	[smem:$0x7FF] =	sst s4;
	s26 =	ssub.s32 s10, s11;
	s5 =	ssub.s32 s0, s5  }
0x11: {  	s10 =	sadd.s32 s30, s9;
	s9 =	sor.u32 $0x40, s3;
	s7 =	sshll.u32 s5, $0x7  }
0x12: {  	v2 =	vlaneseq.u32;
	s11 =	simm.s32 $0x2;
	_ =	strace $0x80000053;
	s7 =	sand.u32 $0x1FFFFF80, s7  }
0x13: {  	vm0 =	vmmov $0xffff;
	v1 =	vshrl.u32 v2, $0x3;
	s10 =	sadd.s32 s31, s10;
	s5 =	simm.s32 $0x1;
	s6 =	sadd.s32 s7, s6  }
0x14: {  	v0 =	vand.u32 $0x7, v2;
	v2 =	vor.u32 $0x8, v2;
	v1 =	vmul.u32 $0x8, v1;
	s7 =	smax.u32 s26, $0x1;
	s26 =	simm.s32 $0x7400;
	s6 =	sadd.s32 $0xE3200, s6  }
.LBB2_1:
0x15: {  	[tilespmem:s4], [sflag:$0x2] =	stream.linear.gather [hbm4b:s6+s4], $0x400, $0x38;
	[tilespmem:$0x8400] =	vst v63  }
0x16: {  	_ =	swait.ge [sflag:s11], $0x400  }
0x17: {  	[sflag:s11] =	ssyncset.done $0x0  }
0x18: {  	s31 =	smov.u32 s9;
	s3 =	simm.s32 $0x0;
	[sflag:s11] =	ssyncadd.s32 $0xFFFFFC00  }
.LBB2_2:
0x19: {  	v3 =	vld [tilespmem:s31+$0xFFFFFFC0];
	_ =	sdelay $0x4  }
0x1a: {  	v4 =	vshll.u32 v3, $0x1  }
0x1b: {  	v3 =	vand.u32 $0x7, v3;
	v4 =	vand.u32 $0xFFFFFFF0, v4  }
0x1c: {  	v3 =	vor.u32 v3, v4  }
0x1d: {  	v4 =	vperm.xlane v3, v0;
	_ =	sdelay $0x1  }
0x1e: {  	v3 =	vperm.xlane v3, v2;
	v4 =	vadd.s32 v1, v4;
	_ =	sdelay $0x1  }
0x1f: {  	v3 =	vadd.s32 v1, v3;
	_ =	sdelay $0x1  }
0x20: {  	s30 =	simm.s32 $0x0  }
0x21: {  	[tilespmem:s12], [sflag:$0x1] =	stream.indirect_vreg.gather [hbm4b:s1+s30], $0x80, v4, vm0, $0xb8;
	[tilespmem:$0x8400] =	vst v63  }
0x22: {  	_ = 	snop  }
0x23: {  	[tilespmem:s13], [sflag:$0x1] =	stream.indirect_vreg.gather [hbm4b:s1+s30], $0x80, v3, vm0, $0xb8;
	[tilespmem:$0x8400] =	vst v63  }
0x24: {  	v3 =	vld [tilespmem:s31+$0xFFFFFFD0];
	_ =	sdelay $0x4  }
0x25: {  	v57 =	vshll.u32 v3, $0x1  }
0x26: {  	v3 =	vand.u32 $0x7, v3;
	v4 =	vand.u32 $0xFFFFFFF0, v57  }
0x27: {  	v3 =	vor.u32 v3, v4  }
0x28: {  	v4 =	vperm.xlane v3, v0;
	_ =	sdelay $0x1  }
0x29: {  	v3 =	vperm.xlane v3, v2;
	v4 =	vadd.s32 v1, v4;
	_ =	sdelay $0x1  }
0x2a: {  	v3 =	vadd.s32 v1, v3;
	_ =	sdelay $0x2  }
0x2b: {  	[tilespmem:s14], [sflag:$0x1] =	stream.indirect_vreg.gather [hbm4b:s1+s30], $0x80, v4, vm0, $0xb8;
	[tilespmem:$0x8400] =	vst v63  }
0x2c: {  	_ = 	snop  }
0x2d: {  	[tilespmem:s15], [sflag:$0x1] =	stream.indirect_vreg.gather [hbm4b:s1+s30], $0x80, v3, vm0, $0xb8;
	[tilespmem:$0x8400] =	vst v63  }
0x2e: {  	v3 =	vld [tilespmem:s31+$0xFFFFFFE0];
	_ =	sdelay $0x4  }
0x2f: {  	v58 =	vshll.u32 v3, $0x1  }
0x30: {  	v3 =	vand.u32 $0x7, v3;
	v4 =	vand.u32 $0xFFFFFFF0, v58  }
0x31: {  	v3 =	vor.u32 v3, v4  }
0x32: {  	v4 =	vperm.xlane v3, v0;
	_ =	sdelay $0x1  }
0x33: {  	v3 =	vperm.xlane v3, v2;
	v4 =	vadd.s32 v1, v4;
	_ =	sdelay $0x1  }
0x34: {  	v3 =	vadd.s32 v1, v3;
	_ =	sdelay $0x2  }
0x35: {  	[tilespmem:s16], [sflag:$0x1] =	stream.indirect_vreg.gather [hbm4b:s1+s30], $0x80, v4, vm0, $0xb8;
	[tilespmem:$0x8400] =	vst v63  }
0x36: {  	_ = 	snop  }
0x37: {  	[tilespmem:s17], [sflag:$0x1] =	stream.indirect_vreg.gather [hbm4b:s1+s30], $0x80, v3, vm0, $0xb8;
	[tilespmem:$0x8400] =	vst v63  }
0x38: {  	v3 =	vld [tilespmem:s31+$0xFFFFFFF0];
	_ =	sdelay $0x4  }
0x39: {  	v59 =	vshll.u32 v3, $0x1  }
0x3a: {  	v3 =	vand.u32 $0x7, v3;
	v4 =	vand.u32 $0xFFFFFFF0, v59  }
0x3b: {  	v3 =	vor.u32 v3, v4  }
0x3c: {  	v4 =	vperm.xlane v3, v0;
	_ =	sdelay $0x1  }
0x3d: {  	v3 =	vperm.xlane v3, v2;
	v4 =	vadd.s32 v1, v4;
	_ =	sdelay $0x1  }
0x3e: {  	v3 =	vadd.s32 v1, v3;
	_ =	sdelay $0x2  }
0x3f: {  	[tilespmem:s18], [sflag:$0x1] =	stream.indirect_vreg.gather [hbm4b:s1+s30], $0x80, v4, vm0, $0xb8;
	[tilespmem:$0x8400] =	vst v63  }
0x40: {  	_ = 	snop  }
0x41: {  	[tilespmem:s19], [sflag:$0x1] =	stream.indirect_vreg.gather [hbm4b:s1+s30], $0x80, v3, vm0, $0xb8;
	[tilespmem:$0x8400] =	vst v63  }
0x42: {  	v3 =	vld [tilespmem:s31+$0x0];
	_ =	sdelay $0x4  }
0x43: {  	v60 =	vshll.u32 v3, $0x1  }
0x44: {  	v3 =	vand.u32 $0x7, v3;
	v4 =	vand.u32 $0xFFFFFFF0, v60  }
0x45: {  	v3 =	vor.u32 v3, v4  }
0x46: {  	v4 =	vperm.xlane v3, v0;
	_ =	sdelay $0x1  }
0x47: {  	v3 =	vperm.xlane v3, v2;
	v4 =	vadd.s32 v1, v4;
	_ =	sdelay $0x1  }
0x48: {  	v3 =	vadd.s32 v1, v3;
	_ =	sdelay $0x2  }
0x49: {  	[tilespmem:s20], [sflag:$0x1] =	stream.indirect_vreg.gather [hbm4b:s1+s30], $0x80, v4, vm0, $0xb8;
	[tilespmem:$0x8400] =	vst v63  }
0x4a: {  	_ = 	snop  }
0x4b: {  	[tilespmem:s21], [sflag:$0x1] =	stream.indirect_vreg.gather [hbm4b:s1+s30], $0x80, v3, vm0, $0xb8;
	[tilespmem:$0x8400] =	vst v63  }
0x4c: {  	v3 =	vld [tilespmem:s31+$0x10];
	_ =	sdelay $0x4  }
0x4d: {  	v61 =	vshll.u32 v3, $0x1  }
0x4e: {  	v3 =	vand.u32 $0x7, v3;
	v4 =	vand.u32 $0xFFFFFFF0, v61  }
0x4f: {  	v3 =	vor.u32 v3, v4  }
0x50: {  	v4 =	vperm.xlane v3, v0;
	_ =	sdelay $0x1  }
0x51: {  	v3 =	vperm.xlane v3, v2;
	v4 =	vadd.s32 v1, v4;
	_ =	sdelay $0x1  }
0x52: {  	v3 =	vadd.s32 v1, v3;
	_ =	sdelay $0x2  }
0x53: {  	[tilespmem:s22], [sflag:$0x1] =	stream.indirect_vreg.gather [hbm4b:s1+s30], $0x80, v4, vm0, $0xb8;
	[tilespmem:$0x8400] =	vst v63  }
0x54: {  	_ = 	snop  }
0x55: {  	[tilespmem:s23], [sflag:$0x1] =	stream.indirect_vreg.gather [hbm4b:s1+s30], $0x80, v3, vm0, $0xb8;
	[tilespmem:$0x8400] =	vst v63  }
0x56: {  	v3 =	vld [tilespmem:s31+$0x20];
	_ =	sdelay $0x4  }
0x57: {  	v62 =	vshll.u32 v3, $0x1  }
0x58: {  	v3 =	vand.u32 $0x7, v3;
	v4 =	vand.u32 $0xFFFFFFF0, v62  }
0x59: {  	v3 =	vor.u32 v3, v4  }
0x5a: {  	v4 =	vperm.xlane v3, v0;
	_ =	sdelay $0x1  }
0x5b: {  	v3 =	vperm.xlane v3, v2;
	v4 =	vadd.s32 v1, v4;
	_ =	sdelay $0x1  }
0x5c: {  	v3 =	vadd.s32 v1, v3;
	_ =	sdelay $0x2  }
0x5d: {  	[tilespmem:s24], [sflag:$0x1] =	stream.indirect_vreg.gather [hbm4b:s1+s30], $0x80, v4, vm0, $0xb8;
	[tilespmem:$0x8400] =	vst v63  }
0x5e: {  	_ = 	snop  }
0x5f: {  	[tilespmem:s25], [sflag:$0x1] =	stream.indirect_vreg.gather [hbm4b:s1+s30], $0x80, v3, vm0, $0xb8;
	[tilespmem:$0x8400] =	vst v63  }
0x60: {  	v3 =	vld [tilespmem:s31+$0x30];
	_ =	sdelay $0x4  }
0x61: {  	v63 =	vshll.u32 v3, $0x1  }
0x62: {  	v3 =	vand.u32 $0x7, v3;
	v4 =	vand.u32 $0xFFFFFFF0, v63  }
0x63: {  	v3 =	vor.u32 v3, v4  }
0x64: {  	v4 =	vperm.xlane v3, v0;
	_ =	sdelay $0x1  }
0x65: {  	v3 =	vperm.xlane v3, v2;
	v4 =	vadd.s32 v1, v4;
	_ =	sdelay $0x1  }
0x66: {  	v3 =	vadd.s32 v1, v3;
	_ =	sdelay $0x2  }
0x67: {  	[tilespmem:s26], [sflag:$0x1] =	stream.indirect_vreg.gather [hbm4b:s1+s30], $0x80, v4, vm0, $0xb8;
	[tilespmem:$0x8400] =	vst v63  }
0x68: {  	_ = 	snop  }
0x69: {  	[tilespmem:s28], [sflag:$0x1] =	stream.indirect_vreg.gather [hbm4b:s1+s30], $0x80, v3, vm0, $0xb8;
	[tilespmem:$0x8400] =	vst v63  }
0x6a: {  	_ =	swait.ge [sflag:s5], $0x8000  }
0x6b: {  	p0 =	sne.s32 s3, $0x3000;
	[sflag:s5] =	ssyncset.done $0x0  }
.Ltmp0:
0x6c: {  	s0 =	sadd.s32 s3, s8;
	[sflag:s5] =	ssyncadd.s32 $0xFFFF8000;
	(pc) =	sbr.rel @p0 .LBB2_2-.Ltmp0, $4  }
0x6d: {  	[hbm4b:s0+s30] =	stream.linear.scatter [tilespmem:s12], [sflag:$0x2], $0x8000, $0x38;
	[tilespmem:$0x8400] =	vst v63  }
0x6e: {  	_ =	swait.ge [sflag:s11], $0x8000  }
0x6f: {  	[sflag:s11] =	ssyncset.done $0x0  }
0x70: {  	s3 =	sadd.s32 $0x1000, s3;
	s31 =	sadd.s32 $0x80, s31;
	[sflag:s11] =	ssyncadd.s32 $0xFFFF8000  }
0x71: {  	s3 =	smov.u32 s9  }
.LBB2_4:
0x72: {  	v3 =	vld [tilespmem:s3+$0xFFFFFFC0];
	_ =	sdelay $0x4  }
0x73: {  	v4 =	vshll.u32 v3, $0x1  }
0x74: {  	v3 =	vand.u32 $0x7, v3;
	v4 =	vand.u32 $0xFFFFFFF0, v4  }
0x75: {  	v3 =	vor.u32 v3, v4  }
0x76: {  	v4 =	vperm.xlane v3, v0;
	_ =	sdelay $0x1  }
0x77: {  	v3 =	vperm.xlane v3, v2;
	v4 =	vadd.s32 v1, v4;
	_ =	sdelay $0x1  }
0x78: {  	v3 =	vadd.s32 v1, v3;
	_ =	sdelay $0x2  }
0x79: {  	[tilespmem:s12], [sflag:$0x1] =	stream.indirect_vreg.gather [hbm4b:s2+s4], $0x80, v4, vm0, $0xb8;
	[tilespmem:$0x8400] =	vst v63  }
0x7a: {  	_ = 	snop  }
0x7b: {  	[tilespmem:s13], [sflag:$0x1] =	stream.indirect_vreg.gather [hbm4b:s2+s4], $0x80, v3, vm0, $0xb8;
	[tilespmem:$0x8400] =	vst v63  }
0x7c: {  	v3 =	vld [tilespmem:s3+$0xFFFFFFD0];
	_ =	sdelay $0x4  }
0x7d: {  	v57 =	vshll.u32 v3, $0x1  }
0x7e: {  	v3 =	vand.u32 $0x7, v3;
	v4 =	vand.u32 $0xFFFFFFF0, v57  }
0x7f: {  	v3 =	vor.u32 v3, v4  }
0x80: {  	v4 =	vperm.xlane v3, v0;
	_ =	sdelay $0x1  }
0x81: {  	v3 =	vperm.xlane v3, v2;
	v4 =	vadd.s32 v1, v4;
	_ =	sdelay $0x1  }
0x82: {  	v3 =	vadd.s32 v1, v3;
	_ =	sdelay $0x2  }
0x83: {  	[tilespmem:s14], [sflag:$0x1] =	stream.indirect_vreg.gather [hbm4b:s2+s4], $0x80, v4, vm0, $0xb8;
	[tilespmem:$0x8400] =	vst v63  }
0x84: {  	_ = 	snop  }
0x85: {  	[tilespmem:s15], [sflag:$0x1] =	stream.indirect_vreg.gather [hbm4b:s2+s4], $0x80, v3, vm0, $0xb8;
	[tilespmem:$0x8400] =	vst v63  }
0x86: {  	v3 =	vld [tilespmem:s3+$0xFFFFFFE0];
	_ =	sdelay $0x4  }
0x87: {  	v58 =	vshll.u32 v3, $0x1  }
0x88: {  	v3 =	vand.u32 $0x7, v3;
	v4 =	vand.u32 $0xFFFFFFF0, v58  }
0x89: {  	v3 =	vor.u32 v3, v4  }
0x8a: {  	v4 =	vperm.xlane v3, v0;
	_ =	sdelay $0x1  }
0x8b: {  	v3 =	vperm.xlane v3, v2;
	v4 =	vadd.s32 v1, v4;
	_ =	sdelay $0x1  }
0x8c: {  	v3 =	vadd.s32 v1, v3;
	_ =	sdelay $0x2  }
0x8d: {  	[tilespmem:s16], [sflag:$0x1] =	stream.indirect_vreg.gather [hbm4b:s2+s4], $0x80, v4, vm0, $0xb8;
	[tilespmem:$0x8400] =	vst v63  }
0x8e: {  	_ = 	snop  }
0x8f: {  	[tilespmem:s17], [sflag:$0x1] =	stream.indirect_vreg.gather [hbm4b:s2+s4], $0x80, v3, vm0, $0xb8;
	[tilespmem:$0x8400] =	vst v63  }
0x90: {  	v3 =	vld [tilespmem:s3+$0xFFFFFFF0];
	_ =	sdelay $0x4  }
0x91: {  	v59 =	vshll.u32 v3, $0x1  }
0x92: {  	v3 =	vand.u32 $0x7, v3;
	v4 =	vand.u32 $0xFFFFFFF0, v59  }
0x93: {  	v3 =	vor.u32 v3, v4  }
0x94: {  	v4 =	vperm.xlane v3, v0;
	_ =	sdelay $0x1  }
0x95: {  	v3 =	vperm.xlane v3, v2;
	v4 =	vadd.s32 v1, v4;
	_ =	sdelay $0x1  }
0x96: {  	v3 =	vadd.s32 v1, v3;
	_ =	sdelay $0x2  }
0x97: {  	[tilespmem:s18], [sflag:$0x1] =	stream.indirect_vreg.gather [hbm4b:s2+s4], $0x80, v4, vm0, $0xb8;
	[tilespmem:$0x8400] =	vst v63  }
0x98: {  	_ = 	snop  }
0x99: {  	[tilespmem:s19], [sflag:$0x1] =	stream.indirect_vreg.gather [hbm4b:s2+s4], $0x80, v3, vm0, $0xb8;
	[tilespmem:$0x8400] =	vst v63  }
0x9a: {  	v3 =	vld [tilespmem:s3+$0x0];
	_ =	sdelay $0x4  }
0x9b: {  	v60 =	vshll.u32 v3, $0x1  }
0x9c: {  	v3 =	vand.u32 $0x7, v3;
	v4 =	vand.u32 $0xFFFFFFF0, v60  }
0x9d: {  	v3 =	vor.u32 v3, v4  }
0x9e: {  	v4 =	vperm.xlane v3, v0;
	_ =	sdelay $0x1  }
0x9f: {  	v3 =	vperm.xlane v3, v2;
	v4 =	vadd.s32 v1, v4;
	_ =	sdelay $0x1  }
0xa0: {  	v3 =	vadd.s32 v1, v3;
	_ =	sdelay $0x2  }
0xa1: {  	[tilespmem:s20], [sflag:$0x1] =	stream.indirect_vreg.gather [hbm4b:s2+s4], $0x80, v4, vm0, $0xb8;
	[tilespmem:$0x8400] =	vst v63  }
0xa2: {  	_ = 	snop  }
0xa3: {  	[tilespmem:s21], [sflag:$0x1] =	stream.indirect_vreg.gather [hbm4b:s2+s4], $0x80, v3, vm0, $0xb8;
	[tilespmem:$0x8400] =	vst v63  }
0xa4: {  	v3 =	vld [tilespmem:s3+$0x10];
	_ =	sdelay $0x4  }
0xa5: {  	v61 =	vshll.u32 v3, $0x1  }
0xa6: {  	v3 =	vand.u32 $0x7, v3;
	v4 =	vand.u32 $0xFFFFFFF0, v61  }
0xa7: {  	v3 =	vor.u32 v3, v4  }
0xa8: {  	v4 =	vperm.xlane v3, v0;
	_ =	sdelay $0x1  }
0xa9: {  	v3 =	vperm.xlane v3, v2;
	v4 =	vadd.s32 v1, v4;
	_ =	sdelay $0x1  }
0xaa: {  	v3 =	vadd.s32 v1, v3;
	_ =	sdelay $0x2  }
0xab: {  	[tilespmem:s22], [sflag:$0x1] =	stream.indirect_vreg.gather [hbm4b:s2+s4], $0x80, v4, vm0, $0xb8;
	[tilespmem:$0x8400] =	vst v63  }
0xac: {  	_ = 	snop  }
0xad: {  	[tilespmem:s23], [sflag:$0x1] =	stream.indirect_vreg.gather [hbm4b:s2+s4], $0x80, v3, vm0, $0xb8;
	[tilespmem:$0x8400] =	vst v63  }
0xae: {  	v3 =	vld [tilespmem:s3+$0x20];
	_ =	sdelay $0x4  }
0xaf: {  	v62 =	vshll.u32 v3, $0x1  }
0xb0: {  	v3 =	vand.u32 $0x7, v3;
	v4 =	vand.u32 $0xFFFFFFF0, v62  }
0xb1: {  	v3 =	vor.u32 v3, v4  }
0xb2: {  	v4 =	vperm.xlane v3, v0;
	_ =	sdelay $0x1  }
0xb3: {  	v3 =	vperm.xlane v3, v2;
	v4 =	vadd.s32 v1, v4;
	_ =	sdelay $0x1  }
0xb4: {  	v3 =	vadd.s32 v1, v3;
	_ =	sdelay $0x2  }
0xb5: {  	[tilespmem:s24], [sflag:$0x1] =	stream.indirect_vreg.gather [hbm4b:s2+s4], $0x80, v4, vm0, $0xb8;
	[tilespmem:$0x8400] =	vst v63  }
0xb6: {  	_ = 	snop  }
0xb7: {  	[tilespmem:s25], [sflag:$0x1] =	stream.indirect_vreg.gather [hbm4b:s2+s4], $0x80, v3, vm0, $0xb8;
	[tilespmem:$0x8400] =	vst v63  }
0xb8: {  	v3 =	vld [tilespmem:s3+$0x30];
	_ =	sdelay $0x4  }
0xb9: {  	v63 =	vshll.u32 v3, $0x1  }
0xba: {  	v3 =	vand.u32 $0x7, v3;
	v4 =	vand.u32 $0xFFFFFFF0, v63  }
0xbb: {  	v3 =	vor.u32 v3, v4  }
0xbc: {  	v4 =	vperm.xlane v3, v0;
	_ =	sdelay $0x1  }
0xbd: {  	v3 =	vperm.xlane v3, v2;
	v4 =	vadd.s32 v1, v4;
	_ =	sdelay $0x1  }
0xbe: {  	v3 =	vadd.s32 v1, v3;
	_ =	sdelay $0x2  }
0xbf: {  	[tilespmem:s26], [sflag:$0x1] =	stream.indirect_vreg.gather [hbm4b:s2+s4], $0x80, v4, vm0, $0xb8;
	[tilespmem:$0x8400] =	vst v63  }
0xc0: {  	_ = 	snop  }
0xc1: {  	[tilespmem:s28], [sflag:$0x1] =	stream.indirect_vreg.gather [hbm4b:s2+s4], $0x80, v3, vm0, $0xb8;
	[tilespmem:$0x8400] =	vst v63  }
0xc2: {  	_ =	swait.ge [sflag:s5], $0x8000  }
0xc3: {  	p0 =	sne.s32 s30, $0x3000;
	[sflag:s5] =	ssyncset.done $0x0  }
.Ltmp1:
0xc4: {  	s0 =	sadd.s32 s30, s10;
	[sflag:s5] =	ssyncadd.s32 $0xFFFF8000;
	(pc) =	sbr.rel @p0 .LBB2_4-.Ltmp1, $4  }
0xc5: {  	[hbm4b:s0+s4] =	stream.linear.scatter [tilespmem:s12], [sflag:$0x2], $0x8000, $0x38;
	[tilespmem:$0x8400] =	vst v63  }
0xc6: {  	_ =	swait.ge [sflag:s11], $0x8000  }
0xc7: {  	[sflag:s11] =	ssyncset.done $0x0  }
0xc8: {  	s30 =	sadd.s32 $0x1000, s30;
	s3 =	sadd.s32 $0x80, s3;
	[sflag:s11] =	ssyncadd.s32 $0xFFFF8000  }
0xc9: {  	s29 =	sadd.s32 $0x1, s29  }
0xca: {  	p0 =	sne.s32 s29, s7  }
.Ltmp2:
0xcb: {  	_ = 	snop;
	(pc) =	sbr.rel @p0 .LBB2_1-.Ltmp2, $1  }
0xcc: {  	_ =	sdelay $0x3  }
0xcd: {  	_ =	sfence.sel $0x180000  }
0xce: {  	[bflag:$0x0] =	sbarrier.arrive $0xFFFF  }
0xcf: {  	_ =	strace $0x90000053  }
0xd0: {  	s0 =	stileid.u32;
	[bflag:$0x2] =	sbarrier.arrive $0xFFFF  }
0xd1: {  	p0 =	sne.s32 s0, $0x0;
	s0 =	rddreg [dreg:$0x5]  }
0xd2: {  	s0 =	sadd.s32 @!p0 $0x100000, s0  }
0xd3: {  	[sflag:s0] =	ssyncadd.tile.s32 @!p0 $0x1;
	_ =	shalt  }
.Lfunc_end2:
_tile_overlayer_lowered:
.L_overlay_start_2:
0xd4: {  	(tag) =	ssettag $0x2  }
0xd5: {  	s0 =	rddreg [dreg:$0x0];
	s2 =	stileid.u32  }
0xd6: {  	s1 =	rddreg [dreg:$0x1];
	p0 =	sne.s32 s2, $0x0  }
0xd7: {  	s3 =	rddreg [dreg:$0x2];
	[bflag:$0x3] =	sbarrier.arrive $0xFFFF;
	s2 =	simm.s32 @!p0 $0x1C02  }
0xd8: {  	[timem:s3], [sflag:s2] =	dma.local @!p0 [hbm:s0], s1  }
0xd9: {  	s0 =	simm.s32 @!p0 $0x2  }
0xda: {  	_ =	swait.ge @!p0 [sflag:s0], s1  }
0xdb: {  	s1 =	ssub.s32 @!p0 $0x0, s1;
	[sflag:s0] =	ssyncset.done @!p0 $0x0  }
0xdc: {  	[sflag:s0] =	ssyncadd.s32 @!p0 s1  }
0xdd: {  	[bflag:$0x3] =	sbarrier.arrive $0xFFFF  }
0xde: {  	_ =	shalt  }

</sc_bundles>
